<compile_context>
chip_gen: v7x
topology: tpu7x:2x2x1
jax: 0.10.2.dev20260603
libtpu: 0.0.44.dev20260713+nightly
codegen_flags: <defaults>
</compile_context>

<pallas_src>
import functools

import jax
import jax.numpy as jnp
from jax import lax
from jax.experimental import pallas as pl
from jax.experimental.pallas import tpu as pltpu
from jax.experimental.pallas import tpu_sc as plsc

B = 4
S = 4096
PE_DIM = 2048
NC = 2
NS = 16
NW = NC * NS
TILES_PER_BATCH = NW // B
ROWS_PER_W = S // TILES_PER_BATCH
CHUNK = 8
NCHUNKS = ROWS_PER_W // CHUNK
NPAIRS = NCHUNKS // 2
LANES = 16
COLS = PE_DIM // LANES


def _add_chunk(xbuf, pebuf):
    @plsc.parallel_loop(0, CHUNK, unroll=2)
    def _(r):
        for c in range(COLS):
            v = pebuf[r, pl.ds(c * LANES, LANES)]
            plsc.addupdate(xbuf.at[r, pl.ds(c * LANES, LANES)], v)


def _sc_body(x_hbm, pe_hbm, out_hbm, xb0, pb0, xb1, pb1,
             six0, sip0, six1, sip1, so0, so1):
    wid = lax.axis_index("s") * NC + lax.axis_index("c")
    b = wid // TILES_PER_BATCH
    s_base = (wid % TILES_PER_BATCH) * ROWS_PER_W

    xbufs = (xb0, xb1)
    pebufs = (pb0, pb1)
    sin_x = (six0, six1)
    sin_p = (sip0, sip1)
    souts = (so0, so1)

    def start_in(g, k):
        s0 = s_base + g * CHUNK
        pltpu.async_copy(x_hbm.at[b, pl.ds(s0, CHUNK), :], xbufs[k], sin_x[k])
        pltpu.async_copy(pe_hbm.at[pl.ds(s0, CHUNK), :], pebufs[k], sin_p[k])

    def wait_in(k):
        pltpu.make_async_copy(x_hbm.at[b, pl.ds(s_base, CHUNK), :], xbufs[k], sin_x[k]).wait()
        pltpu.make_async_copy(pe_hbm.at[pl.ds(s_base, CHUNK), :], pebufs[k], sin_p[k]).wait()

    def start_out(g, k):
        s0 = s_base + g * CHUNK
        pltpu.async_copy(xbufs[k], out_hbm.at[b, pl.ds(s0, CHUNK), :], souts[k])

    def wait_out(k):
        pltpu.make_async_copy(xbufs[k], out_hbm.at[b, pl.ds(s_base, CHUNK), :], souts[k]).wait()

    start_in(0, 0)
    start_in(1, 1)

    def pair_body(p, _):
        g0 = 2 * p
        wait_in(0)
        _add_chunk(xb0, pb0)
        start_out(g0, 0)
        @pl.when(p + 1 < NPAIRS)
        def _():
            wait_out(0)
            start_in(g0 + 2, 0)
        wait_in(1)
        _add_chunk(xb1, pb1)
        start_out(g0 + 1, 1)
        @pl.when(p + 1 < NPAIRS)
        def _():
            wait_out(1)
            start_in(g0 + 3, 1)
        return 0

    lax.fori_loop(0, NPAIRS, pair_body, 0)
    wait_out(0)
    wait_out(1)


_mesh = plsc.VectorSubcoreMesh(
    core_axis_name="c", subcore_axis_name="s", num_cores=NC, num_subcores=NS
)

_sc_call = functools.partial(
    pl.kernel,
    out_type=jax.ShapeDtypeStruct((B, S, PE_DIM), jnp.float32),
    mesh=_mesh,
    scratch_types=[
        pltpu.VMEM((CHUNK, PE_DIM), jnp.float32),
        pltpu.VMEM((CHUNK, PE_DIM), jnp.float32),
        pltpu.VMEM((CHUNK, PE_DIM), jnp.float32),
        pltpu.VMEM((CHUNK, PE_DIM), jnp.float32),
        pltpu.SemaphoreType.DMA,
        pltpu.SemaphoreType.DMA,
        pltpu.SemaphoreType.DMA,
        pltpu.SemaphoreType.DMA,
        pltpu.SemaphoreType.DMA,
        pltpu.SemaphoreType.DMA,
    ],
)(_sc_body)


def kernel(x, emb_weight):
    return _sc_call(x, emb_weight)

# --- scband reference (transcript-rebuilt; emitter-appended) ---
"""Pipeline reference for scband-learned-positional-encoding-7292854468758 (READ-ONLY COPY).

The authoritative reference and input builder live on the scoring server;
editing this copy changes nothing except your own understanding.
"""

import jax, jax.numpy as jnp
import numpy as np

PE_DIM = 2048
MAX_LEN = 8192
B = 4
S = 4096


def setup_inputs(seed: int = 0) -> dict:
    key = jax.random.key(seed)
    kx, kw = jax.random.split(key)
    x = jax.random.normal(kx, (B, S, PE_DIM), dtype=jnp.float32)
    # nn.Embedding default init: N(0, 1)
    emb_weight = jax.random.normal(kw, (MAX_LEN, PE_DIM), dtype=jnp.float32)
    return {"x": x, "emb_weight": emb_weight}


def reference(x, emb_weight):
    # positions = arange(S) expanded over batch; embedding gather then add
    positions = jnp.arange(x.shape[1], dtype=jnp.int32)
    pe = jnp.take(emb_weight, positions, axis=0)  # [S, pe_dim]
    return x + pe[None, :, :]

if __name__ == "__main__":
    import jax
    _d = setup_inputs()
    print(jax.jit(kernel)(*tuple(_d.values())))

</pallas_src>

<mosaic_0001>
#map = affine_map<(d0, d1) -> (0, 0, 0)>
#map1 = affine_map<(d0, d1) -> (0, 0)>
module attributes {stable_mosaic.version = 14 : i64} {
  func.func @_sc_body(%arg0: i32, %arg1: i32, %arg2: memref<4x4096x2048xf32, #tpu.memory_space<hbm>>, %arg3: memref<8192x2048xf32, #tpu.memory_space<hbm>>, %arg4: memref<4x4096x2048xf32, #tpu.memory_space<hbm>>, %arg5: memref<8x2048xf32, #tpu.memory_space<vmem>>, %arg6: memref<8x2048xf32, #tpu.memory_space<vmem>>, %arg7: memref<8x2048xf32, #tpu.memory_space<vmem>>, %arg8: memref<8x2048xf32, #tpu.memory_space<vmem>>, %arg9: memref<!tpu.dma_semaphore, #tpu.memory_space<semaphore_mem>>, %arg10: memref<!tpu.dma_semaphore, #tpu.memory_space<semaphore_mem>>, %arg11: memref<!tpu.dma_semaphore, #tpu.memory_space<semaphore_mem>>, %arg12: memref<!tpu.dma_semaphore, #tpu.memory_space<semaphore_mem>>, %arg13: memref<!tpu.dma_semaphore, #tpu.memory_space<semaphore_mem>>, %arg14: memref<!tpu.dma_semaphore, #tpu.memory_space<semaphore_mem>>) attributes {dimension_semantics = [#tpu.dimension_semantics<core_parallel>, #tpu.dimension_semantics<subcore_parallel>], iteration_bounds = array<i64: 2, 16>, scalar_prefetch = 0 : i64, scratch_operands = 10 : i64, tpu.core_type = #tpu.core_type<sc_vector_subcore>, window_params = [{transform_indices = #map}, {transform_indices = #map1}, {transform_indices = #map}]} {
    %mul3A = arith.constant 2 : i32
    %mul3A_0 = arith.muli %arg1, %mul3A : i32
    %add3A = arith.addi %mul3A_0, %arg0 : i32
    %jit3A = arith.constant 8 : i32
    %div3A = arith.divsi %add3A, %jit3A : i32
    %sign3A = arith.constant 0 : i32
    %sign3A_1 = arith.cmpi sgt, %add3A, %sign3A : i32
    %sign3A_2 = arith.extui %sign3A_1 : i1 to i32
    %sign3A_3 = arith.constant 0 : i32
    %sign3A_4 = arith.cmpi slt, %add3A, %sign3A_3 : i32
    %sign3A_5 = arith.extui %sign3A_4 : i1 to i32
    %sign3A_6 = arith.subi %sign3A_2, %sign3A_5 : i32
    %sign3A_7 = arith.constant 0 : i32
    %sign3A_8 = arith.cmpi sgt, %jit3A, %sign3A_7 : i32
    %sign3A_9 = arith.extui %sign3A_8 : i1 to i32
    %sign3A_10 = arith.constant 0 : i32
    %sign3A_11 = arith.cmpi slt, %jit3A, %sign3A_10 : i32
    %sign3A_12 = arith.extui %sign3A_11 : i1 to i32
    %sign3A_13 = arith.subi %sign3A_9, %sign3A_12 : i32
    %ne3A = arith.cmpi ne, %sign3A_6, %sign3A_13 : i32
    %rem3A = arith.remsi %add3A, %jit3A : i32
    %ne3A_14 = arith.constant 0 : i32
    %ne3A_15 = arith.cmpi ne, %rem3A, %ne3A_14 : i32
    %and3A = arith.andi %ne3A, %ne3A_15 : i1
    %sub3A = arith.constant 1 : i32
    %sub3A_16 = arith.subi %div3A, %sub3A : i32
    %select_n3A = arith.select %and3A, %sub3A_16, %div3A : i32
    %jit3A_17 = arith.constant 8 : i32
    %eq3A = arith.constant 0 : i32
    %eq3A_18 = arith.cmpi eq, %jit3A_17, %eq3A : i32
    %jit3A_19 = arith.constant 1 : i32
    %select_n3A_20 = arith.select %eq3A_18, %jit3A_19, %jit3A_17 : i32
    %rem3A_21 = arith.remsi %add3A, %select_n3A_20 : i32
    %ne3A_22 = arith.constant 0 : i32
    %ne3A_23 = arith.cmpi ne, %rem3A_21, %ne3A_22 : i32
    %lt3A = arith.constant 0 : i32
    %lt3A_24 = arith.cmpi slt, %rem3A_21, %lt3A : i32
    %lt3A_25 = arith.constant 0 : i32
    %lt3A_26 = arith.cmpi slt, %select_n3A_20, %lt3A_25 : i32
    %ne3A_27 = arith.xori %lt3A_24, %lt3A_26 : i1
    %and3A_28 = arith.andi %ne3A_27, %ne3A_23 : i1
    %add3A_29 = arith.addi %rem3A_21, %select_n3A_20 : i32
    %select_n3A_30 = arith.select %and3A_28, %add3A_29, %rem3A_21 : i32
    %mul3A_31 = arith.constant 512 : i32
    %mul3A_32 = arith.muli %select_n3A_30, %mul3A_31 : i32
    %add3A_33 = arith.constant 0 : i32
    %add3A_34 = arith.addi %mul3A_32, %add3A_33 : i32
    %dma_start3A = arith.constant 0 : i32
    %dma_start3A_35 = tpu.memref_slice %arg2[%select_n3A, %add3A_34, %dma_start3A] : memref<4x4096x2048xf32, #tpu.memory_space<hbm>> -> memref<1x8x2048xf32, #tpu.memory_space<hbm>>
    %dma_start3A_36 = tpu.memref_squeeze %dma_start3A_35 : memref<1x8x2048xf32, #tpu.memory_space<hbm>> -> memref<8x2048xf32, #tpu.memory_space<hbm>>
    %dma_start3A_37 = arith.constant 0 : i32
    %dma_start3A_38 = tpu.memref_slice %arg2[%select_n3A, %add3A_34, %dma_start3A_37] : memref<4x4096x2048xf32, #tpu.memory_space<hbm>> -> memref<1x8x2048xf32, #tpu.memory_space<hbm>>
    %dma_start3A_39 = tpu.memref_squeeze %dma_start3A_38 : memref<1x8x2048xf32, #tpu.memory_space<hbm>> -> memref<8x2048xf32, #tpu.memory_space<hbm>>
    tpu.enqueue_dma source(%dma_start3A_39 : memref<8x2048xf32, #tpu.memory_space<hbm>>) target(%arg5 : memref<8x2048xf32, #tpu.memory_space<vmem>>) target_semaphore(%arg9 : memref<!tpu.dma_semaphore, #tpu.memory_space<semaphore_mem>>)
    %dma_start3A_40 = arith.constant 0 : i32
    %dma_start3A_41 = tpu.memref_slice %arg3[%add3A_34, %dma_start3A_40] : memref<8192x2048xf32, #tpu.memory_space<hbm>> -> memref<8x2048xf32, #tpu.memory_space<hbm>>
    %dma_start3A_42 = arith.constant 0 : i32
    %dma_start3A_43 = tpu.memref_slice %arg3[%add3A_34, %dma_start3A_42] : memref<8192x2048xf32, #tpu.memory_space<hbm>> -> memref<8x2048xf32, #tpu.memory_space<hbm>>
    tpu.enqueue_dma source(%dma_start3A_43 : memref<8x2048xf32, #tpu.memory_space<hbm>>) target(%arg6 : memref<8x2048xf32, #tpu.memory_space<vmem>>) target_semaphore(%arg10 : memref<!tpu.dma_semaphore, #tpu.memory_space<semaphore_mem>>)
    %add3A_44 = arith.constant 8 : i32
    %add3A_45 = arith.addi %mul3A_32, %add3A_44 : i32
    %dma_start3A_46 = arith.constant 0 : i32
    %dma_start3A_47 = tpu.memref_slice %arg2[%select_n3A, %add3A_45, %dma_start3A_46] : memref<4x4096x2048xf32, #tpu.memory_space<hbm>> -> memref<1x8x2048xf32, #tpu.memory_space<hbm>>
    %dma_start3A_48 = tpu.memref_squeeze %dma_start3A_47 : memref<1x8x2048xf32, #tpu.memory_space<hbm>> -> memref<8x2048xf32, #tpu.memory_space<hbm>>
    %dma_start3A_49 = arith.constant 0 : i32
    %dma_start3A_50 = tpu.memref_slice %arg2[%select_n3A, %add3A_45, %dma_start3A_49] : memref<4x4096x2048xf32, #tpu.memory_space<hbm>> -> memref<1x8x2048xf32, #tpu.memory_space<hbm>>
    %dma_start3A_51 = tpu.memref_squeeze %dma_start3A_50 : memref<1x8x2048xf32, #tpu.memory_space<hbm>> -> memref<8x2048xf32, #tpu.memory_space<hbm>>
    tpu.enqueue_dma source(%dma_start3A_51 : memref<8x2048xf32, #tpu.memory_space<hbm>>) target(%arg7 : memref<8x2048xf32, #tpu.memory_space<vmem>>) target_semaphore(%arg11 : memref<!tpu.dma_semaphore, #tpu.memory_space<semaphore_mem>>)
    %dma_start3A_52 = arith.constant 0 : i32
    %dma_start3A_53 = tpu.memref_slice %arg3[%add3A_45, %dma_start3A_52] : memref<8192x2048xf32, #tpu.memory_space<hbm>> -> memref<8x2048xf32, #tpu.memory_space<hbm>>
    %dma_start3A_54 = arith.constant 0 : i32
    %dma_start3A_55 = tpu.memref_slice %arg3[%add3A_45, %dma_start3A_54] : memref<8192x2048xf32, #tpu.memory_space<hbm>> -> memref<8x2048xf32, #tpu.memory_space<hbm>>
    tpu.enqueue_dma source(%dma_start3A_55 : memref<8x2048xf32, #tpu.memory_space<hbm>>) target(%arg8 : memref<8x2048xf32, #tpu.memory_space<vmem>>) target_semaphore(%arg12 : memref<!tpu.dma_semaphore, #tpu.memory_space<semaphore_mem>>)
    %scan3A = arith.constant 0 : i32
    %scan3A_56 = arith.constant 0 : i32
    %scan3A_57 = arith.constant 32 : i32
    %scan3A_58 = arith.addi %scan3A_56, %scan3A_57 : i32
    %scan3A_59 = arith.constant 1 : i32
    %scan3A_60 = scf.for %scan3A_73 = %scan3A_56 to %scan3A_58 step %scan3A_59 iter_args(%scan3A_74 = %scan3A) -> (i32)  : i32 {
      %mul3A_75 = arith.constant 2 : i32
      %mul3A_76 = arith.muli %mul3A_75, %scan3A_73 : i32
      %dma_wait3A_77 = arith.constant 0 : i32
      %dma_wait3A_78 = tpu.memref_slice %arg2[%select_n3A, %mul3A_32, %dma_wait3A_77] : memref<4x4096x2048xf32, #tpu.memory_space<hbm>> -> memref<1x8x2048xf32, #tpu.memory_space<hbm>>
      %dma_wait3A_79 = tpu.memref_squeeze %dma_wait3A_78 : memref<1x8x2048xf32, #tpu.memory_space<hbm>> -> memref<8x2048xf32, #tpu.memory_space<hbm>>
      %dma_wait3A_80 = arith.constant 0 : i32
      %dma_wait3A_81 = tpu.memref_slice %arg2[%select_n3A, %mul3A_32, %dma_wait3A_80] : memref<4x4096x2048xf32, #tpu.memory_space<hbm>> -> memref<1x8x2048xf32, #tpu.memory_space<hbm>>
      %dma_wait3A_82 = tpu.memref_squeeze %dma_wait3A_81 : memref<1x8x2048xf32, #tpu.memory_space<hbm>> -> memref<8x2048xf32, #tpu.memory_space<hbm>>
      tpu.wait_dma2 semaphore(%arg9 : memref<!tpu.dma_semaphore, #tpu.memory_space<semaphore_mem>>) src(%dma_wait3A_82 : memref<8x2048xf32, #tpu.memory_space<hbm>>) dst(%arg5 : memref<8x2048xf32, #tpu.memory_space<vmem>>)
      %dma_wait3A_83 = arith.constant 0 : i32
      %dma_wait3A_84 = tpu.memref_slice %arg3[%mul3A_32, %dma_wait3A_83] : memref<8192x2048xf32, #tpu.memory_space<hbm>> -> memref<8x2048xf32, #tpu.memory_space<hbm>>
      %dma_wait3A_85 = arith.constant 0 : i32
      %dma_wait3A_86 = tpu.memref_slice %arg3[%mul3A_32, %dma_wait3A_85] : memref<8192x2048xf32, #tpu.memory_space<hbm>> -> memref<8x2048xf32, #tpu.memory_space<hbm>>
      tpu.wait_dma2 semaphore(%arg10 : memref<!tpu.dma_semaphore, #tpu.memory_space<semaphore_mem>>) src(%dma_wait3A_86 : memref<8x2048xf32, #tpu.memory_space<hbm>>) dst(%arg6 : memref<8x2048xf32, #tpu.memory_space<vmem>>)
      %parallel_loop3A = arith.constant 0 : i32
      %parallel_loop3A_87 = arith.constant 8 : i32
      %parallel_loop3A_88 = arith.constant 1 : i32
      scf.for %parallel_loop3A_135 = %parallel_loop3A to %parallel_loop3A_87 step %parallel_loop3A_88  : i32 {
        %parallel_loop3A_136 = arith.index_cast %parallel_loop3A_135 : i32 to index
        %parallel_loop3A_137 = arith.constant 0 : index
        %parallel_loop3A_138 = tpu.vector_load %arg6[%parallel_loop3A_136, %parallel_loop3A_137] {strides = array<i32>} : memref<8x2048xf32, #tpu.memory_space<vmem>>, vector<1x16xf32>,
        %parallel_loop3A_139 = vector.shape_cast %parallel_loop3A_138 : vector<1x16xf32> to vector<16xf32>
        %parallel_loop3A_140 = arith.index_cast %parallel_loop3A_135 : i32 to index
        %parallel_loop3A_141 = arith.constant 0 : index
        %parallel_loop3A_142 = tpu.vector_load %arg5[%parallel_loop3A_140, %parallel_loop3A_141] {strides = array<i32>} : memref<8x2048xf32, #tpu.memory_space<vmem>>, vector<1x16xf32>,
        %parallel_loop3A_143 = vector.shape_cast %parallel_loop3A_142 : vector<1x16xf32> to vector<16xf32>
        %parallel_loop3A_144 = vector.shape_cast %parallel_loop3A_139 : vector<16xf32> to vector<1x16xf32>
        tpu.vector_store %arg5[%parallel_loop3A_140, %parallel_loop3A_141], %parallel_loop3A_144 {add = true, strides = array<i32>} : memref<8x2048xf32, #tpu.memory_space<vmem>>, vector<1x16xf32>,
        %parallel_loop3A_145 = arith.index_cast %parallel_loop3A_135 : i32 to index
        %parallel_loop3A_146 = arith.constant 16 : index
        %parallel_loop3A_147 = tpu.vector_load %arg6[%parallel_loop3A_145, %parallel_loop3A_146] {strides = array<i32>} : memref<8x2048xf32, #tpu.memory_space<vmem>>, vector<1x16xf32>,
        %parallel_loop3A_148 = vector.shape_cast %parallel_loop3A_147 : vector<1x16xf32> to vector<16xf32>
        %parallel_loop3A_149 = arith.index_cast %parallel_loop3A_135 : i32 to index
        %parallel_loop3A_150 = arith.constant 16 : index
        %parallel_loop3A_151 = tpu.vector_load %arg5[%parallel_loop3A_149, %parallel_loop3A_150] {strides = array<i32>} : memref<8x2048xf32, #tpu.memory_space<vmem>>, vector<1x16xf32>,
        %parallel_loop3A_152 = vector.shape_cast %parallel_loop3A_151 : vector<1x16xf32> to vector<16xf32>
        %parallel_loop3A_153 = vector.shape_cast %parallel_loop3A_148 : vector<16xf32> to vector<1x16xf32>
        tpu.vector_store %arg5[%parallel_loop3A_149, %parallel_loop3A_150], %parallel_loop3A_153 {add = true, strides = array<i32>} : memref<8x2048xf32, #tpu.memory_space<vmem>>, vector<1x16xf32>,
        %parallel_loop3A_154 = arith.index_cast %parallel_loop3A_135 : i32 to index
        %parallel_loop3A_155 = arith.constant 32 : index
        %parallel_loop3A_156 = tpu.vector_load %arg6[%parallel_loop3A_154, %parallel_loop3A_155] {strides = array<i32>} : memref<8x2048xf32, #tpu.memory_space<vmem>>, vector<1x16xf32>,
        %parallel_loop3A_157 = vector.shape_cast %parallel_loop3A_156 : vector<1x16xf32> to vector<16xf32>
        %parallel_loop3A_158 = arith.index_cast %parallel_loop3A_135 : i32 to index
        %parallel_loop3A_159 = arith.constant 32 : index
        %parallel_loop3A_160 = tpu.vector_load %arg5[%parallel_loop3A_158, %parallel_loop3A_159] {strides = array<i32>} : memref<8x2048xf32, #tpu.memory_space<vmem>>, vector<1x16xf32>,
        %parallel_loop3A_161 = vector.shape_cast %parallel_loop3A_160 : vector<1x16xf32> to vector<16xf32>
        %parallel_loop3A_162 = vector.shape_cast %parallel_loop3A_157 : vector<16xf32> to vector<1x16xf32>
        tpu.vector_store %arg5[%parallel_loop3A_158, %parallel_loop3A_159], %parallel_loop3A_162 {add = true, strides = array<i32>} : memref<8x2048xf32, #tpu.memory_space<vmem>>, vector<1x16xf32>,
        %parallel_loop3A_163 = arith.index_cast %parallel_loop3A_135 : i32 to index
        %parallel_loop3A_164 = arith.constant 48 : index
        %parallel_loop3A_165 = tpu.vector_load %arg6[%parallel_loop3A_163, %parallel_loop3A_164] {strides = array<i32>} : memref<8x2048xf32, #tpu.memory_space<vmem>>, vector<1x16xf32>,
        %parallel_loop3A_166 = vector.shape_cast %parallel_loop3A_165 : vector<1x16xf32> to vector<16xf32>
        %parallel_loop3A_167 = arith.index_cast %parallel_loop3A_135 : i32 to index
        %parallel_loop3A_168 = arith.constant 48 : index
        %parallel_loop3A_169 = tpu.vector_load %arg5[%parallel_loop3A_167, %parallel_loop3A_168] {strides = array<i32>} : memref<8x2048xf32, #tpu.memory_space<vmem>>, vector<1x16xf32>,
        %parallel_loop3A_170 = vector.shape_cast %parallel_loop3A_169 : vector<1x16xf32> to vector<16xf32>
        %parallel_loop3A_171 = vector.shape_cast %parallel_loop3A_166 : vector<16xf32> to vector<1x16xf32>
        tpu.vector_store %arg5[%parallel_loop3A_167, %parallel_loop3A_168], %parallel_loop3A_171 {add = true, strides = array<i32>} : memref<8x2048xf32, #tpu.memory_space<vmem>>, vector<1x16xf32>,
        %parallel_loop3A_172 = arith.index_cast %parallel_loop3A_135 : i32 to index
        %parallel_loop3A_173 = arith.constant 64 : index
        %parallel_loop3A_174 = tpu.vector_load %arg6[%parallel_loop3A_172, %parallel_loop3A_173] {strides = array<i32>} : memref<8x2048xf32, #tpu.memory_space<vmem>>, vector<1x16xf32>,
        %parallel_loop3A_175 = vector.shape_cast %parallel_loop3A_174 : vector<1x16xf32> to vector<16xf32>
        %parallel_loop3A_176 = arith.index_cast %parallel_loop3A_135 : i32 to index
        %parallel_loop3A_177 = arith.constant 64 : index
        %parallel_loop3A_178 = tpu.vector_load %arg5[%parallel_loop3A_176, %parallel_loop3A_177] {strides = array<i32>} : memref<8x2048xf32, #tpu.memory_space<vmem>>, vector<1x16xf32>,
        %parallel_loop3A_179 = vector.shape_cast %parallel_loop3A_178 : vector<1x16xf32> to vector<16xf32>
        %parallel_loop3A_180 = vector.shape_cast %parallel_loop3A_175 : vector<16xf32> to vector<1x16xf32>
        tpu.vector_store %arg5[%parallel_loop3A_176, %parallel_loop3A_177], %parallel_loop3A_180 {add = true, strides = array<i32>} : memref<8x2048xf32, #tpu.memory_space<vmem>>, vector<1x16xf32>,
        %parallel_loop3A_181 = arith.index_cast %parallel_loop3A_135 : i32 to index
        %parallel_loop3A_182 = arith.constant 80 : index
        %parallel_loop3A_183 = tpu.vector_load %arg6[%parallel_loop3A_181, %parallel_loop3A_182] {strides = array<i32>} : memref<8x2048xf32, #tpu.memory_space<vmem>>, vector<1x16xf32>,
        %parallel_loop3A_184 = vector.shape_cast %parallel_loop3A_183 : vector<1x16xf32> to vector<16xf32>
        %parallel_loop3A_185 = arith.index_cast %parallel_loop3A_135 : i32 to index
        %parallel_loop3A_186 = arith.constant 80 : index
        %parallel_loop3A_187 = tpu.vector_load %arg5[%parallel_loop3A_185, %parallel_loop3A_186] {strides = array<i32>} : memref<8x2048xf32, #tpu.memory_space<vmem>>, vector<1x16xf32>,
        %parallel_loop3A_188 = vector.shape_cast %parallel_loop3A_187 : vector<1x16xf32> to vector<16xf32>
        %parallel_loop3A_189 = vector.shape_cast %parallel_loop3A_184 : vector<16xf32> to vector<1x16xf32>
        tpu.vector_store %arg5[%parallel_loop3A_185, %parallel_loop3A_186], %parallel_loop3A_189 {add = true, strides = array<i32>} : memref<8x2048xf32, #tpu.memory_space<vmem>>, vector<1x16xf32>,
        %parallel_loop3A_190 = arith.index_cast %parallel_loop3A_135 : i32 to index
        %parallel_loop3A_191 = arith.constant 96 : index
        %parallel_loop3A_192 = tpu.vector_load %arg6[%parallel_loop3A_190, %parallel_loop3A_191] {strides = array<i32>} : memref<8x2048xf32, #tpu.memory_space<vmem>>, vector<1x16xf32>,
        %parallel_loop3A_193 = vector.shape_cast %parallel_loop3A_192 : vector<1x16xf32> to vector<16xf32>
        %parallel_loop3A_194 = arith.index_cast %parallel_loop3A_135 : i32 to index
        %parallel_loop3A_195 = arith.constant 96 : index
        %parallel_loop3A_196 = tpu.vector_load %arg5[%parallel_loop3A_194, %parallel_loop3A_195] {strides = array<i32>} : memref<8x2048xf32, #tpu.memory_space<vmem>>, vector<1x16xf32>,
        %parallel_loop3A_197 = vector.shape_cast %parallel_loop3A_196 : vector<1x16xf32> to vector<16xf32>
        %parallel_loop3A_198 = vector.shape_cast %parallel_loop3A_193 : vector<16xf32> to vector<1x16xf32>
        tpu.vector_store %arg5[%parallel_loop3A_194, %parallel_loop3A_195], %parallel_loop3A_198 {add = true, strides = array<i32>} : memref<8x2048xf32, #tpu.memory_space<vmem>>, vector<1x16xf32>,
        %parallel_loop3A_199 = arith.index_cast %parallel_loop3A_135 : i32 to index
        %parallel_loop3A_200 = arith.constant 112 : index
        %parallel_loop3A_201 = tpu.vector_load %arg6[%parallel_loop3A_199, %parallel_loop3A_200] {strides = array<i32>} : memref<8x2048xf32, #tpu.memory_space<vmem>>, vector<1x16xf32>,
        %parallel_loop3A_202 = vector.shape_cast %parallel_loop3A_201 : vector<1x16xf32> to vector<16xf32>
        %parallel_loop3A_203 = arith.index_cast %parallel_loop3A_135 : i32 to index
        %parallel_loop3A_204 = arith.constant 112 : index
        %parallel_loop3A_205 = tpu.vector_load %arg5[%parallel_loop3A_203, %parallel_loop3A_204] {strides = array<i32>} : memref<8x2048xf32, #tpu.memory_space<vmem>>, vector<1x16xf32>,
        %parallel_loop3A_206 = vector.shape_cast %parallel_loop3A_205 : vector<1x16xf32> to vector<16xf32>
        %parallel_loop3A_207 = vector.shape_cast %parallel_loop3A_202 : vector<16xf32> to vector<1x16xf32>
        tpu.vector_store %arg5[%parallel_loop3A_203, %parallel_loop3A_204], %parallel_loop3A_207 {add = true, strides = array<i32>} : memref<8x2048xf32, #tpu.memory_space<vmem>>, vector<1x16xf32>,
        %parallel_loop3A_208 = arith.index_cast %parallel_loop3A_135 : i32 to index
        %parallel_loop3A_209 = arith.constant 128 : index
        %parallel_loop3A_210 = tpu.vector_load %arg6[%parallel_loop3A_208, %parallel_loop3A_209] {strides = array<i32>} : memref<8x2048xf32, #tpu.memory_space<vmem>>, vector<1x16xf32>,
        %parallel_loop3A_211 = vector.shape_cast %parallel_loop3A_210 : vector<1x16xf32> to vector<16xf32>
        %parallel_loop3A_212 = arith.index_cast %parallel_loop3A_135 : i32 to index
        %parallel_loop3A_213 = arith.constant 128 : index
        %parallel_loop3A_214 = tpu.vector_load %arg5[%parallel_loop3A_212, %parallel_loop3A_213] {strides = array<i32>} : memref<8x2048xf32, #tpu.memory_space<vmem>>, vector<1x16xf32>,
        %parallel_loop3A_215 = vector.shape_cast %parallel_loop3A_214 : vector<1x16xf32> to vector<16xf32>
        %parallel_loop3A_216 = vector.shape_cast %parallel_loop3A_211 : vector<16xf32> to vector<1x16xf32>
        tpu.vector_store %arg5[%parallel_loop3A_212, %parallel_loop3A_213], %parallel_loop3A_216 {add = true, strides = array<i32>} : memref<8x2048xf32, #tpu.memory_space<vmem>>, vector<1x16xf32>,
        %parallel_loop3A_217 = arith.index_cast %parallel_loop3A_135 : i32 to index
        %parallel_loop3A_218 = arith.constant 144 : index
        %parallel_loop3A_219 = tpu.vector_load %arg6[%parallel_loop3A_217, %parallel_loop3A_218] {strides = array<i32>} : memref<8x2048xf32, #tpu.memory_space<vmem>>, vector<1x16xf32>,
        %parallel_loop3A_220 = vector.shape_cast %parallel_loop3A_219 : vector<1x16xf32> to vector<16xf32>
        %parallel_loop3A_221 = arith.index_cast %parallel_loop3A_135 : i32 to index
        %parallel_loop3A_222 = arith.constant 144 : index
        %parallel_loop3A_223 = tpu.vector_load %arg5[%parallel_loop3A_221, %parallel_loop3A_222] {strides = array<i32>} : memref<8x2048xf32, #tpu.memory_space<vmem>>, vector<1x16xf32>,
        %parallel_loop3A_224 = vector.shape_cast %parallel_loop3A_223 : vector<1x16xf32> to vector<16xf32>
        %parallel_loop3A_225 = vector.shape_cast %parallel_loop3A_220 : vector<16xf32> to vector<1x16xf32>
        tpu.vector_store %arg5[%parallel_loop3A_221, %parallel_loop3A_222], %parallel_loop3A_225 {add = true, strides = array<i32>} : memref<8x2048xf32, #tpu.memory_space<vmem>>, vector<1x16xf32>,
        %parallel_loop3A_226 = arith.index_cast %parallel_loop3A_135 : i32 to index
        %parallel_loop3A_227 = arith.constant 160 : index
        %parallel_loop3A_228 = tpu.vector_load %arg6[%parallel_loop3A_226, %parallel_loop3A_227] {strides = array<i32>} : memref<8x2048xf32, #tpu.memory_space<vmem>>, vector<1x16xf32>,
        %parallel_loop3A_229 = vector.shape_cast %parallel_loop3A_228 : vector<1x16xf32> to vector<16xf32>
        %parallel_loop3A_230 = arith.index_cast %parallel_loop3A_135 : i32 to index
        %parallel_loop3A_231 = arith.constant 160 : index
        %parallel_loop3A_232 = tpu.vector_load %arg5[%parallel_loop3A_230, %parallel_loop3A_231] {strides = array<i32>} : memref<8x2048xf32, #tpu.memory_space<vmem>>, vector<1x16xf32>,
        %parallel_loop3A_233 = vector.shape_cast %parallel_loop3A_232 : vector<1x16xf32> to vector<16xf32>
        %parallel_loop3A_234 = vector.shape_cast %parallel_loop3A_229 : vector<16xf32> to vector<1x16xf32>
        tpu.vector_store %arg5[%parallel_loop3A_230, %parallel_loop3A_231], %parallel_loop3A_234 {add = true, strides = array<i32>} : memref<8x2048xf32, #tpu.memory_space<vmem>>, vector<1x16xf32>,
        %parallel_loop3A_235 = arith.index_cast %parallel_loop3A_135 : i32 to index
        %parallel_loop3A_236 = arith.constant 176 : index
        %parallel_loop3A_237 = tpu.vector_load %arg6[%parallel_loop3A_235, %parallel_loop3A_236] {strides = array<i32>} : memref<8x2048xf32, #tpu.memory_space<vmem>>, vector<1x16xf32>,
        %parallel_loop3A_238 = vector.shape_cast %parallel_loop3A_237 : vector<1x16xf32> to vector<16xf32>
        %parallel_loop3A_239 = arith.index_cast %parallel_loop3A_135 : i32 to index
        %parallel_loop3A_240 = arith.constant 176 : index
        %parallel_loop3A_241 = tpu.vector_load %arg5[%parallel_loop3A_239, %parallel_loop3A_240] {strides = array<i32>} : memref<8x2048xf32, #tpu.memory_space<vmem>>, vector<1x16xf32>,
        %parallel_loop3A_242 = vector.shape_cast %parallel_loop3A_241 : vector<1x16xf32> to vector<16xf32>
        %parallel_loop3A_243 = vector.shape_cast %parallel_loop3A_238 : vector<16xf32> to vector<1x16xf32>
        tpu.vector_store %arg5[%parallel_loop3A_239, %parallel_loop3A_240], %parallel_loop3A_243 {add = true, strides = array<i32>} : memref<8x2048xf32, #tpu.memory_space<vmem>>, vector<1x16xf32>,
        %parallel_loop3A_244 = arith.index_cast %parallel_loop3A_135 : i32 to index
        %parallel_loop3A_245 = arith.constant 192 : index
        %parallel_loop3A_246 = tpu.vector_load %arg6[%parallel_loop3A_244, %parallel_loop3A_245] {strides = array<i32>} : memref<8x2048xf32, #tpu.memory_space<vmem>>, vector<1x16xf32>,
        %parallel_loop3A_247 = vector.shape_cast %parallel_loop3A_246 : vector<1x16xf32> to vector<16xf32>
        %parallel_loop3A_248 = arith.index_cast %parallel_loop3A_135 : i32 to index
        %parallel_loop3A_249 = arith.constant 192 : index
        %parallel_loop3A_250 = tpu.vector_load %arg5[%parallel_loop3A_248, %parallel_loop3A_249] {strides = array<i32>} : memref<8x2048xf32, #tpu.memory_space<vmem>>, vector<1x16xf32>,
        %parallel_loop3A_251 = vector.shape_cast %parallel_loop3A_250 : vector<1x16xf32> to vector<16xf32>
        %parallel_loop3A_252 = vector.shape_cast %parallel_loop3A_247 : vector<16xf32> to vector<1x16xf32>
        tpu.vector_store %arg5[%parallel_loop3A_248, %parallel_loop3A_249], %parallel_loop3A_252 {add = true, strides = array<i32>} : memref<8x2048xf32, #tpu.memory_space<vmem>>, vector<1x16xf32>,
        %parallel_loop3A_253 = arith.index_cast %parallel_loop3A_135 : i32 to index
        %parallel_loop3A_254 = arith.constant 208 : index
        %parallel_loop3A_255 = tpu.vector_load %arg6[%parallel_loop3A_253, %parallel_loop3A_254] {strides = array<i32>} : memref<8x2048xf32, #tpu.memory_space<vmem>>, vector<1x16xf32>,
        %parallel_loop3A_256 = vector.shape_cast %parallel_loop3A_255 : vector<1x16xf32> to vector<16xf32>
        %parallel_loop3A_257 = arith.index_cast %parallel_loop3A_135 : i32 to index
        %parallel_loop3A_258 = arith.constant 208 : index
        %parallel_loop3A_259 = tpu.vector_load %arg5[%parallel_loop3A_257, %parallel_loop3A_258] {strides = array<i32>} : memref<8x2048xf32, #tpu.memory_space<vmem>>, vector<1x16xf32>,
        %parallel_loop3A_260 = vector.shape_cast %parallel_loop3A_259 : vector<1x16xf32> to vector<16xf32>
        %parallel_loop3A_261 = vector.shape_cast %parallel_loop3A_256 : vector<16xf32> to vector<1x16xf32>
        tpu.vector_store %arg5[%parallel_loop3A_257, %parallel_loop3A_258], %parallel_loop3A_261 {add = true, strides = array<i32>} : memref<8x2048xf32, #tpu.memory_space<vmem>>, vector<1x16xf32>,
        %parallel_loop3A_262 = arith.index_cast %parallel_loop3A_135 : i32 to index
        %parallel_loop3A_263 = arith.constant 224 : index
        %parallel_loop3A_264 = tpu.vector_load %arg6[%parallel_loop3A_262, %parallel_loop3A_263] {strides = array<i32>} : memref<8x2048xf32, #tpu.memory_space<vmem>>, vector<1x16xf32>,
        %parallel_loop3A_265 = vector.shape_cast %parallel_loop3A_264 : vector<1x16xf32> to vector<16xf32>
        %parallel_loop3A_266 = arith.index_cast %parallel_loop3A_135 : i32 to index
        %parallel_loop3A_267 = arith.constant 224 : index
        %parallel_loop3A_268 = tpu.vector_load %arg5[%parallel_loop3A_266, %parallel_loop3A_267] {strides = array<i32>} : memref<8x2048xf32, #tpu.memory_space<vmem>>, vector<1x16xf32>,
        %parallel_loop3A_269 = vector.shape_cast %parallel_loop3A_268 : vector<1x16xf32> to vector<16xf32>
        %parallel_loop3A_270 = vector.shape_cast %parallel_loop3A_265 : vector<16xf32> to vector<1x16xf32>
        tpu.vector_store %arg5[%parallel_loop3A_266, %parallel_loop3A_267], %parallel_loop3A_270 {add = true, strides = array<i32>} : memref<8x2048xf32, #tpu.memory_space<vmem>>, vector<1x16xf32>,
        %parallel_loop3A_271 = arith.index_cast %parallel_loop3A_135 : i32 to index
        %parallel_loop3A_272 = arith.constant 240 : index
        %parallel_loop3A_273 = tpu.vector_load %arg6[%parallel_loop3A_271, %parallel_loop3A_272] {strides = array<i32>} : memref<8x2048xf32, #tpu.memory_space<vmem>>, vector<1x16xf32>,
        %parallel_loop3A_274 = vector.shape_cast %parallel_loop3A_273 : vector<1x16xf32> to vector<16xf32>
        %parallel_loop3A_275 = arith.index_cast %parallel_loop3A_135 : i32 to index
        %parallel_loop3A_276 = arith.constant 240 : index
        %parallel_loop3A_277 = tpu.vector_load %arg5[%parallel_loop3A_275, %parallel_loop3A_276] {strides = array<i32>} : memref<8x2048xf32, #tpu.memory_space<vmem>>, vector<1x16xf32>,
        %parallel_loop3A_278 = vector.shape_cast %parallel_loop3A_277 : vector<1x16xf32> to vector<16xf32>
        %parallel_loop3A_279 = vector.shape_cast %parallel_loop3A_274 : vector<16xf32> to vector<1x16xf32>
        tpu.vector_store %arg5[%parallel_loop3A_275, %parallel_loop3A_276], %parallel_loop3A_279 {add = true, strides = array<i32>} : memref<8x2048xf32, #tpu.memory_space<vmem>>, vector<1x16xf32>,
        %parallel_loop3A_280 = arith.index_cast %parallel_loop3A_135 : i32 to index
        %parallel_loop3A_281 = arith.constant 256 : index
        %parallel_loop3A_282 = tpu.vector_load %arg6[%parallel_loop3A_280, %parallel_loop3A_281] {strides = array<i32>} : memref<8x2048xf32, #tpu.memory_space<vmem>>, vector<1x16xf32>,
        %parallel_loop3A_283 = vector.shape_cast %parallel_loop3A_282 : vector<1x16xf32> to vector<16xf32>
        %parallel_loop3A_284 = arith.index_cast %parallel_loop3A_135 : i32 to index
        %parallel_loop3A_285 = arith.constant 256 : index
        %parallel_loop3A_286 = tpu.vector_load %arg5[%parallel_loop3A_284, %parallel_loop3A_285] {strides = array<i32>} : memref<8x2048xf32, #tpu.memory_space<vmem>>, vector<1x16xf32>,
        %parallel_loop3A_287 = vector.shape_cast %parallel_loop3A_286 : vector<1x16xf32> to vector<16xf32>
        %parallel_loop3A_288 = vector.shape_cast %parallel_loop3A_283 : vector<16xf32> to vector<1x16xf32>
        tpu.vector_store %arg5[%parallel_loop3A_284, %parallel_loop3A_285], %parallel_loop3A_288 {add = true, strides = array<i32>} : memref<8x2048xf32, #tpu.memory_space<vmem>>, vector<1x16xf32>,
        %parallel_loop3A_289 = arith.index_cast %parallel_loop3A_135 : i32 to index
        %parallel_loop3A_290 = arith.constant 272 : index
        %parallel_loop3A_291 = tpu.vector_load %arg6[%parallel_loop3A_289, %parallel_loop3A_290] {strides = array<i32>} : memref<8x2048xf32, #tpu.memory_space<vmem>>, vector<1x16xf32>,
        %parallel_loop3A_292 = vector.shape_cast %parallel_loop3A_291 : vector<1x16xf32> to vector<16xf32>
        %parallel_loop3A_293 = arith.index_cast %parallel_loop3A_135 : i32 to index
        %parallel_loop3A_294 = arith.constant 272 : index
        %parallel_loop3A_295 = tpu.vector_load %arg5[%parallel_loop3A_293, %parallel_loop3A_294] {strides = array<i32>} : memref<8x2048xf32, #tpu.memory_space<vmem>>, vector<1x16xf32>,
        %parallel_loop3A_296 = vector.shape_cast %parallel_loop3A_295 : vector<1x16xf32> to vector<16xf32>
        %parallel_loop3A_297 = vector.shape_cast %parallel_loop3A_292 : vector<16xf32> to vector<1x16xf32>
        tpu.vector_store %arg5[%parallel_loop3A_293, %parallel_loop3A_294], %parallel_loop3A_297 {add = true, strides = array<i32>} : memref<8x2048xf32, #tpu.memory_space<vmem>>, vector<1x16xf32>,
        %parallel_loop3A_298 = arith.index_cast %parallel_loop3A_135 : i32 to index
        %parallel_loop3A_299 = arith.constant 288 : index
        %parallel_loop3A_300 = tpu.vector_load %arg6[%parallel_loop3A_298, %parallel_loop3A_299] {strides = array<i32>} : memref<8x2048xf32, #tpu.memory_space<vmem>>, vector<1x16xf32>,
        %parallel_loop3A_301 = vector.shape_cast %parallel_loop3A_300 : vector<1x16xf32> to vector<16xf32>
        %parallel_loop3A_302 = arith.index_cast %parallel_loop3A_135 : i32 to index
        %parallel_loop3A_303 = arith.constant 288 : index
        %parallel_loop3A_304 = tpu.vector_load %arg5[%parallel_loop3A_302, %parallel_loop3A_303] {strides = array<i32>} : memref<8x2048xf32, #tpu.memory_space<vmem>>, vector<1x16xf32>,
        %parallel_loop3A_305 = vector.shape_cast %parallel_loop3A_304 : vector<1x16xf32> to vector<16xf32>
        %parallel_loop3A_306 = vector.shape_cast %parallel_loop3A_301 : vector<16xf32> to vector<1x16xf32>
        tpu.vector_store %arg5[%parallel_loop3A_302, %parallel_loop3A_303], %parallel_loop3A_306 {add = true, strides = array<i32>} : memref<8x2048xf32, #tpu.memory_space<vmem>>, vector<1x16xf32>,
        %parallel_loop3A_307 = arith.index_cast %parallel_loop3A_135 : i32 to index
        %parallel_loop3A_308 = arith.constant 304 : index
        %parallel_loop3A_309 = tpu.vector_load %arg6[%parallel_loop3A_307, %parallel_loop3A_308] {strides = array<i32>} : memref<8x2048xf32, #tpu.memory_space<vmem>>, vector<1x16xf32>,
        %parallel_loop3A_310 = vector.shape_cast %parallel_loop3A_309 : vector<1x16xf32> to vector<16xf32>
        %parallel_loop3A_311 = arith.index_cast %parallel_loop3A_135 : i32 to index
        %parallel_loop3A_312 = arith.constant 304 : index
        %parallel_loop3A_313 = tpu.vector_load %arg5[%parallel_loop3A_311, %parallel_loop3A_312] {strides = array<i32>} : memref<8x2048xf32, #tpu.memory_space<vmem>>, vector<1x16xf32>,
        %parallel_loop3A_314 = vector.shape_cast %parallel_loop3A_313 : vector<1x16xf32> to vector<16xf32>
        %parallel_loop3A_315 = vector.shape_cast %parallel_loop3A_310 : vector<16xf32> to vector<1x16xf32>
        tpu.vector_store %arg5[%parallel_loop3A_311, %parallel_loop3A_312], %parallel_loop3A_315 {add = true, strides = array<i32>} : memref<8x2048xf32, #tpu.memory_space<vmem>>, vector<1x16xf32>,
        %parallel_loop3A_316 = arith.index_cast %parallel_loop3A_135 : i32 to index
        %parallel_loop3A_317 = arith.constant 320 : index
        %parallel_loop3A_318 = tpu.vector_load %arg6[%parallel_loop3A_316, %parallel_loop3A_317] {strides = array<i32>} : memref<8x2048xf32, #tpu.memory_space<vmem>>, vector<1x16xf32>,
        %parallel_loop3A_319 = vector.shape_cast %parallel_loop3A_318 : vector<1x16xf32> to vector<16xf32>
        %parallel_loop3A_320 = arith.index_cast %parallel_loop3A_135 : i32 to index
        %parallel_loop3A_321 = arith.constant 320 : index
        %parallel_loop3A_322 = tpu.vector_load %arg5[%parallel_loop3A_320, %parallel_loop3A_321] {strides = array<i32>} : memref<8x2048xf32, #tpu.memory_space<vmem>>, vector<1x16xf32>,
        %parallel_loop3A_323 = vector.shape_cast %parallel_loop3A_322 : vector<1x16xf32> to vector<16xf32>
        %parallel_loop3A_324 = vector.shape_cast %parallel_loop3A_319 : vector<16xf32> to vector<1x16xf32>
        tpu.vector_store %arg5[%parallel_loop3A_320, %parallel_loop3A_321], %parallel_loop3A_324 {add = true, strides = array<i32>} : memref<8x2048xf32, #tpu.memory_space<vmem>>, vector<1x16xf32>,
        %parallel_loop3A_325 = arith.index_cast %parallel_loop3A_135 : i32 to index
        %parallel_loop3A_326 = arith.constant 336 : index
        %parallel_loop3A_327 = tpu.vector_load %arg6[%parallel_loop3A_325, %parallel_loop3A_326] {strides = array<i32>} : memref<8x2048xf32, #tpu.memory_space<vmem>>, vector<1x16xf32>,
        %parallel_loop3A_328 = vector.shape_cast %parallel_loop3A_327 : vector<1x16xf32> to vector<16xf32>
        %parallel_loop3A_329 = arith.index_cast %parallel_loop3A_135 : i32 to index
        %parallel_loop3A_330 = arith.constant 336 : index
        %parallel_loop3A_331 = tpu.vector_load %arg5[%parallel_loop3A_329, %parallel_loop3A_330] {strides = array<i32>} : memref<8x2048xf32, #tpu.memory_space<vmem>>, vector<1x16xf32>,
        %parallel_loop3A_332 = vector.shape_cast %parallel_loop3A_331 : vector<1x16xf32> to vector<16xf32>
        %parallel_loop3A_333 = vector.shape_cast %parallel_loop3A_328 : vector<16xf32> to vector<1x16xf32>
        tpu.vector_store %arg5[%parallel_loop3A_329, %parallel_loop3A_330], %parallel_loop3A_333 {add = true, strides = array<i32>} : memref<8x2048xf32, #tpu.memory_space<vmem>>, vector<1x16xf32>,
        %parallel_loop3A_334 = arith.index_cast %parallel_loop3A_135 : i32 to index
        %parallel_loop3A_335 = arith.constant 352 : index
        %parallel_loop3A_336 = tpu.vector_load %arg6[%parallel_loop3A_334, %parallel_loop3A_335] {strides = array<i32>} : memref<8x2048xf32, #tpu.memory_space<vmem>>, vector<1x16xf32>,
        %parallel_loop3A_337 = vector.shape_cast %parallel_loop3A_336 : vector<1x16xf32> to vector<16xf32>
        %parallel_loop3A_338 = arith.index_cast %parallel_loop3A_135 : i32 to index
        %parallel_loop3A_339 = arith.constant 352 : index
        %parallel_loop3A_340 = tpu.vector_load %arg5[%parallel_loop3A_338, %parallel_loop3A_339] {strides = array<i32>} : memref<8x2048xf32, #tpu.memory_space<vmem>>, vector<1x16xf32>,
        %parallel_loop3A_341 = vector.shape_cast %parallel_loop3A_340 : vector<1x16xf32> to vector<16xf32>
        %parallel_loop3A_342 = vector.shape_cast %parallel_loop3A_337 : vector<16xf32> to vector<1x16xf32>
        tpu.vector_store %arg5[%parallel_loop3A_338, %parallel_loop3A_339], %parallel_loop3A_342 {add = true, strides = array<i32>} : memref<8x2048xf32, #tpu.memory_space<vmem>>, vector<1x16xf32>,
        %parallel_loop3A_343 = arith.index_cast %parallel_loop3A_135 : i32 to index
        %parallel_loop3A_344 = arith.constant 368 : index
        %parallel_loop3A_345 = tpu.vector_load %arg6[%parallel_loop3A_343, %parallel_loop3A_344] {strides = array<i32>} : memref<8x2048xf32, #tpu.memory_space<vmem>>, vector<1x16xf32>,
        %parallel_loop3A_346 = vector.shape_cast %parallel_loop3A_345 : vector<1x16xf32> to vector<16xf32>
        %parallel_loop3A_347 = arith.index_cast %parallel_loop3A_135 : i32 to index
        %parallel_loop3A_348 = arith.constant 368 : index
        %parallel_loop3A_349 = tpu.vector_load %arg5[%parallel_loop3A_347, %parallel_loop3A_348] {strides = array<i32>} : memref<8x2048xf32, #tpu.memory_space<vmem>>, vector<1x16xf32>,
        %parallel_loop3A_350 = vector.shape_cast %parallel_loop3A_349 : vector<1x16xf32> to vector<16xf32>
        %parallel_loop3A_351 = vector.shape_cast %parallel_loop3A_346 : vector<16xf32> to vector<1x16xf32>
        tpu.vector_store %arg5[%parallel_loop3A_347, %parallel_loop3A_348], %parallel_loop3A_351 {add = true, strides = array<i32>} : memref<8x2048xf32, #tpu.memory_space<vmem>>, vector<1x16xf32>,
        %parallel_loop3A_352 = arith.index_cast %parallel_loop3A_135 : i32 to index
        %parallel_loop3A_353 = arith.constant 384 : index
        %parallel_loop3A_354 = tpu.vector_load %arg6[%parallel_loop3A_352, %parallel_loop3A_353] {strides = array<i32>} : memref<8x2048xf32, #tpu.memory_space<vmem>>, vector<1x16xf32>,
        %parallel_loop3A_355 = vector.shape_cast %parallel_loop3A_354 : vector<1x16xf32> to vector<16xf32>
        %parallel_loop3A_356 = arith.index_cast %parallel_loop3A_135 : i32 to index
        %parallel_loop3A_357 = arith.constant 384 : index
        %parallel_loop3A_358 = tpu.vector_load %arg5[%parallel_loop3A_356, %parallel_loop3A_357] {strides = array<i32>} : memref<8x2048xf32, #tpu.memory_space<vmem>>, vector<1x16xf32>,
        %parallel_loop3A_359 = vector.shape_cast %parallel_loop3A_358 : vector<1x16xf32> to vector<16xf32>
        %parallel_loop3A_360 = vector.shape_cast %parallel_loop3A_355 : vector<16xf32> to vector<1x16xf32>
        tpu.vector_store %arg5[%parallel_loop3A_356, %parallel_loop3A_357], %parallel_loop3A_360 {add = true, strides = array<i32>} : memref<8x2048xf32, #tpu.memory_space<vmem>>, vector<1x16xf32>,
        %parallel_loop3A_361 = arith.index_cast %parallel_loop3A_135 : i32 to index
        %parallel_loop3A_362 = arith.constant 400 : index
        %parallel_loop3A_363 = tpu.vector_load %arg6[%parallel_loop3A_361, %parallel_loop3A_362] {strides = array<i32>} : memref<8x2048xf32, #tpu.memory_space<vmem>>, vector<1x16xf32>,
        %parallel_loop3A_364 = vector.shape_cast %parallel_loop3A_363 : vector<1x16xf32> to vector<16xf32>
        %parallel_loop3A_365 = arith.index_cast %parallel_loop3A_135 : i32 to index
        %parallel_loop3A_366 = arith.constant 400 : index
        %parallel_loop3A_367 = tpu.vector_load %arg5[%parallel_loop3A_365, %parallel_loop3A_366] {strides = array<i32>} : memref<8x2048xf32, #tpu.memory_space<vmem>>, vector<1x16xf32>,
        %parallel_loop3A_368 = vector.shape_cast %parallel_loop3A_367 : vector<1x16xf32> to vector<16xf32>
        %parallel_loop3A_369 = vector.shape_cast %parallel_loop3A_364 : vector<16xf32> to vector<1x16xf32>
        tpu.vector_store %arg5[%parallel_loop3A_365, %parallel_loop3A_366], %parallel_loop3A_369 {add = true, strides = array<i32>} : memref<8x2048xf32, #tpu.memory_space<vmem>>, vector<1x16xf32>,
        %parallel_loop3A_370 = arith.index_cast %parallel_loop3A_135 : i32 to index
        %parallel_loop3A_371 = arith.constant 416 : index
        %parallel_loop3A_372 = tpu.vector_load %arg6[%parallel_loop3A_370, %parallel_loop3A_371] {strides = array<i32>} : memref<8x2048xf32, #tpu.memory_space<vmem>>, vector<1x16xf32>,
        %parallel_loop3A_373 = vector.shape_cast %parallel_loop3A_372 : vector<1x16xf32> to vector<16xf32>
        %parallel_loop3A_374 = arith.index_cast %parallel_loop3A_135 : i32 to index
        %parallel_loop3A_375 = arith.constant 416 : index
        %parallel_loop3A_376 = tpu.vector_load %arg5[%parallel_loop3A_374, %parallel_loop3A_375] {strides = array<i32>} : memref<8x2048xf32, #tpu.memory_space<vmem>>, vector<1x16xf32>,
        %parallel_loop3A_377 = vector.shape_cast %parallel_loop3A_376 : vector<1x16xf32> to vector<16xf32>
        %parallel_loop3A_378 = vector.shape_cast %parallel_loop3A_373 : vector<16xf32> to vector<1x16xf32>
        tpu.vector_store %arg5[%parallel_loop3A_374, %parallel_loop3A_375], %parallel_loop3A_378 {add = true, strides = array<i32>} : memref<8x2048xf32, #tpu.memory_space<vmem>>, vector<1x16xf32>,
        %parallel_loop3A_379 = arith.index_cast %parallel_loop3A_135 : i32 to index
        %parallel_loop3A_380 = arith.constant 432 : index
        %parallel_loop3A_381 = tpu.vector_load %arg6[%parallel_loop3A_379, %parallel_loop3A_380] {strides = array<i32>} : memref<8x2048xf32, #tpu.memory_space<vmem>>, vector<1x16xf32>,
        %parallel_loop3A_382 = vector.shape_cast %parallel_loop3A_381 : vector<1x16xf32> to vector<16xf32>
        %parallel_loop3A_383 = arith.index_cast %parallel_loop3A_135 : i32 to index
        %parallel_loop3A_384 = arith.constant 432 : index
        %parallel_loop3A_385 = tpu.vector_load %arg5[%parallel_loop3A_383, %parallel_loop3A_384] {strides = array<i32>} : memref<8x2048xf32, #tpu.memory_space<vmem>>, vector<1x16xf32>,
        %parallel_loop3A_386 = vector.shape_cast %parallel_loop3A_385 : vector<1x16xf32> to vector<16xf32>
        %parallel_loop3A_387 = vector.shape_cast %parallel_loop3A_382 : vector<16xf32> to vector<1x16xf32>
        tpu.vector_store %arg5[%parallel_loop3A_383, %parallel_loop3A_384], %parallel_loop3A_387 {add = true, strides = array<i32>} : memref<8x2048xf32, #tpu.memory_space<vmem>>, vector<1x16xf32>,
        %parallel_loop3A_388 = arith.index_cast %parallel_loop3A_135 : i32 to index
        %parallel_loop3A_389 = arith.constant 448 : index
        %parallel_loop3A_390 = tpu.vector_load %arg6[%parallel_loop3A_388, %parallel_loop3A_389] {strides = array<i32>} : memref<8x2048xf32, #tpu.memory_space<vmem>>, vector<1x16xf32>,
        %parallel_loop3A_391 = vector.shape_cast %parallel_loop3A_390 : vector<1x16xf32> to vector<16xf32>
        %parallel_loop3A_392 = arith.index_cast %parallel_loop3A_135 : i32 to index
        %parallel_loop3A_393 = arith.constant 448 : index
        %parallel_loop3A_394 = tpu.vector_load %arg5[%parallel_loop3A_392, %parallel_loop3A_393] {strides = array<i32>} : memref<8x2048xf32, #tpu.memory_space<vmem>>, vector<1x16xf32>,
        %parallel_loop3A_395 = vector.shape_cast %parallel_loop3A_394 : vector<1x16xf32> to vector<16xf32>
        %parallel_loop3A_396 = vector.shape_cast %parallel_loop3A_391 : vector<16xf32> to vector<1x16xf32>
        tpu.vector_store %arg5[%parallel_loop3A_392, %parallel_loop3A_393], %parallel_loop3A_396 {add = true, strides = array<i32>} : memref<8x2048xf32, #tpu.memory_space<vmem>>, vector<1x16xf32>,
        %parallel_loop3A_397 = arith.index_cast %parallel_loop3A_135 : i32 to index
        %parallel_loop3A_398 = arith.constant 464 : index
        %parallel_loop3A_399 = tpu.vector_load %arg6[%parallel_loop3A_397, %parallel_loop3A_398] {strides = array<i32>} : memref<8x2048xf32, #tpu.memory_space<vmem>>, vector<1x16xf32>,
        %parallel_loop3A_400 = vector.shape_cast %parallel_loop3A_399 : vector<1x16xf32> to vector<16xf32>
        %parallel_loop3A_401 = arith.index_cast %parallel_loop3A_135 : i32 to index
        %parallel_loop3A_402 = arith.constant 464 : index
        %parallel_loop3A_403 = tpu.vector_load %arg5[%parallel_loop3A_401, %parallel_loop3A_402] {strides = array<i32>} : memref<8x2048xf32, #tpu.memory_space<vmem>>, vector<1x16xf32>,
        %parallel_loop3A_404 = vector.shape_cast %parallel_loop3A_403 : vector<1x16xf32> to vector<16xf32>
        %parallel_loop3A_405 = vector.shape_cast %parallel_loop3A_400 : vector<16xf32> to vector<1x16xf32>
        tpu.vector_store %arg5[%parallel_loop3A_401, %parallel_loop3A_402], %parallel_loop3A_405 {add = true, strides = array<i32>} : memref<8x2048xf32, #tpu.memory_space<vmem>>, vector<1x16xf32>,
        %parallel_loop3A_406 = arith.index_cast %parallel_loop3A_135 : i32 to index
        %parallel_loop3A_407 = arith.constant 480 : index
        %parallel_loop3A_408 = tpu.vector_load %arg6[%parallel_loop3A_406, %parallel_loop3A_407] {strides = array<i32>} : memref<8x2048xf32, #tpu.memory_space<vmem>>, vector<1x16xf32>,
        %parallel_loop3A_409 = vector.shape_cast %parallel_loop3A_408 : vector<1x16xf32> to vector<16xf32>
        %parallel_loop3A_410 = arith.index_cast %parallel_loop3A_135 : i32 to index
        %parallel_loop3A_411 = arith.constant 480 : index
        %parallel_loop3A_412 = tpu.vector_load %arg5[%parallel_loop3A_410, %parallel_loop3A_411] {strides = array<i32>} : memref<8x2048xf32, #tpu.memory_space<vmem>>, vector<1x16xf32>,
        %parallel_loop3A_413 = vector.shape_cast %parallel_loop3A_412 : vector<1x16xf32> to vector<16xf32>
        %parallel_loop3A_414 = vector.shape_cast %parallel_loop3A_409 : vector<16xf32> to vector<1x16xf32>
        tpu.vector_store %arg5[%parallel_loop3A_410, %parallel_loop3A_411], %parallel_loop3A_414 {add = true, strides = array<i32>} : memref<8x2048xf32, #tpu.memory_space<vmem>>, vector<1x16xf32>,
        %parallel_loop3A_415 = arith.index_cast %parallel_loop3A_135 : i32 to index
        %parallel_loop3A_416 = arith.constant 496 : index
        %parallel_loop3A_417 = tpu.vector_load %arg6[%parallel_loop3A_415, %parallel_loop3A_416] {strides = array<i32>} : memref<8x2048xf32, #tpu.memory_space<vmem>>, vector<1x16xf32>,
        %parallel_loop3A_418 = vector.shape_cast %parallel_loop3A_417 : vector<1x16xf32> to vector<16xf32>
        %parallel_loop3A_419 = arith.index_cast %parallel_loop3A_135 : i32 to index
        %parallel_loop3A_420 = arith.constant 496 : index
        %parallel_loop3A_421 = tpu.vector_load %arg5[%parallel_loop3A_419, %parallel_loop3A_420] {strides = array<i32>} : memref<8x2048xf32, #tpu.memory_space<vmem>>, vector<1x16xf32>,
        %parallel_loop3A_422 = vector.shape_cast %parallel_loop3A_421 : vector<1x16xf32> to vector<16xf32>
        %parallel_loop3A_423 = vector.shape_cast %parallel_loop3A_418 : vector<16xf32> to vector<1x16xf32>
        tpu.vector_store %arg5[%parallel_loop3A_419, %parallel_loop3A_420], %parallel_loop3A_423 {add = true, strides = array<i32>} : memref<8x2048xf32, #tpu.memory_space<vmem>>, vector<1x16xf32>,
        %parallel_loop3A_424 = arith.index_cast %parallel_loop3A_135 : i32 to index
        %parallel_loop3A_425 = arith.constant 512 : index
        %parallel_loop3A_426 = tpu.vector_load %arg6[%parallel_loop3A_424, %parallel_loop3A_425] {strides = array<i32>} : memref<8x2048xf32, #tpu.memory_space<vmem>>, vector<1x16xf32>,
        %parallel_loop3A_427 = vector.shape_cast %parallel_loop3A_426 : vector<1x16xf32> to vector<16xf32>
        %parallel_loop3A_428 = arith.index_cast %parallel_loop3A_135 : i32 to index
        %parallel_loop3A_429 = arith.constant 512 : index
        %parallel_loop3A_430 = tpu.vector_load %arg5[%parallel_loop3A_428, %parallel_loop3A_429] {strides = array<i32>} : memref<8x2048xf32, #tpu.memory_space<vmem>>, vector<1x16xf32>,
        %parallel_loop3A_431 = vector.shape_cast %parallel_loop3A_430 : vector<1x16xf32> to vector<16xf32>
        %parallel_loop3A_432 = vector.shape_cast %parallel_loop3A_427 : vector<16xf32> to vector<1x16xf32>
        tpu.vector_store %arg5[%parallel_loop3A_428, %parallel_loop3A_429], %parallel_loop3A_432 {add = true, strides = array<i32>} : memref<8x2048xf32, #tpu.memory_space<vmem>>, vector<1x16xf32>,
        %parallel_loop3A_433 = arith.index_cast %parallel_loop3A_135 : i32 to index
        %parallel_loop3A_434 = arith.constant 528 : index
        %parallel_loop3A_435 = tpu.vector_load %arg6[%parallel_loop3A_433, %parallel_loop3A_434] {strides = array<i32>} : memref<8x2048xf32, #tpu.memory_space<vmem>>, vector<1x16xf32>,
        %parallel_loop3A_436 = vector.shape_cast %parallel_loop3A_435 : vector<1x16xf32> to vector<16xf32>
        %parallel_loop3A_437 = arith.index_cast %parallel_loop3A_135 : i32 to index
        %parallel_loop3A_438 = arith.constant 528 : index
        %parallel_loop3A_439 = tpu.vector_load %arg5[%parallel_loop3A_437, %parallel_loop3A_438] {strides = array<i32>} : memref<8x2048xf32, #tpu.memory_space<vmem>>, vector<1x16xf32>,
        %parallel_loop3A_440 = vector.shape_cast %parallel_loop3A_439 : vector<1x16xf32> to vector<16xf32>
        %parallel_loop3A_441 = vector.shape_cast %parallel_loop3A_436 : vector<16xf32> to vector<1x16xf32>
        tpu.vector_store %arg5[%parallel_loop3A_437, %parallel_loop3A_438], %parallel_loop3A_441 {add = true, strides = array<i32>} : memref<8x2048xf32, #tpu.memory_space<vmem>>, vector<1x16xf32>,
        %parallel_loop3A_442 = arith.index_cast %parallel_loop3A_135 : i32 to index
        %parallel_loop3A_443 = arith.constant 544 : index
        %parallel_loop3A_444 = tpu.vector_load %arg6[%parallel_loop3A_442, %parallel_loop3A_443] {strides = array<i32>} : memref<8x2048xf32, #tpu.memory_space<vmem>>, vector<1x16xf32>,
        %parallel_loop3A_445 = vector.shape_cast %parallel_loop3A_444 : vector<1x16xf32> to vector<16xf32>
        %parallel_loop3A_446 = arith.index_cast %parallel_loop3A_135 : i32 to index
        %parallel_loop3A_447 = arith.constant 544 : index
        %parallel_loop3A_448 = tpu.vector_load %arg5[%parallel_loop3A_446, %parallel_loop3A_447] {strides = array<i32>} : memref<8x2048xf32, #tpu.memory_space<vmem>>, vector<1x16xf32>,
        %parallel_loop3A_449 = vector.shape_cast %parallel_loop3A_448 : vector<1x16xf32> to vector<16xf32>
        %parallel_loop3A_450 = vector.shape_cast %parallel_loop3A_445 : vector<16xf32> to vector<1x16xf32>
        tpu.vector_store %arg5[%parallel_loop3A_446, %parallel_loop3A_447], %parallel_loop3A_450 {add = true, strides = array<i32>} : memref<8x2048xf32, #tpu.memory_space<vmem>>, vector<1x16xf32>,
        %parallel_loop3A_451 = arith.index_cast %parallel_loop3A_135 : i32 to index
        %parallel_loop3A_452 = arith.constant 560 : index
        %parallel_loop3A_453 = tpu.vector_load %arg6[%parallel_loop3A_451, %parallel_loop3A_452] {strides = array<i32>} : memref<8x2048xf32, #tpu.memory_space<vmem>>, vector<1x16xf32>,
        %parallel_loop3A_454 = vector.shape_cast %parallel_loop3A_453 : vector<1x16xf32> to vector<16xf32>
        %parallel_loop3A_455 = arith.index_cast %parallel_loop3A_135 : i32 to index
        %parallel_loop3A_456 = arith.constant 560 : index
        %parallel_loop3A_457 = tpu.vector_load %arg5[%parallel_loop3A_455, %parallel_loop3A_456] {strides = array<i32>} : memref<8x2048xf32, #tpu.memory_space<vmem>>, vector<1x16xf32>,
        %parallel_loop3A_458 = vector.shape_cast %parallel_loop3A_457 : vector<1x16xf32> to vector<16xf32>
        %parallel_loop3A_459 = vector.shape_cast %parallel_loop3A_454 : vector<16xf32> to vector<1x16xf32>
        tpu.vector_store %arg5[%parallel_loop3A_455, %parallel_loop3A_456], %parallel_loop3A_459 {add = true, strides = array<i32>} : memref<8x2048xf32, #tpu.memory_space<vmem>>, vector<1x16xf32>,
        %parallel_loop3A_460 = arith.index_cast %parallel_loop3A_135 : i32 to index
        %parallel_loop3A_461 = arith.constant 576 : index
        %parallel_loop3A_462 = tpu.vector_load %arg6[%parallel_loop3A_460, %parallel_loop3A_461] {strides = array<i32>} : memref<8x2048xf32, #tpu.memory_space<vmem>>, vector<1x16xf32>,
        %parallel_loop3A_463 = vector.shape_cast %parallel_loop3A_462 : vector<1x16xf32> to vector<16xf32>
        %parallel_loop3A_464 = arith.index_cast %parallel_loop3A_135 : i32 to index
        %parallel_loop3A_465 = arith.constant 576 : index
        %parallel_loop3A_466 = tpu.vector_load %arg5[%parallel_loop3A_464, %parallel_loop3A_465] {strides = array<i32>} : memref<8x2048xf32, #tpu.memory_space<vmem>>, vector<1x16xf32>,
        %parallel_loop3A_467 = vector.shape_cast %parallel_loop3A_466 : vector<1x16xf32> to vector<16xf32>
        %parallel_loop3A_468 = vector.shape_cast %parallel_loop3A_463 : vector<16xf32> to vector<1x16xf32>
        tpu.vector_store %arg5[%parallel_loop3A_464, %parallel_loop3A_465], %parallel_loop3A_468 {add = true, strides = array<i32>} : memref<8x2048xf32, #tpu.memory_space<vmem>>, vector<1x16xf32>,
        %parallel_loop3A_469 = arith.index_cast %parallel_loop3A_135 : i32 to index
        %parallel_loop3A_470 = arith.constant 592 : index
        %parallel_loop3A_471 = tpu.vector_load %arg6[%parallel_loop3A_469, %parallel_loop3A_470] {strides = array<i32>} : memref<8x2048xf32, #tpu.memory_space<vmem>>, vector<1x16xf32>,
        %parallel_loop3A_472 = vector.shape_cast %parallel_loop3A_471 : vector<1x16xf32> to vector<16xf32>
        %parallel_loop3A_473 = arith.index_cast %parallel_loop3A_135 : i32 to index
        %parallel_loop3A_474 = arith.constant 592 : index
        %parallel_loop3A_475 = tpu.vector_load %arg5[%parallel_loop3A_473, %parallel_loop3A_474] {strides = array<i32>} : memref<8x2048xf32, #tpu.memory_space<vmem>>, vector<1x16xf32>,
        %parallel_loop3A_476 = vector.shape_cast %parallel_loop3A_475 : vector<1x16xf32> to vector<16xf32>
        %parallel_loop3A_477 = vector.shape_cast %parallel_loop3A_472 : vector<16xf32> to vector<1x16xf32>
        tpu.vector_store %arg5[%parallel_loop3A_473, %parallel_loop3A_474], %parallel_loop3A_477 {add = true, strides = array<i32>} : memref<8x2048xf32, #tpu.memory_space<vmem>>, vector<1x16xf32>,
        %parallel_loop3A_478 = arith.index_cast %parallel_loop3A_135 : i32 to index
        %parallel_loop3A_479 = arith.constant 608 : index
        %parallel_loop3A_480 = tpu.vector_load %arg6[%parallel_loop3A_478, %parallel_loop3A_479] {strides = array<i32>} : memref<8x2048xf32, #tpu.memory_space<vmem>>, vector<1x16xf32>,
        %parallel_loop3A_481 = vector.shape_cast %parallel_loop3A_480 : vector<1x16xf32> to vector<16xf32>
        %parallel_loop3A_482 = arith.index_cast %parallel_loop3A_135 : i32 to index
        %parallel_loop3A_483 = arith.constant 608 : index
        %parallel_loop3A_484 = tpu.vector_load %arg5[%parallel_loop3A_482, %parallel_loop3A_483] {strides = array<i32>} : memref<8x2048xf32, #tpu.memory_space<vmem>>, vector<1x16xf32>,
        %parallel_loop3A_485 = vector.shape_cast %parallel_loop3A_484 : vector<1x16xf32> to vector<16xf32>
        %parallel_loop3A_486 = vector.shape_cast %parallel_loop3A_481 : vector<16xf32> to vector<1x16xf32>
        tpu.vector_store %arg5[%parallel_loop3A_482, %parallel_loop3A_483], %parallel_loop3A_486 {add = true, strides = array<i32>} : memref<8x2048xf32, #tpu.memory_space<vmem>>, vector<1x16xf32>,
        %parallel_loop3A_487 = arith.index_cast %parallel_loop3A_135 : i32 to index
        %parallel_loop3A_488 = arith.constant 624 : index
        %parallel_loop3A_489 = tpu.vector_load %arg6[%parallel_loop3A_487, %parallel_loop3A_488] {strides = array<i32>} : memref<8x2048xf32, #tpu.memory_space<vmem>>, vector<1x16xf32>,
        %parallel_loop3A_490 = vector.shape_cast %parallel_loop3A_489 : vector<1x16xf32> to vector<16xf32>
        %parallel_loop3A_491 = arith.index_cast %parallel_loop3A_135 : i32 to index
        %parallel_loop3A_492 = arith.constant 624 : index
        %parallel_loop3A_493 = tpu.vector_load %arg5[%parallel_loop3A_491, %parallel_loop3A_492] {strides = array<i32>} : memref<8x2048xf32, #tpu.memory_space<vmem>>, vector<1x16xf32>,
        %parallel_loop3A_494 = vector.shape_cast %parallel_loop3A_493 : vector<1x16xf32> to vector<16xf32>
        %parallel_loop3A_495 = vector.shape_cast %parallel_loop3A_490 : vector<16xf32> to vector<1x16xf32>
        tpu.vector_store %arg5[%parallel_loop3A_491, %parallel_loop3A_492], %parallel_loop3A_495 {add = true, strides = array<i32>} : memref<8x2048xf32, #tpu.memory_space<vmem>>, vector<1x16xf32>,
        %parallel_loop3A_496 = arith.index_cast %parallel_loop3A_135 : i32 to index
        %parallel_loop3A_497 = arith.constant 640 : index
        %parallel_loop3A_498 = tpu.vector_load %arg6[%parallel_loop3A_496, %parallel_loop3A_497] {strides = array<i32>} : memref<8x2048xf32, #tpu.memory_space<vmem>>, vector<1x16xf32>,
        %parallel_loop3A_499 = vector.shape_cast %parallel_loop3A_498 : vector<1x16xf32> to vector<16xf32>
        %parallel_loop3A_500 = arith.index_cast %parallel_loop3A_135 : i32 to index
        %parallel_loop3A_501 = arith.constant 640 : index
        %parallel_loop3A_502 = tpu.vector_load %arg5[%parallel_loop3A_500, %parallel_loop3A_501] {strides = array<i32>} : memref<8x2048xf32, #tpu.memory_space<vmem>>, vector<1x16xf32>,
        %parallel_loop3A_503 = vector.shape_cast %parallel_loop3A_502 : vector<1x16xf32> to vector<16xf32>
        %parallel_loop3A_504 = vector.shape_cast %parallel_loop3A_499 : vector<16xf32> to vector<1x16xf32>
        tpu.vector_store %arg5[%parallel_loop3A_500, %parallel_loop3A_501], %parallel_loop3A_504 {add = true, strides = array<i32>} : memref<8x2048xf32, #tpu.memory_space<vmem>>, vector<1x16xf32>,
        %parallel_loop3A_505 = arith.index_cast %parallel_loop3A_135 : i32 to index
        %parallel_loop3A_506 = arith.constant 656 : index
        %parallel_loop3A_507 = tpu.vector_load %arg6[%parallel_loop3A_505, %parallel_loop3A_506] {strides = array<i32>} : memref<8x2048xf32, #tpu.memory_space<vmem>>, vector<1x16xf32>,
        %parallel_loop3A_508 = vector.shape_cast %parallel_loop3A_507 : vector<1x16xf32> to vector<16xf32>
        %parallel_loop3A_509 = arith.index_cast %parallel_loop3A_135 : i32 to index
        %parallel_loop3A_510 = arith.constant 656 : index
        %parallel_loop3A_511 = tpu.vector_load %arg5[%parallel_loop3A_509, %parallel_loop3A_510] {strides = array<i32>} : memref<8x2048xf32, #tpu.memory_space<vmem>>, vector<1x16xf32>,
        %parallel_loop3A_512 = vector.shape_cast %parallel_loop3A_511 : vector<1x16xf32> to vector<16xf32>
        %parallel_loop3A_513 = vector.shape_cast %parallel_loop3A_508 : vector<16xf32> to vector<1x16xf32>
        tpu.vector_store %arg5[%parallel_loop3A_509, %parallel_loop3A_510], %parallel_loop3A_513 {add = true, strides = array<i32>} : memref<8x2048xf32, #tpu.memory_space<vmem>>, vector<1x16xf32>,
        %parallel_loop3A_514 = arith.index_cast %parallel_loop3A_135 : i32 to index
        %parallel_loop3A_515 = arith.constant 672 : index
        %parallel_loop3A_516 = tpu.vector_load %arg6[%parallel_loop3A_514, %parallel_loop3A_515] {strides = array<i32>} : memref<8x2048xf32, #tpu.memory_space<vmem>>, vector<1x16xf32>,
        %parallel_loop3A_517 = vector.shape_cast %parallel_loop3A_516 : vector<1x16xf32> to vector<16xf32>
        %parallel_loop3A_518 = arith.index_cast %parallel_loop3A_135 : i32 to index
        %parallel_loop3A_519 = arith.constant 672 : index
        %parallel_loop3A_520 = tpu.vector_load %arg5[%parallel_loop3A_518, %parallel_loop3A_519] {strides = array<i32>} : memref<8x2048xf32, #tpu.memory_space<vmem>>, vector<1x16xf32>,
        %parallel_loop3A_521 = vector.shape_cast %parallel_loop3A_520 : vector<1x16xf32> to vector<16xf32>
        %parallel_loop3A_522 = vector.shape_cast %parallel_loop3A_517 : vector<16xf32> to vector<1x16xf32>
        tpu.vector_store %arg5[%parallel_loop3A_518, %parallel_loop3A_519], %parallel_loop3A_522 {add = true, strides = array<i32>} : memref<8x2048xf32, #tpu.memory_space<vmem>>, vector<1x16xf32>,
        %parallel_loop3A_523 = arith.index_cast %parallel_loop3A_135 : i32 to index
        %parallel_loop3A_524 = arith.constant 688 : index
        %parallel_loop3A_525 = tpu.vector_load %arg6[%parallel_loop3A_523, %parallel_loop3A_524] {strides = array<i32>} : memref<8x2048xf32, #tpu.memory_space<vmem>>, vector<1x16xf32>,
        %parallel_loop3A_526 = vector.shape_cast %parallel_loop3A_525 : vector<1x16xf32> to vector<16xf32>
        %parallel_loop3A_527 = arith.index_cast %parallel_loop3A_135 : i32 to index
        %parallel_loop3A_528 = arith.constant 688 : index
        %parallel_loop3A_529 = tpu.vector_load %arg5[%parallel_loop3A_527, %parallel_loop3A_528] {strides = array<i32>} : memref<8x2048xf32, #tpu.memory_space<vmem>>, vector<1x16xf32>,
        %parallel_loop3A_530 = vector.shape_cast %parallel_loop3A_529 : vector<1x16xf32> to vector<16xf32>
        %parallel_loop3A_531 = vector.shape_cast %parallel_loop3A_526 : vector<16xf32> to vector<1x16xf32>
        tpu.vector_store %arg5[%parallel_loop3A_527, %parallel_loop3A_528], %parallel_loop3A_531 {add = true, strides = array<i32>} : memref<8x2048xf32, #tpu.memory_space<vmem>>, vector<1x16xf32>,
        %parallel_loop3A_532 = arith.index_cast %parallel_loop3A_135 : i32 to index
        %parallel_loop3A_533 = arith.constant 704 : index
        %parallel_loop3A_534 = tpu.vector_load %arg6[%parallel_loop3A_532, %parallel_loop3A_533] {strides = array<i32>} : memref<8x2048xf32, #tpu.memory_space<vmem>>, vector<1x16xf32>,
        %parallel_loop3A_535 = vector.shape_cast %parallel_loop3A_534 : vector<1x16xf32> to vector<16xf32>
        %parallel_loop3A_536 = arith.index_cast %parallel_loop3A_135 : i32 to index
        %parallel_loop3A_537 = arith.constant 704 : index
        %parallel_loop3A_538 = tpu.vector_load %arg5[%parallel_loop3A_536, %parallel_loop3A_537] {strides = array<i32>} : memref<8x2048xf32, #tpu.memory_space<vmem>>, vector<1x16xf32>,
        %parallel_loop3A_539 = vector.shape_cast %parallel_loop3A_538 : vector<1x16xf32> to vector<16xf32>
        %parallel_loop3A_540 = vector.shape_cast %parallel_loop3A_535 : vector<16xf32> to vector<1x16xf32>
        tpu.vector_store %arg5[%parallel_loop3A_536, %parallel_loop3A_537], %parallel_loop3A_540 {add = true, strides = array<i32>} : memref<8x2048xf32, #tpu.memory_space<vmem>>, vector<1x16xf32>,
        %parallel_loop3A_541 = arith.index_cast %parallel_loop3A_135 : i32 to index
        %parallel_loop3A_542 = arith.constant 720 : index
        %parallel_loop3A_543 = tpu.vector_load %arg6[%parallel_loop3A_541, %parallel_loop3A_542] {strides = array<i32>} : memref<8x2048xf32, #tpu.memory_space<vmem>>, vector<1x16xf32>,
        %parallel_loop3A_544 = vector.shape_cast %parallel_loop3A_543 : vector<1x16xf32> to vector<16xf32>
        %parallel_loop3A_545 = arith.index_cast %parallel_loop3A_135 : i32 to index
        %parallel_loop3A_546 = arith.constant 720 : index
        %parallel_loop3A_547 = tpu.vector_load %arg5[%parallel_loop3A_545, %parallel_loop3A_546] {strides = array<i32>} : memref<8x2048xf32, #tpu.memory_space<vmem>>, vector<1x16xf32>,
        %parallel_loop3A_548 = vector.shape_cast %parallel_loop3A_547 : vector<1x16xf32> to vector<16xf32>
        %parallel_loop3A_549 = vector.shape_cast %parallel_loop3A_544 : vector<16xf32> to vector<1x16xf32>
        tpu.vector_store %arg5[%parallel_loop3A_545, %parallel_loop3A_546], %parallel_loop3A_549 {add = true, strides = array<i32>} : memref<8x2048xf32, #tpu.memory_space<vmem>>, vector<1x16xf32>,
        %parallel_loop3A_550 = arith.index_cast %parallel_loop3A_135 : i32 to index
        %parallel_loop3A_551 = arith.constant 736 : index
        %parallel_loop3A_552 = tpu.vector_load %arg6[%parallel_loop3A_550, %parallel_loop3A_551] {strides = array<i32>} : memref<8x2048xf32, #tpu.memory_space<vmem>>, vector<1x16xf32>,
        %parallel_loop3A_553 = vector.shape_cast %parallel_loop3A_552 : vector<1x16xf32> to vector<16xf32>
        %parallel_loop3A_554 = arith.index_cast %parallel_loop3A_135 : i32 to index
        %parallel_loop3A_555 = arith.constant 736 : index
        %parallel_loop3A_556 = tpu.vector_load %arg5[%parallel_loop3A_554, %parallel_loop3A_555] {strides = array<i32>} : memref<8x2048xf32, #tpu.memory_space<vmem>>, vector<1x16xf32>,
        %parallel_loop3A_557 = vector.shape_cast %parallel_loop3A_556 : vector<1x16xf32> to vector<16xf32>
        %parallel_loop3A_558 = vector.shape_cast %parallel_loop3A_553 : vector<16xf32> to vector<1x16xf32>
        tpu.vector_store %arg5[%parallel_loop3A_554, %parallel_loop3A_555], %parallel_loop3A_558 {add = true, strides = array<i32>} : memref<8x2048xf32, #tpu.memory_space<vmem>>, vector<1x16xf32>,
        %parallel_loop3A_559 = arith.index_cast %parallel_loop3A_135 : i32 to index
        %parallel_loop3A_560 = arith.constant 752 : index
        %parallel_loop3A_561 = tpu.vector_load %arg6[%parallel_loop3A_559, %parallel_loop3A_560] {strides = array<i32>} : memref<8x2048xf32, #tpu.memory_space<vmem>>, vector<1x16xf32>,
        %parallel_loop3A_562 = vector.shape_cast %parallel_loop3A_561 : vector<1x16xf32> to vector<16xf32>
        %parallel_loop3A_563 = arith.index_cast %parallel_loop3A_135 : i32 to index
        %parallel_loop3A_564 = arith.constant 752 : index
        %parallel_loop3A_565 = tpu.vector_load %arg5[%parallel_loop3A_563, %parallel_loop3A_564] {strides = array<i32>} : memref<8x2048xf32, #tpu.memory_space<vmem>>, vector<1x16xf32>,
        %parallel_loop3A_566 = vector.shape_cast %parallel_loop3A_565 : vector<1x16xf32> to vector<16xf32>
        %parallel_loop3A_567 = vector.shape_cast %parallel_loop3A_562 : vector<16xf32> to vector<1x16xf32>
        tpu.vector_store %arg5[%parallel_loop3A_563, %parallel_loop3A_564], %parallel_loop3A_567 {add = true, strides = array<i32>} : memref<8x2048xf32, #tpu.memory_space<vmem>>, vector<1x16xf32>,
        %parallel_loop3A_568 = arith.index_cast %parallel_loop3A_135 : i32 to index
        %parallel_loop3A_569 = arith.constant 768 : index
        %parallel_loop3A_570 = tpu.vector_load %arg6[%parallel_loop3A_568, %parallel_loop3A_569] {strides = array<i32>} : memref<8x2048xf32, #tpu.memory_space<vmem>>, vector<1x16xf32>,
        %parallel_loop3A_571 = vector.shape_cast %parallel_loop3A_570 : vector<1x16xf32> to vector<16xf32>
        %parallel_loop3A_572 = arith.index_cast %parallel_loop3A_135 : i32 to index
        %parallel_loop3A_573 = arith.constant 768 : index
        %parallel_loop3A_574 = tpu.vector_load %arg5[%parallel_loop3A_572, %parallel_loop3A_573] {strides = array<i32>} : memref<8x2048xf32, #tpu.memory_space<vmem>>, vector<1x16xf32>,
        %parallel_loop3A_575 = vector.shape_cast %parallel_loop3A_574 : vector<1x16xf32> to vector<16xf32>
        %parallel_loop3A_576 = vector.shape_cast %parallel_loop3A_571 : vector<16xf32> to vector<1x16xf32>
        tpu.vector_store %arg5[%parallel_loop3A_572, %parallel_loop3A_573], %parallel_loop3A_576 {add = true, strides = array<i32>} : memref<8x2048xf32, #tpu.memory_space<vmem>>, vector<1x16xf32>,
        %parallel_loop3A_577 = arith.index_cast %parallel_loop3A_135 : i32 to index
        %parallel_loop3A_578 = arith.constant 784 : index
        %parallel_loop3A_579 = tpu.vector_load %arg6[%parallel_loop3A_577, %parallel_loop3A_578] {strides = array<i32>} : memref<8x2048xf32, #tpu.memory_space<vmem>>, vector<1x16xf32>,
        %parallel_loop3A_580 = vector.shape_cast %parallel_loop3A_579 : vector<1x16xf32> to vector<16xf32>
        %parallel_loop3A_581 = arith.index_cast %parallel_loop3A_135 : i32 to index
        %parallel_loop3A_582 = arith.constant 784 : index
        %parallel_loop3A_583 = tpu.vector_load %arg5[%parallel_loop3A_581, %parallel_loop3A_582] {strides = array<i32>} : memref<8x2048xf32, #tpu.memory_space<vmem>>, vector<1x16xf32>,
        %parallel_loop3A_584 = vector.shape_cast %parallel_loop3A_583 : vector<1x16xf32> to vector<16xf32>
        %parallel_loop3A_585 = vector.shape_cast %parallel_loop3A_580 : vector<16xf32> to vector<1x16xf32>
        tpu.vector_store %arg5[%parallel_loop3A_581, %parallel_loop3A_582], %parallel_loop3A_585 {add = true, strides = array<i32>} : memref<8x2048xf32, #tpu.memory_space<vmem>>, vector<1x16xf32>,
        %parallel_loop3A_586 = arith.index_cast %parallel_loop3A_135 : i32 to index
        %parallel_loop3A_587 = arith.constant 800 : index
        %parallel_loop3A_588 = tpu.vector_load %arg6[%parallel_loop3A_586, %parallel_loop3A_587] {strides = array<i32>} : memref<8x2048xf32, #tpu.memory_space<vmem>>, vector<1x16xf32>,
        %parallel_loop3A_589 = vector.shape_cast %parallel_loop3A_588 : vector<1x16xf32> to vector<16xf32>
        %parallel_loop3A_590 = arith.index_cast %parallel_loop3A_135 : i32 to index
        %parallel_loop3A_591 = arith.constant 800 : index
        %parallel_loop3A_592 = tpu.vector_load %arg5[%parallel_loop3A_590, %parallel_loop3A_591] {strides = array<i32>} : memref<8x2048xf32, #tpu.memory_space<vmem>>, vector<1x16xf32>,
        %parallel_loop3A_593 = vector.shape_cast %parallel_loop3A_592 : vector<1x16xf32> to vector<16xf32>
        %parallel_loop3A_594 = vector.shape_cast %parallel_loop3A_589 : vector<16xf32> to vector<1x16xf32>
        tpu.vector_store %arg5[%parallel_loop3A_590, %parallel_loop3A_591], %parallel_loop3A_594 {add = true, strides = array<i32>} : memref<8x2048xf32, #tpu.memory_space<vmem>>, vector<1x16xf32>,
        %parallel_loop3A_595 = arith.index_cast %parallel_loop3A_135 : i32 to index
        %parallel_loop3A_596 = arith.constant 816 : index
        %parallel_loop3A_597 = tpu.vector_load %arg6[%parallel_loop3A_595, %parallel_loop3A_596] {strides = array<i32>} : memref<8x2048xf32, #tpu.memory_space<vmem>>, vector<1x16xf32>,
        %parallel_loop3A_598 = vector.shape_cast %parallel_loop3A_597 : vector<1x16xf32> to vector<16xf32>
        %parallel_loop3A_599 = arith.index_cast %parallel_loop3A_135 : i32 to index
        %parallel_loop3A_600 = arith.constant 816 : index
        %parallel_loop3A_601 = tpu.vector_load %arg5[%parallel_loop3A_599, %parallel_loop3A_600] {strides = array<i32>} : memref<8x2048xf32, #tpu.memory_space<vmem>>, vector<1x16xf32>,
        %parallel_loop3A_602 = vector.shape_cast %parallel_loop3A_601 : vector<1x16xf32> to vector<16xf32>
        %parallel_loop3A_603 = vector.shape_cast %parallel_loop3A_598 : vector<16xf32> to vector<1x16xf32>
        tpu.vector_store %arg5[%parallel_loop3A_599, %parallel_loop3A_600], %parallel_loop3A_603 {add = true, strides = array<i32>} : memref<8x2048xf32, #tpu.memory_space<vmem>>, vector<1x16xf32>,
        %parallel_loop3A_604 = arith.index_cast %parallel_loop3A_135 : i32 to index
        %parallel_loop3A_605 = arith.constant 832 : index
        %parallel_loop3A_606 = tpu.vector_load %arg6[%parallel_loop3A_604, %parallel_loop3A_605] {strides = array<i32>} : memref<8x2048xf32, #tpu.memory_space<vmem>>, vector<1x16xf32>,
        %parallel_loop3A_607 = vector.shape_cast %parallel_loop3A_606 : vector<1x16xf32> to vector<16xf32>
        %parallel_loop3A_608 = arith.index_cast %parallel_loop3A_135 : i32 to index
        %parallel_loop3A_609 = arith.constant 832 : index
        %parallel_loop3A_610 = tpu.vector_load %arg5[%parallel_loop3A_608, %parallel_loop3A_609] {strides = array<i32>} : memref<8x2048xf32, #tpu.memory_space<vmem>>, vector<1x16xf32>,
        %parallel_loop3A_611 = vector.shape_cast %parallel_loop3A_610 : vector<1x16xf32> to vector<16xf32>
        %parallel_loop3A_612 = vector.shape_cast %parallel_loop3A_607 : vector<16xf32> to vector<1x16xf32>
        tpu.vector_store %arg5[%parallel_loop3A_608, %parallel_loop3A_609], %parallel_loop3A_612 {add = true, strides = array<i32>} : memref<8x2048xf32, #tpu.memory_space<vmem>>, vector<1x16xf32>,
        %parallel_loop3A_613 = arith.index_cast %parallel_loop3A_135 : i32 to index
        %parallel_loop3A_614 = arith.constant 848 : index
        %parallel_loop3A_615 = tpu.vector_load %arg6[%parallel_loop3A_613, %parallel_loop3A_614] {strides = array<i32>} : memref<8x2048xf32, #tpu.memory_space<vmem>>, vector<1x16xf32>,
        %parallel_loop3A_616 = vector.shape_cast %parallel_loop3A_615 : vector<1x16xf32> to vector<16xf32>
        %parallel_loop3A_617 = arith.index_cast %parallel_loop3A_135 : i32 to index
        %parallel_loop3A_618 = arith.constant 848 : index
        %parallel_loop3A_619 = tpu.vector_load %arg5[%parallel_loop3A_617, %parallel_loop3A_618] {strides = array<i32>} : memref<8x2048xf32, #tpu.memory_space<vmem>>, vector<1x16xf32>,
        %parallel_loop3A_620 = vector.shape_cast %parallel_loop3A_619 : vector<1x16xf32> to vector<16xf32>
        %parallel_loop3A_621 = vector.shape_cast %parallel_loop3A_616 : vector<16xf32> to vector<1x16xf32>
        tpu.vector_store %arg5[%parallel_loop3A_617, %parallel_loop3A_618], %parallel_loop3A_621 {add = true, strides = array<i32>} : memref<8x2048xf32, #tpu.memory_space<vmem>>, vector<1x16xf32>,
        %parallel_loop3A_622 = arith.index_cast %parallel_loop3A_135 : i32 to index
        %parallel_loop3A_623 = arith.constant 864 : index
        %parallel_loop3A_624 = tpu.vector_load %arg6[%parallel_loop3A_622, %parallel_loop3A_623] {strides = array<i32>} : memref<8x2048xf32, #tpu.memory_space<vmem>>, vector<1x16xf32>,
        %parallel_loop3A_625 = vector.shape_cast %parallel_loop3A_624 : vector<1x16xf32> to vector<16xf32>
        %parallel_loop3A_626 = arith.index_cast %parallel_loop3A_135 : i32 to index
        %parallel_loop3A_627 = arith.constant 864 : index
        %parallel_loop3A_628 = tpu.vector_load %arg5[%parallel_loop3A_626, %parallel_loop3A_627] {strides = array<i32>} : memref<8x2048xf32, #tpu.memory_space<vmem>>, vector<1x16xf32>,
        %parallel_loop3A_629 = vector.shape_cast %parallel_loop3A_628 : vector<1x16xf32> to vector<16xf32>
        %parallel_loop3A_630 = vector.shape_cast %parallel_loop3A_625 : vector<16xf32> to vector<1x16xf32>
        tpu.vector_store %arg5[%parallel_loop3A_626, %parallel_loop3A_627], %parallel_loop3A_630 {add = true, strides = array<i32>} : memref<8x2048xf32, #tpu.memory_space<vmem>>, vector<1x16xf32>,
        %parallel_loop3A_631 = arith.index_cast %parallel_loop3A_135 : i32 to index
        %parallel_loop3A_632 = arith.constant 880 : index
        %parallel_loop3A_633 = tpu.vector_load %arg6[%parallel_loop3A_631, %parallel_loop3A_632] {strides = array<i32>} : memref<8x2048xf32, #tpu.memory_space<vmem>>, vector<1x16xf32>,
        %parallel_loop3A_634 = vector.shape_cast %parallel_loop3A_633 : vector<1x16xf32> to vector<16xf32>
        %parallel_loop3A_635 = arith.index_cast %parallel_loop3A_135 : i32 to index
        %parallel_loop3A_636 = arith.constant 880 : index
        %parallel_loop3A_637 = tpu.vector_load %arg5[%parallel_loop3A_635, %parallel_loop3A_636] {strides = array<i32>} : memref<8x2048xf32, #tpu.memory_space<vmem>>, vector<1x16xf32>,
        %parallel_loop3A_638 = vector.shape_cast %parallel_loop3A_637 : vector<1x16xf32> to vector<16xf32>
        %parallel_loop3A_639 = vector.shape_cast %parallel_loop3A_634 : vector<16xf32> to vector<1x16xf32>
        tpu.vector_store %arg5[%parallel_loop3A_635, %parallel_loop3A_636], %parallel_loop3A_639 {add = true, strides = array<i32>} : memref<8x2048xf32, #tpu.memory_space<vmem>>, vector<1x16xf32>,
        %parallel_loop3A_640 = arith.index_cast %parallel_loop3A_135 : i32 to index
        %parallel_loop3A_641 = arith.constant 896 : index
        %parallel_loop3A_642 = tpu.vector_load %arg6[%parallel_loop3A_640, %parallel_loop3A_641] {strides = array<i32>} : memref<8x2048xf32, #tpu.memory_space<vmem>>, vector<1x16xf32>,
        %parallel_loop3A_643 = vector.shape_cast %parallel_loop3A_642 : vector<1x16xf32> to vector<16xf32>
        %parallel_loop3A_644 = arith.index_cast %parallel_loop3A_135 : i32 to index
        %parallel_loop3A_645 = arith.constant 896 : index
        %parallel_loop3A_646 = tpu.vector_load %arg5[%parallel_loop3A_644, %parallel_loop3A_645] {strides = array<i32>} : memref<8x2048xf32, #tpu.memory_space<vmem>>, vector<1x16xf32>,
        %parallel_loop3A_647 = vector.shape_cast %parallel_loop3A_646 : vector<1x16xf32> to vector<16xf32>
        %parallel_loop3A_648 = vector.shape_cast %parallel_loop3A_643 : vector<16xf32> to vector<1x16xf32>
        tpu.vector_store %arg5[%parallel_loop3A_644, %parallel_loop3A_645], %parallel_loop3A_648 {add = true, strides = array<i32>} : memref<8x2048xf32, #tpu.memory_space<vmem>>, vector<1x16xf32>,
        %parallel_loop3A_649 = arith.index_cast %parallel_loop3A_135 : i32 to index
        %parallel_loop3A_650 = arith.constant 912 : index
        %parallel_loop3A_651 = tpu.vector_load %arg6[%parallel_loop3A_649, %parallel_loop3A_650] {strides = array<i32>} : memref<8x2048xf32, #tpu.memory_space<vmem>>, vector<1x16xf32>,
        %parallel_loop3A_652 = vector.shape_cast %parallel_loop3A_651 : vector<1x16xf32> to vector<16xf32>
        %parallel_loop3A_653 = arith.index_cast %parallel_loop3A_135 : i32 to index
        %parallel_loop3A_654 = arith.constant 912 : index
        %parallel_loop3A_655 = tpu.vector_load %arg5[%parallel_loop3A_653, %parallel_loop3A_654] {strides = array<i32>} : memref<8x2048xf32, #tpu.memory_space<vmem>>, vector<1x16xf32>,
        %parallel_loop3A_656 = vector.shape_cast %parallel_loop3A_655 : vector<1x16xf32> to vector<16xf32>
        %parallel_loop3A_657 = vector.shape_cast %parallel_loop3A_652 : vector<16xf32> to vector<1x16xf32>
        tpu.vector_store %arg5[%parallel_loop3A_653, %parallel_loop3A_654], %parallel_loop3A_657 {add = true, strides = array<i32>} : memref<8x2048xf32, #tpu.memory_space<vmem>>, vector<1x16xf32>,
        %parallel_loop3A_658 = arith.index_cast %parallel_loop3A_135 : i32 to index
        %parallel_loop3A_659 = arith.constant 928 : index
        %parallel_loop3A_660 = tpu.vector_load %arg6[%parallel_loop3A_658, %parallel_loop3A_659] {strides = array<i32>} : memref<8x2048xf32, #tpu.memory_space<vmem>>, vector<1x16xf32>,
        %parallel_loop3A_661 = vector.shape_cast %parallel_loop3A_660 : vector<1x16xf32> to vector<16xf32>
        %parallel_loop3A_662 = arith.index_cast %parallel_loop3A_135 : i32 to index
        %parallel_loop3A_663 = arith.constant 928 : index
        %parallel_loop3A_664 = tpu.vector_load %arg5[%parallel_loop3A_662, %parallel_loop3A_663] {strides = array<i32>} : memref<8x2048xf32, #tpu.memory_space<vmem>>, vector<1x16xf32>,
        %parallel_loop3A_665 = vector.shape_cast %parallel_loop3A_664 : vector<1x16xf32> to vector<16xf32>
        %parallel_loop3A_666 = vector.shape_cast %parallel_loop3A_661 : vector<16xf32> to vector<1x16xf32>
        tpu.vector_store %arg5[%parallel_loop3A_662, %parallel_loop3A_663], %parallel_loop3A_666 {add = true, strides = array<i32>} : memref<8x2048xf32, #tpu.memory_space<vmem>>, vector<1x16xf32>,
        %parallel_loop3A_667 = arith.index_cast %parallel_loop3A_135 : i32 to index
        %parallel_loop3A_668 = arith.constant 944 : index
        %parallel_loop3A_669 = tpu.vector_load %arg6[%parallel_loop3A_667, %parallel_loop3A_668] {strides = array<i32>} : memref<8x2048xf32, #tpu.memory_space<vmem>>, vector<1x16xf32>,
        %parallel_loop3A_670 = vector.shape_cast %parallel_loop3A_669 : vector<1x16xf32> to vector<16xf32>
        %parallel_loop3A_671 = arith.index_cast %parallel_loop3A_135 : i32 to index
        %parallel_loop3A_672 = arith.constant 944 : index
        %parallel_loop3A_673 = tpu.vector_load %arg5[%parallel_loop3A_671, %parallel_loop3A_672] {strides = array<i32>} : memref<8x2048xf32, #tpu.memory_space<vmem>>, vector<1x16xf32>,
        %parallel_loop3A_674 = vector.shape_cast %parallel_loop3A_673 : vector<1x16xf32> to vector<16xf32>
        %parallel_loop3A_675 = vector.shape_cast %parallel_loop3A_670 : vector<16xf32> to vector<1x16xf32>
        tpu.vector_store %arg5[%parallel_loop3A_671, %parallel_loop3A_672], %parallel_loop3A_675 {add = true, strides = array<i32>} : memref<8x2048xf32, #tpu.memory_space<vmem>>, vector<1x16xf32>,
        %parallel_loop3A_676 = arith.index_cast %parallel_loop3A_135 : i32 to index
        %parallel_loop3A_677 = arith.constant 960 : index
        %parallel_loop3A_678 = tpu.vector_load %arg6[%parallel_loop3A_676, %parallel_loop3A_677] {strides = array<i32>} : memref<8x2048xf32, #tpu.memory_space<vmem>>, vector<1x16xf32>,
        %parallel_loop3A_679 = vector.shape_cast %parallel_loop3A_678 : vector<1x16xf32> to vector<16xf32>
        %parallel_loop3A_680 = arith.index_cast %parallel_loop3A_135 : i32 to index
        %parallel_loop3A_681 = arith.constant 960 : index
        %parallel_loop3A_682 = tpu.vector_load %arg5[%parallel_loop3A_680, %parallel_loop3A_681] {strides = array<i32>} : memref<8x2048xf32, #tpu.memory_space<vmem>>, vector<1x16xf32>,
        %parallel_loop3A_683 = vector.shape_cast %parallel_loop3A_682 : vector<1x16xf32> to vector<16xf32>
        %parallel_loop3A_684 = vector.shape_cast %parallel_loop3A_679 : vector<16xf32> to vector<1x16xf32>
        tpu.vector_store %arg5[%parallel_loop3A_680, %parallel_loop3A_681], %parallel_loop3A_684 {add = true, strides = array<i32>} : memref<8x2048xf32, #tpu.memory_space<vmem>>, vector<1x16xf32>,
        %parallel_loop3A_685 = arith.index_cast %parallel_loop3A_135 : i32 to index
        %parallel_loop3A_686 = arith.constant 976 : index
        %parallel_loop3A_687 = tpu.vector_load %arg6[%parallel_loop3A_685, %parallel_loop3A_686] {strides = array<i32>} : memref<8x2048xf32, #tpu.memory_space<vmem>>, vector<1x16xf32>,
        %parallel_loop3A_688 = vector.shape_cast %parallel_loop3A_687 : vector<1x16xf32> to vector<16xf32>
        %parallel_loop3A_689 = arith.index_cast %parallel_loop3A_135 : i32 to index
        %parallel_loop3A_690 = arith.constant 976 : index
        %parallel_loop3A_691 = tpu.vector_load %arg5[%parallel_loop3A_689, %parallel_loop3A_690] {strides = array<i32>} : memref<8x2048xf32, #tpu.memory_space<vmem>>, vector<1x16xf32>,
        %parallel_loop3A_692 = vector.shape_cast %parallel_loop3A_691 : vector<1x16xf32> to vector<16xf32>
        %parallel_loop3A_693 = vector.shape_cast %parallel_loop3A_688 : vector<16xf32> to vector<1x16xf32>
        tpu.vector_store %arg5[%parallel_loop3A_689, %parallel_loop3A_690], %parallel_loop3A_693 {add = true, strides = array<i32>} : memref<8x2048xf32, #tpu.memory_space<vmem>>, vector<1x16xf32>,
        %parallel_loop3A_694 = arith.index_cast %parallel_loop3A_135 : i32 to index
        %parallel_loop3A_695 = arith.constant 992 : index
        %parallel_loop3A_696 = tpu.vector_load %arg6[%parallel_loop3A_694, %parallel_loop3A_695] {strides = array<i32>} : memref<8x2048xf32, #tpu.memory_space<vmem>>, vector<1x16xf32>,
        %parallel_loop3A_697 = vector.shape_cast %parallel_loop3A_696 : vector<1x16xf32> to vector<16xf32>
        %parallel_loop3A_698 = arith.index_cast %parallel_loop3A_135 : i32 to index
        %parallel_loop3A_699 = arith.constant 992 : index
        %parallel_loop3A_700 = tpu.vector_load %arg5[%parallel_loop3A_698, %parallel_loop3A_699] {strides = array<i32>} : memref<8x2048xf32, #tpu.memory_space<vmem>>, vector<1x16xf32>,
        %parallel_loop3A_701 = vector.shape_cast %parallel_loop3A_700 : vector<1x16xf32> to vector<16xf32>
        %parallel_loop3A_702 = vector.shape_cast %parallel_loop3A_697 : vector<16xf32> to vector<1x16xf32>
        tpu.vector_store %arg5[%parallel_loop3A_698, %parallel_loop3A_699], %parallel_loop3A_702 {add = true, strides = array<i32>} : memref<8x2048xf32, #tpu.memory_space<vmem>>, vector<1x16xf32>,
        %parallel_loop3A_703 = arith.index_cast %parallel_loop3A_135 : i32 to index
        %parallel_loop3A_704 = arith.constant 1008 : index
        %parallel_loop3A_705 = tpu.vector_load %arg6[%parallel_loop3A_703, %parallel_loop3A_704] {strides = array<i32>} : memref<8x2048xf32, #tpu.memory_space<vmem>>, vector<1x16xf32>,
        %parallel_loop3A_706 = vector.shape_cast %parallel_loop3A_705 : vector<1x16xf32> to vector<16xf32>
        %parallel_loop3A_707 = arith.index_cast %parallel_loop3A_135 : i32 to index
        %parallel_loop3A_708 = arith.constant 1008 : index
        %parallel_loop3A_709 = tpu.vector_load %arg5[%parallel_loop3A_707, %parallel_loop3A_708] {strides = array<i32>} : memref<8x2048xf32, #tpu.memory_space<vmem>>, vector<1x16xf32>,
        %parallel_loop3A_710 = vector.shape_cast %parallel_loop3A_709 : vector<1x16xf32> to vector<16xf32>
        %parallel_loop3A_711 = vector.shape_cast %parallel_loop3A_706 : vector<16xf32> to vector<1x16xf32>
        tpu.vector_store %arg5[%parallel_loop3A_707, %parallel_loop3A_708], %parallel_loop3A_711 {add = true, strides = array<i32>} : memref<8x2048xf32, #tpu.memory_space<vmem>>, vector<1x16xf32>,
        %parallel_loop3A_712 = arith.index_cast %parallel_loop3A_135 : i32 to index
        %parallel_loop3A_713 = arith.constant 1024 : index
        %parallel_loop3A_714 = tpu.vector_load %arg6[%parallel_loop3A_712, %parallel_loop3A_713] {strides = array<i32>} : memref<8x2048xf32, #tpu.memory_space<vmem>>, vector<1x16xf32>,
        %parallel_loop3A_715 = vector.shape_cast %parallel_loop3A_714 : vector<1x16xf32> to vector<16xf32>
        %parallel_loop3A_716 = arith.index_cast %parallel_loop3A_135 : i32 to index
        %parallel_loop3A_717 = arith.constant 1024 : index
        %parallel_loop3A_718 = tpu.vector_load %arg5[%parallel_loop3A_716, %parallel_loop3A_717] {strides = array<i32>} : memref<8x2048xf32, #tpu.memory_space<vmem>>, vector<1x16xf32>,
        %parallel_loop3A_719 = vector.shape_cast %parallel_loop3A_718 : vector<1x16xf32> to vector<16xf32>
        %parallel_loop3A_720 = vector.shape_cast %parallel_loop3A_715 : vector<16xf32> to vector<1x16xf32>
        tpu.vector_store %arg5[%parallel_loop3A_716, %parallel_loop3A_717], %parallel_loop3A_720 {add = true, strides = array<i32>} : memref<8x2048xf32, #tpu.memory_space<vmem>>, vector<1x16xf32>,
        %parallel_loop3A_721 = arith.index_cast %parallel_loop3A_135 : i32 to index
        %parallel_loop3A_722 = arith.constant 1040 : index
        %parallel_loop3A_723 = tpu.vector_load %arg6[%parallel_loop3A_721, %parallel_loop3A_722] {strides = array<i32>} : memref<8x2048xf32, #tpu.memory_space<vmem>>, vector<1x16xf32>,
        %parallel_loop3A_724 = vector.shape_cast %parallel_loop3A_723 : vector<1x16xf32> to vector<16xf32>
        %parallel_loop3A_725 = arith.index_cast %parallel_loop3A_135 : i32 to index
        %parallel_loop3A_726 = arith.constant 1040 : index
        %parallel_loop3A_727 = tpu.vector_load %arg5[%parallel_loop3A_725, %parallel_loop3A_726] {strides = array<i32>} : memref<8x2048xf32, #tpu.memory_space<vmem>>, vector<1x16xf32>,
        %parallel_loop3A_728 = vector.shape_cast %parallel_loop3A_727 : vector<1x16xf32> to vector<16xf32>
        %parallel_loop3A_729 = vector.shape_cast %parallel_loop3A_724 : vector<16xf32> to vector<1x16xf32>
        tpu.vector_store %arg5[%parallel_loop3A_725, %parallel_loop3A_726], %parallel_loop3A_729 {add = true, strides = array<i32>} : memref<8x2048xf32, #tpu.memory_space<vmem>>, vector<1x16xf32>,
        %parallel_loop3A_730 = arith.index_cast %parallel_loop3A_135 : i32 to index
        %parallel_loop3A_731 = arith.constant 1056 : index
        %parallel_loop3A_732 = tpu.vector_load %arg6[%parallel_loop3A_730, %parallel_loop3A_731] {strides = array<i32>} : memref<8x2048xf32, #tpu.memory_space<vmem>>, vector<1x16xf32>,
        %parallel_loop3A_733 = vector.shape_cast %parallel_loop3A_732 : vector<1x16xf32> to vector<16xf32>
        %parallel_loop3A_734 = arith.index_cast %parallel_loop3A_135 : i32 to index
        %parallel_loop3A_735 = arith.constant 1056 : index
        %parallel_loop3A_736 = tpu.vector_load %arg5[%parallel_loop3A_734, %parallel_loop3A_735] {strides = array<i32>} : memref<8x2048xf32, #tpu.memory_space<vmem>>, vector<1x16xf32>,
        %parallel_loop3A_737 = vector.shape_cast %parallel_loop3A_736 : vector<1x16xf32> to vector<16xf32>
        %parallel_loop3A_738 = vector.shape_cast %parallel_loop3A_733 : vector<16xf32> to vector<1x16xf32>
        tpu.vector_store %arg5[%parallel_loop3A_734, %parallel_loop3A_735], %parallel_loop3A_738 {add = true, strides = array<i32>} : memref<8x2048xf32, #tpu.memory_space<vmem>>, vector<1x16xf32>,
        %parallel_loop3A_739 = arith.index_cast %parallel_loop3A_135 : i32 to index
        %parallel_loop3A_740 = arith.constant 1072 : index
        %parallel_loop3A_741 = tpu.vector_load %arg6[%parallel_loop3A_739, %parallel_loop3A_740] {strides = array<i32>} : memref<8x2048xf32, #tpu.memory_space<vmem>>, vector<1x16xf32>,
        %parallel_loop3A_742 = vector.shape_cast %parallel_loop3A_741 : vector<1x16xf32> to vector<16xf32>
        %parallel_loop3A_743 = arith.index_cast %parallel_loop3A_135 : i32 to index
        %parallel_loop3A_744 = arith.constant 1072 : index
        %parallel_loop3A_745 = tpu.vector_load %arg5[%parallel_loop3A_743, %parallel_loop3A_744] {strides = array<i32>} : memref<8x2048xf32, #tpu.memory_space<vmem>>, vector<1x16xf32>,
        %parallel_loop3A_746 = vector.shape_cast %parallel_loop3A_745 : vector<1x16xf32> to vector<16xf32>
        %parallel_loop3A_747 = vector.shape_cast %parallel_loop3A_742 : vector<16xf32> to vector<1x16xf32>
        tpu.vector_store %arg5[%parallel_loop3A_743, %parallel_loop3A_744], %parallel_loop3A_747 {add = true, strides = array<i32>} : memref<8x2048xf32, #tpu.memory_space<vmem>>, vector<1x16xf32>,
        %parallel_loop3A_748 = arith.index_cast %parallel_loop3A_135 : i32 to index
        %parallel_loop3A_749 = arith.constant 1088 : index
        %parallel_loop3A_750 = tpu.vector_load %arg6[%parallel_loop3A_748, %parallel_loop3A_749] {strides = array<i32>} : memref<8x2048xf32, #tpu.memory_space<vmem>>, vector<1x16xf32>,
        %parallel_loop3A_751 = vector.shape_cast %parallel_loop3A_750 : vector<1x16xf32> to vector<16xf32>
        %parallel_loop3A_752 = arith.index_cast %parallel_loop3A_135 : i32 to index
        %parallel_loop3A_753 = arith.constant 1088 : index
        %parallel_loop3A_754 = tpu.vector_load %arg5[%parallel_loop3A_752, %parallel_loop3A_753] {strides = array<i32>} : memref<8x2048xf32, #tpu.memory_space<vmem>>, vector<1x16xf32>,
        %parallel_loop3A_755 = vector.shape_cast %parallel_loop3A_754 : vector<1x16xf32> to vector<16xf32>
        %parallel_loop3A_756 = vector.shape_cast %parallel_loop3A_751 : vector<16xf32> to vector<1x16xf32>
        tpu.vector_store %arg5[%parallel_loop3A_752, %parallel_loop3A_753], %parallel_loop3A_756 {add = true, strides = array<i32>} : memref<8x2048xf32, #tpu.memory_space<vmem>>, vector<1x16xf32>,
        %parallel_loop3A_757 = arith.index_cast %parallel_loop3A_135 : i32 to index
        %parallel_loop3A_758 = arith.constant 1104 : index
        %parallel_loop3A_759 = tpu.vector_load %arg6[%parallel_loop3A_757, %parallel_loop3A_758] {strides = array<i32>} : memref<8x2048xf32, #tpu.memory_space<vmem>>, vector<1x16xf32>,
        %parallel_loop3A_760 = vector.shape_cast %parallel_loop3A_759 : vector<1x16xf32> to vector<16xf32>
        %parallel_loop3A_761 = arith.index_cast %parallel_loop3A_135 : i32 to index
        %parallel_loop3A_762 = arith.constant 1104 : index
        %parallel_loop3A_763 = tpu.vector_load %arg5[%parallel_loop3A_761, %parallel_loop3A_762] {strides = array<i32>} : memref<8x2048xf32, #tpu.memory_space<vmem>>, vector<1x16xf32>,
        %parallel_loop3A_764 = vector.shape_cast %parallel_loop3A_763 : vector<1x16xf32> to vector<16xf32>
        %parallel_loop3A_765 = vector.shape_cast %parallel_loop3A_760 : vector<16xf32> to vector<1x16xf32>
        tpu.vector_store %arg5[%parallel_loop3A_761, %parallel_loop3A_762], %parallel_loop3A_765 {add = true, strides = array<i32>} : memref<8x2048xf32, #tpu.memory_space<vmem>>, vector<1x16xf32>,
        %parallel_loop3A_766 = arith.index_cast %parallel_loop3A_135 : i32 to index
        %parallel_loop3A_767 = arith.constant 1120 : index
        %parallel_loop3A_768 = tpu.vector_load %arg6[%parallel_loop3A_766, %parallel_loop3A_767] {strides = array<i32>} : memref<8x2048xf32, #tpu.memory_space<vmem>>, vector<1x16xf32>,
        %parallel_loop3A_769 = vector.shape_cast %parallel_loop3A_768 : vector<1x16xf32> to vector<16xf32>
        %parallel_loop3A_770 = arith.index_cast %parallel_loop3A_135 : i32 to index
        %parallel_loop3A_771 = arith.constant 1120 : index
        %parallel_loop3A_772 = tpu.vector_load %arg5[%parallel_loop3A_770, %parallel_loop3A_771] {strides = array<i32>} : memref<8x2048xf32, #tpu.memory_space<vmem>>, vector<1x16xf32>,
        %parallel_loop3A_773 = vector.shape_cast %parallel_loop3A_772 : vector<1x16xf32> to vector<16xf32>
        %parallel_loop3A_774 = vector.shape_cast %parallel_loop3A_769 : vector<16xf32> to vector<1x16xf32>
        tpu.vector_store %arg5[%parallel_loop3A_770, %parallel_loop3A_771], %parallel_loop3A_774 {add = true, strides = array<i32>} : memref<8x2048xf32, #tpu.memory_space<vmem>>, vector<1x16xf32>,
        %parallel_loop3A_775 = arith.index_cast %parallel_loop3A_135 : i32 to index
        %parallel_loop3A_776 = arith.constant 1136 : index
        %parallel_loop3A_777 = tpu.vector_load %arg6[%parallel_loop3A_775, %parallel_loop3A_776] {strides = array<i32>} : memref<8x2048xf32, #tpu.memory_space<vmem>>, vector<1x16xf32>,
        %parallel_loop3A_778 = vector.shape_cast %parallel_loop3A_777 : vector<1x16xf32> to vector<16xf32>
        %parallel_loop3A_779 = arith.index_cast %parallel_loop3A_135 : i32 to index
        %parallel_loop3A_780 = arith.constant 1136 : index
        %parallel_loop3A_781 = tpu.vector_load %arg5[%parallel_loop3A_779, %parallel_loop3A_780] {strides = array<i32>} : memref<8x2048xf32, #tpu.memory_space<vmem>>, vector<1x16xf32>,
        %parallel_loop3A_782 = vector.shape_cast %parallel_loop3A_781 : vector<1x16xf32> to vector<16xf32>
        %parallel_loop3A_783 = vector.shape_cast %parallel_loop3A_778 : vector<16xf32> to vector<1x16xf32>
        tpu.vector_store %arg5[%parallel_loop3A_779, %parallel_loop3A_780], %parallel_loop3A_783 {add = true, strides = array<i32>} : memref<8x2048xf32, #tpu.memory_space<vmem>>, vector<1x16xf32>,
        %parallel_loop3A_784 = arith.index_cast %parallel_loop3A_135 : i32 to index
        %parallel_loop3A_785 = arith.constant 1152 : index
        %parallel_loop3A_786 = tpu.vector_load %arg6[%parallel_loop3A_784, %parallel_loop3A_785] {strides = array<i32>} : memref<8x2048xf32, #tpu.memory_space<vmem>>, vector<1x16xf32>,
        %parallel_loop3A_787 = vector.shape_cast %parallel_loop3A_786 : vector<1x16xf32> to vector<16xf32>
        %parallel_loop3A_788 = arith.index_cast %parallel_loop3A_135 : i32 to index
        %parallel_loop3A_789 = arith.constant 1152 : index
        %parallel_loop3A_790 = tpu.vector_load %arg5[%parallel_loop3A_788, %parallel_loop3A_789] {strides = array<i32>} : memref<8x2048xf32, #tpu.memory_space<vmem>>, vector<1x16xf32>,
        %parallel_loop3A_791 = vector.shape_cast %parallel_loop3A_790 : vector<1x16xf32> to vector<16xf32>
        %parallel_loop3A_792 = vector.shape_cast %parallel_loop3A_787 : vector<16xf32> to vector<1x16xf32>
        tpu.vector_store %arg5[%parallel_loop3A_788, %parallel_loop3A_789], %parallel_loop3A_792 {add = true, strides = array<i32>} : memref<8x2048xf32, #tpu.memory_space<vmem>>, vector<1x16xf32>,
        %parallel_loop3A_793 = arith.index_cast %parallel_loop3A_135 : i32 to index
        %parallel_loop3A_794 = arith.constant 1168 : index
        %parallel_loop3A_795 = tpu.vector_load %arg6[%parallel_loop3A_793, %parallel_loop3A_794] {strides = array<i32>} : memref<8x2048xf32, #tpu.memory_space<vmem>>, vector<1x16xf32>,
        %parallel_loop3A_796 = vector.shape_cast %parallel_loop3A_795 : vector<1x16xf32> to vector<16xf32>
        %parallel_loop3A_797 = arith.index_cast %parallel_loop3A_135 : i32 to index
        %parallel_loop3A_798 = arith.constant 1168 : index
        %parallel_loop3A_799 = tpu.vector_load %arg5[%parallel_loop3A_797, %parallel_loop3A_798] {strides = array<i32>} : memref<8x2048xf32, #tpu.memory_space<vmem>>, vector<1x16xf32>,
        %parallel_loop3A_800 = vector.shape_cast %parallel_loop3A_799 : vector<1x16xf32> to vector<16xf32>
        %parallel_loop3A_801 = vector.shape_cast %parallel_loop3A_796 : vector<16xf32> to vector<1x16xf32>
        tpu.vector_store %arg5[%parallel_loop3A_797, %parallel_loop3A_798], %parallel_loop3A_801 {add = true, strides = array<i32>} : memref<8x2048xf32, #tpu.memory_space<vmem>>, vector<1x16xf32>,
        %parallel_loop3A_802 = arith.index_cast %parallel_loop3A_135 : i32 to index
        %parallel_loop3A_803 = arith.constant 1184 : index
        %parallel_loop3A_804 = tpu.vector_load %arg6[%parallel_loop3A_802, %parallel_loop3A_803] {strides = array<i32>} : memref<8x2048xf32, #tpu.memory_space<vmem>>, vector<1x16xf32>,
        %parallel_loop3A_805 = vector.shape_cast %parallel_loop3A_804 : vector<1x16xf32> to vector<16xf32>
        %parallel_loop3A_806 = arith.index_cast %parallel_loop3A_135 : i32 to index
        %parallel_loop3A_807 = arith.constant 1184 : index
        %parallel_loop3A_808 = tpu.vector_load %arg5[%parallel_loop3A_806, %parallel_loop3A_807] {strides = array<i32>} : memref<8x2048xf32, #tpu.memory_space<vmem>>, vector<1x16xf32>,
        %parallel_loop3A_809 = vector.shape_cast %parallel_loop3A_808 : vector<1x16xf32> to vector<16xf32>
        %parallel_loop3A_810 = vector.shape_cast %parallel_loop3A_805 : vector<16xf32> to vector<1x16xf32>
        tpu.vector_store %arg5[%parallel_loop3A_806, %parallel_loop3A_807], %parallel_loop3A_810 {add = true, strides = array<i32>} : memref<8x2048xf32, #tpu.memory_space<vmem>>, vector<1x16xf32>,
        %parallel_loop3A_811 = arith.index_cast %parallel_loop3A_135 : i32 to index
        %parallel_loop3A_812 = arith.constant 1200 : index
        %parallel_loop3A_813 = tpu.vector_load %arg6[%parallel_loop3A_811, %parallel_loop3A_812] {strides = array<i32>} : memref<8x2048xf32, #tpu.memory_space<vmem>>, vector<1x16xf32>,
        %parallel_loop3A_814 = vector.shape_cast %parallel_loop3A_813 : vector<1x16xf32> to vector<16xf32>
        %parallel_loop3A_815 = arith.index_cast %parallel_loop3A_135 : i32 to index
        %parallel_loop3A_816 = arith.constant 1200 : index
        %parallel_loop3A_817 = tpu.vector_load %arg5[%parallel_loop3A_815, %parallel_loop3A_816] {strides = array<i32>} : memref<8x2048xf32, #tpu.memory_space<vmem>>, vector<1x16xf32>,
        %parallel_loop3A_818 = vector.shape_cast %parallel_loop3A_817 : vector<1x16xf32> to vector<16xf32>
        %parallel_loop3A_819 = vector.shape_cast %parallel_loop3A_814 : vector<16xf32> to vector<1x16xf32>
        tpu.vector_store %arg5[%parallel_loop3A_815, %parallel_loop3A_816], %parallel_loop3A_819 {add = true, strides = array<i32>} : memref<8x2048xf32, #tpu.memory_space<vmem>>, vector<1x16xf32>,
        %parallel_loop3A_820 = arith.index_cast %parallel_loop3A_135 : i32 to index
        %parallel_loop3A_821 = arith.constant 1216 : index
        %parallel_loop3A_822 = tpu.vector_load %arg6[%parallel_loop3A_820, %parallel_loop3A_821] {strides = array<i32>} : memref<8x2048xf32, #tpu.memory_space<vmem>>, vector<1x16xf32>,
        %parallel_loop3A_823 = vector.shape_cast %parallel_loop3A_822 : vector<1x16xf32> to vector<16xf32>
        %parallel_loop3A_824 = arith.index_cast %parallel_loop3A_135 : i32 to index
        %parallel_loop3A_825 = arith.constant 1216 : index
        %parallel_loop3A_826 = tpu.vector_load %arg5[%parallel_loop3A_824, %parallel_loop3A_825] {strides = array<i32>} : memref<8x2048xf32, #tpu.memory_space<vmem>>, vector<1x16xf32>,
        %parallel_loop3A_827 = vector.shape_cast %parallel_loop3A_826 : vector<1x16xf32> to vector<16xf32>
        %parallel_loop3A_828 = vector.shape_cast %parallel_loop3A_823 : vector<16xf32> to vector<1x16xf32>
        tpu.vector_store %arg5[%parallel_loop3A_824, %parallel_loop3A_825], %parallel_loop3A_828 {add = true, strides = array<i32>} : memref<8x2048xf32, #tpu.memory_space<vmem>>, vector<1x16xf32>,
        %parallel_loop3A_829 = arith.index_cast %parallel_loop3A_135 : i32 to index
        %parallel_loop3A_830 = arith.constant 1232 : index
        %parallel_loop3A_831 = tpu.vector_load %arg6[%parallel_loop3A_829, %parallel_loop3A_830] {strides = array<i32>} : memref<8x2048xf32, #tpu.memory_space<vmem>>, vector<1x16xf32>,
        %parallel_loop3A_832 = vector.shape_cast %parallel_loop3A_831 : vector<1x16xf32> to vector<16xf32>
        %parallel_loop3A_833 = arith.index_cast %parallel_loop3A_135 : i32 to index
        %parallel_loop3A_834 = arith.constant 1232 : index
        %parallel_loop3A_835 = tpu.vector_load %arg5[%parallel_loop3A_833, %parallel_loop3A_834] {strides = array<i32>} : memref<8x2048xf32, #tpu.memory_space<vmem>>, vector<1x16xf32>,
        %parallel_loop3A_836 = vector.shape_cast %parallel_loop3A_835 : vector<1x16xf32> to vector<16xf32>
        %parallel_loop3A_837 = vector.shape_cast %parallel_loop3A_832 : vector<16xf32> to vector<1x16xf32>
        tpu.vector_store %arg5[%parallel_loop3A_833, %parallel_loop3A_834], %parallel_loop3A_837 {add = true, strides = array<i32>} : memref<8x2048xf32, #tpu.memory_space<vmem>>, vector<1x16xf32>,
        %parallel_loop3A_838 = arith.index_cast %parallel_loop3A_135 : i32 to index
        %parallel_loop3A_839 = arith.constant 1248 : index
        %parallel_loop3A_840 = tpu.vector_load %arg6[%parallel_loop3A_838, %parallel_loop3A_839] {strides = array<i32>} : memref<8x2048xf32, #tpu.memory_space<vmem>>, vector<1x16xf32>,
        %parallel_loop3A_841 = vector.shape_cast %parallel_loop3A_840 : vector<1x16xf32> to vector<16xf32>
        %parallel_loop3A_842 = arith.index_cast %parallel_loop3A_135 : i32 to index
        %parallel_loop3A_843 = arith.constant 1248 : index
        %parallel_loop3A_844 = tpu.vector_load %arg5[%parallel_loop3A_842, %parallel_loop3A_843] {strides = array<i32>} : memref<8x2048xf32, #tpu.memory_space<vmem>>, vector<1x16xf32>,
        %parallel_loop3A_845 = vector.shape_cast %parallel_loop3A_844 : vector<1x16xf32> to vector<16xf32>
        %parallel_loop3A_846 = vector.shape_cast %parallel_loop3A_841 : vector<16xf32> to vector<1x16xf32>
        tpu.vector_store %arg5[%parallel_loop3A_842, %parallel_loop3A_843], %parallel_loop3A_846 {add = true, strides = array<i32>} : memref<8x2048xf32, #tpu.memory_space<vmem>>, vector<1x16xf32>,
        %parallel_loop3A_847 = arith.index_cast %parallel_loop3A_135 : i32 to index
        %parallel_loop3A_848 = arith.constant 1264 : index
        %parallel_loop3A_849 = tpu.vector_load %arg6[%parallel_loop3A_847, %parallel_loop3A_848] {strides = array<i32>} : memref<8x2048xf32, #tpu.memory_space<vmem>>, vector<1x16xf32>,
        %parallel_loop3A_850 = vector.shape_cast %parallel_loop3A_849 : vector<1x16xf32> to vector<16xf32>
        %parallel_loop3A_851 = arith.index_cast %parallel_loop3A_135 : i32 to index
        %parallel_loop3A_852 = arith.constant 1264 : index
        %parallel_loop3A_853 = tpu.vector_load %arg5[%parallel_loop3A_851, %parallel_loop3A_852] {strides = array<i32>} : memref<8x2048xf32, #tpu.memory_space<vmem>>, vector<1x16xf32>,
        %parallel_loop3A_854 = vector.shape_cast %parallel_loop3A_853 : vector<1x16xf32> to vector<16xf32>
        %parallel_loop3A_855 = vector.shape_cast %parallel_loop3A_850 : vector<16xf32> to vector<1x16xf32>
        tpu.vector_store %arg5[%parallel_loop3A_851, %parallel_loop3A_852], %parallel_loop3A_855 {add = true, strides = array<i32>} : memref<8x2048xf32, #tpu.memory_space<vmem>>, vector<1x16xf32>,
        %parallel_loop3A_856 = arith.index_cast %parallel_loop3A_135 : i32 to index
        %parallel_loop3A_857 = arith.constant 1280 : index
        %parallel_loop3A_858 = tpu.vector_load %arg6[%parallel_loop3A_856, %parallel_loop3A_857] {strides = array<i32>} : memref<8x2048xf32, #tpu.memory_space<vmem>>, vector<1x16xf32>,
        %parallel_loop3A_859 = vector.shape_cast %parallel_loop3A_858 : vector<1x16xf32> to vector<16xf32>
        %parallel_loop3A_860 = arith.index_cast %parallel_loop3A_135 : i32 to index
        %parallel_loop3A_861 = arith.constant 1280 : index
        %parallel_loop3A_862 = tpu.vector_load %arg5[%parallel_loop3A_860, %parallel_loop3A_861] {strides = array<i32>} : memref<8x2048xf32, #tpu.memory_space<vmem>>, vector<1x16xf32>,
        %parallel_loop3A_863 = vector.shape_cast %parallel_loop3A_862 : vector<1x16xf32> to vector<16xf32>
        %parallel_loop3A_864 = vector.shape_cast %parallel_loop3A_859 : vector<16xf32> to vector<1x16xf32>
        tpu.vector_store %arg5[%parallel_loop3A_860, %parallel_loop3A_861], %parallel_loop3A_864 {add = true, strides = array<i32>} : memref<8x2048xf32, #tpu.memory_space<vmem>>, vector<1x16xf32>,
        %parallel_loop3A_865 = arith.index_cast %parallel_loop3A_135 : i32 to index
        %parallel_loop3A_866 = arith.constant 1296 : index
        %parallel_loop3A_867 = tpu.vector_load %arg6[%parallel_loop3A_865, %parallel_loop3A_866] {strides = array<i32>} : memref<8x2048xf32, #tpu.memory_space<vmem>>, vector<1x16xf32>,
        %parallel_loop3A_868 = vector.shape_cast %parallel_loop3A_867 : vector<1x16xf32> to vector<16xf32>
        %parallel_loop3A_869 = arith.index_cast %parallel_loop3A_135 : i32 to index
        %parallel_loop3A_870 = arith.constant 1296 : index
        %parallel_loop3A_871 = tpu.vector_load %arg5[%parallel_loop3A_869, %parallel_loop3A_870] {strides = array<i32>} : memref<8x2048xf32, #tpu.memory_space<vmem>>, vector<1x16xf32>,
        %parallel_loop3A_872 = vector.shape_cast %parallel_loop3A_871 : vector<1x16xf32> to vector<16xf32>
        %parallel_loop3A_873 = vector.shape_cast %parallel_loop3A_868 : vector<16xf32> to vector<1x16xf32>
        tpu.vector_store %arg5[%parallel_loop3A_869, %parallel_loop3A_870], %parallel_loop3A_873 {add = true, strides = array<i32>} : memref<8x2048xf32, #tpu.memory_space<vmem>>, vector<1x16xf32>,
        %parallel_loop3A_874 = arith.index_cast %parallel_loop3A_135 : i32 to index
        %parallel_loop3A_875 = arith.constant 1312 : index
        %parallel_loop3A_876 = tpu.vector_load %arg6[%parallel_loop3A_874, %parallel_loop3A_875] {strides = array<i32>} : memref<8x2048xf32, #tpu.memory_space<vmem>>, vector<1x16xf32>,
        %parallel_loop3A_877 = vector.shape_cast %parallel_loop3A_876 : vector<1x16xf32> to vector<16xf32>
        %parallel_loop3A_878 = arith.index_cast %parallel_loop3A_135 : i32 to index
        %parallel_loop3A_879 = arith.constant 1312 : index
        %parallel_loop3A_880 = tpu.vector_load %arg5[%parallel_loop3A_878, %parallel_loop3A_879] {strides = array<i32>} : memref<8x2048xf32, #tpu.memory_space<vmem>>, vector<1x16xf32>,
        %parallel_loop3A_881 = vector.shape_cast %parallel_loop3A_880 : vector<1x16xf32> to vector<16xf32>
        %parallel_loop3A_882 = vector.shape_cast %parallel_loop3A_877 : vector<16xf32> to vector<1x16xf32>
        tpu.vector_store %arg5[%parallel_loop3A_878, %parallel_loop3A_879], %parallel_loop3A_882 {add = true, strides = array<i32>} : memref<8x2048xf32, #tpu.memory_space<vmem>>, vector<1x16xf32>,
        %parallel_loop3A_883 = arith.index_cast %parallel_loop3A_135 : i32 to index
        %parallel_loop3A_884 = arith.constant 1328 : index
        %parallel_loop3A_885 = tpu.vector_load %arg6[%parallel_loop3A_883, %parallel_loop3A_884] {strides = array<i32>} : memref<8x2048xf32, #tpu.memory_space<vmem>>, vector<1x16xf32>,
        %parallel_loop3A_886 = vector.shape_cast %parallel_loop3A_885 : vector<1x16xf32> to vector<16xf32>
        %parallel_loop3A_887 = arith.index_cast %parallel_loop3A_135 : i32 to index
        %parallel_loop3A_888 = arith.constant 1328 : index
        %parallel_loop3A_889 = tpu.vector_load %arg5[%parallel_loop3A_887, %parallel_loop3A_888] {strides = array<i32>} : memref<8x2048xf32, #tpu.memory_space<vmem>>, vector<1x16xf32>,
        %parallel_loop3A_890 = vector.shape_cast %parallel_loop3A_889 : vector<1x16xf32> to vector<16xf32>
        %parallel_loop3A_891 = vector.shape_cast %parallel_loop3A_886 : vector<16xf32> to vector<1x16xf32>
        tpu.vector_store %arg5[%parallel_loop3A_887, %parallel_loop3A_888], %parallel_loop3A_891 {add = true, strides = array<i32>} : memref<8x2048xf32, #tpu.memory_space<vmem>>, vector<1x16xf32>,
        %parallel_loop3A_892 = arith.index_cast %parallel_loop3A_135 : i32 to index
        %parallel_loop3A_893 = arith.constant 1344 : index
        %parallel_loop3A_894 = tpu.vector_load %arg6[%parallel_loop3A_892, %parallel_loop3A_893] {strides = array<i32>} : memref<8x2048xf32, #tpu.memory_space<vmem>>, vector<1x16xf32>,
        %parallel_loop3A_895 = vector.shape_cast %parallel_loop3A_894 : vector<1x16xf32> to vector<16xf32>
        %parallel_loop3A_896 = arith.index_cast %parallel_loop3A_135 : i32 to index
        %parallel_loop3A_897 = arith.constant 1344 : index
        %parallel_loop3A_898 = tpu.vector_load %arg5[%parallel_loop3A_896, %parallel_loop3A_897] {strides = array<i32>} : memref<8x2048xf32, #tpu.memory_space<vmem>>, vector<1x16xf32>,
        %parallel_loop3A_899 = vector.shape_cast %parallel_loop3A_898 : vector<1x16xf32> to vector<16xf32>
        %parallel_loop3A_900 = vector.shape_cast %parallel_loop3A_895 : vector<16xf32> to vector<1x16xf32>
        tpu.vector_store %arg5[%parallel_loop3A_896, %parallel_loop3A_897], %parallel_loop3A_900 {add = true, strides = array<i32>} : memref<8x2048xf32, #tpu.memory_space<vmem>>, vector<1x16xf32>,
        %parallel_loop3A_901 = arith.index_cast %parallel_loop3A_135 : i32 to index
        %parallel_loop3A_902 = arith.constant 1360 : index
        %parallel_loop3A_903 = tpu.vector_load %arg6[%parallel_loop3A_901, %parallel_loop3A_902] {strides = array<i32>} : memref<8x2048xf32, #tpu.memory_space<vmem>>, vector<1x16xf32>,
        %parallel_loop3A_904 = vector.shape_cast %parallel_loop3A_903 : vector<1x16xf32> to vector<16xf32>
        %parallel_loop3A_905 = arith.index_cast %parallel_loop3A_135 : i32 to index
        %parallel_loop3A_906 = arith.constant 1360 : index
        %parallel_loop3A_907 = tpu.vector_load %arg5[%parallel_loop3A_905, %parallel_loop3A_906] {strides = array<i32>} : memref<8x2048xf32, #tpu.memory_space<vmem>>, vector<1x16xf32>,
        %parallel_loop3A_908 = vector.shape_cast %parallel_loop3A_907 : vector<1x16xf32> to vector<16xf32>
        %parallel_loop3A_909 = vector.shape_cast %parallel_loop3A_904 : vector<16xf32> to vector<1x16xf32>
        tpu.vector_store %arg5[%parallel_loop3A_905, %parallel_loop3A_906], %parallel_loop3A_909 {add = true, strides = array<i32>} : memref<8x2048xf32, #tpu.memory_space<vmem>>, vector<1x16xf32>,
        %parallel_loop3A_910 = arith.index_cast %parallel_loop3A_135 : i32 to index
        %parallel_loop3A_911 = arith.constant 1376 : index
        %parallel_loop3A_912 = tpu.vector_load %arg6[%parallel_loop3A_910, %parallel_loop3A_911] {strides = array<i32>} : memref<8x2048xf32, #tpu.memory_space<vmem>>, vector<1x16xf32>,
        %parallel_loop3A_913 = vector.shape_cast %parallel_loop3A_912 : vector<1x16xf32> to vector<16xf32>
        %parallel_loop3A_914 = arith.index_cast %parallel_loop3A_135 : i32 to index
        %parallel_loop3A_915 = arith.constant 1376 : index
        %parallel_loop3A_916 = tpu.vector_load %arg5[%parallel_loop3A_914, %parallel_loop3A_915] {strides = array<i32>} : memref<8x2048xf32, #tpu.memory_space<vmem>>, vector<1x16xf32>,
        %parallel_loop3A_917 = vector.shape_cast %parallel_loop3A_916 : vector<1x16xf32> to vector<16xf32>
        %parallel_loop3A_918 = vector.shape_cast %parallel_loop3A_913 : vector<16xf32> to vector<1x16xf32>
        tpu.vector_store %arg5[%parallel_loop3A_914, %parallel_loop3A_915], %parallel_loop3A_918 {add = true, strides = array<i32>} : memref<8x2048xf32, #tpu.memory_space<vmem>>, vector<1x16xf32>,
        %parallel_loop3A_919 = arith.index_cast %parallel_loop3A_135 : i32 to index
        %parallel_loop3A_920 = arith.constant 1392 : index
        %parallel_loop3A_921 = tpu.vector_load %arg6[%parallel_loop3A_919, %parallel_loop3A_920] {strides = array<i32>} : memref<8x2048xf32, #tpu.memory_space<vmem>>, vector<1x16xf32>,
        %parallel_loop3A_922 = vector.shape_cast %parallel_loop3A_921 : vector<1x16xf32> to vector<16xf32>
        %parallel_loop3A_923 = arith.index_cast %parallel_loop3A_135 : i32 to index
        %parallel_loop3A_924 = arith.constant 1392 : index
        %parallel_loop3A_925 = tpu.vector_load %arg5[%parallel_loop3A_923, %parallel_loop3A_924] {strides = array<i32>} : memref<8x2048xf32, #tpu.memory_space<vmem>>, vector<1x16xf32>,
        %parallel_loop3A_926 = vector.shape_cast %parallel_loop3A_925 : vector<1x16xf32> to vector<16xf32>
        %parallel_loop3A_927 = vector.shape_cast %parallel_loop3A_922 : vector<16xf32> to vector<1x16xf32>
        tpu.vector_store %arg5[%parallel_loop3A_923, %parallel_loop3A_924], %parallel_loop3A_927 {add = true, strides = array<i32>} : memref<8x2048xf32, #tpu.memory_space<vmem>>, vector<1x16xf32>,
        %parallel_loop3A_928 = arith.index_cast %parallel_loop3A_135 : i32 to index
        %parallel_loop3A_929 = arith.constant 1408 : index
        %parallel_loop3A_930 = tpu.vector_load %arg6[%parallel_loop3A_928, %parallel_loop3A_929] {strides = array<i32>} : memref<8x2048xf32, #tpu.memory_space<vmem>>, vector<1x16xf32>,
        %parallel_loop3A_931 = vector.shape_cast %parallel_loop3A_930 : vector<1x16xf32> to vector<16xf32>
        %parallel_loop3A_932 = arith.index_cast %parallel_loop3A_135 : i32 to index
        %parallel_loop3A_933 = arith.constant 1408 : index
        %parallel_loop3A_934 = tpu.vector_load %arg5[%parallel_loop3A_932, %parallel_loop3A_933] {strides = array<i32>} : memref<8x2048xf32, #tpu.memory_space<vmem>>, vector<1x16xf32>,
        %parallel_loop3A_935 = vector.shape_cast %parallel_loop3A_934 : vector<1x16xf32> to vector<16xf32>
        %parallel_loop3A_936 = vector.shape_cast %parallel_loop3A_931 : vector<16xf32> to vector<1x16xf32>
        tpu.vector_store %arg5[%parallel_loop3A_932, %parallel_loop3A_933], %parallel_loop3A_936 {add = true, strides = array<i32>} : memref<8x2048xf32, #tpu.memory_space<vmem>>, vector<1x16xf32>,
        %parallel_loop3A_937 = arith.index_cast %parallel_loop3A_135 : i32 to index
        %parallel_loop3A_938 = arith.constant 1424 : index
        %parallel_loop3A_939 = tpu.vector_load %arg6[%parallel_loop3A_937, %parallel_loop3A_938] {strides = array<i32>} : memref<8x2048xf32, #tpu.memory_space<vmem>>, vector<1x16xf32>,
        %parallel_loop3A_940 = vector.shape_cast %parallel_loop3A_939 : vector<1x16xf32> to vector<16xf32>
        %parallel_loop3A_941 = arith.index_cast %parallel_loop3A_135 : i32 to index
        %parallel_loop3A_942 = arith.constant 1424 : index
        %parallel_loop3A_943 = tpu.vector_load %arg5[%parallel_loop3A_941, %parallel_loop3A_942] {strides = array<i32>} : memref<8x2048xf32, #tpu.memory_space<vmem>>, vector<1x16xf32>,
        %parallel_loop3A_944 = vector.shape_cast %parallel_loop3A_943 : vector<1x16xf32> to vector<16xf32>
        %parallel_loop3A_945 = vector.shape_cast %parallel_loop3A_940 : vector<16xf32> to vector<1x16xf32>
        tpu.vector_store %arg5[%parallel_loop3A_941, %parallel_loop3A_942], %parallel_loop3A_945 {add = true, strides = array<i32>} : memref<8x2048xf32, #tpu.memory_space<vmem>>, vector<1x16xf32>,
        %parallel_loop3A_946 = arith.index_cast %parallel_loop3A_135 : i32 to index
        %parallel_loop3A_947 = arith.constant 1440 : index
        %parallel_loop3A_948 = tpu.vector_load %arg6[%parallel_loop3A_946, %parallel_loop3A_947] {strides = array<i32>} : memref<8x2048xf32, #tpu.memory_space<vmem>>, vector<1x16xf32>,
        %parallel_loop3A_949 = vector.shape_cast %parallel_loop3A_948 : vector<1x16xf32> to vector<16xf32>
        %parallel_loop3A_950 = arith.index_cast %parallel_loop3A_135 : i32 to index
        %parallel_loop3A_951 = arith.constant 1440 : index
        %parallel_loop3A_952 = tpu.vector_load %arg5[%parallel_loop3A_950, %parallel_loop3A_951] {strides = array<i32>} : memref<8x2048xf32, #tpu.memory_space<vmem>>, vector<1x16xf32>,
        %parallel_loop3A_953 = vector.shape_cast %parallel_loop3A_952 : vector<1x16xf32> to vector<16xf32>
        %parallel_loop3A_954 = vector.shape_cast %parallel_loop3A_949 : vector<16xf32> to vector<1x16xf32>
        tpu.vector_store %arg5[%parallel_loop3A_950, %parallel_loop3A_951], %parallel_loop3A_954 {add = true, strides = array<i32>} : memref<8x2048xf32, #tpu.memory_space<vmem>>, vector<1x16xf32>,
        %parallel_loop3A_955 = arith.index_cast %parallel_loop3A_135 : i32 to index
        %parallel_loop3A_956 = arith.constant 1456 : index
        %parallel_loop3A_957 = tpu.vector_load %arg6[%parallel_loop3A_955, %parallel_loop3A_956] {strides = array<i32>} : memref<8x2048xf32, #tpu.memory_space<vmem>>, vector<1x16xf32>,
        %parallel_loop3A_958 = vector.shape_cast %parallel_loop3A_957 : vector<1x16xf32> to vector<16xf32>
        %parallel_loop3A_959 = arith.index_cast %parallel_loop3A_135 : i32 to index
        %parallel_loop3A_960 = arith.constant 1456 : index
        %parallel_loop3A_961 = tpu.vector_load %arg5[%parallel_loop3A_959, %parallel_loop3A_960] {strides = array<i32>} : memref<8x2048xf32, #tpu.memory_space<vmem>>, vector<1x16xf32>,
        %parallel_loop3A_962 = vector.shape_cast %parallel_loop3A_961 : vector<1x16xf32> to vector<16xf32>
        %parallel_loop3A_963 = vector.shape_cast %parallel_loop3A_958 : vector<16xf32> to vector<1x16xf32>
        tpu.vector_store %arg5[%parallel_loop3A_959, %parallel_loop3A_960], %parallel_loop3A_963 {add = true, strides = array<i32>} : memref<8x2048xf32, #tpu.memory_space<vmem>>, vector<1x16xf32>,
        %parallel_loop3A_964 = arith.index_cast %parallel_loop3A_135 : i32 to index
        %parallel_loop3A_965 = arith.constant 1472 : index
        %parallel_loop3A_966 = tpu.vector_load %arg6[%parallel_loop3A_964, %parallel_loop3A_965] {strides = array<i32>} : memref<8x2048xf32, #tpu.memory_space<vmem>>, vector<1x16xf32>,
        %parallel_loop3A_967 = vector.shape_cast %parallel_loop3A_966 : vector<1x16xf32> to vector<16xf32>
        %parallel_loop3A_968 = arith.index_cast %parallel_loop3A_135 : i32 to index
        %parallel_loop3A_969 = arith.constant 1472 : index
        %parallel_loop3A_970 = tpu.vector_load %arg5[%parallel_loop3A_968, %parallel_loop3A_969] {strides = array<i32>} : memref<8x2048xf32, #tpu.memory_space<vmem>>, vector<1x16xf32>,
        %parallel_loop3A_971 = vector.shape_cast %parallel_loop3A_970 : vector<1x16xf32> to vector<16xf32>
        %parallel_loop3A_972 = vector.shape_cast %parallel_loop3A_967 : vector<16xf32> to vector<1x16xf32>
        tpu.vector_store %arg5[%parallel_loop3A_968, %parallel_loop3A_969], %parallel_loop3A_972 {add = true, strides = array<i32>} : memref<8x2048xf32, #tpu.memory_space<vmem>>, vector<1x16xf32>,
        %parallel_loop3A_973 = arith.index_cast %parallel_loop3A_135 : i32 to index
        %parallel_loop3A_974 = arith.constant 1488 : index
        %parallel_loop3A_975 = tpu.vector_load %arg6[%parallel_loop3A_973, %parallel_loop3A_974] {strides = array<i32>} : memref<8x2048xf32, #tpu.memory_space<vmem>>, vector<1x16xf32>,
        %parallel_loop3A_976 = vector.shape_cast %parallel_loop3A_975 : vector<1x16xf32> to vector<16xf32>
        %parallel_loop3A_977 = arith.index_cast %parallel_loop3A_135 : i32 to index
        %parallel_loop3A_978 = arith.constant 1488 : index
        %parallel_loop3A_979 = tpu.vector_load %arg5[%parallel_loop3A_977, %parallel_loop3A_978] {strides = array<i32>} : memref<8x2048xf32, #tpu.memory_space<vmem>>, vector<1x16xf32>,
        %parallel_loop3A_980 = vector.shape_cast %parallel_loop3A_979 : vector<1x16xf32> to vector<16xf32>
        %parallel_loop3A_981 = vector.shape_cast %parallel_loop3A_976 : vector<16xf32> to vector<1x16xf32>
        tpu.vector_store %arg5[%parallel_loop3A_977, %parallel_loop3A_978], %parallel_loop3A_981 {add = true, strides = array<i32>} : memref<8x2048xf32, #tpu.memory_space<vmem>>, vector<1x16xf32>,
        %parallel_loop3A_982 = arith.index_cast %parallel_loop3A_135 : i32 to index
        %parallel_loop3A_983 = arith.constant 1504 : index
        %parallel_loop3A_984 = tpu.vector_load %arg6[%parallel_loop3A_982, %parallel_loop3A_983] {strides = array<i32>} : memref<8x2048xf32, #tpu.memory_space<vmem>>, vector<1x16xf32>,
        %parallel_loop3A_985 = vector.shape_cast %parallel_loop3A_984 : vector<1x16xf32> to vector<16xf32>
        %parallel_loop3A_986 = arith.index_cast %parallel_loop3A_135 : i32 to index
        %parallel_loop3A_987 = arith.constant 1504 : index
        %parallel_loop3A_988 = tpu.vector_load %arg5[%parallel_loop3A_986, %parallel_loop3A_987] {strides = array<i32>} : memref<8x2048xf32, #tpu.memory_space<vmem>>, vector<1x16xf32>,
        %parallel_loop3A_989 = vector.shape_cast %parallel_loop3A_988 : vector<1x16xf32> to vector<16xf32>
        %parallel_loop3A_990 = vector.shape_cast %parallel_loop3A_985 : vector<16xf32> to vector<1x16xf32>
        tpu.vector_store %arg5[%parallel_loop3A_986, %parallel_loop3A_987], %parallel_loop3A_990 {add = true, strides = array<i32>} : memref<8x2048xf32, #tpu.memory_space<vmem>>, vector<1x16xf32>,
        %parallel_loop3A_991 = arith.index_cast %parallel_loop3A_135 : i32 to index
        %parallel_loop3A_992 = arith.constant 1520 : index
        %parallel_loop3A_993 = tpu.vector_load %arg6[%parallel_loop3A_991, %parallel_loop3A_992] {strides = array<i32>} : memref<8x2048xf32, #tpu.memory_space<vmem>>, vector<1x16xf32>,
        %parallel_loop3A_994 = vector.shape_cast %parallel_loop3A_993 : vector<1x16xf32> to vector<16xf32>
        %parallel_loop3A_995 = arith.index_cast %parallel_loop3A_135 : i32 to index
        %parallel_loop3A_996 = arith.constant 1520 : index
        %parallel_loop3A_997 = tpu.vector_load %arg5[%parallel_loop3A_995, %parallel_loop3A_996] {strides = array<i32>} : memref<8x2048xf32, #tpu.memory_space<vmem>>, vector<1x16xf32>,
        %parallel_loop3A_998 = vector.shape_cast %parallel_loop3A_997 : vector<1x16xf32> to vector<16xf32>
        %parallel_loop3A_999 = vector.shape_cast %parallel_loop3A_994 : vector<16xf32> to vector<1x16xf32>
        tpu.vector_store %arg5[%parallel_loop3A_995, %parallel_loop3A_996], %parallel_loop3A_999 {add = true, strides = array<i32>} : memref<8x2048xf32, #tpu.memory_space<vmem>>, vector<1x16xf32>,
        %parallel_loop3A_1000 = arith.index_cast %parallel_loop3A_135 : i32 to index
        %parallel_loop3A_1001 = arith.constant 1536 : index
        %parallel_loop3A_1002 = tpu.vector_load %arg6[%parallel_loop3A_1000, %parallel_loop3A_1001] {strides = array<i32>} : memref<8x2048xf32, #tpu.memory_space<vmem>>, vector<1x16xf32>,
        %parallel_loop3A_1003 = vector.shape_cast %parallel_loop3A_1002 : vector<1x16xf32> to vector<16xf32>
        %parallel_loop3A_1004 = arith.index_cast %parallel_loop3A_135 : i32 to index
        %parallel_loop3A_1005 = arith.constant 1536 : index
        %parallel_loop3A_1006 = tpu.vector_load %arg5[%parallel_loop3A_1004, %parallel_loop3A_1005] {strides = array<i32>} : memref<8x2048xf32, #tpu.memory_space<vmem>>, vector<1x16xf32>,
        %parallel_loop3A_1007 = vector.shape_cast %parallel_loop3A_1006 : vector<1x16xf32> to vector<16xf32>
        %parallel_loop3A_1008 = vector.shape_cast %parallel_loop3A_1003 : vector<16xf32> to vector<1x16xf32>
        tpu.vector_store %arg5[%parallel_loop3A_1004, %parallel_loop3A_1005], %parallel_loop3A_1008 {add = true, strides = array<i32>} : memref<8x2048xf32, #tpu.memory_space<vmem>>, vector<1x16xf32>,
        %parallel_loop3A_1009 = arith.index_cast %parallel_loop3A_135 : i32 to index
        %parallel_loop3A_1010 = arith.constant 1552 : index
        %parallel_loop3A_1011 = tpu.vector_load %arg6[%parallel_loop3A_1009, %parallel_loop3A_1010] {strides = array<i32>} : memref<8x2048xf32, #tpu.memory_space<vmem>>, vector<1x16xf32>,
        %parallel_loop3A_1012 = vector.shape_cast %parallel_loop3A_1011 : vector<1x16xf32> to vector<16xf32>
        %parallel_loop3A_1013 = arith.index_cast %parallel_loop3A_135 : i32 to index
        %parallel_loop3A_1014 = arith.constant 1552 : index
        %parallel_loop3A_1015 = tpu.vector_load %arg5[%parallel_loop3A_1013, %parallel_loop3A_1014] {strides = array<i32>} : memref<8x2048xf32, #tpu.memory_space<vmem>>, vector<1x16xf32>,
        %parallel_loop3A_1016 = vector.shape_cast %parallel_loop3A_1015 : vector<1x16xf32> to vector<16xf32>
        %parallel_loop3A_1017 = vector.shape_cast %parallel_loop3A_1012 : vector<16xf32> to vector<1x16xf32>
        tpu.vector_store %arg5[%parallel_loop3A_1013, %parallel_loop3A_1014], %parallel_loop3A_1017 {add = true, strides = array<i32>} : memref<8x2048xf32, #tpu.memory_space<vmem>>, vector<1x16xf32>,
        %parallel_loop3A_1018 = arith.index_cast %parallel_loop3A_135 : i32 to index
        %parallel_loop3A_1019 = arith.constant 1568 : index
        %parallel_loop3A_1020 = tpu.vector_load %arg6[%parallel_loop3A_1018, %parallel_loop3A_1019] {strides = array<i32>} : memref<8x2048xf32, #tpu.memory_space<vmem>>, vector<1x16xf32>,
        %parallel_loop3A_1021 = vector.shape_cast %parallel_loop3A_1020 : vector<1x16xf32> to vector<16xf32>
        %parallel_loop3A_1022 = arith.index_cast %parallel_loop3A_135 : i32 to index
        %parallel_loop3A_1023 = arith.constant 1568 : index
        %parallel_loop3A_1024 = tpu.vector_load %arg5[%parallel_loop3A_1022, %parallel_loop3A_1023] {strides = array<i32>} : memref<8x2048xf32, #tpu.memory_space<vmem>>, vector<1x16xf32>,
        %parallel_loop3A_1025 = vector.shape_cast %parallel_loop3A_1024 : vector<1x16xf32> to vector<16xf32>
        %parallel_loop3A_1026 = vector.shape_cast %parallel_loop3A_1021 : vector<16xf32> to vector<1x16xf32>
        tpu.vector_store %arg5[%parallel_loop3A_1022, %parallel_loop3A_1023], %parallel_loop3A_1026 {add = true, strides = array<i32>} : memref<8x2048xf32, #tpu.memory_space<vmem>>, vector<1x16xf32>,
        %parallel_loop3A_1027 = arith.index_cast %parallel_loop3A_135 : i32 to index
        %parallel_loop3A_1028 = arith.constant 1584 : index
        %parallel_loop3A_1029 = tpu.vector_load %arg6[%parallel_loop3A_1027, %parallel_loop3A_1028] {strides = array<i32>} : memref<8x2048xf32, #tpu.memory_space<vmem>>, vector<1x16xf32>,
        %parallel_loop3A_1030 = vector.shape_cast %parallel_loop3A_1029 : vector<1x16xf32> to vector<16xf32>
        %parallel_loop3A_1031 = arith.index_cast %parallel_loop3A_135 : i32 to index
        %parallel_loop3A_1032 = arith.constant 1584 : index
        %parallel_loop3A_1033 = tpu.vector_load %arg5[%parallel_loop3A_1031, %parallel_loop3A_1032] {strides = array<i32>} : memref<8x2048xf32, #tpu.memory_space<vmem>>, vector<1x16xf32>,
        %parallel_loop3A_1034 = vector.shape_cast %parallel_loop3A_1033 : vector<1x16xf32> to vector<16xf32>
        %parallel_loop3A_1035 = vector.shape_cast %parallel_loop3A_1030 : vector<16xf32> to vector<1x16xf32>
        tpu.vector_store %arg5[%parallel_loop3A_1031, %parallel_loop3A_1032], %parallel_loop3A_1035 {add = true, strides = array<i32>} : memref<8x2048xf32, #tpu.memory_space<vmem>>, vector<1x16xf32>,
        %parallel_loop3A_1036 = arith.index_cast %parallel_loop3A_135 : i32 to index
        %parallel_loop3A_1037 = arith.constant 1600 : index
        %parallel_loop3A_1038 = tpu.vector_load %arg6[%parallel_loop3A_1036, %parallel_loop3A_1037] {strides = array<i32>} : memref<8x2048xf32, #tpu.memory_space<vmem>>, vector<1x16xf32>,
        %parallel_loop3A_1039 = vector.shape_cast %parallel_loop3A_1038 : vector<1x16xf32> to vector<16xf32>
        %parallel_loop3A_1040 = arith.index_cast %parallel_loop3A_135 : i32 to index
        %parallel_loop3A_1041 = arith.constant 1600 : index
        %parallel_loop3A_1042 = tpu.vector_load %arg5[%parallel_loop3A_1040, %parallel_loop3A_1041] {strides = array<i32>} : memref<8x2048xf32, #tpu.memory_space<vmem>>, vector<1x16xf32>,
        %parallel_loop3A_1043 = vector.shape_cast %parallel_loop3A_1042 : vector<1x16xf32> to vector<16xf32>
        %parallel_loop3A_1044 = vector.shape_cast %parallel_loop3A_1039 : vector<16xf32> to vector<1x16xf32>
        tpu.vector_store %arg5[%parallel_loop3A_1040, %parallel_loop3A_1041], %parallel_loop3A_1044 {add = true, strides = array<i32>} : memref<8x2048xf32, #tpu.memory_space<vmem>>, vector<1x16xf32>,
        %parallel_loop3A_1045 = arith.index_cast %parallel_loop3A_135 : i32 to index
        %parallel_loop3A_1046 = arith.constant 1616 : index
        %parallel_loop3A_1047 = tpu.vector_load %arg6[%parallel_loop3A_1045, %parallel_loop3A_1046] {strides = array<i32>} : memref<8x2048xf32, #tpu.memory_space<vmem>>, vector<1x16xf32>,
        %parallel_loop3A_1048 = vector.shape_cast %parallel_loop3A_1047 : vector<1x16xf32> to vector<16xf32>
        %parallel_loop3A_1049 = arith.index_cast %parallel_loop3A_135 : i32 to index
        %parallel_loop3A_1050 = arith.constant 1616 : index
        %parallel_loop3A_1051 = tpu.vector_load %arg5[%parallel_loop3A_1049, %parallel_loop3A_1050] {strides = array<i32>} : memref<8x2048xf32, #tpu.memory_space<vmem>>, vector<1x16xf32>,
        %parallel_loop3A_1052 = vector.shape_cast %parallel_loop3A_1051 : vector<1x16xf32> to vector<16xf32>
        %parallel_loop3A_1053 = vector.shape_cast %parallel_loop3A_1048 : vector<16xf32> to vector<1x16xf32>
        tpu.vector_store %arg5[%parallel_loop3A_1049, %parallel_loop3A_1050], %parallel_loop3A_1053 {add = true, strides = array<i32>} : memref<8x2048xf32, #tpu.memory_space<vmem>>, vector<1x16xf32>,
        %parallel_loop3A_1054 = arith.index_cast %parallel_loop3A_135 : i32 to index
        %parallel_loop3A_1055 = arith.constant 1632 : index
        %parallel_loop3A_1056 = tpu.vector_load %arg6[%parallel_loop3A_1054, %parallel_loop3A_1055] {strides = array<i32>} : memref<8x2048xf32, #tpu.memory_space<vmem>>, vector<1x16xf32>,
        %parallel_loop3A_1057 = vector.shape_cast %parallel_loop3A_1056 : vector<1x16xf32> to vector<16xf32>
        %parallel_loop3A_1058 = arith.index_cast %parallel_loop3A_135 : i32 to index
        %parallel_loop3A_1059 = arith.constant 1632 : index
        %parallel_loop3A_1060 = tpu.vector_load %arg5[%parallel_loop3A_1058, %parallel_loop3A_1059] {strides = array<i32>} : memref<8x2048xf32, #tpu.memory_space<vmem>>, vector<1x16xf32>,
        %parallel_loop3A_1061 = vector.shape_cast %parallel_loop3A_1060 : vector<1x16xf32> to vector<16xf32>
        %parallel_loop3A_1062 = vector.shape_cast %parallel_loop3A_1057 : vector<16xf32> to vector<1x16xf32>
        tpu.vector_store %arg5[%parallel_loop3A_1058, %parallel_loop3A_1059], %parallel_loop3A_1062 {add = true, strides = array<i32>} : memref<8x2048xf32, #tpu.memory_space<vmem>>, vector<1x16xf32>,
        %parallel_loop3A_1063 = arith.index_cast %parallel_loop3A_135 : i32 to index
        %parallel_loop3A_1064 = arith.constant 1648 : index
        %parallel_loop3A_1065 = tpu.vector_load %arg6[%parallel_loop3A_1063, %parallel_loop3A_1064] {strides = array<i32>} : memref<8x2048xf32, #tpu.memory_space<vmem>>, vector<1x16xf32>,
        %parallel_loop3A_1066 = vector.shape_cast %parallel_loop3A_1065 : vector<1x16xf32> to vector<16xf32>
        %parallel_loop3A_1067 = arith.index_cast %parallel_loop3A_135 : i32 to index
        %parallel_loop3A_1068 = arith.constant 1648 : index
        %parallel_loop3A_1069 = tpu.vector_load %arg5[%parallel_loop3A_1067, %parallel_loop3A_1068] {strides = array<i32>} : memref<8x2048xf32, #tpu.memory_space<vmem>>, vector<1x16xf32>,
        %parallel_loop3A_1070 = vector.shape_cast %parallel_loop3A_1069 : vector<1x16xf32> to vector<16xf32>
        %parallel_loop3A_1071 = vector.shape_cast %parallel_loop3A_1066 : vector<16xf32> to vector<1x16xf32>
        tpu.vector_store %arg5[%parallel_loop3A_1067, %parallel_loop3A_1068], %parallel_loop3A_1071 {add = true, strides = array<i32>} : memref<8x2048xf32, #tpu.memory_space<vmem>>, vector<1x16xf32>,
        %parallel_loop3A_1072 = arith.index_cast %parallel_loop3A_135 : i32 to index
        %parallel_loop3A_1073 = arith.constant 1664 : index
        %parallel_loop3A_1074 = tpu.vector_load %arg6[%parallel_loop3A_1072, %parallel_loop3A_1073] {strides = array<i32>} : memref<8x2048xf32, #tpu.memory_space<vmem>>, vector<1x16xf32>,
        %parallel_loop3A_1075 = vector.shape_cast %parallel_loop3A_1074 : vector<1x16xf32> to vector<16xf32>
        %parallel_loop3A_1076 = arith.index_cast %parallel_loop3A_135 : i32 to index
        %parallel_loop3A_1077 = arith.constant 1664 : index
        %parallel_loop3A_1078 = tpu.vector_load %arg5[%parallel_loop3A_1076, %parallel_loop3A_1077] {strides = array<i32>} : memref<8x2048xf32, #tpu.memory_space<vmem>>, vector<1x16xf32>,
        %parallel_loop3A_1079 = vector.shape_cast %parallel_loop3A_1078 : vector<1x16xf32> to vector<16xf32>
        %parallel_loop3A_1080 = vector.shape_cast %parallel_loop3A_1075 : vector<16xf32> to vector<1x16xf32>
        tpu.vector_store %arg5[%parallel_loop3A_1076, %parallel_loop3A_1077], %parallel_loop3A_1080 {add = true, strides = array<i32>} : memref<8x2048xf32, #tpu.memory_space<vmem>>, vector<1x16xf32>,
        %parallel_loop3A_1081 = arith.index_cast %parallel_loop3A_135 : i32 to index
        %parallel_loop3A_1082 = arith.constant 1680 : index
        %parallel_loop3A_1083 = tpu.vector_load %arg6[%parallel_loop3A_1081, %parallel_loop3A_1082] {strides = array<i32>} : memref<8x2048xf32, #tpu.memory_space<vmem>>, vector<1x16xf32>,
        %parallel_loop3A_1084 = vector.shape_cast %parallel_loop3A_1083 : vector<1x16xf32> to vector<16xf32>
        %parallel_loop3A_1085 = arith.index_cast %parallel_loop3A_135 : i32 to index
        %parallel_loop3A_1086 = arith.constant 1680 : index
        %parallel_loop3A_1087 = tpu.vector_load %arg5[%parallel_loop3A_1085, %parallel_loop3A_1086] {strides = array<i32>} : memref<8x2048xf32, #tpu.memory_space<vmem>>, vector<1x16xf32>,
        %parallel_loop3A_1088 = vector.shape_cast %parallel_loop3A_1087 : vector<1x16xf32> to vector<16xf32>
        %parallel_loop3A_1089 = vector.shape_cast %parallel_loop3A_1084 : vector<16xf32> to vector<1x16xf32>
        tpu.vector_store %arg5[%parallel_loop3A_1085, %parallel_loop3A_1086], %parallel_loop3A_1089 {add = true, strides = array<i32>} : memref<8x2048xf32, #tpu.memory_space<vmem>>, vector<1x16xf32>,
        %parallel_loop3A_1090 = arith.index_cast %parallel_loop3A_135 : i32 to index
        %parallel_loop3A_1091 = arith.constant 1696 : index
        %parallel_loop3A_1092 = tpu.vector_load %arg6[%parallel_loop3A_1090, %parallel_loop3A_1091] {strides = array<i32>} : memref<8x2048xf32, #tpu.memory_space<vmem>>, vector<1x16xf32>,
        %parallel_loop3A_1093 = vector.shape_cast %parallel_loop3A_1092 : vector<1x16xf32> to vector<16xf32>
        %parallel_loop3A_1094 = arith.index_cast %parallel_loop3A_135 : i32 to index
        %parallel_loop3A_1095 = arith.constant 1696 : index
        %parallel_loop3A_1096 = tpu.vector_load %arg5[%parallel_loop3A_1094, %parallel_loop3A_1095] {strides = array<i32>} : memref<8x2048xf32, #tpu.memory_space<vmem>>, vector<1x16xf32>,
        %parallel_loop3A_1097 = vector.shape_cast %parallel_loop3A_1096 : vector<1x16xf32> to vector<16xf32>
        %parallel_loop3A_1098 = vector.shape_cast %parallel_loop3A_1093 : vector<16xf32> to vector<1x16xf32>
        tpu.vector_store %arg5[%parallel_loop3A_1094, %parallel_loop3A_1095], %parallel_loop3A_1098 {add = true, strides = array<i32>} : memref<8x2048xf32, #tpu.memory_space<vmem>>, vector<1x16xf32>,
        %parallel_loop3A_1099 = arith.index_cast %parallel_loop3A_135 : i32 to index
        %parallel_loop3A_1100 = arith.constant 1712 : index
        %parallel_loop3A_1101 = tpu.vector_load %arg6[%parallel_loop3A_1099, %parallel_loop3A_1100] {strides = array<i32>} : memref<8x2048xf32, #tpu.memory_space<vmem>>, vector<1x16xf32>,
        %parallel_loop3A_1102 = vector.shape_cast %parallel_loop3A_1101 : vector<1x16xf32> to vector<16xf32>
        %parallel_loop3A_1103 = arith.index_cast %parallel_loop3A_135 : i32 to index
        %parallel_loop3A_1104 = arith.constant 1712 : index
        %parallel_loop3A_1105 = tpu.vector_load %arg5[%parallel_loop3A_1103, %parallel_loop3A_1104] {strides = array<i32>} : memref<8x2048xf32, #tpu.memory_space<vmem>>, vector<1x16xf32>,
        %parallel_loop3A_1106 = vector.shape_cast %parallel_loop3A_1105 : vector<1x16xf32> to vector<16xf32>
        %parallel_loop3A_1107 = vector.shape_cast %parallel_loop3A_1102 : vector<16xf32> to vector<1x16xf32>
        tpu.vector_store %arg5[%parallel_loop3A_1103, %parallel_loop3A_1104], %parallel_loop3A_1107 {add = true, strides = array<i32>} : memref<8x2048xf32, #tpu.memory_space<vmem>>, vector<1x16xf32>,
        %parallel_loop3A_1108 = arith.index_cast %parallel_loop3A_135 : i32 to index
        %parallel_loop3A_1109 = arith.constant 1728 : index
        %parallel_loop3A_1110 = tpu.vector_load %arg6[%parallel_loop3A_1108, %parallel_loop3A_1109] {strides = array<i32>} : memref<8x2048xf32, #tpu.memory_space<vmem>>, vector<1x16xf32>,
        %parallel_loop3A_1111 = vector.shape_cast %parallel_loop3A_1110 : vector<1x16xf32> to vector<16xf32>
        %parallel_loop3A_1112 = arith.index_cast %parallel_loop3A_135 : i32 to index
        %parallel_loop3A_1113 = arith.constant 1728 : index
        %parallel_loop3A_1114 = tpu.vector_load %arg5[%parallel_loop3A_1112, %parallel_loop3A_1113] {strides = array<i32>} : memref<8x2048xf32, #tpu.memory_space<vmem>>, vector<1x16xf32>,
        %parallel_loop3A_1115 = vector.shape_cast %parallel_loop3A_1114 : vector<1x16xf32> to vector<16xf32>
        %parallel_loop3A_1116 = vector.shape_cast %parallel_loop3A_1111 : vector<16xf32> to vector<1x16xf32>
        tpu.vector_store %arg5[%parallel_loop3A_1112, %parallel_loop3A_1113], %parallel_loop3A_1116 {add = true, strides = array<i32>} : memref<8x2048xf32, #tpu.memory_space<vmem>>, vector<1x16xf32>,
        %parallel_loop3A_1117 = arith.index_cast %parallel_loop3A_135 : i32 to index
        %parallel_loop3A_1118 = arith.constant 1744 : index
        %parallel_loop3A_1119 = tpu.vector_load %arg6[%parallel_loop3A_1117, %parallel_loop3A_1118] {strides = array<i32>} : memref<8x2048xf32, #tpu.memory_space<vmem>>, vector<1x16xf32>,
        %parallel_loop3A_1120 = vector.shape_cast %parallel_loop3A_1119 : vector<1x16xf32> to vector<16xf32>
        %parallel_loop3A_1121 = arith.index_cast %parallel_loop3A_135 : i32 to index
        %parallel_loop3A_1122 = arith.constant 1744 : index
        %parallel_loop3A_1123 = tpu.vector_load %arg5[%parallel_loop3A_1121, %parallel_loop3A_1122] {strides = array<i32>} : memref<8x2048xf32, #tpu.memory_space<vmem>>, vector<1x16xf32>,
        %parallel_loop3A_1124 = vector.shape_cast %parallel_loop3A_1123 : vector<1x16xf32> to vector<16xf32>
        %parallel_loop3A_1125 = vector.shape_cast %parallel_loop3A_1120 : vector<16xf32> to vector<1x16xf32>
        tpu.vector_store %arg5[%parallel_loop3A_1121, %parallel_loop3A_1122], %parallel_loop3A_1125 {add = true, strides = array<i32>} : memref<8x2048xf32, #tpu.memory_space<vmem>>, vector<1x16xf32>,
        %parallel_loop3A_1126 = arith.index_cast %parallel_loop3A_135 : i32 to index
        %parallel_loop3A_1127 = arith.constant 1760 : index
        %parallel_loop3A_1128 = tpu.vector_load %arg6[%parallel_loop3A_1126, %parallel_loop3A_1127] {strides = array<i32>} : memref<8x2048xf32, #tpu.memory_space<vmem>>, vector<1x16xf32>,
        %parallel_loop3A_1129 = vector.shape_cast %parallel_loop3A_1128 : vector<1x16xf32> to vector<16xf32>
        %parallel_loop3A_1130 = arith.index_cast %parallel_loop3A_135 : i32 to index
        %parallel_loop3A_1131 = arith.constant 1760 : index
        %parallel_loop3A_1132 = tpu.vector_load %arg5[%parallel_loop3A_1130, %parallel_loop3A_1131] {strides = array<i32>} : memref<8x2048xf32, #tpu.memory_space<vmem>>, vector<1x16xf32>,
        %parallel_loop3A_1133 = vector.shape_cast %parallel_loop3A_1132 : vector<1x16xf32> to vector<16xf32>
        %parallel_loop3A_1134 = vector.shape_cast %parallel_loop3A_1129 : vector<16xf32> to vector<1x16xf32>
        tpu.vector_store %arg5[%parallel_loop3A_1130, %parallel_loop3A_1131], %parallel_loop3A_1134 {add = true, strides = array<i32>} : memref<8x2048xf32, #tpu.memory_space<vmem>>, vector<1x16xf32>,
        %parallel_loop3A_1135 = arith.index_cast %parallel_loop3A_135 : i32 to index
        %parallel_loop3A_1136 = arith.constant 1776 : index
        %parallel_loop3A_1137 = tpu.vector_load %arg6[%parallel_loop3A_1135, %parallel_loop3A_1136] {strides = array<i32>} : memref<8x2048xf32, #tpu.memory_space<vmem>>, vector<1x16xf32>,
        %parallel_loop3A_1138 = vector.shape_cast %parallel_loop3A_1137 : vector<1x16xf32> to vector<16xf32>
        %parallel_loop3A_1139 = arith.index_cast %parallel_loop3A_135 : i32 to index
        %parallel_loop3A_1140 = arith.constant 1776 : index
        %parallel_loop3A_1141 = tpu.vector_load %arg5[%parallel_loop3A_1139, %parallel_loop3A_1140] {strides = array<i32>} : memref<8x2048xf32, #tpu.memory_space<vmem>>, vector<1x16xf32>,
        %parallel_loop3A_1142 = vector.shape_cast %parallel_loop3A_1141 : vector<1x16xf32> to vector<16xf32>
        %parallel_loop3A_1143 = vector.shape_cast %parallel_loop3A_1138 : vector<16xf32> to vector<1x16xf32>
        tpu.vector_store %arg5[%parallel_loop3A_1139, %parallel_loop3A_1140], %parallel_loop3A_1143 {add = true, strides = array<i32>} : memref<8x2048xf32, #tpu.memory_space<vmem>>, vector<1x16xf32>,
        %parallel_loop3A_1144 = arith.index_cast %parallel_loop3A_135 : i32 to index
        %parallel_loop3A_1145 = arith.constant 1792 : index
        %parallel_loop3A_1146 = tpu.vector_load %arg6[%parallel_loop3A_1144, %parallel_loop3A_1145] {strides = array<i32>} : memref<8x2048xf32, #tpu.memory_space<vmem>>, vector<1x16xf32>,
        %parallel_loop3A_1147 = vector.shape_cast %parallel_loop3A_1146 : vector<1x16xf32> to vector<16xf32>
        %parallel_loop3A_1148 = arith.index_cast %parallel_loop3A_135 : i32 to index
        %parallel_loop3A_1149 = arith.constant 1792 : index
        %parallel_loop3A_1150 = tpu.vector_load %arg5[%parallel_loop3A_1148, %parallel_loop3A_1149] {strides = array<i32>} : memref<8x2048xf32, #tpu.memory_space<vmem>>, vector<1x16xf32>,
        %parallel_loop3A_1151 = vector.shape_cast %parallel_loop3A_1150 : vector<1x16xf32> to vector<16xf32>
        %parallel_loop3A_1152 = vector.shape_cast %parallel_loop3A_1147 : vector<16xf32> to vector<1x16xf32>
        tpu.vector_store %arg5[%parallel_loop3A_1148, %parallel_loop3A_1149], %parallel_loop3A_1152 {add = true, strides = array<i32>} : memref<8x2048xf32, #tpu.memory_space<vmem>>, vector<1x16xf32>,
        %parallel_loop3A_1153 = arith.index_cast %parallel_loop3A_135 : i32 to index
        %parallel_loop3A_1154 = arith.constant 1808 : index
        %parallel_loop3A_1155 = tpu.vector_load %arg6[%parallel_loop3A_1153, %parallel_loop3A_1154] {strides = array<i32>} : memref<8x2048xf32, #tpu.memory_space<vmem>>, vector<1x16xf32>,
        %parallel_loop3A_1156 = vector.shape_cast %parallel_loop3A_1155 : vector<1x16xf32> to vector<16xf32>
        %parallel_loop3A_1157 = arith.index_cast %parallel_loop3A_135 : i32 to index
        %parallel_loop3A_1158 = arith.constant 1808 : index
        %parallel_loop3A_1159 = tpu.vector_load %arg5[%parallel_loop3A_1157, %parallel_loop3A_1158] {strides = array<i32>} : memref<8x2048xf32, #tpu.memory_space<vmem>>, vector<1x16xf32>,
        %parallel_loop3A_1160 = vector.shape_cast %parallel_loop3A_1159 : vector<1x16xf32> to vector<16xf32>
        %parallel_loop3A_1161 = vector.shape_cast %parallel_loop3A_1156 : vector<16xf32> to vector<1x16xf32>
        tpu.vector_store %arg5[%parallel_loop3A_1157, %parallel_loop3A_1158], %parallel_loop3A_1161 {add = true, strides = array<i32>} : memref<8x2048xf32, #tpu.memory_space<vmem>>, vector<1x16xf32>,
        %parallel_loop3A_1162 = arith.index_cast %parallel_loop3A_135 : i32 to index
        %parallel_loop3A_1163 = arith.constant 1824 : index
        %parallel_loop3A_1164 = tpu.vector_load %arg6[%parallel_loop3A_1162, %parallel_loop3A_1163] {strides = array<i32>} : memref<8x2048xf32, #tpu.memory_space<vmem>>, vector<1x16xf32>,
        %parallel_loop3A_1165 = vector.shape_cast %parallel_loop3A_1164 : vector<1x16xf32> to vector<16xf32>
        %parallel_loop3A_1166 = arith.index_cast %parallel_loop3A_135 : i32 to index
        %parallel_loop3A_1167 = arith.constant 1824 : index
        %parallel_loop3A_1168 = tpu.vector_load %arg5[%parallel_loop3A_1166, %parallel_loop3A_1167] {strides = array<i32>} : memref<8x2048xf32, #tpu.memory_space<vmem>>, vector<1x16xf32>,
        %parallel_loop3A_1169 = vector.shape_cast %parallel_loop3A_1168 : vector<1x16xf32> to vector<16xf32>
        %parallel_loop3A_1170 = vector.shape_cast %parallel_loop3A_1165 : vector<16xf32> to vector<1x16xf32>
        tpu.vector_store %arg5[%parallel_loop3A_1166, %parallel_loop3A_1167], %parallel_loop3A_1170 {add = true, strides = array<i32>} : memref<8x2048xf32, #tpu.memory_space<vmem>>, vector<1x16xf32>,
        %parallel_loop3A_1171 = arith.index_cast %parallel_loop3A_135 : i32 to index
        %parallel_loop3A_1172 = arith.constant 1840 : index
        %parallel_loop3A_1173 = tpu.vector_load %arg6[%parallel_loop3A_1171, %parallel_loop3A_1172] {strides = array<i32>} : memref<8x2048xf32, #tpu.memory_space<vmem>>, vector<1x16xf32>,
        %parallel_loop3A_1174 = vector.shape_cast %parallel_loop3A_1173 : vector<1x16xf32> to vector<16xf32>
        %parallel_loop3A_1175 = arith.index_cast %parallel_loop3A_135 : i32 to index
        %parallel_loop3A_1176 = arith.constant 1840 : index
        %parallel_loop3A_1177 = tpu.vector_load %arg5[%parallel_loop3A_1175, %parallel_loop3A_1176] {strides = array<i32>} : memref<8x2048xf32, #tpu.memory_space<vmem>>, vector<1x16xf32>,
        %parallel_loop3A_1178 = vector.shape_cast %parallel_loop3A_1177 : vector<1x16xf32> to vector<16xf32>
        %parallel_loop3A_1179 = vector.shape_cast %parallel_loop3A_1174 : vector<16xf32> to vector<1x16xf32>
        tpu.vector_store %arg5[%parallel_loop3A_1175, %parallel_loop3A_1176], %parallel_loop3A_1179 {add = true, strides = array<i32>} : memref<8x2048xf32, #tpu.memory_space<vmem>>, vector<1x16xf32>,
        %parallel_loop3A_1180 = arith.index_cast %parallel_loop3A_135 : i32 to index
        %parallel_loop3A_1181 = arith.constant 1856 : index
        %parallel_loop3A_1182 = tpu.vector_load %arg6[%parallel_loop3A_1180, %parallel_loop3A_1181] {strides = array<i32>} : memref<8x2048xf32, #tpu.memory_space<vmem>>, vector<1x16xf32>,
        %parallel_loop3A_1183 = vector.shape_cast %parallel_loop3A_1182 : vector<1x16xf32> to vector<16xf32>
        %parallel_loop3A_1184 = arith.index_cast %parallel_loop3A_135 : i32 to index
        %parallel_loop3A_1185 = arith.constant 1856 : index
        %parallel_loop3A_1186 = tpu.vector_load %arg5[%parallel_loop3A_1184, %parallel_loop3A_1185] {strides = array<i32>} : memref<8x2048xf32, #tpu.memory_space<vmem>>, vector<1x16xf32>,
        %parallel_loop3A_1187 = vector.shape_cast %parallel_loop3A_1186 : vector<1x16xf32> to vector<16xf32>
        %parallel_loop3A_1188 = vector.shape_cast %parallel_loop3A_1183 : vector<16xf32> to vector<1x16xf32>
        tpu.vector_store %arg5[%parallel_loop3A_1184, %parallel_loop3A_1185], %parallel_loop3A_1188 {add = true, strides = array<i32>} : memref<8x2048xf32, #tpu.memory_space<vmem>>, vector<1x16xf32>,
        %parallel_loop3A_1189 = arith.index_cast %parallel_loop3A_135 : i32 to index
        %parallel_loop3A_1190 = arith.constant 1872 : index
        %parallel_loop3A_1191 = tpu.vector_load %arg6[%parallel_loop3A_1189, %parallel_loop3A_1190] {strides = array<i32>} : memref<8x2048xf32, #tpu.memory_space<vmem>>, vector<1x16xf32>,
        %parallel_loop3A_1192 = vector.shape_cast %parallel_loop3A_1191 : vector<1x16xf32> to vector<16xf32>
        %parallel_loop3A_1193 = arith.index_cast %parallel_loop3A_135 : i32 to index
        %parallel_loop3A_1194 = arith.constant 1872 : index
        %parallel_loop3A_1195 = tpu.vector_load %arg5[%parallel_loop3A_1193, %parallel_loop3A_1194] {strides = array<i32>} : memref<8x2048xf32, #tpu.memory_space<vmem>>, vector<1x16xf32>,
        %parallel_loop3A_1196 = vector.shape_cast %parallel_loop3A_1195 : vector<1x16xf32> to vector<16xf32>
        %parallel_loop3A_1197 = vector.shape_cast %parallel_loop3A_1192 : vector<16xf32> to vector<1x16xf32>
        tpu.vector_store %arg5[%parallel_loop3A_1193, %parallel_loop3A_1194], %parallel_loop3A_1197 {add = true, strides = array<i32>} : memref<8x2048xf32, #tpu.memory_space<vmem>>, vector<1x16xf32>,
        %parallel_loop3A_1198 = arith.index_cast %parallel_loop3A_135 : i32 to index
        %parallel_loop3A_1199 = arith.constant 1888 : index
        %parallel_loop3A_1200 = tpu.vector_load %arg6[%parallel_loop3A_1198, %parallel_loop3A_1199] {strides = array<i32>} : memref<8x2048xf32, #tpu.memory_space<vmem>>, vector<1x16xf32>,
        %parallel_loop3A_1201 = vector.shape_cast %parallel_loop3A_1200 : vector<1x16xf32> to vector<16xf32>
        %parallel_loop3A_1202 = arith.index_cast %parallel_loop3A_135 : i32 to index
        %parallel_loop3A_1203 = arith.constant 1888 : index
        %parallel_loop3A_1204 = tpu.vector_load %arg5[%parallel_loop3A_1202, %parallel_loop3A_1203] {strides = array<i32>} : memref<8x2048xf32, #tpu.memory_space<vmem>>, vector<1x16xf32>,
        %parallel_loop3A_1205 = vector.shape_cast %parallel_loop3A_1204 : vector<1x16xf32> to vector<16xf32>
        %parallel_loop3A_1206 = vector.shape_cast %parallel_loop3A_1201 : vector<16xf32> to vector<1x16xf32>
        tpu.vector_store %arg5[%parallel_loop3A_1202, %parallel_loop3A_1203], %parallel_loop3A_1206 {add = true, strides = array<i32>} : memref<8x2048xf32, #tpu.memory_space<vmem>>, vector<1x16xf32>,
        %parallel_loop3A_1207 = arith.index_cast %parallel_loop3A_135 : i32 to index
        %parallel_loop3A_1208 = arith.constant 1904 : index
        %parallel_loop3A_1209 = tpu.vector_load %arg6[%parallel_loop3A_1207, %parallel_loop3A_1208] {strides = array<i32>} : memref<8x2048xf32, #tpu.memory_space<vmem>>, vector<1x16xf32>,
        %parallel_loop3A_1210 = vector.shape_cast %parallel_loop3A_1209 : vector<1x16xf32> to vector<16xf32>
        %parallel_loop3A_1211 = arith.index_cast %parallel_loop3A_135 : i32 to index
        %parallel_loop3A_1212 = arith.constant 1904 : index
        %parallel_loop3A_1213 = tpu.vector_load %arg5[%parallel_loop3A_1211, %parallel_loop3A_1212] {strides = array<i32>} : memref<8x2048xf32, #tpu.memory_space<vmem>>, vector<1x16xf32>,
        %parallel_loop3A_1214 = vector.shape_cast %parallel_loop3A_1213 : vector<1x16xf32> to vector<16xf32>
        %parallel_loop3A_1215 = vector.shape_cast %parallel_loop3A_1210 : vector<16xf32> to vector<1x16xf32>
        tpu.vector_store %arg5[%parallel_loop3A_1211, %parallel_loop3A_1212], %parallel_loop3A_1215 {add = true, strides = array<i32>} : memref<8x2048xf32, #tpu.memory_space<vmem>>, vector<1x16xf32>,
        %parallel_loop3A_1216 = arith.index_cast %parallel_loop3A_135 : i32 to index
        %parallel_loop3A_1217 = arith.constant 1920 : index
        %parallel_loop3A_1218 = tpu.vector_load %arg6[%parallel_loop3A_1216, %parallel_loop3A_1217] {strides = array<i32>} : memref<8x2048xf32, #tpu.memory_space<vmem>>, vector<1x16xf32>,
        %parallel_loop3A_1219 = vector.shape_cast %parallel_loop3A_1218 : vector<1x16xf32> to vector<16xf32>
        %parallel_loop3A_1220 = arith.index_cast %parallel_loop3A_135 : i32 to index
        %parallel_loop3A_1221 = arith.constant 1920 : index
        %parallel_loop3A_1222 = tpu.vector_load %arg5[%parallel_loop3A_1220, %parallel_loop3A_1221] {strides = array<i32>} : memref<8x2048xf32, #tpu.memory_space<vmem>>, vector<1x16xf32>,
        %parallel_loop3A_1223 = vector.shape_cast %parallel_loop3A_1222 : vector<1x16xf32> to vector<16xf32>
        %parallel_loop3A_1224 = vector.shape_cast %parallel_loop3A_1219 : vector<16xf32> to vector<1x16xf32>
        tpu.vector_store %arg5[%parallel_loop3A_1220, %parallel_loop3A_1221], %parallel_loop3A_1224 {add = true, strides = array<i32>} : memref<8x2048xf32, #tpu.memory_space<vmem>>, vector<1x16xf32>,
        %parallel_loop3A_1225 = arith.index_cast %parallel_loop3A_135 : i32 to index
        %parallel_loop3A_1226 = arith.constant 1936 : index
        %parallel_loop3A_1227 = tpu.vector_load %arg6[%parallel_loop3A_1225, %parallel_loop3A_1226] {strides = array<i32>} : memref<8x2048xf32, #tpu.memory_space<vmem>>, vector<1x16xf32>,
        %parallel_loop3A_1228 = vector.shape_cast %parallel_loop3A_1227 : vector<1x16xf32> to vector<16xf32>
        %parallel_loop3A_1229 = arith.index_cast %parallel_loop3A_135 : i32 to index
        %parallel_loop3A_1230 = arith.constant 1936 : index
        %parallel_loop3A_1231 = tpu.vector_load %arg5[%parallel_loop3A_1229, %parallel_loop3A_1230] {strides = array<i32>} : memref<8x2048xf32, #tpu.memory_space<vmem>>, vector<1x16xf32>,
        %parallel_loop3A_1232 = vector.shape_cast %parallel_loop3A_1231 : vector<1x16xf32> to vector<16xf32>
        %parallel_loop3A_1233 = vector.shape_cast %parallel_loop3A_1228 : vector<16xf32> to vector<1x16xf32>
        tpu.vector_store %arg5[%parallel_loop3A_1229, %parallel_loop3A_1230], %parallel_loop3A_1233 {add = true, strides = array<i32>} : memref<8x2048xf32, #tpu.memory_space<vmem>>, vector<1x16xf32>,
        %parallel_loop3A_1234 = arith.index_cast %parallel_loop3A_135 : i32 to index
        %parallel_loop3A_1235 = arith.constant 1952 : index
        %parallel_loop3A_1236 = tpu.vector_load %arg6[%parallel_loop3A_1234, %parallel_loop3A_1235] {strides = array<i32>} : memref<8x2048xf32, #tpu.memory_space<vmem>>, vector<1x16xf32>,
        %parallel_loop3A_1237 = vector.shape_cast %parallel_loop3A_1236 : vector<1x16xf32> to vector<16xf32>
        %parallel_loop3A_1238 = arith.index_cast %parallel_loop3A_135 : i32 to index
        %parallel_loop3A_1239 = arith.constant 1952 : index
        %parallel_loop3A_1240 = tpu.vector_load %arg5[%parallel_loop3A_1238, %parallel_loop3A_1239] {strides = array<i32>} : memref<8x2048xf32, #tpu.memory_space<vmem>>, vector<1x16xf32>,
        %parallel_loop3A_1241 = vector.shape_cast %parallel_loop3A_1240 : vector<1x16xf32> to vector<16xf32>
        %parallel_loop3A_1242 = vector.shape_cast %parallel_loop3A_1237 : vector<16xf32> to vector<1x16xf32>
        tpu.vector_store %arg5[%parallel_loop3A_1238, %parallel_loop3A_1239], %parallel_loop3A_1242 {add = true, strides = array<i32>} : memref<8x2048xf32, #tpu.memory_space<vmem>>, vector<1x16xf32>,
        %parallel_loop3A_1243 = arith.index_cast %parallel_loop3A_135 : i32 to index
        %parallel_loop3A_1244 = arith.constant 1968 : index
        %parallel_loop3A_1245 = tpu.vector_load %arg6[%parallel_loop3A_1243, %parallel_loop3A_1244] {strides = array<i32>} : memref<8x2048xf32, #tpu.memory_space<vmem>>, vector<1x16xf32>,
        %parallel_loop3A_1246 = vector.shape_cast %parallel_loop3A_1245 : vector<1x16xf32> to vector<16xf32>
        %parallel_loop3A_1247 = arith.index_cast %parallel_loop3A_135 : i32 to index
        %parallel_loop3A_1248 = arith.constant 1968 : index
        %parallel_loop3A_1249 = tpu.vector_load %arg5[%parallel_loop3A_1247, %parallel_loop3A_1248] {strides = array<i32>} : memref<8x2048xf32, #tpu.memory_space<vmem>>, vector<1x16xf32>,
        %parallel_loop3A_1250 = vector.shape_cast %parallel_loop3A_1249 : vector<1x16xf32> to vector<16xf32>
        %parallel_loop3A_1251 = vector.shape_cast %parallel_loop3A_1246 : vector<16xf32> to vector<1x16xf32>
        tpu.vector_store %arg5[%parallel_loop3A_1247, %parallel_loop3A_1248], %parallel_loop3A_1251 {add = true, strides = array<i32>} : memref<8x2048xf32, #tpu.memory_space<vmem>>, vector<1x16xf32>,
        %parallel_loop3A_1252 = arith.index_cast %parallel_loop3A_135 : i32 to index
        %parallel_loop3A_1253 = arith.constant 1984 : index
        %parallel_loop3A_1254 = tpu.vector_load %arg6[%parallel_loop3A_1252, %parallel_loop3A_1253] {strides = array<i32>} : memref<8x2048xf32, #tpu.memory_space<vmem>>, vector<1x16xf32>,
        %parallel_loop3A_1255 = vector.shape_cast %parallel_loop3A_1254 : vector<1x16xf32> to vector<16xf32>
        %parallel_loop3A_1256 = arith.index_cast %parallel_loop3A_135 : i32 to index
        %parallel_loop3A_1257 = arith.constant 1984 : index
        %parallel_loop3A_1258 = tpu.vector_load %arg5[%parallel_loop3A_1256, %parallel_loop3A_1257] {strides = array<i32>} : memref<8x2048xf32, #tpu.memory_space<vmem>>, vector<1x16xf32>,
        %parallel_loop3A_1259 = vector.shape_cast %parallel_loop3A_1258 : vector<1x16xf32> to vector<16xf32>
        %parallel_loop3A_1260 = vector.shape_cast %parallel_loop3A_1255 : vector<16xf32> to vector<1x16xf32>
        tpu.vector_store %arg5[%parallel_loop3A_1256, %parallel_loop3A_1257], %parallel_loop3A_1260 {add = true, strides = array<i32>} : memref<8x2048xf32, #tpu.memory_space<vmem>>, vector<1x16xf32>,
        %parallel_loop3A_1261 = arith.index_cast %parallel_loop3A_135 : i32 to index
        %parallel_loop3A_1262 = arith.constant 2000 : index
        %parallel_loop3A_1263 = tpu.vector_load %arg6[%parallel_loop3A_1261, %parallel_loop3A_1262] {strides = array<i32>} : memref<8x2048xf32, #tpu.memory_space<vmem>>, vector<1x16xf32>,
        %parallel_loop3A_1264 = vector.shape_cast %parallel_loop3A_1263 : vector<1x16xf32> to vector<16xf32>
        %parallel_loop3A_1265 = arith.index_cast %parallel_loop3A_135 : i32 to index
        %parallel_loop3A_1266 = arith.constant 2000 : index
        %parallel_loop3A_1267 = tpu.vector_load %arg5[%parallel_loop3A_1265, %parallel_loop3A_1266] {strides = array<i32>} : memref<8x2048xf32, #tpu.memory_space<vmem>>, vector<1x16xf32>,
        %parallel_loop3A_1268 = vector.shape_cast %parallel_loop3A_1267 : vector<1x16xf32> to vector<16xf32>
        %parallel_loop3A_1269 = vector.shape_cast %parallel_loop3A_1264 : vector<16xf32> to vector<1x16xf32>
        tpu.vector_store %arg5[%parallel_loop3A_1265, %parallel_loop3A_1266], %parallel_loop3A_1269 {add = true, strides = array<i32>} : memref<8x2048xf32, #tpu.memory_space<vmem>>, vector<1x16xf32>,
        %parallel_loop3A_1270 = arith.index_cast %parallel_loop3A_135 : i32 to index
        %parallel_loop3A_1271 = arith.constant 2016 : index
        %parallel_loop3A_1272 = tpu.vector_load %arg6[%parallel_loop3A_1270, %parallel_loop3A_1271] {strides = array<i32>} : memref<8x2048xf32, #tpu.memory_space<vmem>>, vector<1x16xf32>,
        %parallel_loop3A_1273 = vector.shape_cast %parallel_loop3A_1272 : vector<1x16xf32> to vector<16xf32>
        %parallel_loop3A_1274 = arith.index_cast %parallel_loop3A_135 : i32 to index
        %parallel_loop3A_1275 = arith.constant 2016 : index
        %parallel_loop3A_1276 = tpu.vector_load %arg5[%parallel_loop3A_1274, %parallel_loop3A_1275] {strides = array<i32>} : memref<8x2048xf32, #tpu.memory_space<vmem>>, vector<1x16xf32>,
        %parallel_loop3A_1277 = vector.shape_cast %parallel_loop3A_1276 : vector<1x16xf32> to vector<16xf32>
        %parallel_loop3A_1278 = vector.shape_cast %parallel_loop3A_1273 : vector<16xf32> to vector<1x16xf32>
        tpu.vector_store %arg5[%parallel_loop3A_1274, %parallel_loop3A_1275], %parallel_loop3A_1278 {add = true, strides = array<i32>} : memref<8x2048xf32, #tpu.memory_space<vmem>>, vector<1x16xf32>,
        %parallel_loop3A_1279 = arith.index_cast %parallel_loop3A_135 : i32 to index
        %parallel_loop3A_1280 = arith.constant 2032 : index
        %parallel_loop3A_1281 = tpu.vector_load %arg6[%parallel_loop3A_1279, %parallel_loop3A_1280] {strides = array<i32>} : memref<8x2048xf32, #tpu.memory_space<vmem>>, vector<1x16xf32>,
        %parallel_loop3A_1282 = vector.shape_cast %parallel_loop3A_1281 : vector<1x16xf32> to vector<16xf32>
        %parallel_loop3A_1283 = arith.index_cast %parallel_loop3A_135 : i32 to index
        %parallel_loop3A_1284 = arith.constant 2032 : index
        %parallel_loop3A_1285 = tpu.vector_load %arg5[%parallel_loop3A_1283, %parallel_loop3A_1284] {strides = array<i32>} : memref<8x2048xf32, #tpu.memory_space<vmem>>, vector<1x16xf32>,
        %parallel_loop3A_1286 = vector.shape_cast %parallel_loop3A_1285 : vector<1x16xf32> to vector<16xf32>
        %parallel_loop3A_1287 = vector.shape_cast %parallel_loop3A_1282 : vector<16xf32> to vector<1x16xf32>
        tpu.vector_store %arg5[%parallel_loop3A_1283, %parallel_loop3A_1284], %parallel_loop3A_1287 {add = true, strides = array<i32>} : memref<8x2048xf32, #tpu.memory_space<vmem>>, vector<1x16xf32>,
      } {sc.loop_unroll_factor = 2 : i64, sc.parallel_access}
      %mul3A_89 = arith.constant 8 : i32
      %mul3A_90 = arith.muli %mul3A_76, %mul3A_89 : i32
      %add3A_91 = arith.addi %mul3A_32, %mul3A_90 : i32
      %dma_start3A_92 = arith.constant 0 : i32
      %dma_start3A_93 = tpu.memref_slice %arg4[%select_n3A, %add3A_91, %dma_start3A_92] : memref<4x4096x2048xf32, #tpu.memory_space<hbm>> -> memref<1x8x2048xf32, #tpu.memory_space<hbm>>
      %dma_start3A_94 = tpu.memref_squeeze %dma_start3A_93 : memref<1x8x2048xf32, #tpu.memory_space<hbm>> -> memref<8x2048xf32, #tpu.memory_space<hbm>>
      %dma_start3A_95 = arith.constant 0 : i32
      %dma_start3A_96 = tpu.memref_slice %arg4[%select_n3A, %add3A_91, %dma_start3A_95] : memref<4x4096x2048xf32, #tpu.memory_space<hbm>> -> memref<1x8x2048xf32, #tpu.memory_space<hbm>>
      %dma_start3A_97 = tpu.memref_squeeze %dma_start3A_96 : memref<1x8x2048xf32, #tpu.memory_space<hbm>> -> memref<8x2048xf32, #tpu.memory_space<hbm>>
      tpu.enqueue_dma source(%arg5 : memref<8x2048xf32, #tpu.memory_space<vmem>>) target(%dma_start3A_97 : memref<8x2048xf32, #tpu.memory_space<hbm>>) target_semaphore(%arg13 : memref<!tpu.dma_semaphore, #tpu.memory_space<semaphore_mem>>)
      %add3A_98 = arith.constant 1 : i32
      %add3A_99 = arith.addi %scan3A_73, %add3A_98 : i32
      %lt3A_100 = arith.constant 32 : i32
      %lt3A_101 = arith.cmpi slt, %add3A_99, %lt3A_100 : i32
      %convert_element_type3A = arith.extui %lt3A_101 : i1 to i32
      %cond3A = arith.constant 0 : i32
      %cond3A_102 = arith.cmpi ne, %convert_element_type3A, %cond3A : i32
      scf.if %cond3A_102 {
        %dma_wait3A_135 = arith.constant 0 : i32
        %dma_wait3A_136 = tpu.memref_slice %arg4[%select_n3A, %mul3A_32, %dma_wait3A_135] : memref<4x4096x2048xf32, #tpu.memory_space<hbm>> -> memref<1x8x2048xf32, #tpu.memory_space<hbm>>
        %dma_wait3A_137 = tpu.memref_squeeze %dma_wait3A_136 : memref<1x8x2048xf32, #tpu.memory_space<hbm>> -> memref<8x2048xf32, #tpu.memory_space<hbm>>
        %dma_wait3A_138 = arith.constant 0 : i32
        %dma_wait3A_139 = tpu.memref_slice %arg4[%select_n3A, %mul3A_32, %dma_wait3A_138] : memref<4x4096x2048xf32, #tpu.memory_space<hbm>> -> memref<1x8x2048xf32, #tpu.memory_space<hbm>>
        %dma_wait3A_140 = tpu.memref_squeeze %dma_wait3A_139 : memref<1x8x2048xf32, #tpu.memory_space<hbm>> -> memref<8x2048xf32, #tpu.memory_space<hbm>>
        tpu.wait_dma2 semaphore(%arg13 : memref<!tpu.dma_semaphore, #tpu.memory_space<semaphore_mem>>) src(%arg5 : memref<8x2048xf32, #tpu.memory_space<vmem>>) dst(%dma_wait3A_140 : memref<8x2048xf32, #tpu.memory_space<hbm>>)
        %add3A_141 = arith.constant 2 : i32
        %add3A_142 = arith.addi %mul3A_76, %add3A_141 : i32
        %mul3A_143 = arith.constant 8 : i32
        %mul3A_144 = arith.muli %add3A_142, %mul3A_143 : i32
        %add3A_145 = arith.addi %mul3A_32, %mul3A_144 : i32
        %dma_start3A_146 = arith.constant 0 : i32
        %dma_start3A_147 = tpu.memref_slice %arg2[%select_n3A, %add3A_145, %dma_start3A_146] : memref<4x4096x2048xf32, #tpu.memory_space<hbm>> -> memref<1x8x2048xf32, #tpu.memory_space<hbm>>
        %dma_start3A_148 = tpu.memref_squeeze %dma_start3A_147 : memref<1x8x2048xf32, #tpu.memory_space<hbm>> -> memref<8x2048xf32, #tpu.memory_space<hbm>>
        %dma_start3A_149 = arith.constant 0 : i32
        %dma_start3A_150 = tpu.memref_slice %arg2[%select_n3A, %add3A_145, %dma_start3A_149] : memref<4x4096x2048xf32, #tpu.memory_space<hbm>> -> memref<1x8x2048xf32, #tpu.memory_space<hbm>>
        %dma_start3A_151 = tpu.memref_squeeze %dma_start3A_150 : memref<1x8x2048xf32, #tpu.memory_space<hbm>> -> memref<8x2048xf32, #tpu.memory_space<hbm>>
        tpu.enqueue_dma source(%dma_start3A_151 : memref<8x2048xf32, #tpu.memory_space<hbm>>) target(%arg5 : memref<8x2048xf32, #tpu.memory_space<vmem>>) target_semaphore(%arg9 : memref<!tpu.dma_semaphore, #tpu.memory_space<semaphore_mem>>)
        %dma_start3A_152 = arith.constant 0 : i32
        %dma_start3A_153 = tpu.memref_slice %arg3[%add3A_145, %dma_start3A_152] : memref<8192x2048xf32, #tpu.memory_space<hbm>> -> memref<8x2048xf32, #tpu.memory_space<hbm>>
        %dma_start3A_154 = arith.constant 0 : i32
        %dma_start3A_155 = tpu.memref_slice %arg3[%add3A_145, %dma_start3A_154] : memref<8192x2048xf32, #tpu.memory_space<hbm>> -> memref<8x2048xf32, #tpu.memory_space<hbm>>
        tpu.enqueue_dma source(%dma_start3A_155 : memref<8x2048xf32, #tpu.memory_space<hbm>>) target(%arg6 : memref<8x2048xf32, #tpu.memory_space<vmem>>) target_semaphore(%arg10 : memref<!tpu.dma_semaphore, #tpu.memory_space<semaphore_mem>>)
      } else {
      }
      %dma_wait3A_103 = arith.constant 0 : i32
      %dma_wait3A_104 = tpu.memref_slice %arg2[%select_n3A, %mul3A_32, %dma_wait3A_103] : memref<4x4096x2048xf32, #tpu.memory_space<hbm>> -> memref<1x8x2048xf32, #tpu.memory_space<hbm>>
      %dma_wait3A_105 = tpu.memref_squeeze %dma_wait3A_104 : memref<1x8x2048xf32, #tpu.memory_space<hbm>> -> memref<8x2048xf32, #tpu.memory_space<hbm>>
      %dma_wait3A_106 = arith.constant 0 : i32
      %dma_wait3A_107 = tpu.memref_slice %arg2[%select_n3A, %mul3A_32, %dma_wait3A_106] : memref<4x4096x2048xf32, #tpu.memory_space<hbm>> -> memref<1x8x2048xf32, #tpu.memory_space<hbm>>
      %dma_wait3A_108 = tpu.memref_squeeze %dma_wait3A_107 : memref<1x8x2048xf32, #tpu.memory_space<hbm>> -> memref<8x2048xf32, #tpu.memory_space<hbm>>
      tpu.wait_dma2 semaphore(%arg11 : memref<!tpu.dma_semaphore, #tpu.memory_space<semaphore_mem>>) src(%dma_wait3A_108 : memref<8x2048xf32, #tpu.memory_space<hbm>>) dst(%arg7 : memref<8x2048xf32, #tpu.memory_space<vmem>>)
      %dma_wait3A_109 = arith.constant 0 : i32
      %dma_wait3A_110 = tpu.memref_slice %arg3[%mul3A_32, %dma_wait3A_109] : memref<8192x2048xf32, #tpu.memory_space<hbm>> -> memref<8x2048xf32, #tpu.memory_space<hbm>>
      %dma_wait3A_111 = arith.constant 0 : i32
      %dma_wait3A_112 = tpu.memref_slice %arg3[%mul3A_32, %dma_wait3A_111] : memref<8192x2048xf32, #tpu.memory_space<hbm>> -> memref<8x2048xf32, #tpu.memory_space<hbm>>
      tpu.wait_dma2 semaphore(%arg12 : memref<!tpu.dma_semaphore, #tpu.memory_space<semaphore_mem>>) src(%dma_wait3A_112 : memref<8x2048xf32, #tpu.memory_space<hbm>>) dst(%arg8 : memref<8x2048xf32, #tpu.memory_space<vmem>>)
      %parallel_loop3A_113 = arith.constant 0 : i32
      %parallel_loop3A_114 = arith.constant 8 : i32
      %parallel_loop3A_115 = arith.constant 1 : i32
      scf.for %parallel_loop3A_135 = %parallel_loop3A_113 to %parallel_loop3A_114 step %parallel_loop3A_115  : i32 {
        %parallel_loop3A_136 = arith.index_cast %parallel_loop3A_135 : i32 to index
        %parallel_loop3A_137 = arith.constant 0 : index
        %parallel_loop3A_138 = tpu.vector_load %arg8[%parallel_loop3A_136, %parallel_loop3A_137] {strides = array<i32>} : memref<8x2048xf32, #tpu.memory_space<vmem>>, vector<1x16xf32>,
        %parallel_loop3A_139 = vector.shape_cast %parallel_loop3A_138 : vector<1x16xf32> to vector<16xf32>
        %parallel_loop3A_140 = arith.index_cast %parallel_loop3A_135 : i32 to index
        %parallel_loop3A_141 = arith.constant 0 : index
        %parallel_loop3A_142 = tpu.vector_load %arg7[%parallel_loop3A_140, %parallel_loop3A_141] {strides = array<i32>} : memref<8x2048xf32, #tpu.memory_space<vmem>>, vector<1x16xf32>,
        %parallel_loop3A_143 = vector.shape_cast %parallel_loop3A_142 : vector<1x16xf32> to vector<16xf32>
        %parallel_loop3A_144 = vector.shape_cast %parallel_loop3A_139 : vector<16xf32> to vector<1x16xf32>
        tpu.vector_store %arg7[%parallel_loop3A_140, %parallel_loop3A_141], %parallel_loop3A_144 {add = true, strides = array<i32>} : memref<8x2048xf32, #tpu.memory_space<vmem>>, vector<1x16xf32>,
        %parallel_loop3A_145 = arith.index_cast %parallel_loop3A_135 : i32 to index
        %parallel_loop3A_146 = arith.constant 16 : index
        %parallel_loop3A_147 = tpu.vector_load %arg8[%parallel_loop3A_145, %parallel_loop3A_146] {strides = array<i32>} : memref<8x2048xf32, #tpu.memory_space<vmem>>, vector<1x16xf32>,
        %parallel_loop3A_148 = vector.shape_cast %parallel_loop3A_147 : vector<1x16xf32> to vector<16xf32>
        %parallel_loop3A_149 = arith.index_cast %parallel_loop3A_135 : i32 to index
        %parallel_loop3A_150 = arith.constant 16 : index
        %parallel_loop3A_151 = tpu.vector_load %arg7[%parallel_loop3A_149, %parallel_loop3A_150] {strides = array<i32>} : memref<8x2048xf32, #tpu.memory_space<vmem>>, vector<1x16xf32>,
        %parallel_loop3A_152 = vector.shape_cast %parallel_loop3A_151 : vector<1x16xf32> to vector<16xf32>
        %parallel_loop3A_153 = vector.shape_cast %parallel_loop3A_148 : vector<16xf32> to vector<1x16xf32>
        tpu.vector_store %arg7[%parallel_loop3A_149, %parallel_loop3A_150], %parallel_loop3A_153 {add = true, strides = array<i32>} : memref<8x2048xf32, #tpu.memory_space<vmem>>, vector<1x16xf32>,
        %parallel_loop3A_154 = arith.index_cast %parallel_loop3A_135 : i32 to index
        %parallel_loop3A_155 = arith.constant 32 : index
        %parallel_loop3A_156 = tpu.vector_load %arg8[%parallel_loop3A_154, %parallel_loop3A_155] {strides = array<i32>} : memref<8x2048xf32, #tpu.memory_space<vmem>>, vector<1x16xf32>,
        %parallel_loop3A_157 = vector.shape_cast %parallel_loop3A_156 : vector<1x16xf32> to vector<16xf32>
        %parallel_loop3A_158 = arith.index_cast %parallel_loop3A_135 : i32 to index
        %parallel_loop3A_159 = arith.constant 32 : index
        %parallel_loop3A_160 = tpu.vector_load %arg7[%parallel_loop3A_158, %parallel_loop3A_159] {strides = array<i32>} : memref<8x2048xf32, #tpu.memory_space<vmem>>, vector<1x16xf32>,
        %parallel_loop3A_161 = vector.shape_cast %parallel_loop3A_160 : vector<1x16xf32> to vector<16xf32>
        %parallel_loop3A_162 = vector.shape_cast %parallel_loop3A_157 : vector<16xf32> to vector<1x16xf32>
        tpu.vector_store %arg7[%parallel_loop3A_158, %parallel_loop3A_159], %parallel_loop3A_162 {add = true, strides = array<i32>} : memref<8x2048xf32, #tpu.memory_space<vmem>>, vector<1x16xf32>,
        %parallel_loop3A_163 = arith.index_cast %parallel_loop3A_135 : i32 to index
        %parallel_loop3A_164 = arith.constant 48 : index
        %parallel_loop3A_165 = tpu.vector_load %arg8[%parallel_loop3A_163, %parallel_loop3A_164] {strides = array<i32>} : memref<8x2048xf32, #tpu.memory_space<vmem>>, vector<1x16xf32>,
        %parallel_loop3A_166 = vector.shape_cast %parallel_loop3A_165 : vector<1x16xf32> to vector<16xf32>
        %parallel_loop3A_167 = arith.index_cast %parallel_loop3A_135 : i32 to index
        %parallel_loop3A_168 = arith.constant 48 : index
        %parallel_loop3A_169 = tpu.vector_load %arg7[%parallel_loop3A_167, %parallel_loop3A_168] {strides = array<i32>} : memref<8x2048xf32, #tpu.memory_space<vmem>>, vector<1x16xf32>,
        %parallel_loop3A_170 = vector.shape_cast %parallel_loop3A_169 : vector<1x16xf32> to vector<16xf32>
        %parallel_loop3A_171 = vector.shape_cast %parallel_loop3A_166 : vector<16xf32> to vector<1x16xf32>
        tpu.vector_store %arg7[%parallel_loop3A_167, %parallel_loop3A_168], %parallel_loop3A_171 {add = true, strides = array<i32>} : memref<8x2048xf32, #tpu.memory_space<vmem>>, vector<1x16xf32>,
        %parallel_loop3A_172 = arith.index_cast %parallel_loop3A_135 : i32 to index
        %parallel_loop3A_173 = arith.constant 64 : index
        %parallel_loop3A_174 = tpu.vector_load %arg8[%parallel_loop3A_172, %parallel_loop3A_173] {strides = array<i32>} : memref<8x2048xf32, #tpu.memory_space<vmem>>, vector<1x16xf32>,
        %parallel_loop3A_175 = vector.shape_cast %parallel_loop3A_174 : vector<1x16xf32> to vector<16xf32>
        %parallel_loop3A_176 = arith.index_cast %parallel_loop3A_135 : i32 to index
        %parallel_loop3A_177 = arith.constant 64 : index
        %parallel_loop3A_178 = tpu.vector_load %arg7[%parallel_loop3A_176, %parallel_loop3A_177] {strides = array<i32>} : memref<8x2048xf32, #tpu.memory_space<vmem>>, vector<1x16xf32>,
        %parallel_loop3A_179 = vector.shape_cast %parallel_loop3A_178 : vector<1x16xf32> to vector<16xf32>
        %parallel_loop3A_180 = vector.shape_cast %parallel_loop3A_175 : vector<16xf32> to vector<1x16xf32>
        tpu.vector_store %arg7[%parallel_loop3A_176, %parallel_loop3A_177], %parallel_loop3A_180 {add = true, strides = array<i32>} : memref<8x2048xf32, #tpu.memory_space<vmem>>, vector<1x16xf32>,
        %parallel_loop3A_181 = arith.index_cast %parallel_loop3A_135 : i32 to index
        %parallel_loop3A_182 = arith.constant 80 : index
        %parallel_loop3A_183 = tpu.vector_load %arg8[%parallel_loop3A_181, %parallel_loop3A_182] {strides = array<i32>} : memref<8x2048xf32, #tpu.memory_space<vmem>>, vector<1x16xf32>,
        %parallel_loop3A_184 = vector.shape_cast %parallel_loop3A_183 : vector<1x16xf32> to vector<16xf32>
        %parallel_loop3A_185 = arith.index_cast %parallel_loop3A_135 : i32 to index
        %parallel_loop3A_186 = arith.constant 80 : index
        %parallel_loop3A_187 = tpu.vector_load %arg7[%parallel_loop3A_185, %parallel_loop3A_186] {strides = array<i32>} : memref<8x2048xf32, #tpu.memory_space<vmem>>, vector<1x16xf32>,
        %parallel_loop3A_188 = vector.shape_cast %parallel_loop3A_187 : vector<1x16xf32> to vector<16xf32>
        %parallel_loop3A_189 = vector.shape_cast %parallel_loop3A_184 : vector<16xf32> to vector<1x16xf32>
        tpu.vector_store %arg7[%parallel_loop3A_185, %parallel_loop3A_186], %parallel_loop3A_189 {add = true, strides = array<i32>} : memref<8x2048xf32, #tpu.memory_space<vmem>>, vector<1x16xf32>,
        %parallel_loop3A_190 = arith.index_cast %parallel_loop3A_135 : i32 to index
        %parallel_loop3A_191 = arith.constant 96 : index
        %parallel_loop3A_192 = tpu.vector_load %arg8[%parallel_loop3A_190, %parallel_loop3A_191] {strides = array<i32>} : memref<8x2048xf32, #tpu.memory_space<vmem>>, vector<1x16xf32>,
        %parallel_loop3A_193 = vector.shape_cast %parallel_loop3A_192 : vector<1x16xf32> to vector<16xf32>
        %parallel_loop3A_194 = arith.index_cast %parallel_loop3A_135 : i32 to index
        %parallel_loop3A_195 = arith.constant 96 : index
        %parallel_loop3A_196 = tpu.vector_load %arg7[%parallel_loop3A_194, %parallel_loop3A_195] {strides = array<i32>} : memref<8x2048xf32, #tpu.memory_space<vmem>>, vector<1x16xf32>,
        %parallel_loop3A_197 = vector.shape_cast %parallel_loop3A_196 : vector<1x16xf32> to vector<16xf32>
        %parallel_loop3A_198 = vector.shape_cast %parallel_loop3A_193 : vector<16xf32> to vector<1x16xf32>
        tpu.vector_store %arg7[%parallel_loop3A_194, %parallel_loop3A_195], %parallel_loop3A_198 {add = true, strides = array<i32>} : memref<8x2048xf32, #tpu.memory_space<vmem>>, vector<1x16xf32>,
        %parallel_loop3A_199 = arith.index_cast %parallel_loop3A_135 : i32 to index
        %parallel_loop3A_200 = arith.constant 112 : index
        %parallel_loop3A_201 = tpu.vector_load %arg8[%parallel_loop3A_199, %parallel_loop3A_200] {strides = array<i32>} : memref<8x2048xf32, #tpu.memory_space<vmem>>, vector<1x16xf32>,
        %parallel_loop3A_202 = vector.shape_cast %parallel_loop3A_201 : vector<1x16xf32> to vector<16xf32>
        %parallel_loop3A_203 = arith.index_cast %parallel_loop3A_135 : i32 to index
        %parallel_loop3A_204 = arith.constant 112 : index
        %parallel_loop3A_205 = tpu.vector_load %arg7[%parallel_loop3A_203, %parallel_loop3A_204] {strides = array<i32>} : memref<8x2048xf32, #tpu.memory_space<vmem>>, vector<1x16xf32>,
        %parallel_loop3A_206 = vector.shape_cast %parallel_loop3A_205 : vector<1x16xf32> to vector<16xf32>
        %parallel_loop3A_207 = vector.shape_cast %parallel_loop3A_202 : vector<16xf32> to vector<1x16xf32>
        tpu.vector_store %arg7[%parallel_loop3A_203, %parallel_loop3A_204], %parallel_loop3A_207 {add = true, strides = array<i32>} : memref<8x2048xf32, #tpu.memory_space<vmem>>, vector<1x16xf32>,
        %parallel_loop3A_208 = arith.index_cast %parallel_loop3A_135 : i32 to index
        %parallel_loop3A_209 = arith.constant 128 : index
        %parallel_loop3A_210 = tpu.vector_load %arg8[%parallel_loop3A_208, %parallel_loop3A_209] {strides = array<i32>} : memref<8x2048xf32, #tpu.memory_space<vmem>>, vector<1x16xf32>,
        %parallel_loop3A_211 = vector.shape_cast %parallel_loop3A_210 : vector<1x16xf32> to vector<16xf32>
        %parallel_loop3A_212 = arith.index_cast %parallel_loop3A_135 : i32 to index
        %parallel_loop3A_213 = arith.constant 128 : index
        %parallel_loop3A_214 = tpu.vector_load %arg7[%parallel_loop3A_212, %parallel_loop3A_213] {strides = array<i32>} : memref<8x2048xf32, #tpu.memory_space<vmem>>, vector<1x16xf32>,
        %parallel_loop3A_215 = vector.shape_cast %parallel_loop3A_214 : vector<1x16xf32> to vector<16xf32>
        %parallel_loop3A_216 = vector.shape_cast %parallel_loop3A_211 : vector<16xf32> to vector<1x16xf32>
        tpu.vector_store %arg7[%parallel_loop3A_212, %parallel_loop3A_213], %parallel_loop3A_216 {add = true, strides = array<i32>} : memref<8x2048xf32, #tpu.memory_space<vmem>>, vector<1x16xf32>,
        %parallel_loop3A_217 = arith.index_cast %parallel_loop3A_135 : i32 to index
        %parallel_loop3A_218 = arith.constant 144 : index
        %parallel_loop3A_219 = tpu.vector_load %arg8[%parallel_loop3A_217, %parallel_loop3A_218] {strides = array<i32>} : memref<8x2048xf32, #tpu.memory_space<vmem>>, vector<1x16xf32>,
        %parallel_loop3A_220 = vector.shape_cast %parallel_loop3A_219 : vector<1x16xf32> to vector<16xf32>
        %parallel_loop3A_221 = arith.index_cast %parallel_loop3A_135 : i32 to index
        %parallel_loop3A_222 = arith.constant 144 : index
        %parallel_loop3A_223 = tpu.vector_load %arg7[%parallel_loop3A_221, %parallel_loop3A_222] {strides = array<i32>} : memref<8x2048xf32, #tpu.memory_space<vmem>>, vector<1x16xf32>,
        %parallel_loop3A_224 = vector.shape_cast %parallel_loop3A_223 : vector<1x16xf32> to vector<16xf32>
        %parallel_loop3A_225 = vector.shape_cast %parallel_loop3A_220 : vector<16xf32> to vector<1x16xf32>
        tpu.vector_store %arg7[%parallel_loop3A_221, %parallel_loop3A_222], %parallel_loop3A_225 {add = true, strides = array<i32>} : memref<8x2048xf32, #tpu.memory_space<vmem>>, vector<1x16xf32>,
        %parallel_loop3A_226 = arith.index_cast %parallel_loop3A_135 : i32 to index
        %parallel_loop3A_227 = arith.constant 160 : index
        %parallel_loop3A_228 = tpu.vector_load %arg8[%parallel_loop3A_226, %parallel_loop3A_227] {strides = array<i32>} : memref<8x2048xf32, #tpu.memory_space<vmem>>, vector<1x16xf32>,
        %parallel_loop3A_229 = vector.shape_cast %parallel_loop3A_228 : vector<1x16xf32> to vector<16xf32>
        %parallel_loop3A_230 = arith.index_cast %parallel_loop3A_135 : i32 to index
        %parallel_loop3A_231 = arith.constant 160 : index
        %parallel_loop3A_232 = tpu.vector_load %arg7[%parallel_loop3A_230, %parallel_loop3A_231] {strides = array<i32>} : memref<8x2048xf32, #tpu.memory_space<vmem>>, vector<1x16xf32>,
        %parallel_loop3A_233 = vector.shape_cast %parallel_loop3A_232 : vector<1x16xf32> to vector<16xf32>
        %parallel_loop3A_234 = vector.shape_cast %parallel_loop3A_229 : vector<16xf32> to vector<1x16xf32>
        tpu.vector_store %arg7[%parallel_loop3A_230, %parallel_loop3A_231], %parallel_loop3A_234 {add = true, strides = array<i32>} : memref<8x2048xf32, #tpu.memory_space<vmem>>, vector<1x16xf32>,
        %parallel_loop3A_235 = arith.index_cast %parallel_loop3A_135 : i32 to index
        %parallel_loop3A_236 = arith.constant 176 : index
        %parallel_loop3A_237 = tpu.vector_load %arg8[%parallel_loop3A_235, %parallel_loop3A_236] {strides = array<i32>} : memref<8x2048xf32, #tpu.memory_space<vmem>>, vector<1x16xf32>,
        %parallel_loop3A_238 = vector.shape_cast %parallel_loop3A_237 : vector<1x16xf32> to vector<16xf32>
        %parallel_loop3A_239 = arith.index_cast %parallel_loop3A_135 : i32 to index
        %parallel_loop3A_240 = arith.constant 176 : index
        %parallel_loop3A_241 = tpu.vector_load %arg7[%parallel_loop3A_239, %parallel_loop3A_240] {strides = array<i32>} : memref<8x2048xf32, #tpu.memory_space<vmem>>, vector<1x16xf32>,
        %parallel_loop3A_242 = vector.shape_cast %parallel_loop3A_241 : vector<1x16xf32> to vector<16xf32>
        %parallel_loop3A_243 = vector.shape_cast %parallel_loop3A_238 : vector<16xf32> to vector<1x16xf32>
        tpu.vector_store %arg7[%parallel_loop3A_239, %parallel_loop3A_240], %parallel_loop3A_243 {add = true, strides = array<i32>} : memref<8x2048xf32, #tpu.memory_space<vmem>>, vector<1x16xf32>,
        %parallel_loop3A_244 = arith.index_cast %parallel_loop3A_135 : i32 to index
        %parallel_loop3A_245 = arith.constant 192 : index
        %parallel_loop3A_246 = tpu.vector_load %arg8[%parallel_loop3A_244, %parallel_loop3A_245] {strides = array<i32>} : memref<8x2048xf32, #tpu.memory_space<vmem>>, vector<1x16xf32>,
        %parallel_loop3A_247 = vector.shape_cast %parallel_loop3A_246 : vector<1x16xf32> to vector<16xf32>
        %parallel_loop3A_248 = arith.index_cast %parallel_loop3A_135 : i32 to index
        %parallel_loop3A_249 = arith.constant 192 : index
        %parallel_loop3A_250 = tpu.vector_load %arg7[%parallel_loop3A_248, %parallel_loop3A_249] {strides = array<i32>} : memref<8x2048xf32, #tpu.memory_space<vmem>>, vector<1x16xf32>,
        %parallel_loop3A_251 = vector.shape_cast %parallel_loop3A_250 : vector<1x16xf32> to vector<16xf32>
        %parallel_loop3A_252 = vector.shape_cast %parallel_loop3A_247 : vector<16xf32> to vector<1x16xf32>
        tpu.vector_store %arg7[%parallel_loop3A_248, %parallel_loop3A_249], %parallel_loop3A_252 {add = true, strides = array<i32>} : memref<8x2048xf32, #tpu.memory_space<vmem>>, vector<1x16xf32>,
        %parallel_loop3A_253 = arith.index_cast %parallel_loop3A_135 : i32 to index
        %parallel_loop3A_254 = arith.constant 208 : index
        %parallel_loop3A_255 = tpu.vector_load %arg8[%parallel_loop3A_253, %parallel_loop3A_254] {strides = array<i32>} : memref<8x2048xf32, #tpu.memory_space<vmem>>, vector<1x16xf32>,
        %parallel_loop3A_256 = vector.shape_cast %parallel_loop3A_255 : vector<1x16xf32> to vector<16xf32>
        %parallel_loop3A_257 = arith.index_cast %parallel_loop3A_135 : i32 to index
        %parallel_loop3A_258 = arith.constant 208 : index
        %parallel_loop3A_259 = tpu.vector_load %arg7[%parallel_loop3A_257, %parallel_loop3A_258] {strides = array<i32>} : memref<8x2048xf32, #tpu.memory_space<vmem>>, vector<1x16xf32>,
        %parallel_loop3A_260 = vector.shape_cast %parallel_loop3A_259 : vector<1x16xf32> to vector<16xf32>
        %parallel_loop3A_261 = vector.shape_cast %parallel_loop3A_256 : vector<16xf32> to vector<1x16xf32>
        tpu.vector_store %arg7[%parallel_loop3A_257, %parallel_loop3A_258], %parallel_loop3A_261 {add = true, strides = array<i32>} : memref<8x2048xf32, #tpu.memory_space<vmem>>, vector<1x16xf32>,
        %parallel_loop3A_262 = arith.index_cast %parallel_loop3A_135 : i32 to index
        %parallel_loop3A_263 = arith.constant 224 : index
        %parallel_loop3A_264 = tpu.vector_load %arg8[%parallel_loop3A_262, %parallel_loop3A_263] {strides = array<i32>} : memref<8x2048xf32, #tpu.memory_space<vmem>>, vector<1x16xf32>,
        %parallel_loop3A_265 = vector.shape_cast %parallel_loop3A_264 : vector<1x16xf32> to vector<16xf32>
        %parallel_loop3A_266 = arith.index_cast %parallel_loop3A_135 : i32 to index
        %parallel_loop3A_267 = arith.constant 224 : index
        %parallel_loop3A_268 = tpu.vector_load %arg7[%parallel_loop3A_266, %parallel_loop3A_267] {strides = array<i32>} : memref<8x2048xf32, #tpu.memory_space<vmem>>, vector<1x16xf32>,
        %parallel_loop3A_269 = vector.shape_cast %parallel_loop3A_268 : vector<1x16xf32> to vector<16xf32>
        %parallel_loop3A_270 = vector.shape_cast %parallel_loop3A_265 : vector<16xf32> to vector<1x16xf32>
        tpu.vector_store %arg7[%parallel_loop3A_266, %parallel_loop3A_267], %parallel_loop3A_270 {add = true, strides = array<i32>} : memref<8x2048xf32, #tpu.memory_space<vmem>>, vector<1x16xf32>,
        %parallel_loop3A_271 = arith.index_cast %parallel_loop3A_135 : i32 to index
        %parallel_loop3A_272 = arith.constant 240 : index
        %parallel_loop3A_273 = tpu.vector_load %arg8[%parallel_loop3A_271, %parallel_loop3A_272] {strides = array<i32>} : memref<8x2048xf32, #tpu.memory_space<vmem>>, vector<1x16xf32>,
        %parallel_loop3A_274 = vector.shape_cast %parallel_loop3A_273 : vector<1x16xf32> to vector<16xf32>
        %parallel_loop3A_275 = arith.index_cast %parallel_loop3A_135 : i32 to index
        %parallel_loop3A_276 = arith.constant 240 : index
        %parallel_loop3A_277 = tpu.vector_load %arg7[%parallel_loop3A_275, %parallel_loop3A_276] {strides = array<i32>} : memref<8x2048xf32, #tpu.memory_space<vmem>>, vector<1x16xf32>,
        %parallel_loop3A_278 = vector.shape_cast %parallel_loop3A_277 : vector<1x16xf32> to vector<16xf32>
        %parallel_loop3A_279 = vector.shape_cast %parallel_loop3A_274 : vector<16xf32> to vector<1x16xf32>
        tpu.vector_store %arg7[%parallel_loop3A_275, %parallel_loop3A_276], %parallel_loop3A_279 {add = true, strides = array<i32>} : memref<8x2048xf32, #tpu.memory_space<vmem>>, vector<1x16xf32>,
        %parallel_loop3A_280 = arith.index_cast %parallel_loop3A_135 : i32 to index
        %parallel_loop3A_281 = arith.constant 256 : index
        %parallel_loop3A_282 = tpu.vector_load %arg8[%parallel_loop3A_280, %parallel_loop3A_281] {strides = array<i32>} : memref<8x2048xf32, #tpu.memory_space<vmem>>, vector<1x16xf32>,
        %parallel_loop3A_283 = vector.shape_cast %parallel_loop3A_282 : vector<1x16xf32> to vector<16xf32>
        %parallel_loop3A_284 = arith.index_cast %parallel_loop3A_135 : i32 to index
        %parallel_loop3A_285 = arith.constant 256 : index
        %parallel_loop3A_286 = tpu.vector_load %arg7[%parallel_loop3A_284, %parallel_loop3A_285] {strides = array<i32>} : memref<8x2048xf32, #tpu.memory_space<vmem>>, vector<1x16xf32>,
        %parallel_loop3A_287 = vector.shape_cast %parallel_loop3A_286 : vector<1x16xf32> to vector<16xf32>
        %parallel_loop3A_288 = vector.shape_cast %parallel_loop3A_283 : vector<16xf32> to vector<1x16xf32>
        tpu.vector_store %arg7[%parallel_loop3A_284, %parallel_loop3A_285], %parallel_loop3A_288 {add = true, strides = array<i32>} : memref<8x2048xf32, #tpu.memory_space<vmem>>, vector<1x16xf32>,
        %parallel_loop3A_289 = arith.index_cast %parallel_loop3A_135 : i32 to index
        %parallel_loop3A_290 = arith.constant 272 : index
        %parallel_loop3A_291 = tpu.vector_load %arg8[%parallel_loop3A_289, %parallel_loop3A_290] {strides = array<i32>} : memref<8x2048xf32, #tpu.memory_space<vmem>>, vector<1x16xf32>,
        %parallel_loop3A_292 = vector.shape_cast %parallel_loop3A_291 : vector<1x16xf32> to vector<16xf32>
        %parallel_loop3A_293 = arith.index_cast %parallel_loop3A_135 : i32 to index
        %parallel_loop3A_294 = arith.constant 272 : index
        %parallel_loop3A_295 = tpu.vector_load %arg7[%parallel_loop3A_293, %parallel_loop3A_294] {strides = array<i32>} : memref<8x2048xf32, #tpu.memory_space<vmem>>, vector<1x16xf32>,
        %parallel_loop3A_296 = vector.shape_cast %parallel_loop3A_295 : vector<1x16xf32> to vector<16xf32>
        %parallel_loop3A_297 = vector.shape_cast %parallel_loop3A_292 : vector<16xf32> to vector<1x16xf32>
        tpu.vector_store %arg7[%parallel_loop3A_293, %parallel_loop3A_294], %parallel_loop3A_297 {add = true, strides = array<i32>} : memref<8x2048xf32, #tpu.memory_space<vmem>>, vector<1x16xf32>,
        %parallel_loop3A_298 = arith.index_cast %parallel_loop3A_135 : i32 to index
        %parallel_loop3A_299 = arith.constant 288 : index
        %parallel_loop3A_300 = tpu.vector_load %arg8[%parallel_loop3A_298, %parallel_loop3A_299] {strides = array<i32>} : memref<8x2048xf32, #tpu.memory_space<vmem>>, vector<1x16xf32>,
        %parallel_loop3A_301 = vector.shape_cast %parallel_loop3A_300 : vector<1x16xf32> to vector<16xf32>
        %parallel_loop3A_302 = arith.index_cast %parallel_loop3A_135 : i32 to index
        %parallel_loop3A_303 = arith.constant 288 : index
        %parallel_loop3A_304 = tpu.vector_load %arg7[%parallel_loop3A_302, %parallel_loop3A_303] {strides = array<i32>} : memref<8x2048xf32, #tpu.memory_space<vmem>>, vector<1x16xf32>,
        %parallel_loop3A_305 = vector.shape_cast %parallel_loop3A_304 : vector<1x16xf32> to vector<16xf32>
        %parallel_loop3A_306 = vector.shape_cast %parallel_loop3A_301 : vector<16xf32> to vector<1x16xf32>
        tpu.vector_store %arg7[%parallel_loop3A_302, %parallel_loop3A_303], %parallel_loop3A_306 {add = true, strides = array<i32>} : memref<8x2048xf32, #tpu.memory_space<vmem>>, vector<1x16xf32>,
        %parallel_loop3A_307 = arith.index_cast %parallel_loop3A_135 : i32 to index
        %parallel_loop3A_308 = arith.constant 304 : index
        %parallel_loop3A_309 = tpu.vector_load %arg8[%parallel_loop3A_307, %parallel_loop3A_308] {strides = array<i32>} : memref<8x2048xf32, #tpu.memory_space<vmem>>, vector<1x16xf32>,
        %parallel_loop3A_310 = vector.shape_cast %parallel_loop3A_309 : vector<1x16xf32> to vector<16xf32>
        %parallel_loop3A_311 = arith.index_cast %parallel_loop3A_135 : i32 to index
        %parallel_loop3A_312 = arith.constant 304 : index
        %parallel_loop3A_313 = tpu.vector_load %arg7[%parallel_loop3A_311, %parallel_loop3A_312] {strides = array<i32>} : memref<8x2048xf32, #tpu.memory_space<vmem>>, vector<1x16xf32>,
        %parallel_loop3A_314 = vector.shape_cast %parallel_loop3A_313 : vector<1x16xf32> to vector<16xf32>
        %parallel_loop3A_315 = vector.shape_cast %parallel_loop3A_310 : vector<16xf32> to vector<1x16xf32>
        tpu.vector_store %arg7[%parallel_loop3A_311, %parallel_loop3A_312], %parallel_loop3A_315 {add = true, strides = array<i32>} : memref<8x2048xf32, #tpu.memory_space<vmem>>, vector<1x16xf32>,
        %parallel_loop3A_316 = arith.index_cast %parallel_loop3A_135 : i32 to index
        %parallel_loop3A_317 = arith.constant 320 : index
        %parallel_loop3A_318 = tpu.vector_load %arg8[%parallel_loop3A_316, %parallel_loop3A_317] {strides = array<i32>} : memref<8x2048xf32, #tpu.memory_space<vmem>>, vector<1x16xf32>,
        %parallel_loop3A_319 = vector.shape_cast %parallel_loop3A_318 : vector<1x16xf32> to vector<16xf32>
        %parallel_loop3A_320 = arith.index_cast %parallel_loop3A_135 : i32 to index
        %parallel_loop3A_321 = arith.constant 320 : index
        %parallel_loop3A_322 = tpu.vector_load %arg7[%parallel_loop3A_320, %parallel_loop3A_321] {strides = array<i32>} : memref<8x2048xf32, #tpu.memory_space<vmem>>, vector<1x16xf32>,
        %parallel_loop3A_323 = vector.shape_cast %parallel_loop3A_322 : vector<1x16xf32> to vector<16xf32>
        %parallel_loop3A_324 = vector.shape_cast %parallel_loop3A_319 : vector<16xf32> to vector<1x16xf32>
        tpu.vector_store %arg7[%parallel_loop3A_320, %parallel_loop3A_321], %parallel_loop3A_324 {add = true, strides = array<i32>} : memref<8x2048xf32, #tpu.memory_space<vmem>>, vector<1x16xf32>,
        %parallel_loop3A_325 = arith.index_cast %parallel_loop3A_135 : i32 to index
        %parallel_loop3A_326 = arith.constant 336 : index
        %parallel_loop3A_327 = tpu.vector_load %arg8[%parallel_loop3A_325, %parallel_loop3A_326] {strides = array<i32>} : memref<8x2048xf32, #tpu.memory_space<vmem>>, vector<1x16xf32>,
        %parallel_loop3A_328 = vector.shape_cast %parallel_loop3A_327 : vector<1x16xf32> to vector<16xf32>
        %parallel_loop3A_329 = arith.index_cast %parallel_loop3A_135 : i32 to index
        %parallel_loop3A_330 = arith.constant 336 : index
        %parallel_loop3A_331 = tpu.vector_load %arg7[%parallel_loop3A_329, %parallel_loop3A_330] {strides = array<i32>} : memref<8x2048xf32, #tpu.memory_space<vmem>>, vector<1x16xf32>,
        %parallel_loop3A_332 = vector.shape_cast %parallel_loop3A_331 : vector<1x16xf32> to vector<16xf32>
        %parallel_loop3A_333 = vector.shape_cast %parallel_loop3A_328 : vector<16xf32> to vector<1x16xf32>
        tpu.vector_store %arg7[%parallel_loop3A_329, %parallel_loop3A_330], %parallel_loop3A_333 {add = true, strides = array<i32>} : memref<8x2048xf32, #tpu.memory_space<vmem>>, vector<1x16xf32>,
        %parallel_loop3A_334 = arith.index_cast %parallel_loop3A_135 : i32 to index
        %parallel_loop3A_335 = arith.constant 352 : index
        %parallel_loop3A_336 = tpu.vector_load %arg8[%parallel_loop3A_334, %parallel_loop3A_335] {strides = array<i32>} : memref<8x2048xf32, #tpu.memory_space<vmem>>, vector<1x16xf32>,
        %parallel_loop3A_337 = vector.shape_cast %parallel_loop3A_336 : vector<1x16xf32> to vector<16xf32>
        %parallel_loop3A_338 = arith.index_cast %parallel_loop3A_135 : i32 to index
        %parallel_loop3A_339 = arith.constant 352 : index
        %parallel_loop3A_340 = tpu.vector_load %arg7[%parallel_loop3A_338, %parallel_loop3A_339] {strides = array<i32>} : memref<8x2048xf32, #tpu.memory_space<vmem>>, vector<1x16xf32>,
        %parallel_loop3A_341 = vector.shape_cast %parallel_loop3A_340 : vector<1x16xf32> to vector<16xf32>
        %parallel_loop3A_342 = vector.shape_cast %parallel_loop3A_337 : vector<16xf32> to vector<1x16xf32>
        tpu.vector_store %arg7[%parallel_loop3A_338, %parallel_loop3A_339], %parallel_loop3A_342 {add = true, strides = array<i32>} : memref<8x2048xf32, #tpu.memory_space<vmem>>, vector<1x16xf32>,
        %parallel_loop3A_343 = arith.index_cast %parallel_loop3A_135 : i32 to index
        %parallel_loop3A_344 = arith.constant 368 : index
        %parallel_loop3A_345 = tpu.vector_load %arg8[%parallel_loop3A_343, %parallel_loop3A_344] {strides = array<i32>} : memref<8x2048xf32, #tpu.memory_space<vmem>>, vector<1x16xf32>,
        %parallel_loop3A_346 = vector.shape_cast %parallel_loop3A_345 : vector<1x16xf32> to vector<16xf32>
        %parallel_loop3A_347 = arith.index_cast %parallel_loop3A_135 : i32 to index
        %parallel_loop3A_348 = arith.constant 368 : index
        %parallel_loop3A_349 = tpu.vector_load %arg7[%parallel_loop3A_347, %parallel_loop3A_348] {strides = array<i32>} : memref<8x2048xf32, #tpu.memory_space<vmem>>, vector<1x16xf32>,
        %parallel_loop3A_350 = vector.shape_cast %parallel_loop3A_349 : vector<1x16xf32> to vector<16xf32>
        %parallel_loop3A_351 = vector.shape_cast %parallel_loop3A_346 : vector<16xf32> to vector<1x16xf32>
        tpu.vector_store %arg7[%parallel_loop3A_347, %parallel_loop3A_348], %parallel_loop3A_351 {add = true, strides = array<i32>} : memref<8x2048xf32, #tpu.memory_space<vmem>>, vector<1x16xf32>,
        %parallel_loop3A_352 = arith.index_cast %parallel_loop3A_135 : i32 to index
        %parallel_loop3A_353 = arith.constant 384 : index
        %parallel_loop3A_354 = tpu.vector_load %arg8[%parallel_loop3A_352, %parallel_loop3A_353] {strides = array<i32>} : memref<8x2048xf32, #tpu.memory_space<vmem>>, vector<1x16xf32>,
        %parallel_loop3A_355 = vector.shape_cast %parallel_loop3A_354 : vector<1x16xf32> to vector<16xf32>
        %parallel_loop3A_356 = arith.index_cast %parallel_loop3A_135 : i32 to index
        %parallel_loop3A_357 = arith.constant 384 : index
        %parallel_loop3A_358 = tpu.vector_load %arg7[%parallel_loop3A_356, %parallel_loop3A_357] {strides = array<i32>} : memref<8x2048xf32, #tpu.memory_space<vmem>>, vector<1x16xf32>,
        %parallel_loop3A_359 = vector.shape_cast %parallel_loop3A_358 : vector<1x16xf32> to vector<16xf32>
        %parallel_loop3A_360 = vector.shape_cast %parallel_loop3A_355 : vector<16xf32> to vector<1x16xf32>
        tpu.vector_store %arg7[%parallel_loop3A_356, %parallel_loop3A_357], %parallel_loop3A_360 {add = true, strides = array<i32>} : memref<8x2048xf32, #tpu.memory_space<vmem>>, vector<1x16xf32>,
        %parallel_loop3A_361 = arith.index_cast %parallel_loop3A_135 : i32 to index
        %parallel_loop3A_362 = arith.constant 400 : index
        %parallel_loop3A_363 = tpu.vector_load %arg8[%parallel_loop3A_361, %parallel_loop3A_362] {strides = array<i32>} : memref<8x2048xf32, #tpu.memory_space<vmem>>, vector<1x16xf32>,
        %parallel_loop3A_364 = vector.shape_cast %parallel_loop3A_363 : vector<1x16xf32> to vector<16xf32>
        %parallel_loop3A_365 = arith.index_cast %parallel_loop3A_135 : i32 to index
        %parallel_loop3A_366 = arith.constant 400 : index
        %parallel_loop3A_367 = tpu.vector_load %arg7[%parallel_loop3A_365, %parallel_loop3A_366] {strides = array<i32>} : memref<8x2048xf32, #tpu.memory_space<vmem>>, vector<1x16xf32>,
        %parallel_loop3A_368 = vector.shape_cast %parallel_loop3A_367 : vector<1x16xf32> to vector<16xf32>
        %parallel_loop3A_369 = vector.shape_cast %parallel_loop3A_364 : vector<16xf32> to vector<1x16xf32>
        tpu.vector_store %arg7[%parallel_loop3A_365, %parallel_loop3A_366], %parallel_loop3A_369 {add = true, strides = array<i32>} : memref<8x2048xf32, #tpu.memory_space<vmem>>, vector<1x16xf32>,
        %parallel_loop3A_370 = arith.index_cast %parallel_loop3A_135 : i32 to index
        %parallel_loop3A_371 = arith.constant 416 : index
        %parallel_loop3A_372 = tpu.vector_load %arg8[%parallel_loop3A_370, %parallel_loop3A_371] {strides = array<i32>} : memref<8x2048xf32, #tpu.memory_space<vmem>>, vector<1x16xf32>,
        %parallel_loop3A_373 = vector.shape_cast %parallel_loop3A_372 : vector<1x16xf32> to vector<16xf32>
        %parallel_loop3A_374 = arith.index_cast %parallel_loop3A_135 : i32 to index
        %parallel_loop3A_375 = arith.constant 416 : index
        %parallel_loop3A_376 = tpu.vector_load %arg7[%parallel_loop3A_374, %parallel_loop3A_375] {strides = array<i32>} : memref<8x2048xf32, #tpu.memory_space<vmem>>, vector<1x16xf32>,
        %parallel_loop3A_377 = vector.shape_cast %parallel_loop3A_376 : vector<1x16xf32> to vector<16xf32>
        %parallel_loop3A_378 = vector.shape_cast %parallel_loop3A_373 : vector<16xf32> to vector<1x16xf32>
        tpu.vector_store %arg7[%parallel_loop3A_374, %parallel_loop3A_375], %parallel_loop3A_378 {add = true, strides = array<i32>} : memref<8x2048xf32, #tpu.memory_space<vmem>>, vector<1x16xf32>,
        %parallel_loop3A_379 = arith.index_cast %parallel_loop3A_135 : i32 to index
        %parallel_loop3A_380 = arith.constant 432 : index
        %parallel_loop3A_381 = tpu.vector_load %arg8[%parallel_loop3A_379, %parallel_loop3A_380] {strides = array<i32>} : memref<8x2048xf32, #tpu.memory_space<vmem>>, vector<1x16xf32>,
        %parallel_loop3A_382 = vector.shape_cast %parallel_loop3A_381 : vector<1x16xf32> to vector<16xf32>
        %parallel_loop3A_383 = arith.index_cast %parallel_loop3A_135 : i32 to index
        %parallel_loop3A_384 = arith.constant 432 : index
        %parallel_loop3A_385 = tpu.vector_load %arg7[%parallel_loop3A_383, %parallel_loop3A_384] {strides = array<i32>} : memref<8x2048xf32, #tpu.memory_space<vmem>>, vector<1x16xf32>,
        %parallel_loop3A_386 = vector.shape_cast %parallel_loop3A_385 : vector<1x16xf32> to vector<16xf32>
        %parallel_loop3A_387 = vector.shape_cast %parallel_loop3A_382 : vector<16xf32> to vector<1x16xf32>
        tpu.vector_store %arg7[%parallel_loop3A_383, %parallel_loop3A_384], %parallel_loop3A_387 {add = true, strides = array<i32>} : memref<8x2048xf32, #tpu.memory_space<vmem>>, vector<1x16xf32>,
        %parallel_loop3A_388 = arith.index_cast %parallel_loop3A_135 : i32 to index
        %parallel_loop3A_389 = arith.constant 448 : index
        %parallel_loop3A_390 = tpu.vector_load %arg8[%parallel_loop3A_388, %parallel_loop3A_389] {strides = array<i32>} : memref<8x2048xf32, #tpu.memory_space<vmem>>, vector<1x16xf32>,
        %parallel_loop3A_391 = vector.shape_cast %parallel_loop3A_390 : vector<1x16xf32> to vector<16xf32>
        %parallel_loop3A_392 = arith.index_cast %parallel_loop3A_135 : i32 to index
        %parallel_loop3A_393 = arith.constant 448 : index
        %parallel_loop3A_394 = tpu.vector_load %arg7[%parallel_loop3A_392, %parallel_loop3A_393] {strides = array<i32>} : memref<8x2048xf32, #tpu.memory_space<vmem>>, vector<1x16xf32>,
        %parallel_loop3A_395 = vector.shape_cast %parallel_loop3A_394 : vector<1x16xf32> to vector<16xf32>
        %parallel_loop3A_396 = vector.shape_cast %parallel_loop3A_391 : vector<16xf32> to vector<1x16xf32>
        tpu.vector_store %arg7[%parallel_loop3A_392, %parallel_loop3A_393], %parallel_loop3A_396 {add = true, strides = array<i32>} : memref<8x2048xf32, #tpu.memory_space<vmem>>, vector<1x16xf32>,
        %parallel_loop3A_397 = arith.index_cast %parallel_loop3A_135 : i32 to index
        %parallel_loop3A_398 = arith.constant 464 : index
        %parallel_loop3A_399 = tpu.vector_load %arg8[%parallel_loop3A_397, %parallel_loop3A_398] {strides = array<i32>} : memref<8x2048xf32, #tpu.memory_space<vmem>>, vector<1x16xf32>,
        %parallel_loop3A_400 = vector.shape_cast %parallel_loop3A_399 : vector<1x16xf32> to vector<16xf32>
        %parallel_loop3A_401 = arith.index_cast %parallel_loop3A_135 : i32 to index
        %parallel_loop3A_402 = arith.constant 464 : index
        %parallel_loop3A_403 = tpu.vector_load %arg7[%parallel_loop3A_401, %parallel_loop3A_402] {strides = array<i32>} : memref<8x2048xf32, #tpu.memory_space<vmem>>, vector<1x16xf32>,
        %parallel_loop3A_404 = vector.shape_cast %parallel_loop3A_403 : vector<1x16xf32> to vector<16xf32>
        %parallel_loop3A_405 = vector.shape_cast %parallel_loop3A_400 : vector<16xf32> to vector<1x16xf32>
        tpu.vector_store %arg7[%parallel_loop3A_401, %parallel_loop3A_402], %parallel_loop3A_405 {add = true, strides = array<i32>} : memref<8x2048xf32, #tpu.memory_space<vmem>>, vector<1x16xf32>,
        %parallel_loop3A_406 = arith.index_cast %parallel_loop3A_135 : i32 to index
        %parallel_loop3A_407 = arith.constant 480 : index
        %parallel_loop3A_408 = tpu.vector_load %arg8[%parallel_loop3A_406, %parallel_loop3A_407] {strides = array<i32>} : memref<8x2048xf32, #tpu.memory_space<vmem>>, vector<1x16xf32>,
        %parallel_loop3A_409 = vector.shape_cast %parallel_loop3A_408 : vector<1x16xf32> to vector<16xf32>
        %parallel_loop3A_410 = arith.index_cast %parallel_loop3A_135 : i32 to index
        %parallel_loop3A_411 = arith.constant 480 : index
        %parallel_loop3A_412 = tpu.vector_load %arg7[%parallel_loop3A_410, %parallel_loop3A_411] {strides = array<i32>} : memref<8x2048xf32, #tpu.memory_space<vmem>>, vector<1x16xf32>,
        %parallel_loop3A_413 = vector.shape_cast %parallel_loop3A_412 : vector<1x16xf32> to vector<16xf32>
        %parallel_loop3A_414 = vector.shape_cast %parallel_loop3A_409 : vector<16xf32> to vector<1x16xf32>
        tpu.vector_store %arg7[%parallel_loop3A_410, %parallel_loop3A_411], %parallel_loop3A_414 {add = true, strides = array<i32>} : memref<8x2048xf32, #tpu.memory_space<vmem>>, vector<1x16xf32>,
        %parallel_loop3A_415 = arith.index_cast %parallel_loop3A_135 : i32 to index
        %parallel_loop3A_416 = arith.constant 496 : index
        %parallel_loop3A_417 = tpu.vector_load %arg8[%parallel_loop3A_415, %parallel_loop3A_416] {strides = array<i32>} : memref<8x2048xf32, #tpu.memory_space<vmem>>, vector<1x16xf32>,
        %parallel_loop3A_418 = vector.shape_cast %parallel_loop3A_417 : vector<1x16xf32> to vector<16xf32>
        %parallel_loop3A_419 = arith.index_cast %parallel_loop3A_135 : i32 to index
        %parallel_loop3A_420 = arith.constant 496 : index
        %parallel_loop3A_421 = tpu.vector_load %arg7[%parallel_loop3A_419, %parallel_loop3A_420] {strides = array<i32>} : memref<8x2048xf32, #tpu.memory_space<vmem>>, vector<1x16xf32>,
        %parallel_loop3A_422 = vector.shape_cast %parallel_loop3A_421 : vector<1x16xf32> to vector<16xf32>
        %parallel_loop3A_423 = vector.shape_cast %parallel_loop3A_418 : vector<16xf32> to vector<1x16xf32>
        tpu.vector_store %arg7[%parallel_loop3A_419, %parallel_loop3A_420], %parallel_loop3A_423 {add = true, strides = array<i32>} : memref<8x2048xf32, #tpu.memory_space<vmem>>, vector<1x16xf32>,
        %parallel_loop3A_424 = arith.index_cast %parallel_loop3A_135 : i32 to index
        %parallel_loop3A_425 = arith.constant 512 : index
        %parallel_loop3A_426 = tpu.vector_load %arg8[%parallel_loop3A_424, %parallel_loop3A_425] {strides = array<i32>} : memref<8x2048xf32, #tpu.memory_space<vmem>>, vector<1x16xf32>,
        %parallel_loop3A_427 = vector.shape_cast %parallel_loop3A_426 : vector<1x16xf32> to vector<16xf32>
        %parallel_loop3A_428 = arith.index_cast %parallel_loop3A_135 : i32 to index
        %parallel_loop3A_429 = arith.constant 512 : index
        %parallel_loop3A_430 = tpu.vector_load %arg7[%parallel_loop3A_428, %parallel_loop3A_429] {strides = array<i32>} : memref<8x2048xf32, #tpu.memory_space<vmem>>, vector<1x16xf32>,
        %parallel_loop3A_431 = vector.shape_cast %parallel_loop3A_430 : vector<1x16xf32> to vector<16xf32>
        %parallel_loop3A_432 = vector.shape_cast %parallel_loop3A_427 : vector<16xf32> to vector<1x16xf32>
        tpu.vector_store %arg7[%parallel_loop3A_428, %parallel_loop3A_429], %parallel_loop3A_432 {add = true, strides = array<i32>} : memref<8x2048xf32, #tpu.memory_space<vmem>>, vector<1x16xf32>,
        %parallel_loop3A_433 = arith.index_cast %parallel_loop3A_135 : i32 to index
        %parallel_loop3A_434 = arith.constant 528 : index
        %parallel_loop3A_435 = tpu.vector_load %arg8[%parallel_loop3A_433, %parallel_loop3A_434] {strides = array<i32>} : memref<8x2048xf32, #tpu.memory_space<vmem>>, vector<1x16xf32>,
        %parallel_loop3A_436 = vector.shape_cast %parallel_loop3A_435 : vector<1x16xf32> to vector<16xf32>
        %parallel_loop3A_437 = arith.index_cast %parallel_loop3A_135 : i32 to index
        %parallel_loop3A_438 = arith.constant 528 : index
        %parallel_loop3A_439 = tpu.vector_load %arg7[%parallel_loop3A_437, %parallel_loop3A_438] {strides = array<i32>} : memref<8x2048xf32, #tpu.memory_space<vmem>>, vector<1x16xf32>,
        %parallel_loop3A_440 = vector.shape_cast %parallel_loop3A_439 : vector<1x16xf32> to vector<16xf32>
        %parallel_loop3A_441 = vector.shape_cast %parallel_loop3A_436 : vector<16xf32> to vector<1x16xf32>
        tpu.vector_store %arg7[%parallel_loop3A_437, %parallel_loop3A_438], %parallel_loop3A_441 {add = true, strides = array<i32>} : memref<8x2048xf32, #tpu.memory_space<vmem>>, vector<1x16xf32>,
        %parallel_loop3A_442 = arith.index_cast %parallel_loop3A_135 : i32 to index
        %parallel_loop3A_443 = arith.constant 544 : index
        %parallel_loop3A_444 = tpu.vector_load %arg8[%parallel_loop3A_442, %parallel_loop3A_443] {strides = array<i32>} : memref<8x2048xf32, #tpu.memory_space<vmem>>, vector<1x16xf32>,
        %parallel_loop3A_445 = vector.shape_cast %parallel_loop3A_444 : vector<1x16xf32> to vector<16xf32>
        %parallel_loop3A_446 = arith.index_cast %parallel_loop3A_135 : i32 to index
        %parallel_loop3A_447 = arith.constant 544 : index
        %parallel_loop3A_448 = tpu.vector_load %arg7[%parallel_loop3A_446, %parallel_loop3A_447] {strides = array<i32>} : memref<8x2048xf32, #tpu.memory_space<vmem>>, vector<1x16xf32>,
        %parallel_loop3A_449 = vector.shape_cast %parallel_loop3A_448 : vector<1x16xf32> to vector<16xf32>
        %parallel_loop3A_450 = vector.shape_cast %parallel_loop3A_445 : vector<16xf32> to vector<1x16xf32>
        tpu.vector_store %arg7[%parallel_loop3A_446, %parallel_loop3A_447], %parallel_loop3A_450 {add = true, strides = array<i32>} : memref<8x2048xf32, #tpu.memory_space<vmem>>, vector<1x16xf32>,
        %parallel_loop3A_451 = arith.index_cast %parallel_loop3A_135 : i32 to index
        %parallel_loop3A_452 = arith.constant 560 : index
        %parallel_loop3A_453 = tpu.vector_load %arg8[%parallel_loop3A_451, %parallel_loop3A_452] {strides = array<i32>} : memref<8x2048xf32, #tpu.memory_space<vmem>>, vector<1x16xf32>,
        %parallel_loop3A_454 = vector.shape_cast %parallel_loop3A_453 : vector<1x16xf32> to vector<16xf32>
        %parallel_loop3A_455 = arith.index_cast %parallel_loop3A_135 : i32 to index
        %parallel_loop3A_456 = arith.constant 560 : index
        %parallel_loop3A_457 = tpu.vector_load %arg7[%parallel_loop3A_455, %parallel_loop3A_456] {strides = array<i32>} : memref<8x2048xf32, #tpu.memory_space<vmem>>, vector<1x16xf32>,
        %parallel_loop3A_458 = vector.shape_cast %parallel_loop3A_457 : vector<1x16xf32> to vector<16xf32>
        %parallel_loop3A_459 = vector.shape_cast %parallel_loop3A_454 : vector<16xf32> to vector<1x16xf32>
        tpu.vector_store %arg7[%parallel_loop3A_455, %parallel_loop3A_456], %parallel_loop3A_459 {add = true, strides = array<i32>} : memref<8x2048xf32, #tpu.memory_space<vmem>>, vector<1x16xf32>,
        %parallel_loop3A_460 = arith.index_cast %parallel_loop3A_135 : i32 to index
        %parallel_loop3A_461 = arith.constant 576 : index
        %parallel_loop3A_462 = tpu.vector_load %arg8[%parallel_loop3A_460, %parallel_loop3A_461] {strides = array<i32>} : memref<8x2048xf32, #tpu.memory_space<vmem>>, vector<1x16xf32>,
        %parallel_loop3A_463 = vector.shape_cast %parallel_loop3A_462 : vector<1x16xf32> to vector<16xf32>
        %parallel_loop3A_464 = arith.index_cast %parallel_loop3A_135 : i32 to index
        %parallel_loop3A_465 = arith.constant 576 : index
        %parallel_loop3A_466 = tpu.vector_load %arg7[%parallel_loop3A_464, %parallel_loop3A_465] {strides = array<i32>} : memref<8x2048xf32, #tpu.memory_space<vmem>>, vector<1x16xf32>,
        %parallel_loop3A_467 = vector.shape_cast %parallel_loop3A_466 : vector<1x16xf32> to vector<16xf32>
        %parallel_loop3A_468 = vector.shape_cast %parallel_loop3A_463 : vector<16xf32> to vector<1x16xf32>
        tpu.vector_store %arg7[%parallel_loop3A_464, %parallel_loop3A_465], %parallel_loop3A_468 {add = true, strides = array<i32>} : memref<8x2048xf32, #tpu.memory_space<vmem>>, vector<1x16xf32>,
        %parallel_loop3A_469 = arith.index_cast %parallel_loop3A_135 : i32 to index
        %parallel_loop3A_470 = arith.constant 592 : index
        %parallel_loop3A_471 = tpu.vector_load %arg8[%parallel_loop3A_469, %parallel_loop3A_470] {strides = array<i32>} : memref<8x2048xf32, #tpu.memory_space<vmem>>, vector<1x16xf32>,
        %parallel_loop3A_472 = vector.shape_cast %parallel_loop3A_471 : vector<1x16xf32> to vector<16xf32>
        %parallel_loop3A_473 = arith.index_cast %parallel_loop3A_135 : i32 to index
        %parallel_loop3A_474 = arith.constant 592 : index
        %parallel_loop3A_475 = tpu.vector_load %arg7[%parallel_loop3A_473, %parallel_loop3A_474] {strides = array<i32>} : memref<8x2048xf32, #tpu.memory_space<vmem>>, vector<1x16xf32>,
        %parallel_loop3A_476 = vector.shape_cast %parallel_loop3A_475 : vector<1x16xf32> to vector<16xf32>
        %parallel_loop3A_477 = vector.shape_cast %parallel_loop3A_472 : vector<16xf32> to vector<1x16xf32>
        tpu.vector_store %arg7[%parallel_loop3A_473, %parallel_loop3A_474], %parallel_loop3A_477 {add = true, strides = array<i32>} : memref<8x2048xf32, #tpu.memory_space<vmem>>, vector<1x16xf32>,
        %parallel_loop3A_478 = arith.index_cast %parallel_loop3A_135 : i32 to index
        %parallel_loop3A_479 = arith.constant 608 : index
        %parallel_loop3A_480 = tpu.vector_load %arg8[%parallel_loop3A_478, %parallel_loop3A_479] {strides = array<i32>} : memref<8x2048xf32, #tpu.memory_space<vmem>>, vector<1x16xf32>,
        %parallel_loop3A_481 = vector.shape_cast %parallel_loop3A_480 : vector<1x16xf32> to vector<16xf32>
        %parallel_loop3A_482 = arith.index_cast %parallel_loop3A_135 : i32 to index
        %parallel_loop3A_483 = arith.constant 608 : index
        %parallel_loop3A_484 = tpu.vector_load %arg7[%parallel_loop3A_482, %parallel_loop3A_483] {strides = array<i32>} : memref<8x2048xf32, #tpu.memory_space<vmem>>, vector<1x16xf32>,
        %parallel_loop3A_485 = vector.shape_cast %parallel_loop3A_484 : vector<1x16xf32> to vector<16xf32>
        %parallel_loop3A_486 = vector.shape_cast %parallel_loop3A_481 : vector<16xf32> to vector<1x16xf32>
        tpu.vector_store %arg7[%parallel_loop3A_482, %parallel_loop3A_483], %parallel_loop3A_486 {add = true, strides = array<i32>} : memref<8x2048xf32, #tpu.memory_space<vmem>>, vector<1x16xf32>,
        %parallel_loop3A_487 = arith.index_cast %parallel_loop3A_135 : i32 to index
        %parallel_loop3A_488 = arith.constant 624 : index
        %parallel_loop3A_489 = tpu.vector_load %arg8[%parallel_loop3A_487, %parallel_loop3A_488] {strides = array<i32>} : memref<8x2048xf32, #tpu.memory_space<vmem>>, vector<1x16xf32>,
        %parallel_loop3A_490 = vector.shape_cast %parallel_loop3A_489 : vector<1x16xf32> to vector<16xf32>
        %parallel_loop3A_491 = arith.index_cast %parallel_loop3A_135 : i32 to index
        %parallel_loop3A_492 = arith.constant 624 : index
        %parallel_loop3A_493 = tpu.vector_load %arg7[%parallel_loop3A_491, %parallel_loop3A_492] {strides = array<i32>} : memref<8x2048xf32, #tpu.memory_space<vmem>>, vector<1x16xf32>,
        %parallel_loop3A_494 = vector.shape_cast %parallel_loop3A_493 : vector<1x16xf32> to vector<16xf32>
        %parallel_loop3A_495 = vector.shape_cast %parallel_loop3A_490 : vector<16xf32> to vector<1x16xf32>
        tpu.vector_store %arg7[%parallel_loop3A_491, %parallel_loop3A_492], %parallel_loop3A_495 {add = true, strides = array<i32>} : memref<8x2048xf32, #tpu.memory_space<vmem>>, vector<1x16xf32>,
        %parallel_loop3A_496 = arith.index_cast %parallel_loop3A_135 : i32 to index
        %parallel_loop3A_497 = arith.constant 640 : index
        %parallel_loop3A_498 = tpu.vector_load %arg8[%parallel_loop3A_496, %parallel_loop3A_497] {strides = array<i32>} : memref<8x2048xf32, #tpu.memory_space<vmem>>, vector<1x16xf32>,
        %parallel_loop3A_499 = vector.shape_cast %parallel_loop3A_498 : vector<1x16xf32> to vector<16xf32>
        %parallel_loop3A_500 = arith.index_cast %parallel_loop3A_135 : i32 to index
        %parallel_loop3A_501 = arith.constant 640 : index
        %parallel_loop3A_502 = tpu.vector_load %arg7[%parallel_loop3A_500, %parallel_loop3A_501] {strides = array<i32>} : memref<8x2048xf32, #tpu.memory_space<vmem>>, vector<1x16xf32>,
        %parallel_loop3A_503 = vector.shape_cast %parallel_loop3A_502 : vector<1x16xf32> to vector<16xf32>
        %parallel_loop3A_504 = vector.shape_cast %parallel_loop3A_499 : vector<16xf32> to vector<1x16xf32>
        tpu.vector_store %arg7[%parallel_loop3A_500, %parallel_loop3A_501], %parallel_loop3A_504 {add = true, strides = array<i32>} : memref<8x2048xf32, #tpu.memory_space<vmem>>, vector<1x16xf32>,
        %parallel_loop3A_505 = arith.index_cast %parallel_loop3A_135 : i32 to index
        %parallel_loop3A_506 = arith.constant 656 : index
        %parallel_loop3A_507 = tpu.vector_load %arg8[%parallel_loop3A_505, %parallel_loop3A_506] {strides = array<i32>} : memref<8x2048xf32, #tpu.memory_space<vmem>>, vector<1x16xf32>,
        %parallel_loop3A_508 = vector.shape_cast %parallel_loop3A_507 : vector<1x16xf32> to vector<16xf32>
        %parallel_loop3A_509 = arith.index_cast %parallel_loop3A_135 : i32 to index
        %parallel_loop3A_510 = arith.constant 656 : index
        %parallel_loop3A_511 = tpu.vector_load %arg7[%parallel_loop3A_509, %parallel_loop3A_510] {strides = array<i32>} : memref<8x2048xf32, #tpu.memory_space<vmem>>, vector<1x16xf32>,
        %parallel_loop3A_512 = vector.shape_cast %parallel_loop3A_511 : vector<1x16xf32> to vector<16xf32>
        %parallel_loop3A_513 = vector.shape_cast %parallel_loop3A_508 : vector<16xf32> to vector<1x16xf32>
        tpu.vector_store %arg7[%parallel_loop3A_509, %parallel_loop3A_510], %parallel_loop3A_513 {add = true, strides = array<i32>} : memref<8x2048xf32, #tpu.memory_space<vmem>>, vector<1x16xf32>,
        %parallel_loop3A_514 = arith.index_cast %parallel_loop3A_135 : i32 to index
        %parallel_loop3A_515 = arith.constant 672 : index
        %parallel_loop3A_516 = tpu.vector_load %arg8[%parallel_loop3A_514, %parallel_loop3A_515] {strides = array<i32>} : memref<8x2048xf32, #tpu.memory_space<vmem>>, vector<1x16xf32>,
        %parallel_loop3A_517 = vector.shape_cast %parallel_loop3A_516 : vector<1x16xf32> to vector<16xf32>
        %parallel_loop3A_518 = arith.index_cast %parallel_loop3A_135 : i32 to index
        %parallel_loop3A_519 = arith.constant 672 : index
        %parallel_loop3A_520 = tpu.vector_load %arg7[%parallel_loop3A_518, %parallel_loop3A_519] {strides = array<i32>} : memref<8x2048xf32, #tpu.memory_space<vmem>>, vector<1x16xf32>,
        %parallel_loop3A_521 = vector.shape_cast %parallel_loop3A_520 : vector<1x16xf32> to vector<16xf32>
        %parallel_loop3A_522 = vector.shape_cast %parallel_loop3A_517 : vector<16xf32> to vector<1x16xf32>
        tpu.vector_store %arg7[%parallel_loop3A_518, %parallel_loop3A_519], %parallel_loop3A_522 {add = true, strides = array<i32>} : memref<8x2048xf32, #tpu.memory_space<vmem>>, vector<1x16xf32>,
        %parallel_loop3A_523 = arith.index_cast %parallel_loop3A_135 : i32 to index
        %parallel_loop3A_524 = arith.constant 688 : index
        %parallel_loop3A_525 = tpu.vector_load %arg8[%parallel_loop3A_523, %parallel_loop3A_524] {strides = array<i32>} : memref<8x2048xf32, #tpu.memory_space<vmem>>, vector<1x16xf32>,
        %parallel_loop3A_526 = vector.shape_cast %parallel_loop3A_525 : vector<1x16xf32> to vector<16xf32>
        %parallel_loop3A_527 = arith.index_cast %parallel_loop3A_135 : i32 to index
        %parallel_loop3A_528 = arith.constant 688 : index
        %parallel_loop3A_529 = tpu.vector_load %arg7[%parallel_loop3A_527, %parallel_loop3A_528] {strides = array<i32>} : memref<8x2048xf32, #tpu.memory_space<vmem>>, vector<1x16xf32>,
        %parallel_loop3A_530 = vector.shape_cast %parallel_loop3A_529 : vector<1x16xf32> to vector<16xf32>
        %parallel_loop3A_531 = vector.shape_cast %parallel_loop3A_526 : vector<16xf32> to vector<1x16xf32>
        tpu.vector_store %arg7[%parallel_loop3A_527, %parallel_loop3A_528], %parallel_loop3A_531 {add = true, strides = array<i32>} : memref<8x2048xf32, #tpu.memory_space<vmem>>, vector<1x16xf32>,
        %parallel_loop3A_532 = arith.index_cast %parallel_loop3A_135 : i32 to index
        %parallel_loop3A_533 = arith.constant 704 : index
        %parallel_loop3A_534 = tpu.vector_load %arg8[%parallel_loop3A_532, %parallel_loop3A_533] {strides = array<i32>} : memref<8x2048xf32, #tpu.memory_space<vmem>>, vector<1x16xf32>,
        %parallel_loop3A_535 = vector.shape_cast %parallel_loop3A_534 : vector<1x16xf32> to vector<16xf32>
        %parallel_loop3A_536 = arith.index_cast %parallel_loop3A_135 : i32 to index
        %parallel_loop3A_537 = arith.constant 704 : index
        %parallel_loop3A_538 = tpu.vector_load %arg7[%parallel_loop3A_536, %parallel_loop3A_537] {strides = array<i32>} : memref<8x2048xf32, #tpu.memory_space<vmem>>, vector<1x16xf32>,
        %parallel_loop3A_539 = vector.shape_cast %parallel_loop3A_538 : vector<1x16xf32> to vector<16xf32>
        %parallel_loop3A_540 = vector.shape_cast %parallel_loop3A_535 : vector<16xf32> to vector<1x16xf32>
        tpu.vector_store %arg7[%parallel_loop3A_536, %parallel_loop3A_537], %parallel_loop3A_540 {add = true, strides = array<i32>} : memref<8x2048xf32, #tpu.memory_space<vmem>>, vector<1x16xf32>,
        %parallel_loop3A_541 = arith.index_cast %parallel_loop3A_135 : i32 to index
        %parallel_loop3A_542 = arith.constant 720 : index
        %parallel_loop3A_543 = tpu.vector_load %arg8[%parallel_loop3A_541, %parallel_loop3A_542] {strides = array<i32>} : memref<8x2048xf32, #tpu.memory_space<vmem>>, vector<1x16xf32>,
        %parallel_loop3A_544 = vector.shape_cast %parallel_loop3A_543 : vector<1x16xf32> to vector<16xf32>
        %parallel_loop3A_545 = arith.index_cast %parallel_loop3A_135 : i32 to index
        %parallel_loop3A_546 = arith.constant 720 : index
        %parallel_loop3A_547 = tpu.vector_load %arg7[%parallel_loop3A_545, %parallel_loop3A_546] {strides = array<i32>} : memref<8x2048xf32, #tpu.memory_space<vmem>>, vector<1x16xf32>,
        %parallel_loop3A_548 = vector.shape_cast %parallel_loop3A_547 : vector<1x16xf32> to vector<16xf32>
        %parallel_loop3A_549 = vector.shape_cast %parallel_loop3A_544 : vector<16xf32> to vector<1x16xf32>
        tpu.vector_store %arg7[%parallel_loop3A_545, %parallel_loop3A_546], %parallel_loop3A_549 {add = true, strides = array<i32>} : memref<8x2048xf32, #tpu.memory_space<vmem>>, vector<1x16xf32>,
        %parallel_loop3A_550 = arith.index_cast %parallel_loop3A_135 : i32 to index
        %parallel_loop3A_551 = arith.constant 736 : index
        %parallel_loop3A_552 = tpu.vector_load %arg8[%parallel_loop3A_550, %parallel_loop3A_551] {strides = array<i32>} : memref<8x2048xf32, #tpu.memory_space<vmem>>, vector<1x16xf32>,
        %parallel_loop3A_553 = vector.shape_cast %parallel_loop3A_552 : vector<1x16xf32> to vector<16xf32>
        %parallel_loop3A_554 = arith.index_cast %parallel_loop3A_135 : i32 to index
        %parallel_loop3A_555 = arith.constant 736 : index
        %parallel_loop3A_556 = tpu.vector_load %arg7[%parallel_loop3A_554, %parallel_loop3A_555] {strides = array<i32>} : memref<8x2048xf32, #tpu.memory_space<vmem>>, vector<1x16xf32>,
        %parallel_loop3A_557 = vector.shape_cast %parallel_loop3A_556 : vector<1x16xf32> to vector<16xf32>
        %parallel_loop3A_558 = vector.shape_cast %parallel_loop3A_553 : vector<16xf32> to vector<1x16xf32>
        tpu.vector_store %arg7[%parallel_loop3A_554, %parallel_loop3A_555], %parallel_loop3A_558 {add = true, strides = array<i32>} : memref<8x2048xf32, #tpu.memory_space<vmem>>, vector<1x16xf32>,
        %parallel_loop3A_559 = arith.index_cast %parallel_loop3A_135 : i32 to index
        %parallel_loop3A_560 = arith.constant 752 : index
        %parallel_loop3A_561 = tpu.vector_load %arg8[%parallel_loop3A_559, %parallel_loop3A_560] {strides = array<i32>} : memref<8x2048xf32, #tpu.memory_space<vmem>>, vector<1x16xf32>,
        %parallel_loop3A_562 = vector.shape_cast %parallel_loop3A_561 : vector<1x16xf32> to vector<16xf32>
        %parallel_loop3A_563 = arith.index_cast %parallel_loop3A_135 : i32 to index
        %parallel_loop3A_564 = arith.constant 752 : index
        %parallel_loop3A_565 = tpu.vector_load %arg7[%parallel_loop3A_563, %parallel_loop3A_564] {strides = array<i32>} : memref<8x2048xf32, #tpu.memory_space<vmem>>, vector<1x16xf32>,
        %parallel_loop3A_566 = vector.shape_cast %parallel_loop3A_565 : vector<1x16xf32> to vector<16xf32>
        %parallel_loop3A_567 = vector.shape_cast %parallel_loop3A_562 : vector<16xf32> to vector<1x16xf32>
        tpu.vector_store %arg7[%parallel_loop3A_563, %parallel_loop3A_564], %parallel_loop3A_567 {add = true, strides = array<i32>} : memref<8x2048xf32, #tpu.memory_space<vmem>>, vector<1x16xf32>,
        %parallel_loop3A_568 = arith.index_cast %parallel_loop3A_135 : i32 to index
        %parallel_loop3A_569 = arith.constant 768 : index
        %parallel_loop3A_570 = tpu.vector_load %arg8[%parallel_loop3A_568, %parallel_loop3A_569] {strides = array<i32>} : memref<8x2048xf32, #tpu.memory_space<vmem>>, vector<1x16xf32>,
        %parallel_loop3A_571 = vector.shape_cast %parallel_loop3A_570 : vector<1x16xf32> to vector<16xf32>
        %parallel_loop3A_572 = arith.index_cast %parallel_loop3A_135 : i32 to index
        %parallel_loop3A_573 = arith.constant 768 : index
        %parallel_loop3A_574 = tpu.vector_load %arg7[%parallel_loop3A_572, %parallel_loop3A_573] {strides = array<i32>} : memref<8x2048xf32, #tpu.memory_space<vmem>>, vector<1x16xf32>,
        %parallel_loop3A_575 = vector.shape_cast %parallel_loop3A_574 : vector<1x16xf32> to vector<16xf32>
        %parallel_loop3A_576 = vector.shape_cast %parallel_loop3A_571 : vector<16xf32> to vector<1x16xf32>
        tpu.vector_store %arg7[%parallel_loop3A_572, %parallel_loop3A_573], %parallel_loop3A_576 {add = true, strides = array<i32>} : memref<8x2048xf32, #tpu.memory_space<vmem>>, vector<1x16xf32>,
        %parallel_loop3A_577 = arith.index_cast %parallel_loop3A_135 : i32 to index
        %parallel_loop3A_578 = arith.constant 784 : index
        %parallel_loop3A_579 = tpu.vector_load %arg8[%parallel_loop3A_577, %parallel_loop3A_578] {strides = array<i32>} : memref<8x2048xf32, #tpu.memory_space<vmem>>, vector<1x16xf32>,
        %parallel_loop3A_580 = vector.shape_cast %parallel_loop3A_579 : vector<1x16xf32> to vector<16xf32>
        %parallel_loop3A_581 = arith.index_cast %parallel_loop3A_135 : i32 to index
        %parallel_loop3A_582 = arith.constant 784 : index
        %parallel_loop3A_583 = tpu.vector_load %arg7[%parallel_loop3A_581, %parallel_loop3A_582] {strides = array<i32>} : memref<8x2048xf32, #tpu.memory_space<vmem>>, vector<1x16xf32>,
        %parallel_loop3A_584 = vector.shape_cast %parallel_loop3A_583 : vector<1x16xf32> to vector<16xf32>
        %parallel_loop3A_585 = vector.shape_cast %parallel_loop3A_580 : vector<16xf32> to vector<1x16xf32>
        tpu.vector_store %arg7[%parallel_loop3A_581, %parallel_loop3A_582], %parallel_loop3A_585 {add = true, strides = array<i32>} : memref<8x2048xf32, #tpu.memory_space<vmem>>, vector<1x16xf32>,
        %parallel_loop3A_586 = arith.index_cast %parallel_loop3A_135 : i32 to index
        %parallel_loop3A_587 = arith.constant 800 : index
        %parallel_loop3A_588 = tpu.vector_load %arg8[%parallel_loop3A_586, %parallel_loop3A_587] {strides = array<i32>} : memref<8x2048xf32, #tpu.memory_space<vmem>>, vector<1x16xf32>,
        %parallel_loop3A_589 = vector.shape_cast %parallel_loop3A_588 : vector<1x16xf32> to vector<16xf32>
        %parallel_loop3A_590 = arith.index_cast %parallel_loop3A_135 : i32 to index
        %parallel_loop3A_591 = arith.constant 800 : index
        %parallel_loop3A_592 = tpu.vector_load %arg7[%parallel_loop3A_590, %parallel_loop3A_591] {strides = array<i32>} : memref<8x2048xf32, #tpu.memory_space<vmem>>, vector<1x16xf32>,
        %parallel_loop3A_593 = vector.shape_cast %parallel_loop3A_592 : vector<1x16xf32> to vector<16xf32>
        %parallel_loop3A_594 = vector.shape_cast %parallel_loop3A_589 : vector<16xf32> to vector<1x16xf32>
        tpu.vector_store %arg7[%parallel_loop3A_590, %parallel_loop3A_591], %parallel_loop3A_594 {add = true, strides = array<i32>} : memref<8x2048xf32, #tpu.memory_space<vmem>>, vector<1x16xf32>,
        %parallel_loop3A_595 = arith.index_cast %parallel_loop3A_135 : i32 to index
        %parallel_loop3A_596 = arith.constant 816 : index
        %parallel_loop3A_597 = tpu.vector_load %arg8[%parallel_loop3A_595, %parallel_loop3A_596] {strides = array<i32>} : memref<8x2048xf32, #tpu.memory_space<vmem>>, vector<1x16xf32>,
        %parallel_loop3A_598 = vector.shape_cast %parallel_loop3A_597 : vector<1x16xf32> to vector<16xf32>
        %parallel_loop3A_599 = arith.index_cast %parallel_loop3A_135 : i32 to index
        %parallel_loop3A_600 = arith.constant 816 : index
        %parallel_loop3A_601 = tpu.vector_load %arg7[%parallel_loop3A_599, %parallel_loop3A_600] {strides = array<i32>} : memref<8x2048xf32, #tpu.memory_space<vmem>>, vector<1x16xf32>,
        %parallel_loop3A_602 = vector.shape_cast %parallel_loop3A_601 : vector<1x16xf32> to vector<16xf32>
        %parallel_loop3A_603 = vector.shape_cast %parallel_loop3A_598 : vector<16xf32> to vector<1x16xf32>
        tpu.vector_store %arg7[%parallel_loop3A_599, %parallel_loop3A_600], %parallel_loop3A_603 {add = true, strides = array<i32>} : memref<8x2048xf32, #tpu.memory_space<vmem>>, vector<1x16xf32>,
        %parallel_loop3A_604 = arith.index_cast %parallel_loop3A_135 : i32 to index
        %parallel_loop3A_605 = arith.constant 832 : index
        %parallel_loop3A_606 = tpu.vector_load %arg8[%parallel_loop3A_604, %parallel_loop3A_605] {strides = array<i32>} : memref<8x2048xf32, #tpu.memory_space<vmem>>, vector<1x16xf32>,
        %parallel_loop3A_607 = vector.shape_cast %parallel_loop3A_606 : vector<1x16xf32> to vector<16xf32>
        %parallel_loop3A_608 = arith.index_cast %parallel_loop3A_135 : i32 to index
        %parallel_loop3A_609 = arith.constant 832 : index
        %parallel_loop3A_610 = tpu.vector_load %arg7[%parallel_loop3A_608, %parallel_loop3A_609] {strides = array<i32>} : memref<8x2048xf32, #tpu.memory_space<vmem>>, vector<1x16xf32>,
        %parallel_loop3A_611 = vector.shape_cast %parallel_loop3A_610 : vector<1x16xf32> to vector<16xf32>
        %parallel_loop3A_612 = vector.shape_cast %parallel_loop3A_607 : vector<16xf32> to vector<1x16xf32>
        tpu.vector_store %arg7[%parallel_loop3A_608, %parallel_loop3A_609], %parallel_loop3A_612 {add = true, strides = array<i32>} : memref<8x2048xf32, #tpu.memory_space<vmem>>, vector<1x16xf32>,
        %parallel_loop3A_613 = arith.index_cast %parallel_loop3A_135 : i32 to index
        %parallel_loop3A_614 = arith.constant 848 : index
        %parallel_loop3A_615 = tpu.vector_load %arg8[%parallel_loop3A_613, %parallel_loop3A_614] {strides = array<i32>} : memref<8x2048xf32, #tpu.memory_space<vmem>>, vector<1x16xf32>,
        %parallel_loop3A_616 = vector.shape_cast %parallel_loop3A_615 : vector<1x16xf32> to vector<16xf32>
        %parallel_loop3A_617 = arith.index_cast %parallel_loop3A_135 : i32 to index
        %parallel_loop3A_618 = arith.constant 848 : index
        %parallel_loop3A_619 = tpu.vector_load %arg7[%parallel_loop3A_617, %parallel_loop3A_618] {strides = array<i32>} : memref<8x2048xf32, #tpu.memory_space<vmem>>, vector<1x16xf32>,
        %parallel_loop3A_620 = vector.shape_cast %parallel_loop3A_619 : vector<1x16xf32> to vector<16xf32>
        %parallel_loop3A_621 = vector.shape_cast %parallel_loop3A_616 : vector<16xf32> to vector<1x16xf32>
        tpu.vector_store %arg7[%parallel_loop3A_617, %parallel_loop3A_618], %parallel_loop3A_621 {add = true, strides = array<i32>} : memref<8x2048xf32, #tpu.memory_space<vmem>>, vector<1x16xf32>,
        %parallel_loop3A_622 = arith.index_cast %parallel_loop3A_135 : i32 to index
        %parallel_loop3A_623 = arith.constant 864 : index
        %parallel_loop3A_624 = tpu.vector_load %arg8[%parallel_loop3A_622, %parallel_loop3A_623] {strides = array<i32>} : memref<8x2048xf32, #tpu.memory_space<vmem>>, vector<1x16xf32>,
        %parallel_loop3A_625 = vector.shape_cast %parallel_loop3A_624 : vector<1x16xf32> to vector<16xf32>
        %parallel_loop3A_626 = arith.index_cast %parallel_loop3A_135 : i32 to index
        %parallel_loop3A_627 = arith.constant 864 : index
        %parallel_loop3A_628 = tpu.vector_load %arg7[%parallel_loop3A_626, %parallel_loop3A_627] {strides = array<i32>} : memref<8x2048xf32, #tpu.memory_space<vmem>>, vector<1x16xf32>,
        %parallel_loop3A_629 = vector.shape_cast %parallel_loop3A_628 : vector<1x16xf32> to vector<16xf32>
        %parallel_loop3A_630 = vector.shape_cast %parallel_loop3A_625 : vector<16xf32> to vector<1x16xf32>
        tpu.vector_store %arg7[%parallel_loop3A_626, %parallel_loop3A_627], %parallel_loop3A_630 {add = true, strides = array<i32>} : memref<8x2048xf32, #tpu.memory_space<vmem>>, vector<1x16xf32>,
        %parallel_loop3A_631 = arith.index_cast %parallel_loop3A_135 : i32 to index
        %parallel_loop3A_632 = arith.constant 880 : index
        %parallel_loop3A_633 = tpu.vector_load %arg8[%parallel_loop3A_631, %parallel_loop3A_632] {strides = array<i32>} : memref<8x2048xf32, #tpu.memory_space<vmem>>, vector<1x16xf32>,
        %parallel_loop3A_634 = vector.shape_cast %parallel_loop3A_633 : vector<1x16xf32> to vector<16xf32>
        %parallel_loop3A_635 = arith.index_cast %parallel_loop3A_135 : i32 to index
        %parallel_loop3A_636 = arith.constant 880 : index
        %parallel_loop3A_637 = tpu.vector_load %arg7[%parallel_loop3A_635, %parallel_loop3A_636] {strides = array<i32>} : memref<8x2048xf32, #tpu.memory_space<vmem>>, vector<1x16xf32>,
        %parallel_loop3A_638 = vector.shape_cast %parallel_loop3A_637 : vector<1x16xf32> to vector<16xf32>
        %parallel_loop3A_639 = vector.shape_cast %parallel_loop3A_634 : vector<16xf32> to vector<1x16xf32>
        tpu.vector_store %arg7[%parallel_loop3A_635, %parallel_loop3A_636], %parallel_loop3A_639 {add = true, strides = array<i32>} : memref<8x2048xf32, #tpu.memory_space<vmem>>, vector<1x16xf32>,
        %parallel_loop3A_640 = arith.index_cast %parallel_loop3A_135 : i32 to index
        %parallel_loop3A_641 = arith.constant 896 : index
        %parallel_loop3A_642 = tpu.vector_load %arg8[%parallel_loop3A_640, %parallel_loop3A_641] {strides = array<i32>} : memref<8x2048xf32, #tpu.memory_space<vmem>>, vector<1x16xf32>,
        %parallel_loop3A_643 = vector.shape_cast %parallel_loop3A_642 : vector<1x16xf32> to vector<16xf32>
        %parallel_loop3A_644 = arith.index_cast %parallel_loop3A_135 : i32 to index
        %parallel_loop3A_645 = arith.constant 896 : index
        %parallel_loop3A_646 = tpu.vector_load %arg7[%parallel_loop3A_644, %parallel_loop3A_645] {strides = array<i32>} : memref<8x2048xf32, #tpu.memory_space<vmem>>, vector<1x16xf32>,
        %parallel_loop3A_647 = vector.shape_cast %parallel_loop3A_646 : vector<1x16xf32> to vector<16xf32>
        %parallel_loop3A_648 = vector.shape_cast %parallel_loop3A_643 : vector<16xf32> to vector<1x16xf32>
        tpu.vector_store %arg7[%parallel_loop3A_644, %parallel_loop3A_645], %parallel_loop3A_648 {add = true, strides = array<i32>} : memref<8x2048xf32, #tpu.memory_space<vmem>>, vector<1x16xf32>,
        %parallel_loop3A_649 = arith.index_cast %parallel_loop3A_135 : i32 to index
        %parallel_loop3A_650 = arith.constant 912 : index
        %parallel_loop3A_651 = tpu.vector_load %arg8[%parallel_loop3A_649, %parallel_loop3A_650] {strides = array<i32>} : memref<8x2048xf32, #tpu.memory_space<vmem>>, vector<1x16xf32>,
        %parallel_loop3A_652 = vector.shape_cast %parallel_loop3A_651 : vector<1x16xf32> to vector<16xf32>
        %parallel_loop3A_653 = arith.index_cast %parallel_loop3A_135 : i32 to index
        %parallel_loop3A_654 = arith.constant 912 : index
        %parallel_loop3A_655 = tpu.vector_load %arg7[%parallel_loop3A_653, %parallel_loop3A_654] {strides = array<i32>} : memref<8x2048xf32, #tpu.memory_space<vmem>>, vector<1x16xf32>,
        %parallel_loop3A_656 = vector.shape_cast %parallel_loop3A_655 : vector<1x16xf32> to vector<16xf32>
        %parallel_loop3A_657 = vector.shape_cast %parallel_loop3A_652 : vector<16xf32> to vector<1x16xf32>
        tpu.vector_store %arg7[%parallel_loop3A_653, %parallel_loop3A_654], %parallel_loop3A_657 {add = true, strides = array<i32>} : memref<8x2048xf32, #tpu.memory_space<vmem>>, vector<1x16xf32>,
        %parallel_loop3A_658 = arith.index_cast %parallel_loop3A_135 : i32 to index
        %parallel_loop3A_659 = arith.constant 928 : index
        %parallel_loop3A_660 = tpu.vector_load %arg8[%parallel_loop3A_658, %parallel_loop3A_659] {strides = array<i32>} : memref<8x2048xf32, #tpu.memory_space<vmem>>, vector<1x16xf32>,
        %parallel_loop3A_661 = vector.shape_cast %parallel_loop3A_660 : vector<1x16xf32> to vector<16xf32>
        %parallel_loop3A_662 = arith.index_cast %parallel_loop3A_135 : i32 to index
        %parallel_loop3A_663 = arith.constant 928 : index
        %parallel_loop3A_664 = tpu.vector_load %arg7[%parallel_loop3A_662, %parallel_loop3A_663] {strides = array<i32>} : memref<8x2048xf32, #tpu.memory_space<vmem>>, vector<1x16xf32>,
        %parallel_loop3A_665 = vector.shape_cast %parallel_loop3A_664 : vector<1x16xf32> to vector<16xf32>
        %parallel_loop3A_666 = vector.shape_cast %parallel_loop3A_661 : vector<16xf32> to vector<1x16xf32>
        tpu.vector_store %arg7[%parallel_loop3A_662, %parallel_loop3A_663], %parallel_loop3A_666 {add = true, strides = array<i32>} : memref<8x2048xf32, #tpu.memory_space<vmem>>, vector<1x16xf32>,
        %parallel_loop3A_667 = arith.index_cast %parallel_loop3A_135 : i32 to index
        %parallel_loop3A_668 = arith.constant 944 : index
        %parallel_loop3A_669 = tpu.vector_load %arg8[%parallel_loop3A_667, %parallel_loop3A_668] {strides = array<i32>} : memref<8x2048xf32, #tpu.memory_space<vmem>>, vector<1x16xf32>,
        %parallel_loop3A_670 = vector.shape_cast %parallel_loop3A_669 : vector<1x16xf32> to vector<16xf32>
        %parallel_loop3A_671 = arith.index_cast %parallel_loop3A_135 : i32 to index
        %parallel_loop3A_672 = arith.constant 944 : index
        %parallel_loop3A_673 = tpu.vector_load %arg7[%parallel_loop3A_671, %parallel_loop3A_672] {strides = array<i32>} : memref<8x2048xf32, #tpu.memory_space<vmem>>, vector<1x16xf32>,
        %parallel_loop3A_674 = vector.shape_cast %parallel_loop3A_673 : vector<1x16xf32> to vector<16xf32>
        %parallel_loop3A_675 = vector.shape_cast %parallel_loop3A_670 : vector<16xf32> to vector<1x16xf32>
        tpu.vector_store %arg7[%parallel_loop3A_671, %parallel_loop3A_672], %parallel_loop3A_675 {add = true, strides = array<i32>} : memref<8x2048xf32, #tpu.memory_space<vmem>>, vector<1x16xf32>,
        %parallel_loop3A_676 = arith.index_cast %parallel_loop3A_135 : i32 to index
        %parallel_loop3A_677 = arith.constant 960 : index
        %parallel_loop3A_678 = tpu.vector_load %arg8[%parallel_loop3A_676, %parallel_loop3A_677] {strides = array<i32>} : memref<8x2048xf32, #tpu.memory_space<vmem>>, vector<1x16xf32>,
        %parallel_loop3A_679 = vector.shape_cast %parallel_loop3A_678 : vector<1x16xf32> to vector<16xf32>
        %parallel_loop3A_680 = arith.index_cast %parallel_loop3A_135 : i32 to index
        %parallel_loop3A_681 = arith.constant 960 : index
        %parallel_loop3A_682 = tpu.vector_load %arg7[%parallel_loop3A_680, %parallel_loop3A_681] {strides = array<i32>} : memref<8x2048xf32, #tpu.memory_space<vmem>>, vector<1x16xf32>,
        %parallel_loop3A_683 = vector.shape_cast %parallel_loop3A_682 : vector<1x16xf32> to vector<16xf32>
        %parallel_loop3A_684 = vector.shape_cast %parallel_loop3A_679 : vector<16xf32> to vector<1x16xf32>
        tpu.vector_store %arg7[%parallel_loop3A_680, %parallel_loop3A_681], %parallel_loop3A_684 {add = true, strides = array<i32>} : memref<8x2048xf32, #tpu.memory_space<vmem>>, vector<1x16xf32>,
        %parallel_loop3A_685 = arith.index_cast %parallel_loop3A_135 : i32 to index
        %parallel_loop3A_686 = arith.constant 976 : index
        %parallel_loop3A_687 = tpu.vector_load %arg8[%parallel_loop3A_685, %parallel_loop3A_686] {strides = array<i32>} : memref<8x2048xf32, #tpu.memory_space<vmem>>, vector<1x16xf32>,
        %parallel_loop3A_688 = vector.shape_cast %parallel_loop3A_687 : vector<1x16xf32> to vector<16xf32>
        %parallel_loop3A_689 = arith.index_cast %parallel_loop3A_135 : i32 to index
        %parallel_loop3A_690 = arith.constant 976 : index
        %parallel_loop3A_691 = tpu.vector_load %arg7[%parallel_loop3A_689, %parallel_loop3A_690] {strides = array<i32>} : memref<8x2048xf32, #tpu.memory_space<vmem>>, vector<1x16xf32>,
        %parallel_loop3A_692 = vector.shape_cast %parallel_loop3A_691 : vector<1x16xf32> to vector<16xf32>
        %parallel_loop3A_693 = vector.shape_cast %parallel_loop3A_688 : vector<16xf32> to vector<1x16xf32>
        tpu.vector_store %arg7[%parallel_loop3A_689, %parallel_loop3A_690], %parallel_loop3A_693 {add = true, strides = array<i32>} : memref<8x2048xf32, #tpu.memory_space<vmem>>, vector<1x16xf32>,
        %parallel_loop3A_694 = arith.index_cast %parallel_loop3A_135 : i32 to index
        %parallel_loop3A_695 = arith.constant 992 : index
        %parallel_loop3A_696 = tpu.vector_load %arg8[%parallel_loop3A_694, %parallel_loop3A_695] {strides = array<i32>} : memref<8x2048xf32, #tpu.memory_space<vmem>>, vector<1x16xf32>,
        %parallel_loop3A_697 = vector.shape_cast %parallel_loop3A_696 : vector<1x16xf32> to vector<16xf32>
        %parallel_loop3A_698 = arith.index_cast %parallel_loop3A_135 : i32 to index
        %parallel_loop3A_699 = arith.constant 992 : index
        %parallel_loop3A_700 = tpu.vector_load %arg7[%parallel_loop3A_698, %parallel_loop3A_699] {strides = array<i32>} : memref<8x2048xf32, #tpu.memory_space<vmem>>, vector<1x16xf32>,
        %parallel_loop3A_701 = vector.shape_cast %parallel_loop3A_700 : vector<1x16xf32> to vector<16xf32>
        %parallel_loop3A_702 = vector.shape_cast %parallel_loop3A_697 : vector<16xf32> to vector<1x16xf32>
        tpu.vector_store %arg7[%parallel_loop3A_698, %parallel_loop3A_699], %parallel_loop3A_702 {add = true, strides = array<i32>} : memref<8x2048xf32, #tpu.memory_space<vmem>>, vector<1x16xf32>,
        %parallel_loop3A_703 = arith.index_cast %parallel_loop3A_135 : i32 to index
        %parallel_loop3A_704 = arith.constant 1008 : index
        %parallel_loop3A_705 = tpu.vector_load %arg8[%parallel_loop3A_703, %parallel_loop3A_704] {strides = array<i32>} : memref<8x2048xf32, #tpu.memory_space<vmem>>, vector<1x16xf32>,
        %parallel_loop3A_706 = vector.shape_cast %parallel_loop3A_705 : vector<1x16xf32> to vector<16xf32>
        %parallel_loop3A_707 = arith.index_cast %parallel_loop3A_135 : i32 to index
        %parallel_loop3A_708 = arith.constant 1008 : index
        %parallel_loop3A_709 = tpu.vector_load %arg7[%parallel_loop3A_707, %parallel_loop3A_708] {strides = array<i32>} : memref<8x2048xf32, #tpu.memory_space<vmem>>, vector<1x16xf32>,
        %parallel_loop3A_710 = vector.shape_cast %parallel_loop3A_709 : vector<1x16xf32> to vector<16xf32>
        %parallel_loop3A_711 = vector.shape_cast %parallel_loop3A_706 : vector<16xf32> to vector<1x16xf32>
        tpu.vector_store %arg7[%parallel_loop3A_707, %parallel_loop3A_708], %parallel_loop3A_711 {add = true, strides = array<i32>} : memref<8x2048xf32, #tpu.memory_space<vmem>>, vector<1x16xf32>,
        %parallel_loop3A_712 = arith.index_cast %parallel_loop3A_135 : i32 to index
        %parallel_loop3A_713 = arith.constant 1024 : index
        %parallel_loop3A_714 = tpu.vector_load %arg8[%parallel_loop3A_712, %parallel_loop3A_713] {strides = array<i32>} : memref<8x2048xf32, #tpu.memory_space<vmem>>, vector<1x16xf32>,
        %parallel_loop3A_715 = vector.shape_cast %parallel_loop3A_714 : vector<1x16xf32> to vector<16xf32>
        %parallel_loop3A_716 = arith.index_cast %parallel_loop3A_135 : i32 to index
        %parallel_loop3A_717 = arith.constant 1024 : index
        %parallel_loop3A_718 = tpu.vector_load %arg7[%parallel_loop3A_716, %parallel_loop3A_717] {strides = array<i32>} : memref<8x2048xf32, #tpu.memory_space<vmem>>, vector<1x16xf32>,
        %parallel_loop3A_719 = vector.shape_cast %parallel_loop3A_718 : vector<1x16xf32> to vector<16xf32>
        %parallel_loop3A_720 = vector.shape_cast %parallel_loop3A_715 : vector<16xf32> to vector<1x16xf32>
        tpu.vector_store %arg7[%parallel_loop3A_716, %parallel_loop3A_717], %parallel_loop3A_720 {add = true, strides = array<i32>} : memref<8x2048xf32, #tpu.memory_space<vmem>>, vector<1x16xf32>,
        %parallel_loop3A_721 = arith.index_cast %parallel_loop3A_135 : i32 to index
        %parallel_loop3A_722 = arith.constant 1040 : index
        %parallel_loop3A_723 = tpu.vector_load %arg8[%parallel_loop3A_721, %parallel_loop3A_722] {strides = array<i32>} : memref<8x2048xf32, #tpu.memory_space<vmem>>, vector<1x16xf32>,
        %parallel_loop3A_724 = vector.shape_cast %parallel_loop3A_723 : vector<1x16xf32> to vector<16xf32>
        %parallel_loop3A_725 = arith.index_cast %parallel_loop3A_135 : i32 to index
        %parallel_loop3A_726 = arith.constant 1040 : index
        %parallel_loop3A_727 = tpu.vector_load %arg7[%parallel_loop3A_725, %parallel_loop3A_726] {strides = array<i32>} : memref<8x2048xf32, #tpu.memory_space<vmem>>, vector<1x16xf32>,
        %parallel_loop3A_728 = vector.shape_cast %parallel_loop3A_727 : vector<1x16xf32> to vector<16xf32>
        %parallel_loop3A_729 = vector.shape_cast %parallel_loop3A_724 : vector<16xf32> to vector<1x16xf32>
        tpu.vector_store %arg7[%parallel_loop3A_725, %parallel_loop3A_726], %parallel_loop3A_729 {add = true, strides = array<i32>} : memref<8x2048xf32, #tpu.memory_space<vmem>>, vector<1x16xf32>,
        %parallel_loop3A_730 = arith.index_cast %parallel_loop3A_135 : i32 to index
        %parallel_loop3A_731 = arith.constant 1056 : index
        %parallel_loop3A_732 = tpu.vector_load %arg8[%parallel_loop3A_730, %parallel_loop3A_731] {strides = array<i32>} : memref<8x2048xf32, #tpu.memory_space<vmem>>, vector<1x16xf32>,
        %parallel_loop3A_733 = vector.shape_cast %parallel_loop3A_732 : vector<1x16xf32> to vector<16xf32>
        %parallel_loop3A_734 = arith.index_cast %parallel_loop3A_135 : i32 to index
        %parallel_loop3A_735 = arith.constant 1056 : index
        %parallel_loop3A_736 = tpu.vector_load %arg7[%parallel_loop3A_734, %parallel_loop3A_735] {strides = array<i32>} : memref<8x2048xf32, #tpu.memory_space<vmem>>, vector<1x16xf32>,
        %parallel_loop3A_737 = vector.shape_cast %parallel_loop3A_736 : vector<1x16xf32> to vector<16xf32>
        %parallel_loop3A_738 = vector.shape_cast %parallel_loop3A_733 : vector<16xf32> to vector<1x16xf32>
        tpu.vector_store %arg7[%parallel_loop3A_734, %parallel_loop3A_735], %parallel_loop3A_738 {add = true, strides = array<i32>} : memref<8x2048xf32, #tpu.memory_space<vmem>>, vector<1x16xf32>,
        %parallel_loop3A_739 = arith.index_cast %parallel_loop3A_135 : i32 to index
        %parallel_loop3A_740 = arith.constant 1072 : index
        %parallel_loop3A_741 = tpu.vector_load %arg8[%parallel_loop3A_739, %parallel_loop3A_740] {strides = array<i32>} : memref<8x2048xf32, #tpu.memory_space<vmem>>, vector<1x16xf32>,
        %parallel_loop3A_742 = vector.shape_cast %parallel_loop3A_741 : vector<1x16xf32> to vector<16xf32>
        %parallel_loop3A_743 = arith.index_cast %parallel_loop3A_135 : i32 to index
        %parallel_loop3A_744 = arith.constant 1072 : index
        %parallel_loop3A_745 = tpu.vector_load %arg7[%parallel_loop3A_743, %parallel_loop3A_744] {strides = array<i32>} : memref<8x2048xf32, #tpu.memory_space<vmem>>, vector<1x16xf32>,
        %parallel_loop3A_746 = vector.shape_cast %parallel_loop3A_745 : vector<1x16xf32> to vector<16xf32>
        %parallel_loop3A_747 = vector.shape_cast %parallel_loop3A_742 : vector<16xf32> to vector<1x16xf32>
        tpu.vector_store %arg7[%parallel_loop3A_743, %parallel_loop3A_744], %parallel_loop3A_747 {add = true, strides = array<i32>} : memref<8x2048xf32, #tpu.memory_space<vmem>>, vector<1x16xf32>,
        %parallel_loop3A_748 = arith.index_cast %parallel_loop3A_135 : i32 to index
        %parallel_loop3A_749 = arith.constant 1088 : index
        %parallel_loop3A_750 = tpu.vector_load %arg8[%parallel_loop3A_748, %parallel_loop3A_749] {strides = array<i32>} : memref<8x2048xf32, #tpu.memory_space<vmem>>, vector<1x16xf32>,
        %parallel_loop3A_751 = vector.shape_cast %parallel_loop3A_750 : vector<1x16xf32> to vector<16xf32>
        %parallel_loop3A_752 = arith.index_cast %parallel_loop3A_135 : i32 to index
        %parallel_loop3A_753 = arith.constant 1088 : index
        %parallel_loop3A_754 = tpu.vector_load %arg7[%parallel_loop3A_752, %parallel_loop3A_753] {strides = array<i32>} : memref<8x2048xf32, #tpu.memory_space<vmem>>, vector<1x16xf32>,
        %parallel_loop3A_755 = vector.shape_cast %parallel_loop3A_754 : vector<1x16xf32> to vector<16xf32>
        %parallel_loop3A_756 = vector.shape_cast %parallel_loop3A_751 : vector<16xf32> to vector<1x16xf32>
        tpu.vector_store %arg7[%parallel_loop3A_752, %parallel_loop3A_753], %parallel_loop3A_756 {add = true, strides = array<i32>} : memref<8x2048xf32, #tpu.memory_space<vmem>>, vector<1x16xf32>,
        %parallel_loop3A_757 = arith.index_cast %parallel_loop3A_135 : i32 to index
        %parallel_loop3A_758 = arith.constant 1104 : index
        %parallel_loop3A_759 = tpu.vector_load %arg8[%parallel_loop3A_757, %parallel_loop3A_758] {strides = array<i32>} : memref<8x2048xf32, #tpu.memory_space<vmem>>, vector<1x16xf32>,
        %parallel_loop3A_760 = vector.shape_cast %parallel_loop3A_759 : vector<1x16xf32> to vector<16xf32>
        %parallel_loop3A_761 = arith.index_cast %parallel_loop3A_135 : i32 to index
        %parallel_loop3A_762 = arith.constant 1104 : index
        %parallel_loop3A_763 = tpu.vector_load %arg7[%parallel_loop3A_761, %parallel_loop3A_762] {strides = array<i32>} : memref<8x2048xf32, #tpu.memory_space<vmem>>, vector<1x16xf32>,
        %parallel_loop3A_764 = vector.shape_cast %parallel_loop3A_763 : vector<1x16xf32> to vector<16xf32>
        %parallel_loop3A_765 = vector.shape_cast %parallel_loop3A_760 : vector<16xf32> to vector<1x16xf32>
        tpu.vector_store %arg7[%parallel_loop3A_761, %parallel_loop3A_762], %parallel_loop3A_765 {add = true, strides = array<i32>} : memref<8x2048xf32, #tpu.memory_space<vmem>>, vector<1x16xf32>,
        %parallel_loop3A_766 = arith.index_cast %parallel_loop3A_135 : i32 to index
        %parallel_loop3A_767 = arith.constant 1120 : index
        %parallel_loop3A_768 = tpu.vector_load %arg8[%parallel_loop3A_766, %parallel_loop3A_767] {strides = array<i32>} : memref<8x2048xf32, #tpu.memory_space<vmem>>, vector<1x16xf32>,
        %parallel_loop3A_769 = vector.shape_cast %parallel_loop3A_768 : vector<1x16xf32> to vector<16xf32>
        %parallel_loop3A_770 = arith.index_cast %parallel_loop3A_135 : i32 to index
        %parallel_loop3A_771 = arith.constant 1120 : index
        %parallel_loop3A_772 = tpu.vector_load %arg7[%parallel_loop3A_770, %parallel_loop3A_771] {strides = array<i32>} : memref<8x2048xf32, #tpu.memory_space<vmem>>, vector<1x16xf32>,
        %parallel_loop3A_773 = vector.shape_cast %parallel_loop3A_772 : vector<1x16xf32> to vector<16xf32>
        %parallel_loop3A_774 = vector.shape_cast %parallel_loop3A_769 : vector<16xf32> to vector<1x16xf32>
        tpu.vector_store %arg7[%parallel_loop3A_770, %parallel_loop3A_771], %parallel_loop3A_774 {add = true, strides = array<i32>} : memref<8x2048xf32, #tpu.memory_space<vmem>>, vector<1x16xf32>,
        %parallel_loop3A_775 = arith.index_cast %parallel_loop3A_135 : i32 to index
        %parallel_loop3A_776 = arith.constant 1136 : index
        %parallel_loop3A_777 = tpu.vector_load %arg8[%parallel_loop3A_775, %parallel_loop3A_776] {strides = array<i32>} : memref<8x2048xf32, #tpu.memory_space<vmem>>, vector<1x16xf32>,
        %parallel_loop3A_778 = vector.shape_cast %parallel_loop3A_777 : vector<1x16xf32> to vector<16xf32>
        %parallel_loop3A_779 = arith.index_cast %parallel_loop3A_135 : i32 to index
        %parallel_loop3A_780 = arith.constant 1136 : index
        %parallel_loop3A_781 = tpu.vector_load %arg7[%parallel_loop3A_779, %parallel_loop3A_780] {strides = array<i32>} : memref<8x2048xf32, #tpu.memory_space<vmem>>, vector<1x16xf32>,
        %parallel_loop3A_782 = vector.shape_cast %parallel_loop3A_781 : vector<1x16xf32> to vector<16xf32>
        %parallel_loop3A_783 = vector.shape_cast %parallel_loop3A_778 : vector<16xf32> to vector<1x16xf32>
        tpu.vector_store %arg7[%parallel_loop3A_779, %parallel_loop3A_780], %parallel_loop3A_783 {add = true, strides = array<i32>} : memref<8x2048xf32, #tpu.memory_space<vmem>>, vector<1x16xf32>,
        %parallel_loop3A_784 = arith.index_cast %parallel_loop3A_135 : i32 to index
        %parallel_loop3A_785 = arith.constant 1152 : index
        %parallel_loop3A_786 = tpu.vector_load %arg8[%parallel_loop3A_784, %parallel_loop3A_785] {strides = array<i32>} : memref<8x2048xf32, #tpu.memory_space<vmem>>, vector<1x16xf32>,
        %parallel_loop3A_787 = vector.shape_cast %parallel_loop3A_786 : vector<1x16xf32> to vector<16xf32>
        %parallel_loop3A_788 = arith.index_cast %parallel_loop3A_135 : i32 to index
        %parallel_loop3A_789 = arith.constant 1152 : index
        %parallel_loop3A_790 = tpu.vector_load %arg7[%parallel_loop3A_788, %parallel_loop3A_789] {strides = array<i32>} : memref<8x2048xf32, #tpu.memory_space<vmem>>, vector<1x16xf32>,
        %parallel_loop3A_791 = vector.shape_cast %parallel_loop3A_790 : vector<1x16xf32> to vector<16xf32>
        %parallel_loop3A_792 = vector.shape_cast %parallel_loop3A_787 : vector<16xf32> to vector<1x16xf32>
        tpu.vector_store %arg7[%parallel_loop3A_788, %parallel_loop3A_789], %parallel_loop3A_792 {add = true, strides = array<i32>} : memref<8x2048xf32, #tpu.memory_space<vmem>>, vector<1x16xf32>,
        %parallel_loop3A_793 = arith.index_cast %parallel_loop3A_135 : i32 to index
        %parallel_loop3A_794 = arith.constant 1168 : index
        %parallel_loop3A_795 = tpu.vector_load %arg8[%parallel_loop3A_793, %parallel_loop3A_794] {strides = array<i32>} : memref<8x2048xf32, #tpu.memory_space<vmem>>, vector<1x16xf32>,
        %parallel_loop3A_796 = vector.shape_cast %parallel_loop3A_795 : vector<1x16xf32> to vector<16xf32>
        %parallel_loop3A_797 = arith.index_cast %parallel_loop3A_135 : i32 to index
        %parallel_loop3A_798 = arith.constant 1168 : index
        %parallel_loop3A_799 = tpu.vector_load %arg7[%parallel_loop3A_797, %parallel_loop3A_798] {strides = array<i32>} : memref<8x2048xf32, #tpu.memory_space<vmem>>, vector<1x16xf32>,
        %parallel_loop3A_800 = vector.shape_cast %parallel_loop3A_799 : vector<1x16xf32> to vector<16xf32>
        %parallel_loop3A_801 = vector.shape_cast %parallel_loop3A_796 : vector<16xf32> to vector<1x16xf32>
        tpu.vector_store %arg7[%parallel_loop3A_797, %parallel_loop3A_798], %parallel_loop3A_801 {add = true, strides = array<i32>} : memref<8x2048xf32, #tpu.memory_space<vmem>>, vector<1x16xf32>,
        %parallel_loop3A_802 = arith.index_cast %parallel_loop3A_135 : i32 to index
        %parallel_loop3A_803 = arith.constant 1184 : index
        %parallel_loop3A_804 = tpu.vector_load %arg8[%parallel_loop3A_802, %parallel_loop3A_803] {strides = array<i32>} : memref<8x2048xf32, #tpu.memory_space<vmem>>, vector<1x16xf32>,
        %parallel_loop3A_805 = vector.shape_cast %parallel_loop3A_804 : vector<1x16xf32> to vector<16xf32>
        %parallel_loop3A_806 = arith.index_cast %parallel_loop3A_135 : i32 to index
        %parallel_loop3A_807 = arith.constant 1184 : index
        %parallel_loop3A_808 = tpu.vector_load %arg7[%parallel_loop3A_806, %parallel_loop3A_807] {strides = array<i32>} : memref<8x2048xf32, #tpu.memory_space<vmem>>, vector<1x16xf32>,
        %parallel_loop3A_809 = vector.shape_cast %parallel_loop3A_808 : vector<1x16xf32> to vector<16xf32>
        %parallel_loop3A_810 = vector.shape_cast %parallel_loop3A_805 : vector<16xf32> to vector<1x16xf32>
        tpu.vector_store %arg7[%parallel_loop3A_806, %parallel_loop3A_807], %parallel_loop3A_810 {add = true, strides = array<i32>} : memref<8x2048xf32, #tpu.memory_space<vmem>>, vector<1x16xf32>,
        %parallel_loop3A_811 = arith.index_cast %parallel_loop3A_135 : i32 to index
        %parallel_loop3A_812 = arith.constant 1200 : index
        %parallel_loop3A_813 = tpu.vector_load %arg8[%parallel_loop3A_811, %parallel_loop3A_812] {strides = array<i32>} : memref<8x2048xf32, #tpu.memory_space<vmem>>, vector<1x16xf32>,
        %parallel_loop3A_814 = vector.shape_cast %parallel_loop3A_813 : vector<1x16xf32> to vector<16xf32>
        %parallel_loop3A_815 = arith.index_cast %parallel_loop3A_135 : i32 to index
        %parallel_loop3A_816 = arith.constant 1200 : index
        %parallel_loop3A_817 = tpu.vector_load %arg7[%parallel_loop3A_815, %parallel_loop3A_816] {strides = array<i32>} : memref<8x2048xf32, #tpu.memory_space<vmem>>, vector<1x16xf32>,
        %parallel_loop3A_818 = vector.shape_cast %parallel_loop3A_817 : vector<1x16xf32> to vector<16xf32>
        %parallel_loop3A_819 = vector.shape_cast %parallel_loop3A_814 : vector<16xf32> to vector<1x16xf32>
        tpu.vector_store %arg7[%parallel_loop3A_815, %parallel_loop3A_816], %parallel_loop3A_819 {add = true, strides = array<i32>} : memref<8x2048xf32, #tpu.memory_space<vmem>>, vector<1x16xf32>,
        %parallel_loop3A_820 = arith.index_cast %parallel_loop3A_135 : i32 to index
        %parallel_loop3A_821 = arith.constant 1216 : index
        %parallel_loop3A_822 = tpu.vector_load %arg8[%parallel_loop3A_820, %parallel_loop3A_821] {strides = array<i32>} : memref<8x2048xf32, #tpu.memory_space<vmem>>, vector<1x16xf32>,
        %parallel_loop3A_823 = vector.shape_cast %parallel_loop3A_822 : vector<1x16xf32> to vector<16xf32>
        %parallel_loop3A_824 = arith.index_cast %parallel_loop3A_135 : i32 to index
        %parallel_loop3A_825 = arith.constant 1216 : index
        %parallel_loop3A_826 = tpu.vector_load %arg7[%parallel_loop3A_824, %parallel_loop3A_825] {strides = array<i32>} : memref<8x2048xf32, #tpu.memory_space<vmem>>, vector<1x16xf32>,
        %parallel_loop3A_827 = vector.shape_cast %parallel_loop3A_826 : vector<1x16xf32> to vector<16xf32>
        %parallel_loop3A_828 = vector.shape_cast %parallel_loop3A_823 : vector<16xf32> to vector<1x16xf32>
        tpu.vector_store %arg7[%parallel_loop3A_824, %parallel_loop3A_825], %parallel_loop3A_828 {add = true, strides = array<i32>} : memref<8x2048xf32, #tpu.memory_space<vmem>>, vector<1x16xf32>,
        %parallel_loop3A_829 = arith.index_cast %parallel_loop3A_135 : i32 to index
        %parallel_loop3A_830 = arith.constant 1232 : index
        %parallel_loop3A_831 = tpu.vector_load %arg8[%parallel_loop3A_829, %parallel_loop3A_830] {strides = array<i32>} : memref<8x2048xf32, #tpu.memory_space<vmem>>, vector<1x16xf32>,
        %parallel_loop3A_832 = vector.shape_cast %parallel_loop3A_831 : vector<1x16xf32> to vector<16xf32>
        %parallel_loop3A_833 = arith.index_cast %parallel_loop3A_135 : i32 to index
        %parallel_loop3A_834 = arith.constant 1232 : index
        %parallel_loop3A_835 = tpu.vector_load %arg7[%parallel_loop3A_833, %parallel_loop3A_834] {strides = array<i32>} : memref<8x2048xf32, #tpu.memory_space<vmem>>, vector<1x16xf32>,
        %parallel_loop3A_836 = vector.shape_cast %parallel_loop3A_835 : vector<1x16xf32> to vector<16xf32>
        %parallel_loop3A_837 = vector.shape_cast %parallel_loop3A_832 : vector<16xf32> to vector<1x16xf32>
        tpu.vector_store %arg7[%parallel_loop3A_833, %parallel_loop3A_834], %parallel_loop3A_837 {add = true, strides = array<i32>} : memref<8x2048xf32, #tpu.memory_space<vmem>>, vector<1x16xf32>,
        %parallel_loop3A_838 = arith.index_cast %parallel_loop3A_135 : i32 to index
        %parallel_loop3A_839 = arith.constant 1248 : index
        %parallel_loop3A_840 = tpu.vector_load %arg8[%parallel_loop3A_838, %parallel_loop3A_839] {strides = array<i32>} : memref<8x2048xf32, #tpu.memory_space<vmem>>, vector<1x16xf32>,
        %parallel_loop3A_841 = vector.shape_cast %parallel_loop3A_840 : vector<1x16xf32> to vector<16xf32>
        %parallel_loop3A_842 = arith.index_cast %parallel_loop3A_135 : i32 to index
        %parallel_loop3A_843 = arith.constant 1248 : index
        %parallel_loop3A_844 = tpu.vector_load %arg7[%parallel_loop3A_842, %parallel_loop3A_843] {strides = array<i32>} : memref<8x2048xf32, #tpu.memory_space<vmem>>, vector<1x16xf32>,
        %parallel_loop3A_845 = vector.shape_cast %parallel_loop3A_844 : vector<1x16xf32> to vector<16xf32>
        %parallel_loop3A_846 = vector.shape_cast %parallel_loop3A_841 : vector<16xf32> to vector<1x16xf32>
        tpu.vector_store %arg7[%parallel_loop3A_842, %parallel_loop3A_843], %parallel_loop3A_846 {add = true, strides = array<i32>} : memref<8x2048xf32, #tpu.memory_space<vmem>>, vector<1x16xf32>,
        %parallel_loop3A_847 = arith.index_cast %parallel_loop3A_135 : i32 to index
        %parallel_loop3A_848 = arith.constant 1264 : index
        %parallel_loop3A_849 = tpu.vector_load %arg8[%parallel_loop3A_847, %parallel_loop3A_848] {strides = array<i32>} : memref<8x2048xf32, #tpu.memory_space<vmem>>, vector<1x16xf32>,
        %parallel_loop3A_850 = vector.shape_cast %parallel_loop3A_849 : vector<1x16xf32> to vector<16xf32>
        %parallel_loop3A_851 = arith.index_cast %parallel_loop3A_135 : i32 to index
        %parallel_loop3A_852 = arith.constant 1264 : index
        %parallel_loop3A_853 = tpu.vector_load %arg7[%parallel_loop3A_851, %parallel_loop3A_852] {strides = array<i32>} : memref<8x2048xf32, #tpu.memory_space<vmem>>, vector<1x16xf32>,
        %parallel_loop3A_854 = vector.shape_cast %parallel_loop3A_853 : vector<1x16xf32> to vector<16xf32>
        %parallel_loop3A_855 = vector.shape_cast %parallel_loop3A_850 : vector<16xf32> to vector<1x16xf32>
        tpu.vector_store %arg7[%parallel_loop3A_851, %parallel_loop3A_852], %parallel_loop3A_855 {add = true, strides = array<i32>} : memref<8x2048xf32, #tpu.memory_space<vmem>>, vector<1x16xf32>,
        %parallel_loop3A_856 = arith.index_cast %parallel_loop3A_135 : i32 to index
        %parallel_loop3A_857 = arith.constant 1280 : index
        %parallel_loop3A_858 = tpu.vector_load %arg8[%parallel_loop3A_856, %parallel_loop3A_857] {strides = array<i32>} : memref<8x2048xf32, #tpu.memory_space<vmem>>, vector<1x16xf32>,
        %parallel_loop3A_859 = vector.shape_cast %parallel_loop3A_858 : vector<1x16xf32> to vector<16xf32>
        %parallel_loop3A_860 = arith.index_cast %parallel_loop3A_135 : i32 to index
        %parallel_loop3A_861 = arith.constant 1280 : index
        %parallel_loop3A_862 = tpu.vector_load %arg7[%parallel_loop3A_860, %parallel_loop3A_861] {strides = array<i32>} : memref<8x2048xf32, #tpu.memory_space<vmem>>, vector<1x16xf32>,
        %parallel_loop3A_863 = vector.shape_cast %parallel_loop3A_862 : vector<1x16xf32> to vector<16xf32>
        %parallel_loop3A_864 = vector.shape_cast %parallel_loop3A_859 : vector<16xf32> to vector<1x16xf32>
        tpu.vector_store %arg7[%parallel_loop3A_860, %parallel_loop3A_861], %parallel_loop3A_864 {add = true, strides = array<i32>} : memref<8x2048xf32, #tpu.memory_space<vmem>>, vector<1x16xf32>,
        %parallel_loop3A_865 = arith.index_cast %parallel_loop3A_135 : i32 to index
        %parallel_loop3A_866 = arith.constant 1296 : index
        %parallel_loop3A_867 = tpu.vector_load %arg8[%parallel_loop3A_865, %parallel_loop3A_866] {strides = array<i32>} : memref<8x2048xf32, #tpu.memory_space<vmem>>, vector<1x16xf32>,
        %parallel_loop3A_868 = vector.shape_cast %parallel_loop3A_867 : vector<1x16xf32> to vector<16xf32>
        %parallel_loop3A_869 = arith.index_cast %parallel_loop3A_135 : i32 to index
        %parallel_loop3A_870 = arith.constant 1296 : index
        %parallel_loop3A_871 = tpu.vector_load %arg7[%parallel_loop3A_869, %parallel_loop3A_870] {strides = array<i32>} : memref<8x2048xf32, #tpu.memory_space<vmem>>, vector<1x16xf32>,
        %parallel_loop3A_872 = vector.shape_cast %parallel_loop3A_871 : vector<1x16xf32> to vector<16xf32>
        %parallel_loop3A_873 = vector.shape_cast %parallel_loop3A_868 : vector<16xf32> to vector<1x16xf32>
        tpu.vector_store %arg7[%parallel_loop3A_869, %parallel_loop3A_870], %parallel_loop3A_873 {add = true, strides = array<i32>} : memref<8x2048xf32, #tpu.memory_space<vmem>>, vector<1x16xf32>,
        %parallel_loop3A_874 = arith.index_cast %parallel_loop3A_135 : i32 to index
        %parallel_loop3A_875 = arith.constant 1312 : index
        %parallel_loop3A_876 = tpu.vector_load %arg8[%parallel_loop3A_874, %parallel_loop3A_875] {strides = array<i32>} : memref<8x2048xf32, #tpu.memory_space<vmem>>, vector<1x16xf32>,
        %parallel_loop3A_877 = vector.shape_cast %parallel_loop3A_876 : vector<1x16xf32> to vector<16xf32>
        %parallel_loop3A_878 = arith.index_cast %parallel_loop3A_135 : i32 to index
        %parallel_loop3A_879 = arith.constant 1312 : index
        %parallel_loop3A_880 = tpu.vector_load %arg7[%parallel_loop3A_878, %parallel_loop3A_879] {strides = array<i32>} : memref<8x2048xf32, #tpu.memory_space<vmem>>, vector<1x16xf32>,
        %parallel_loop3A_881 = vector.shape_cast %parallel_loop3A_880 : vector<1x16xf32> to vector<16xf32>
        %parallel_loop3A_882 = vector.shape_cast %parallel_loop3A_877 : vector<16xf32> to vector<1x16xf32>
        tpu.vector_store %arg7[%parallel_loop3A_878, %parallel_loop3A_879], %parallel_loop3A_882 {add = true, strides = array<i32>} : memref<8x2048xf32, #tpu.memory_space<vmem>>, vector<1x16xf32>,
        %parallel_loop3A_883 = arith.index_cast %parallel_loop3A_135 : i32 to index
        %parallel_loop3A_884 = arith.constant 1328 : index
        %parallel_loop3A_885 = tpu.vector_load %arg8[%parallel_loop3A_883, %parallel_loop3A_884] {strides = array<i32>} : memref<8x2048xf32, #tpu.memory_space<vmem>>, vector<1x16xf32>,
        %parallel_loop3A_886 = vector.shape_cast %parallel_loop3A_885 : vector<1x16xf32> to vector<16xf32>
        %parallel_loop3A_887 = arith.index_cast %parallel_loop3A_135 : i32 to index
        %parallel_loop3A_888 = arith.constant 1328 : index
        %parallel_loop3A_889 = tpu.vector_load %arg7[%parallel_loop3A_887, %parallel_loop3A_888] {strides = array<i32>} : memref<8x2048xf32, #tpu.memory_space<vmem>>, vector<1x16xf32>,
        %parallel_loop3A_890 = vector.shape_cast %parallel_loop3A_889 : vector<1x16xf32> to vector<16xf32>
        %parallel_loop3A_891 = vector.shape_cast %parallel_loop3A_886 : vector<16xf32> to vector<1x16xf32>
        tpu.vector_store %arg7[%parallel_loop3A_887, %parallel_loop3A_888], %parallel_loop3A_891 {add = true, strides = array<i32>} : memref<8x2048xf32, #tpu.memory_space<vmem>>, vector<1x16xf32>,
        %parallel_loop3A_892 = arith.index_cast %parallel_loop3A_135 : i32 to index
        %parallel_loop3A_893 = arith.constant 1344 : index
        %parallel_loop3A_894 = tpu.vector_load %arg8[%parallel_loop3A_892, %parallel_loop3A_893] {strides = array<i32>} : memref<8x2048xf32, #tpu.memory_space<vmem>>, vector<1x16xf32>,
        %parallel_loop3A_895 = vector.shape_cast %parallel_loop3A_894 : vector<1x16xf32> to vector<16xf32>
        %parallel_loop3A_896 = arith.index_cast %parallel_loop3A_135 : i32 to index
        %parallel_loop3A_897 = arith.constant 1344 : index
        %parallel_loop3A_898 = tpu.vector_load %arg7[%parallel_loop3A_896, %parallel_loop3A_897] {strides = array<i32>} : memref<8x2048xf32, #tpu.memory_space<vmem>>, vector<1x16xf32>,
        %parallel_loop3A_899 = vector.shape_cast %parallel_loop3A_898 : vector<1x16xf32> to vector<16xf32>
        %parallel_loop3A_900 = vector.shape_cast %parallel_loop3A_895 : vector<16xf32> to vector<1x16xf32>
        tpu.vector_store %arg7[%parallel_loop3A_896, %parallel_loop3A_897], %parallel_loop3A_900 {add = true, strides = array<i32>} : memref<8x2048xf32, #tpu.memory_space<vmem>>, vector<1x16xf32>,
        %parallel_loop3A_901 = arith.index_cast %parallel_loop3A_135 : i32 to index
        %parallel_loop3A_902 = arith.constant 1360 : index
        %parallel_loop3A_903 = tpu.vector_load %arg8[%parallel_loop3A_901, %parallel_loop3A_902] {strides = array<i32>} : memref<8x2048xf32, #tpu.memory_space<vmem>>, vector<1x16xf32>,
        %parallel_loop3A_904 = vector.shape_cast %parallel_loop3A_903 : vector<1x16xf32> to vector<16xf32>
        %parallel_loop3A_905 = arith.index_cast %parallel_loop3A_135 : i32 to index
        %parallel_loop3A_906 = arith.constant 1360 : index
        %parallel_loop3A_907 = tpu.vector_load %arg7[%parallel_loop3A_905, %parallel_loop3A_906] {strides = array<i32>} : memref<8x2048xf32, #tpu.memory_space<vmem>>, vector<1x16xf32>,
        %parallel_loop3A_908 = vector.shape_cast %parallel_loop3A_907 : vector<1x16xf32> to vector<16xf32>
        %parallel_loop3A_909 = vector.shape_cast %parallel_loop3A_904 : vector<16xf32> to vector<1x16xf32>
        tpu.vector_store %arg7[%parallel_loop3A_905, %parallel_loop3A_906], %parallel_loop3A_909 {add = true, strides = array<i32>} : memref<8x2048xf32, #tpu.memory_space<vmem>>, vector<1x16xf32>,
        %parallel_loop3A_910 = arith.index_cast %parallel_loop3A_135 : i32 to index
        %parallel_loop3A_911 = arith.constant 1376 : index
        %parallel_loop3A_912 = tpu.vector_load %arg8[%parallel_loop3A_910, %parallel_loop3A_911] {strides = array<i32>} : memref<8x2048xf32, #tpu.memory_space<vmem>>, vector<1x16xf32>,
        %parallel_loop3A_913 = vector.shape_cast %parallel_loop3A_912 : vector<1x16xf32> to vector<16xf32>
        %parallel_loop3A_914 = arith.index_cast %parallel_loop3A_135 : i32 to index
        %parallel_loop3A_915 = arith.constant 1376 : index
        %parallel_loop3A_916 = tpu.vector_load %arg7[%parallel_loop3A_914, %parallel_loop3A_915] {strides = array<i32>} : memref<8x2048xf32, #tpu.memory_space<vmem>>, vector<1x16xf32>,
        %parallel_loop3A_917 = vector.shape_cast %parallel_loop3A_916 : vector<1x16xf32> to vector<16xf32>
        %parallel_loop3A_918 = vector.shape_cast %parallel_loop3A_913 : vector<16xf32> to vector<1x16xf32>
        tpu.vector_store %arg7[%parallel_loop3A_914, %parallel_loop3A_915], %parallel_loop3A_918 {add = true, strides = array<i32>} : memref<8x2048xf32, #tpu.memory_space<vmem>>, vector<1x16xf32>,
        %parallel_loop3A_919 = arith.index_cast %parallel_loop3A_135 : i32 to index
        %parallel_loop3A_920 = arith.constant 1392 : index
        %parallel_loop3A_921 = tpu.vector_load %arg8[%parallel_loop3A_919, %parallel_loop3A_920] {strides = array<i32>} : memref<8x2048xf32, #tpu.memory_space<vmem>>, vector<1x16xf32>,
        %parallel_loop3A_922 = vector.shape_cast %parallel_loop3A_921 : vector<1x16xf32> to vector<16xf32>
        %parallel_loop3A_923 = arith.index_cast %parallel_loop3A_135 : i32 to index
        %parallel_loop3A_924 = arith.constant 1392 : index
        %parallel_loop3A_925 = tpu.vector_load %arg7[%parallel_loop3A_923, %parallel_loop3A_924] {strides = array<i32>} : memref<8x2048xf32, #tpu.memory_space<vmem>>, vector<1x16xf32>,
        %parallel_loop3A_926 = vector.shape_cast %parallel_loop3A_925 : vector<1x16xf32> to vector<16xf32>
        %parallel_loop3A_927 = vector.shape_cast %parallel_loop3A_922 : vector<16xf32> to vector<1x16xf32>
        tpu.vector_store %arg7[%parallel_loop3A_923, %parallel_loop3A_924], %parallel_loop3A_927 {add = true, strides = array<i32>} : memref<8x2048xf32, #tpu.memory_space<vmem>>, vector<1x16xf32>,
        %parallel_loop3A_928 = arith.index_cast %parallel_loop3A_135 : i32 to index
        %parallel_loop3A_929 = arith.constant 1408 : index
        %parallel_loop3A_930 = tpu.vector_load %arg8[%parallel_loop3A_928, %parallel_loop3A_929] {strides = array<i32>} : memref<8x2048xf32, #tpu.memory_space<vmem>>, vector<1x16xf32>,
        %parallel_loop3A_931 = vector.shape_cast %parallel_loop3A_930 : vector<1x16xf32> to vector<16xf32>
        %parallel_loop3A_932 = arith.index_cast %parallel_loop3A_135 : i32 to index
        %parallel_loop3A_933 = arith.constant 1408 : index
        %parallel_loop3A_934 = tpu.vector_load %arg7[%parallel_loop3A_932, %parallel_loop3A_933] {strides = array<i32>} : memref<8x2048xf32, #tpu.memory_space<vmem>>, vector<1x16xf32>,
        %parallel_loop3A_935 = vector.shape_cast %parallel_loop3A_934 : vector<1x16xf32> to vector<16xf32>
        %parallel_loop3A_936 = vector.shape_cast %parallel_loop3A_931 : vector<16xf32> to vector<1x16xf32>
        tpu.vector_store %arg7[%parallel_loop3A_932, %parallel_loop3A_933], %parallel_loop3A_936 {add = true, strides = array<i32>} : memref<8x2048xf32, #tpu.memory_space<vmem>>, vector<1x16xf32>,
        %parallel_loop3A_937 = arith.index_cast %parallel_loop3A_135 : i32 to index
        %parallel_loop3A_938 = arith.constant 1424 : index
        %parallel_loop3A_939 = tpu.vector_load %arg8[%parallel_loop3A_937, %parallel_loop3A_938] {strides = array<i32>} : memref<8x2048xf32, #tpu.memory_space<vmem>>, vector<1x16xf32>,
        %parallel_loop3A_940 = vector.shape_cast %parallel_loop3A_939 : vector<1x16xf32> to vector<16xf32>
        %parallel_loop3A_941 = arith.index_cast %parallel_loop3A_135 : i32 to index
        %parallel_loop3A_942 = arith.constant 1424 : index
        %parallel_loop3A_943 = tpu.vector_load %arg7[%parallel_loop3A_941, %parallel_loop3A_942] {strides = array<i32>} : memref<8x2048xf32, #tpu.memory_space<vmem>>, vector<1x16xf32>,
        %parallel_loop3A_944 = vector.shape_cast %parallel_loop3A_943 : vector<1x16xf32> to vector<16xf32>
        %parallel_loop3A_945 = vector.shape_cast %parallel_loop3A_940 : vector<16xf32> to vector<1x16xf32>
        tpu.vector_store %arg7[%parallel_loop3A_941, %parallel_loop3A_942], %parallel_loop3A_945 {add = true, strides = array<i32>} : memref<8x2048xf32, #tpu.memory_space<vmem>>, vector<1x16xf32>,
        %parallel_loop3A_946 = arith.index_cast %parallel_loop3A_135 : i32 to index
        %parallel_loop3A_947 = arith.constant 1440 : index
        %parallel_loop3A_948 = tpu.vector_load %arg8[%parallel_loop3A_946, %parallel_loop3A_947] {strides = array<i32>} : memref<8x2048xf32, #tpu.memory_space<vmem>>, vector<1x16xf32>,
        %parallel_loop3A_949 = vector.shape_cast %parallel_loop3A_948 : vector<1x16xf32> to vector<16xf32>
        %parallel_loop3A_950 = arith.index_cast %parallel_loop3A_135 : i32 to index
        %parallel_loop3A_951 = arith.constant 1440 : index
        %parallel_loop3A_952 = tpu.vector_load %arg7[%parallel_loop3A_950, %parallel_loop3A_951] {strides = array<i32>} : memref<8x2048xf32, #tpu.memory_space<vmem>>, vector<1x16xf32>,
        %parallel_loop3A_953 = vector.shape_cast %parallel_loop3A_952 : vector<1x16xf32> to vector<16xf32>
        %parallel_loop3A_954 = vector.shape_cast %parallel_loop3A_949 : vector<16xf32> to vector<1x16xf32>
        tpu.vector_store %arg7[%parallel_loop3A_950, %parallel_loop3A_951], %parallel_loop3A_954 {add = true, strides = array<i32>} : memref<8x2048xf32, #tpu.memory_space<vmem>>, vector<1x16xf32>,
        %parallel_loop3A_955 = arith.index_cast %parallel_loop3A_135 : i32 to index
        %parallel_loop3A_956 = arith.constant 1456 : index
        %parallel_loop3A_957 = tpu.vector_load %arg8[%parallel_loop3A_955, %parallel_loop3A_956] {strides = array<i32>} : memref<8x2048xf32, #tpu.memory_space<vmem>>, vector<1x16xf32>,
        %parallel_loop3A_958 = vector.shape_cast %parallel_loop3A_957 : vector<1x16xf32> to vector<16xf32>
        %parallel_loop3A_959 = arith.index_cast %parallel_loop3A_135 : i32 to index
        %parallel_loop3A_960 = arith.constant 1456 : index
        %parallel_loop3A_961 = tpu.vector_load %arg7[%parallel_loop3A_959, %parallel_loop3A_960] {strides = array<i32>} : memref<8x2048xf32, #tpu.memory_space<vmem>>, vector<1x16xf32>,
        %parallel_loop3A_962 = vector.shape_cast %parallel_loop3A_961 : vector<1x16xf32> to vector<16xf32>
        %parallel_loop3A_963 = vector.shape_cast %parallel_loop3A_958 : vector<16xf32> to vector<1x16xf32>
        tpu.vector_store %arg7[%parallel_loop3A_959, %parallel_loop3A_960], %parallel_loop3A_963 {add = true, strides = array<i32>} : memref<8x2048xf32, #tpu.memory_space<vmem>>, vector<1x16xf32>,
        %parallel_loop3A_964 = arith.index_cast %parallel_loop3A_135 : i32 to index
        %parallel_loop3A_965 = arith.constant 1472 : index
        %parallel_loop3A_966 = tpu.vector_load %arg8[%parallel_loop3A_964, %parallel_loop3A_965] {strides = array<i32>} : memref<8x2048xf32, #tpu.memory_space<vmem>>, vector<1x16xf32>,
        %parallel_loop3A_967 = vector.shape_cast %parallel_loop3A_966 : vector<1x16xf32> to vector<16xf32>
        %parallel_loop3A_968 = arith.index_cast %parallel_loop3A_135 : i32 to index
        %parallel_loop3A_969 = arith.constant 1472 : index
        %parallel_loop3A_970 = tpu.vector_load %arg7[%parallel_loop3A_968, %parallel_loop3A_969] {strides = array<i32>} : memref<8x2048xf32, #tpu.memory_space<vmem>>, vector<1x16xf32>,
        %parallel_loop3A_971 = vector.shape_cast %parallel_loop3A_970 : vector<1x16xf32> to vector<16xf32>
        %parallel_loop3A_972 = vector.shape_cast %parallel_loop3A_967 : vector<16xf32> to vector<1x16xf32>
        tpu.vector_store %arg7[%parallel_loop3A_968, %parallel_loop3A_969], %parallel_loop3A_972 {add = true, strides = array<i32>} : memref<8x2048xf32, #tpu.memory_space<vmem>>, vector<1x16xf32>,
        %parallel_loop3A_973 = arith.index_cast %parallel_loop3A_135 : i32 to index
        %parallel_loop3A_974 = arith.constant 1488 : index
        %parallel_loop3A_975 = tpu.vector_load %arg8[%parallel_loop3A_973, %parallel_loop3A_974] {strides = array<i32>} : memref<8x2048xf32, #tpu.memory_space<vmem>>, vector<1x16xf32>,
        %parallel_loop3A_976 = vector.shape_cast %parallel_loop3A_975 : vector<1x16xf32> to vector<16xf32>
        %parallel_loop3A_977 = arith.index_cast %parallel_loop3A_135 : i32 to index
        %parallel_loop3A_978 = arith.constant 1488 : index
        %parallel_loop3A_979 = tpu.vector_load %arg7[%parallel_loop3A_977, %parallel_loop3A_978] {strides = array<i32>} : memref<8x2048xf32, #tpu.memory_space<vmem>>, vector<1x16xf32>,
        %parallel_loop3A_980 = vector.shape_cast %parallel_loop3A_979 : vector<1x16xf32> to vector<16xf32>
        %parallel_loop3A_981 = vector.shape_cast %parallel_loop3A_976 : vector<16xf32> to vector<1x16xf32>
        tpu.vector_store %arg7[%parallel_loop3A_977, %parallel_loop3A_978], %parallel_loop3A_981 {add = true, strides = array<i32>} : memref<8x2048xf32, #tpu.memory_space<vmem>>, vector<1x16xf32>,
        %parallel_loop3A_982 = arith.index_cast %parallel_loop3A_135 : i32 to index
        %parallel_loop3A_983 = arith.constant 1504 : index
        %parallel_loop3A_984 = tpu.vector_load %arg8[%parallel_loop3A_982, %parallel_loop3A_983] {strides = array<i32>} : memref<8x2048xf32, #tpu.memory_space<vmem>>, vector<1x16xf32>,
        %parallel_loop3A_985 = vector.shape_cast %parallel_loop3A_984 : vector<1x16xf32> to vector<16xf32>
        %parallel_loop3A_986 = arith.index_cast %parallel_loop3A_135 : i32 to index
        %parallel_loop3A_987 = arith.constant 1504 : index
        %parallel_loop3A_988 = tpu.vector_load %arg7[%parallel_loop3A_986, %parallel_loop3A_987] {strides = array<i32>} : memref<8x2048xf32, #tpu.memory_space<vmem>>, vector<1x16xf32>,
        %parallel_loop3A_989 = vector.shape_cast %parallel_loop3A_988 : vector<1x16xf32> to vector<16xf32>
        %parallel_loop3A_990 = vector.shape_cast %parallel_loop3A_985 : vector<16xf32> to vector<1x16xf32>
        tpu.vector_store %arg7[%parallel_loop3A_986, %parallel_loop3A_987], %parallel_loop3A_990 {add = true, strides = array<i32>} : memref<8x2048xf32, #tpu.memory_space<vmem>>, vector<1x16xf32>,
        %parallel_loop3A_991 = arith.index_cast %parallel_loop3A_135 : i32 to index
        %parallel_loop3A_992 = arith.constant 1520 : index
        %parallel_loop3A_993 = tpu.vector_load %arg8[%parallel_loop3A_991, %parallel_loop3A_992] {strides = array<i32>} : memref<8x2048xf32, #tpu.memory_space<vmem>>, vector<1x16xf32>,
        %parallel_loop3A_994 = vector.shape_cast %parallel_loop3A_993 : vector<1x16xf32> to vector<16xf32>
        %parallel_loop3A_995 = arith.index_cast %parallel_loop3A_135 : i32 to index
        %parallel_loop3A_996 = arith.constant 1520 : index
        %parallel_loop3A_997 = tpu.vector_load %arg7[%parallel_loop3A_995, %parallel_loop3A_996] {strides = array<i32>} : memref<8x2048xf32, #tpu.memory_space<vmem>>, vector<1x16xf32>,
        %parallel_loop3A_998 = vector.shape_cast %parallel_loop3A_997 : vector<1x16xf32> to vector<16xf32>
        %parallel_loop3A_999 = vector.shape_cast %parallel_loop3A_994 : vector<16xf32> to vector<1x16xf32>
        tpu.vector_store %arg7[%parallel_loop3A_995, %parallel_loop3A_996], %parallel_loop3A_999 {add = true, strides = array<i32>} : memref<8x2048xf32, #tpu.memory_space<vmem>>, vector<1x16xf32>,
        %parallel_loop3A_1000 = arith.index_cast %parallel_loop3A_135 : i32 to index
        %parallel_loop3A_1001 = arith.constant 1536 : index
        %parallel_loop3A_1002 = tpu.vector_load %arg8[%parallel_loop3A_1000, %parallel_loop3A_1001] {strides = array<i32>} : memref<8x2048xf32, #tpu.memory_space<vmem>>, vector<1x16xf32>,
        %parallel_loop3A_1003 = vector.shape_cast %parallel_loop3A_1002 : vector<1x16xf32> to vector<16xf32>
        %parallel_loop3A_1004 = arith.index_cast %parallel_loop3A_135 : i32 to index
        %parallel_loop3A_1005 = arith.constant 1536 : index
        %parallel_loop3A_1006 = tpu.vector_load %arg7[%parallel_loop3A_1004, %parallel_loop3A_1005] {strides = array<i32>} : memref<8x2048xf32, #tpu.memory_space<vmem>>, vector<1x16xf32>,
        %parallel_loop3A_1007 = vector.shape_cast %parallel_loop3A_1006 : vector<1x16xf32> to vector<16xf32>
        %parallel_loop3A_1008 = vector.shape_cast %parallel_loop3A_1003 : vector<16xf32> to vector<1x16xf32>
        tpu.vector_store %arg7[%parallel_loop3A_1004, %parallel_loop3A_1005], %parallel_loop3A_1008 {add = true, strides = array<i32>} : memref<8x2048xf32, #tpu.memory_space<vmem>>, vector<1x16xf32>,
        %parallel_loop3A_1009 = arith.index_cast %parallel_loop3A_135 : i32 to index
        %parallel_loop3A_1010 = arith.constant 1552 : index
        %parallel_loop3A_1011 = tpu.vector_load %arg8[%parallel_loop3A_1009, %parallel_loop3A_1010] {strides = array<i32>} : memref<8x2048xf32, #tpu.memory_space<vmem>>, vector<1x16xf32>,
        %parallel_loop3A_1012 = vector.shape_cast %parallel_loop3A_1011 : vector<1x16xf32> to vector<16xf32>
        %parallel_loop3A_1013 = arith.index_cast %parallel_loop3A_135 : i32 to index
        %parallel_loop3A_1014 = arith.constant 1552 : index
        %parallel_loop3A_1015 = tpu.vector_load %arg7[%parallel_loop3A_1013, %parallel_loop3A_1014] {strides = array<i32>} : memref<8x2048xf32, #tpu.memory_space<vmem>>, vector<1x16xf32>,
        %parallel_loop3A_1016 = vector.shape_cast %parallel_loop3A_1015 : vector<1x16xf32> to vector<16xf32>
        %parallel_loop3A_1017 = vector.shape_cast %parallel_loop3A_1012 : vector<16xf32> to vector<1x16xf32>
        tpu.vector_store %arg7[%parallel_loop3A_1013, %parallel_loop3A_1014], %parallel_loop3A_1017 {add = true, strides = array<i32>} : memref<8x2048xf32, #tpu.memory_space<vmem>>, vector<1x16xf32>,
        %parallel_loop3A_1018 = arith.index_cast %parallel_loop3A_135 : i32 to index
        %parallel_loop3A_1019 = arith.constant 1568 : index
        %parallel_loop3A_1020 = tpu.vector_load %arg8[%parallel_loop3A_1018, %parallel_loop3A_1019] {strides = array<i32>} : memref<8x2048xf32, #tpu.memory_space<vmem>>, vector<1x16xf32>,
        %parallel_loop3A_1021 = vector.shape_cast %parallel_loop3A_1020 : vector<1x16xf32> to vector<16xf32>
        %parallel_loop3A_1022 = arith.index_cast %parallel_loop3A_135 : i32 to index
        %parallel_loop3A_1023 = arith.constant 1568 : index
        %parallel_loop3A_1024 = tpu.vector_load %arg7[%parallel_loop3A_1022, %parallel_loop3A_1023] {strides = array<i32>} : memref<8x2048xf32, #tpu.memory_space<vmem>>, vector<1x16xf32>,
        %parallel_loop3A_1025 = vector.shape_cast %parallel_loop3A_1024 : vector<1x16xf32> to vector<16xf32>
        %parallel_loop3A_1026 = vector.shape_cast %parallel_loop3A_1021 : vector<16xf32> to vector<1x16xf32>
        tpu.vector_store %arg7[%parallel_loop3A_1022, %parallel_loop3A_1023], %parallel_loop3A_1026 {add = true, strides = array<i32>} : memref<8x2048xf32, #tpu.memory_space<vmem>>, vector<1x16xf32>,
        %parallel_loop3A_1027 = arith.index_cast %parallel_loop3A_135 : i32 to index
        %parallel_loop3A_1028 = arith.constant 1584 : index
        %parallel_loop3A_1029 = tpu.vector_load %arg8[%parallel_loop3A_1027, %parallel_loop3A_1028] {strides = array<i32>} : memref<8x2048xf32, #tpu.memory_space<vmem>>, vector<1x16xf32>,
        %parallel_loop3A_1030 = vector.shape_cast %parallel_loop3A_1029 : vector<1x16xf32> to vector<16xf32>
        %parallel_loop3A_1031 = arith.index_cast %parallel_loop3A_135 : i32 to index
        %parallel_loop3A_1032 = arith.constant 1584 : index
        %parallel_loop3A_1033 = tpu.vector_load %arg7[%parallel_loop3A_1031, %parallel_loop3A_1032] {strides = array<i32>} : memref<8x2048xf32, #tpu.memory_space<vmem>>, vector<1x16xf32>,
        %parallel_loop3A_1034 = vector.shape_cast %parallel_loop3A_1033 : vector<1x16xf32> to vector<16xf32>
        %parallel_loop3A_1035 = vector.shape_cast %parallel_loop3A_1030 : vector<16xf32> to vector<1x16xf32>
        tpu.vector_store %arg7[%parallel_loop3A_1031, %parallel_loop3A_1032], %parallel_loop3A_1035 {add = true, strides = array<i32>} : memref<8x2048xf32, #tpu.memory_space<vmem>>, vector<1x16xf32>,
        %parallel_loop3A_1036 = arith.index_cast %parallel_loop3A_135 : i32 to index
        %parallel_loop3A_1037 = arith.constant 1600 : index
        %parallel_loop3A_1038 = tpu.vector_load %arg8[%parallel_loop3A_1036, %parallel_loop3A_1037] {strides = array<i32>} : memref<8x2048xf32, #tpu.memory_space<vmem>>, vector<1x16xf32>,
        %parallel_loop3A_1039 = vector.shape_cast %parallel_loop3A_1038 : vector<1x16xf32> to vector<16xf32>
        %parallel_loop3A_1040 = arith.index_cast %parallel_loop3A_135 : i32 to index
        %parallel_loop3A_1041 = arith.constant 1600 : index
        %parallel_loop3A_1042 = tpu.vector_load %arg7[%parallel_loop3A_1040, %parallel_loop3A_1041] {strides = array<i32>} : memref<8x2048xf32, #tpu.memory_space<vmem>>, vector<1x16xf32>,
        %parallel_loop3A_1043 = vector.shape_cast %parallel_loop3A_1042 : vector<1x16xf32> to vector<16xf32>
        %parallel_loop3A_1044 = vector.shape_cast %parallel_loop3A_1039 : vector<16xf32> to vector<1x16xf32>
        tpu.vector_store %arg7[%parallel_loop3A_1040, %parallel_loop3A_1041], %parallel_loop3A_1044 {add = true, strides = array<i32>} : memref<8x2048xf32, #tpu.memory_space<vmem>>, vector<1x16xf32>,
        %parallel_loop3A_1045 = arith.index_cast %parallel_loop3A_135 : i32 to index
        %parallel_loop3A_1046 = arith.constant 1616 : index
        %parallel_loop3A_1047 = tpu.vector_load %arg8[%parallel_loop3A_1045, %parallel_loop3A_1046] {strides = array<i32>} : memref<8x2048xf32, #tpu.memory_space<vmem>>, vector<1x16xf32>,
        %parallel_loop3A_1048 = vector.shape_cast %parallel_loop3A_1047 : vector<1x16xf32> to vector<16xf32>
        %parallel_loop3A_1049 = arith.index_cast %parallel_loop3A_135 : i32 to index
        %parallel_loop3A_1050 = arith.constant 1616 : index
        %parallel_loop3A_1051 = tpu.vector_load %arg7[%parallel_loop3A_1049, %parallel_loop3A_1050] {strides = array<i32>} : memref<8x2048xf32, #tpu.memory_space<vmem>>, vector<1x16xf32>,
        %parallel_loop3A_1052 = vector.shape_cast %parallel_loop3A_1051 : vector<1x16xf32> to vector<16xf32>
        %parallel_loop3A_1053 = vector.shape_cast %parallel_loop3A_1048 : vector<16xf32> to vector<1x16xf32>
        tpu.vector_store %arg7[%parallel_loop3A_1049, %parallel_loop3A_1050], %parallel_loop3A_1053 {add = true, strides = array<i32>} : memref<8x2048xf32, #tpu.memory_space<vmem>>, vector<1x16xf32>,
        %parallel_loop3A_1054 = arith.index_cast %parallel_loop3A_135 : i32 to index
        %parallel_loop3A_1055 = arith.constant 1632 : index
        %parallel_loop3A_1056 = tpu.vector_load %arg8[%parallel_loop3A_1054, %parallel_loop3A_1055] {strides = array<i32>} : memref<8x2048xf32, #tpu.memory_space<vmem>>, vector<1x16xf32>,
        %parallel_loop3A_1057 = vector.shape_cast %parallel_loop3A_1056 : vector<1x16xf32> to vector<16xf32>
        %parallel_loop3A_1058 = arith.index_cast %parallel_loop3A_135 : i32 to index
        %parallel_loop3A_1059 = arith.constant 1632 : index
        %parallel_loop3A_1060 = tpu.vector_load %arg7[%parallel_loop3A_1058, %parallel_loop3A_1059] {strides = array<i32>} : memref<8x2048xf32, #tpu.memory_space<vmem>>, vector<1x16xf32>,
        %parallel_loop3A_1061 = vector.shape_cast %parallel_loop3A_1060 : vector<1x16xf32> to vector<16xf32>
        %parallel_loop3A_1062 = vector.shape_cast %parallel_loop3A_1057 : vector<16xf32> to vector<1x16xf32>
        tpu.vector_store %arg7[%parallel_loop3A_1058, %parallel_loop3A_1059], %parallel_loop3A_1062 {add = true, strides = array<i32>} : memref<8x2048xf32, #tpu.memory_space<vmem>>, vector<1x16xf32>,
        %parallel_loop3A_1063 = arith.index_cast %parallel_loop3A_135 : i32 to index
        %parallel_loop3A_1064 = arith.constant 1648 : index
        %parallel_loop3A_1065 = tpu.vector_load %arg8[%parallel_loop3A_1063, %parallel_loop3A_1064] {strides = array<i32>} : memref<8x2048xf32, #tpu.memory_space<vmem>>, vector<1x16xf32>,
        %parallel_loop3A_1066 = vector.shape_cast %parallel_loop3A_1065 : vector<1x16xf32> to vector<16xf32>
        %parallel_loop3A_1067 = arith.index_cast %parallel_loop3A_135 : i32 to index
        %parallel_loop3A_1068 = arith.constant 1648 : index
        %parallel_loop3A_1069 = tpu.vector_load %arg7[%parallel_loop3A_1067, %parallel_loop3A_1068] {strides = array<i32>} : memref<8x2048xf32, #tpu.memory_space<vmem>>, vector<1x16xf32>,
        %parallel_loop3A_1070 = vector.shape_cast %parallel_loop3A_1069 : vector<1x16xf32> to vector<16xf32>
        %parallel_loop3A_1071 = vector.shape_cast %parallel_loop3A_1066 : vector<16xf32> to vector<1x16xf32>
        tpu.vector_store %arg7[%parallel_loop3A_1067, %parallel_loop3A_1068], %parallel_loop3A_1071 {add = true, strides = array<i32>} : memref<8x2048xf32, #tpu.memory_space<vmem>>, vector<1x16xf32>,
        %parallel_loop3A_1072 = arith.index_cast %parallel_loop3A_135 : i32 to index
        %parallel_loop3A_1073 = arith.constant 1664 : index
        %parallel_loop3A_1074 = tpu.vector_load %arg8[%parallel_loop3A_1072, %parallel_loop3A_1073] {strides = array<i32>} : memref<8x2048xf32, #tpu.memory_space<vmem>>, vector<1x16xf32>,
        %parallel_loop3A_1075 = vector.shape_cast %parallel_loop3A_1074 : vector<1x16xf32> to vector<16xf32>
        %parallel_loop3A_1076 = arith.index_cast %parallel_loop3A_135 : i32 to index
        %parallel_loop3A_1077 = arith.constant 1664 : index
        %parallel_loop3A_1078 = tpu.vector_load %arg7[%parallel_loop3A_1076, %parallel_loop3A_1077] {strides = array<i32>} : memref<8x2048xf32, #tpu.memory_space<vmem>>, vector<1x16xf32>,
        %parallel_loop3A_1079 = vector.shape_cast %parallel_loop3A_1078 : vector<1x16xf32> to vector<16xf32>
        %parallel_loop3A_1080 = vector.shape_cast %parallel_loop3A_1075 : vector<16xf32> to vector<1x16xf32>
        tpu.vector_store %arg7[%parallel_loop3A_1076, %parallel_loop3A_1077], %parallel_loop3A_1080 {add = true, strides = array<i32>} : memref<8x2048xf32, #tpu.memory_space<vmem>>, vector<1x16xf32>,
        %parallel_loop3A_1081 = arith.index_cast %parallel_loop3A_135 : i32 to index
        %parallel_loop3A_1082 = arith.constant 1680 : index
        %parallel_loop3A_1083 = tpu.vector_load %arg8[%parallel_loop3A_1081, %parallel_loop3A_1082] {strides = array<i32>} : memref<8x2048xf32, #tpu.memory_space<vmem>>, vector<1x16xf32>,
        %parallel_loop3A_1084 = vector.shape_cast %parallel_loop3A_1083 : vector<1x16xf32> to vector<16xf32>
        %parallel_loop3A_1085 = arith.index_cast %parallel_loop3A_135 : i32 to index
        %parallel_loop3A_1086 = arith.constant 1680 : index
        %parallel_loop3A_1087 = tpu.vector_load %arg7[%parallel_loop3A_1085, %parallel_loop3A_1086] {strides = array<i32>} : memref<8x2048xf32, #tpu.memory_space<vmem>>, vector<1x16xf32>,
        %parallel_loop3A_1088 = vector.shape_cast %parallel_loop3A_1087 : vector<1x16xf32> to vector<16xf32>
        %parallel_loop3A_1089 = vector.shape_cast %parallel_loop3A_1084 : vector<16xf32> to vector<1x16xf32>
        tpu.vector_store %arg7[%parallel_loop3A_1085, %parallel_loop3A_1086], %parallel_loop3A_1089 {add = true, strides = array<i32>} : memref<8x2048xf32, #tpu.memory_space<vmem>>, vector<1x16xf32>,
        %parallel_loop3A_1090 = arith.index_cast %parallel_loop3A_135 : i32 to index
        %parallel_loop3A_1091 = arith.constant 1696 : index
        %parallel_loop3A_1092 = tpu.vector_load %arg8[%parallel_loop3A_1090, %parallel_loop3A_1091] {strides = array<i32>} : memref<8x2048xf32, #tpu.memory_space<vmem>>, vector<1x16xf32>,
        %parallel_loop3A_1093 = vector.shape_cast %parallel_loop3A_1092 : vector<1x16xf32> to vector<16xf32>
        %parallel_loop3A_1094 = arith.index_cast %parallel_loop3A_135 : i32 to index
        %parallel_loop3A_1095 = arith.constant 1696 : index
        %parallel_loop3A_1096 = tpu.vector_load %arg7[%parallel_loop3A_1094, %parallel_loop3A_1095] {strides = array<i32>} : memref<8x2048xf32, #tpu.memory_space<vmem>>, vector<1x16xf32>,
        %parallel_loop3A_1097 = vector.shape_cast %parallel_loop3A_1096 : vector<1x16xf32> to vector<16xf32>
        %parallel_loop3A_1098 = vector.shape_cast %parallel_loop3A_1093 : vector<16xf32> to vector<1x16xf32>
        tpu.vector_store %arg7[%parallel_loop3A_1094, %parallel_loop3A_1095], %parallel_loop3A_1098 {add = true, strides = array<i32>} : memref<8x2048xf32, #tpu.memory_space<vmem>>, vector<1x16xf32>,
        %parallel_loop3A_1099 = arith.index_cast %parallel_loop3A_135 : i32 to index
        %parallel_loop3A_1100 = arith.constant 1712 : index
        %parallel_loop3A_1101 = tpu.vector_load %arg8[%parallel_loop3A_1099, %parallel_loop3A_1100] {strides = array<i32>} : memref<8x2048xf32, #tpu.memory_space<vmem>>, vector<1x16xf32>,
        %parallel_loop3A_1102 = vector.shape_cast %parallel_loop3A_1101 : vector<1x16xf32> to vector<16xf32>
        %parallel_loop3A_1103 = arith.index_cast %parallel_loop3A_135 : i32 to index
        %parallel_loop3A_1104 = arith.constant 1712 : index
        %parallel_loop3A_1105 = tpu.vector_load %arg7[%parallel_loop3A_1103, %parallel_loop3A_1104] {strides = array<i32>} : memref<8x2048xf32, #tpu.memory_space<vmem>>, vector<1x16xf32>,
        %parallel_loop3A_1106 = vector.shape_cast %parallel_loop3A_1105 : vector<1x16xf32> to vector<16xf32>
        %parallel_loop3A_1107 = vector.shape_cast %parallel_loop3A_1102 : vector<16xf32> to vector<1x16xf32>
        tpu.vector_store %arg7[%parallel_loop3A_1103, %parallel_loop3A_1104], %parallel_loop3A_1107 {add = true, strides = array<i32>} : memref<8x2048xf32, #tpu.memory_space<vmem>>, vector<1x16xf32>,
        %parallel_loop3A_1108 = arith.index_cast %parallel_loop3A_135 : i32 to index
        %parallel_loop3A_1109 = arith.constant 1728 : index
        %parallel_loop3A_1110 = tpu.vector_load %arg8[%parallel_loop3A_1108, %parallel_loop3A_1109] {strides = array<i32>} : memref<8x2048xf32, #tpu.memory_space<vmem>>, vector<1x16xf32>,
        %parallel_loop3A_1111 = vector.shape_cast %parallel_loop3A_1110 : vector<1x16xf32> to vector<16xf32>
        %parallel_loop3A_1112 = arith.index_cast %parallel_loop3A_135 : i32 to index
        %parallel_loop3A_1113 = arith.constant 1728 : index
        %parallel_loop3A_1114 = tpu.vector_load %arg7[%parallel_loop3A_1112, %parallel_loop3A_1113] {strides = array<i32>} : memref<8x2048xf32, #tpu.memory_space<vmem>>, vector<1x16xf32>,
        %parallel_loop3A_1115 = vector.shape_cast %parallel_loop3A_1114 : vector<1x16xf32> to vector<16xf32>
        %parallel_loop3A_1116 = vector.shape_cast %parallel_loop3A_1111 : vector<16xf32> to vector<1x16xf32>
        tpu.vector_store %arg7[%parallel_loop3A_1112, %parallel_loop3A_1113], %parallel_loop3A_1116 {add = true, strides = array<i32>} : memref<8x2048xf32, #tpu.memory_space<vmem>>, vector<1x16xf32>,
        %parallel_loop3A_1117 = arith.index_cast %parallel_loop3A_135 : i32 to index
        %parallel_loop3A_1118 = arith.constant 1744 : index
        %parallel_loop3A_1119 = tpu.vector_load %arg8[%parallel_loop3A_1117, %parallel_loop3A_1118] {strides = array<i32>} : memref<8x2048xf32, #tpu.memory_space<vmem>>, vector<1x16xf32>,
        %parallel_loop3A_1120 = vector.shape_cast %parallel_loop3A_1119 : vector<1x16xf32> to vector<16xf32>
        %parallel_loop3A_1121 = arith.index_cast %parallel_loop3A_135 : i32 to index
        %parallel_loop3A_1122 = arith.constant 1744 : index
        %parallel_loop3A_1123 = tpu.vector_load %arg7[%parallel_loop3A_1121, %parallel_loop3A_1122] {strides = array<i32>} : memref<8x2048xf32, #tpu.memory_space<vmem>>, vector<1x16xf32>,
        %parallel_loop3A_1124 = vector.shape_cast %parallel_loop3A_1123 : vector<1x16xf32> to vector<16xf32>
        %parallel_loop3A_1125 = vector.shape_cast %parallel_loop3A_1120 : vector<16xf32> to vector<1x16xf32>
        tpu.vector_store %arg7[%parallel_loop3A_1121, %parallel_loop3A_1122], %parallel_loop3A_1125 {add = true, strides = array<i32>} : memref<8x2048xf32, #tpu.memory_space<vmem>>, vector<1x16xf32>,
        %parallel_loop3A_1126 = arith.index_cast %parallel_loop3A_135 : i32 to index
        %parallel_loop3A_1127 = arith.constant 1760 : index
        %parallel_loop3A_1128 = tpu.vector_load %arg8[%parallel_loop3A_1126, %parallel_loop3A_1127] {strides = array<i32>} : memref<8x2048xf32, #tpu.memory_space<vmem>>, vector<1x16xf32>,
        %parallel_loop3A_1129 = vector.shape_cast %parallel_loop3A_1128 : vector<1x16xf32> to vector<16xf32>
        %parallel_loop3A_1130 = arith.index_cast %parallel_loop3A_135 : i32 to index
        %parallel_loop3A_1131 = arith.constant 1760 : index
        %parallel_loop3A_1132 = tpu.vector_load %arg7[%parallel_loop3A_1130, %parallel_loop3A_1131] {strides = array<i32>} : memref<8x2048xf32, #tpu.memory_space<vmem>>, vector<1x16xf32>,
        %parallel_loop3A_1133 = vector.shape_cast %parallel_loop3A_1132 : vector<1x16xf32> to vector<16xf32>
        %parallel_loop3A_1134 = vector.shape_cast %parallel_loop3A_1129 : vector<16xf32> to vector<1x16xf32>
        tpu.vector_store %arg7[%parallel_loop3A_1130, %parallel_loop3A_1131], %parallel_loop3A_1134 {add = true, strides = array<i32>} : memref<8x2048xf32, #tpu.memory_space<vmem>>, vector<1x16xf32>,
        %parallel_loop3A_1135 = arith.index_cast %parallel_loop3A_135 : i32 to index
        %parallel_loop3A_1136 = arith.constant 1776 : index
        %parallel_loop3A_1137 = tpu.vector_load %arg8[%parallel_loop3A_1135, %parallel_loop3A_1136] {strides = array<i32>} : memref<8x2048xf32, #tpu.memory_space<vmem>>, vector<1x16xf32>,
        %parallel_loop3A_1138 = vector.shape_cast %parallel_loop3A_1137 : vector<1x16xf32> to vector<16xf32>
        %parallel_loop3A_1139 = arith.index_cast %parallel_loop3A_135 : i32 to index
        %parallel_loop3A_1140 = arith.constant 1776 : index
        %parallel_loop3A_1141 = tpu.vector_load %arg7[%parallel_loop3A_1139, %parallel_loop3A_1140] {strides = array<i32>} : memref<8x2048xf32, #tpu.memory_space<vmem>>, vector<1x16xf32>,
        %parallel_loop3A_1142 = vector.shape_cast %parallel_loop3A_1141 : vector<1x16xf32> to vector<16xf32>
        %parallel_loop3A_1143 = vector.shape_cast %parallel_loop3A_1138 : vector<16xf32> to vector<1x16xf32>
        tpu.vector_store %arg7[%parallel_loop3A_1139, %parallel_loop3A_1140], %parallel_loop3A_1143 {add = true, strides = array<i32>} : memref<8x2048xf32, #tpu.memory_space<vmem>>, vector<1x16xf32>,
        %parallel_loop3A_1144 = arith.index_cast %parallel_loop3A_135 : i32 to index
        %parallel_loop3A_1145 = arith.constant 1792 : index
        %parallel_loop3A_1146 = tpu.vector_load %arg8[%parallel_loop3A_1144, %parallel_loop3A_1145] {strides = array<i32>} : memref<8x2048xf32, #tpu.memory_space<vmem>>, vector<1x16xf32>,
        %parallel_loop3A_1147 = vector.shape_cast %parallel_loop3A_1146 : vector<1x16xf32> to vector<16xf32>
        %parallel_loop3A_1148 = arith.index_cast %parallel_loop3A_135 : i32 to index
        %parallel_loop3A_1149 = arith.constant 1792 : index
        %parallel_loop3A_1150 = tpu.vector_load %arg7[%parallel_loop3A_1148, %parallel_loop3A_1149] {strides = array<i32>} : memref<8x2048xf32, #tpu.memory_space<vmem>>, vector<1x16xf32>,
        %parallel_loop3A_1151 = vector.shape_cast %parallel_loop3A_1150 : vector<1x16xf32> to vector<16xf32>
        %parallel_loop3A_1152 = vector.shape_cast %parallel_loop3A_1147 : vector<16xf32> to vector<1x16xf32>
        tpu.vector_store %arg7[%parallel_loop3A_1148, %parallel_loop3A_1149], %parallel_loop3A_1152 {add = true, strides = array<i32>} : memref<8x2048xf32, #tpu.memory_space<vmem>>, vector<1x16xf32>,
        %parallel_loop3A_1153 = arith.index_cast %parallel_loop3A_135 : i32 to index
        %parallel_loop3A_1154 = arith.constant 1808 : index
        %parallel_loop3A_1155 = tpu.vector_load %arg8[%parallel_loop3A_1153, %parallel_loop3A_1154] {strides = array<i32>} : memref<8x2048xf32, #tpu.memory_space<vmem>>, vector<1x16xf32>,
        %parallel_loop3A_1156 = vector.shape_cast %parallel_loop3A_1155 : vector<1x16xf32> to vector<16xf32>
        %parallel_loop3A_1157 = arith.index_cast %parallel_loop3A_135 : i32 to index
        %parallel_loop3A_1158 = arith.constant 1808 : index
        %parallel_loop3A_1159 = tpu.vector_load %arg7[%parallel_loop3A_1157, %parallel_loop3A_1158] {strides = array<i32>} : memref<8x2048xf32, #tpu.memory_space<vmem>>, vector<1x16xf32>,
        %parallel_loop3A_1160 = vector.shape_cast %parallel_loop3A_1159 : vector<1x16xf32> to vector<16xf32>
        %parallel_loop3A_1161 = vector.shape_cast %parallel_loop3A_1156 : vector<16xf32> to vector<1x16xf32>
        tpu.vector_store %arg7[%parallel_loop3A_1157, %parallel_loop3A_1158], %parallel_loop3A_1161 {add = true, strides = array<i32>} : memref<8x2048xf32, #tpu.memory_space<vmem>>, vector<1x16xf32>,
        %parallel_loop3A_1162 = arith.index_cast %parallel_loop3A_135 : i32 to index
        %parallel_loop3A_1163 = arith.constant 1824 : index
        %parallel_loop3A_1164 = tpu.vector_load %arg8[%parallel_loop3A_1162, %parallel_loop3A_1163] {strides = array<i32>} : memref<8x2048xf32, #tpu.memory_space<vmem>>, vector<1x16xf32>,
        %parallel_loop3A_1165 = vector.shape_cast %parallel_loop3A_1164 : vector<1x16xf32> to vector<16xf32>
        %parallel_loop3A_1166 = arith.index_cast %parallel_loop3A_135 : i32 to index
        %parallel_loop3A_1167 = arith.constant 1824 : index
        %parallel_loop3A_1168 = tpu.vector_load %arg7[%parallel_loop3A_1166, %parallel_loop3A_1167] {strides = array<i32>} : memref<8x2048xf32, #tpu.memory_space<vmem>>, vector<1x16xf32>,
        %parallel_loop3A_1169 = vector.shape_cast %parallel_loop3A_1168 : vector<1x16xf32> to vector<16xf32>
        %parallel_loop3A_1170 = vector.shape_cast %parallel_loop3A_1165 : vector<16xf32> to vector<1x16xf32>
        tpu.vector_store %arg7[%parallel_loop3A_1166, %parallel_loop3A_1167], %parallel_loop3A_1170 {add = true, strides = array<i32>} : memref<8x2048xf32, #tpu.memory_space<vmem>>, vector<1x16xf32>,
        %parallel_loop3A_1171 = arith.index_cast %parallel_loop3A_135 : i32 to index
        %parallel_loop3A_1172 = arith.constant 1840 : index
        %parallel_loop3A_1173 = tpu.vector_load %arg8[%parallel_loop3A_1171, %parallel_loop3A_1172] {strides = array<i32>} : memref<8x2048xf32, #tpu.memory_space<vmem>>, vector<1x16xf32>,
        %parallel_loop3A_1174 = vector.shape_cast %parallel_loop3A_1173 : vector<1x16xf32> to vector<16xf32>
        %parallel_loop3A_1175 = arith.index_cast %parallel_loop3A_135 : i32 to index
        %parallel_loop3A_1176 = arith.constant 1840 : index
        %parallel_loop3A_1177 = tpu.vector_load %arg7[%parallel_loop3A_1175, %parallel_loop3A_1176] {strides = array<i32>} : memref<8x2048xf32, #tpu.memory_space<vmem>>, vector<1x16xf32>,
        %parallel_loop3A_1178 = vector.shape_cast %parallel_loop3A_1177 : vector<1x16xf32> to vector<16xf32>
        %parallel_loop3A_1179 = vector.shape_cast %parallel_loop3A_1174 : vector<16xf32> to vector<1x16xf32>
        tpu.vector_store %arg7[%parallel_loop3A_1175, %parallel_loop3A_1176], %parallel_loop3A_1179 {add = true, strides = array<i32>} : memref<8x2048xf32, #tpu.memory_space<vmem>>, vector<1x16xf32>,
        %parallel_loop3A_1180 = arith.index_cast %parallel_loop3A_135 : i32 to index
        %parallel_loop3A_1181 = arith.constant 1856 : index
        %parallel_loop3A_1182 = tpu.vector_load %arg8[%parallel_loop3A_1180, %parallel_loop3A_1181] {strides = array<i32>} : memref<8x2048xf32, #tpu.memory_space<vmem>>, vector<1x16xf32>,
        %parallel_loop3A_1183 = vector.shape_cast %parallel_loop3A_1182 : vector<1x16xf32> to vector<16xf32>
        %parallel_loop3A_1184 = arith.index_cast %parallel_loop3A_135 : i32 to index
        %parallel_loop3A_1185 = arith.constant 1856 : index
        %parallel_loop3A_1186 = tpu.vector_load %arg7[%parallel_loop3A_1184, %parallel_loop3A_1185] {strides = array<i32>} : memref<8x2048xf32, #tpu.memory_space<vmem>>, vector<1x16xf32>,
        %parallel_loop3A_1187 = vector.shape_cast %parallel_loop3A_1186 : vector<1x16xf32> to vector<16xf32>
        %parallel_loop3A_1188 = vector.shape_cast %parallel_loop3A_1183 : vector<16xf32> to vector<1x16xf32>
        tpu.vector_store %arg7[%parallel_loop3A_1184, %parallel_loop3A_1185], %parallel_loop3A_1188 {add = true, strides = array<i32>} : memref<8x2048xf32, #tpu.memory_space<vmem>>, vector<1x16xf32>,
        %parallel_loop3A_1189 = arith.index_cast %parallel_loop3A_135 : i32 to index
        %parallel_loop3A_1190 = arith.constant 1872 : index
        %parallel_loop3A_1191 = tpu.vector_load %arg8[%parallel_loop3A_1189, %parallel_loop3A_1190] {strides = array<i32>} : memref<8x2048xf32, #tpu.memory_space<vmem>>, vector<1x16xf32>,
        %parallel_loop3A_1192 = vector.shape_cast %parallel_loop3A_1191 : vector<1x16xf32> to vector<16xf32>
        %parallel_loop3A_1193 = arith.index_cast %parallel_loop3A_135 : i32 to index
        %parallel_loop3A_1194 = arith.constant 1872 : index
        %parallel_loop3A_1195 = tpu.vector_load %arg7[%parallel_loop3A_1193, %parallel_loop3A_1194] {strides = array<i32>} : memref<8x2048xf32, #tpu.memory_space<vmem>>, vector<1x16xf32>,
        %parallel_loop3A_1196 = vector.shape_cast %parallel_loop3A_1195 : vector<1x16xf32> to vector<16xf32>
        %parallel_loop3A_1197 = vector.shape_cast %parallel_loop3A_1192 : vector<16xf32> to vector<1x16xf32>
        tpu.vector_store %arg7[%parallel_loop3A_1193, %parallel_loop3A_1194], %parallel_loop3A_1197 {add = true, strides = array<i32>} : memref<8x2048xf32, #tpu.memory_space<vmem>>, vector<1x16xf32>,
        %parallel_loop3A_1198 = arith.index_cast %parallel_loop3A_135 : i32 to index
        %parallel_loop3A_1199 = arith.constant 1888 : index
        %parallel_loop3A_1200 = tpu.vector_load %arg8[%parallel_loop3A_1198, %parallel_loop3A_1199] {strides = array<i32>} : memref<8x2048xf32, #tpu.memory_space<vmem>>, vector<1x16xf32>,
        %parallel_loop3A_1201 = vector.shape_cast %parallel_loop3A_1200 : vector<1x16xf32> to vector<16xf32>
        %parallel_loop3A_1202 = arith.index_cast %parallel_loop3A_135 : i32 to index
        %parallel_loop3A_1203 = arith.constant 1888 : index
        %parallel_loop3A_1204 = tpu.vector_load %arg7[%parallel_loop3A_1202, %parallel_loop3A_1203] {strides = array<i32>} : memref<8x2048xf32, #tpu.memory_space<vmem>>, vector<1x16xf32>,
        %parallel_loop3A_1205 = vector.shape_cast %parallel_loop3A_1204 : vector<1x16xf32> to vector<16xf32>
        %parallel_loop3A_1206 = vector.shape_cast %parallel_loop3A_1201 : vector<16xf32> to vector<1x16xf32>
        tpu.vector_store %arg7[%parallel_loop3A_1202, %parallel_loop3A_1203], %parallel_loop3A_1206 {add = true, strides = array<i32>} : memref<8x2048xf32, #tpu.memory_space<vmem>>, vector<1x16xf32>,
        %parallel_loop3A_1207 = arith.index_cast %parallel_loop3A_135 : i32 to index
        %parallel_loop3A_1208 = arith.constant 1904 : index
        %parallel_loop3A_1209 = tpu.vector_load %arg8[%parallel_loop3A_1207, %parallel_loop3A_1208] {strides = array<i32>} : memref<8x2048xf32, #tpu.memory_space<vmem>>, vector<1x16xf32>,
        %parallel_loop3A_1210 = vector.shape_cast %parallel_loop3A_1209 : vector<1x16xf32> to vector<16xf32>
        %parallel_loop3A_1211 = arith.index_cast %parallel_loop3A_135 : i32 to index
        %parallel_loop3A_1212 = arith.constant 1904 : index
        %parallel_loop3A_1213 = tpu.vector_load %arg7[%parallel_loop3A_1211, %parallel_loop3A_1212] {strides = array<i32>} : memref<8x2048xf32, #tpu.memory_space<vmem>>, vector<1x16xf32>,
        %parallel_loop3A_1214 = vector.shape_cast %parallel_loop3A_1213 : vector<1x16xf32> to vector<16xf32>
        %parallel_loop3A_1215 = vector.shape_cast %parallel_loop3A_1210 : vector<16xf32> to vector<1x16xf32>
        tpu.vector_store %arg7[%parallel_loop3A_1211, %parallel_loop3A_1212], %parallel_loop3A_1215 {add = true, strides = array<i32>} : memref<8x2048xf32, #tpu.memory_space<vmem>>, vector<1x16xf32>,
        %parallel_loop3A_1216 = arith.index_cast %parallel_loop3A_135 : i32 to index
        %parallel_loop3A_1217 = arith.constant 1920 : index
        %parallel_loop3A_1218 = tpu.vector_load %arg8[%parallel_loop3A_1216, %parallel_loop3A_1217] {strides = array<i32>} : memref<8x2048xf32, #tpu.memory_space<vmem>>, vector<1x16xf32>,
        %parallel_loop3A_1219 = vector.shape_cast %parallel_loop3A_1218 : vector<1x16xf32> to vector<16xf32>
        %parallel_loop3A_1220 = arith.index_cast %parallel_loop3A_135 : i32 to index
        %parallel_loop3A_1221 = arith.constant 1920 : index
        %parallel_loop3A_1222 = tpu.vector_load %arg7[%parallel_loop3A_1220, %parallel_loop3A_1221] {strides = array<i32>} : memref<8x2048xf32, #tpu.memory_space<vmem>>, vector<1x16xf32>,
        %parallel_loop3A_1223 = vector.shape_cast %parallel_loop3A_1222 : vector<1x16xf32> to vector<16xf32>
        %parallel_loop3A_1224 = vector.shape_cast %parallel_loop3A_1219 : vector<16xf32> to vector<1x16xf32>
        tpu.vector_store %arg7[%parallel_loop3A_1220, %parallel_loop3A_1221], %parallel_loop3A_1224 {add = true, strides = array<i32>} : memref<8x2048xf32, #tpu.memory_space<vmem>>, vector<1x16xf32>,
        %parallel_loop3A_1225 = arith.index_cast %parallel_loop3A_135 : i32 to index
        %parallel_loop3A_1226 = arith.constant 1936 : index
        %parallel_loop3A_1227 = tpu.vector_load %arg8[%parallel_loop3A_1225, %parallel_loop3A_1226] {strides = array<i32>} : memref<8x2048xf32, #tpu.memory_space<vmem>>, vector<1x16xf32>,
        %parallel_loop3A_1228 = vector.shape_cast %parallel_loop3A_1227 : vector<1x16xf32> to vector<16xf32>
        %parallel_loop3A_1229 = arith.index_cast %parallel_loop3A_135 : i32 to index
        %parallel_loop3A_1230 = arith.constant 1936 : index
        %parallel_loop3A_1231 = tpu.vector_load %arg7[%parallel_loop3A_1229, %parallel_loop3A_1230] {strides = array<i32>} : memref<8x2048xf32, #tpu.memory_space<vmem>>, vector<1x16xf32>,
        %parallel_loop3A_1232 = vector.shape_cast %parallel_loop3A_1231 : vector<1x16xf32> to vector<16xf32>
        %parallel_loop3A_1233 = vector.shape_cast %parallel_loop3A_1228 : vector<16xf32> to vector<1x16xf32>
        tpu.vector_store %arg7[%parallel_loop3A_1229, %parallel_loop3A_1230], %parallel_loop3A_1233 {add = true, strides = array<i32>} : memref<8x2048xf32, #tpu.memory_space<vmem>>, vector<1x16xf32>,
        %parallel_loop3A_1234 = arith.index_cast %parallel_loop3A_135 : i32 to index
        %parallel_loop3A_1235 = arith.constant 1952 : index
        %parallel_loop3A_1236 = tpu.vector_load %arg8[%parallel_loop3A_1234, %parallel_loop3A_1235] {strides = array<i32>} : memref<8x2048xf32, #tpu.memory_space<vmem>>, vector<1x16xf32>,
        %parallel_loop3A_1237 = vector.shape_cast %parallel_loop3A_1236 : vector<1x16xf32> to vector<16xf32>
        %parallel_loop3A_1238 = arith.index_cast %parallel_loop3A_135 : i32 to index
        %parallel_loop3A_1239 = arith.constant 1952 : index
        %parallel_loop3A_1240 = tpu.vector_load %arg7[%parallel_loop3A_1238, %parallel_loop3A_1239] {strides = array<i32>} : memref<8x2048xf32, #tpu.memory_space<vmem>>, vector<1x16xf32>,
        %parallel_loop3A_1241 = vector.shape_cast %parallel_loop3A_1240 : vector<1x16xf32> to vector<16xf32>
        %parallel_loop3A_1242 = vector.shape_cast %parallel_loop3A_1237 : vector<16xf32> to vector<1x16xf32>
        tpu.vector_store %arg7[%parallel_loop3A_1238, %parallel_loop3A_1239], %parallel_loop3A_1242 {add = true, strides = array<i32>} : memref<8x2048xf32, #tpu.memory_space<vmem>>, vector<1x16xf32>,
        %parallel_loop3A_1243 = arith.index_cast %parallel_loop3A_135 : i32 to index
        %parallel_loop3A_1244 = arith.constant 1968 : index
        %parallel_loop3A_1245 = tpu.vector_load %arg8[%parallel_loop3A_1243, %parallel_loop3A_1244] {strides = array<i32>} : memref<8x2048xf32, #tpu.memory_space<vmem>>, vector<1x16xf32>,
        %parallel_loop3A_1246 = vector.shape_cast %parallel_loop3A_1245 : vector<1x16xf32> to vector<16xf32>
        %parallel_loop3A_1247 = arith.index_cast %parallel_loop3A_135 : i32 to index
        %parallel_loop3A_1248 = arith.constant 1968 : index
        %parallel_loop3A_1249 = tpu.vector_load %arg7[%parallel_loop3A_1247, %parallel_loop3A_1248] {strides = array<i32>} : memref<8x2048xf32, #tpu.memory_space<vmem>>, vector<1x16xf32>,
        %parallel_loop3A_1250 = vector.shape_cast %parallel_loop3A_1249 : vector<1x16xf32> to vector<16xf32>
        %parallel_loop3A_1251 = vector.shape_cast %parallel_loop3A_1246 : vector<16xf32> to vector<1x16xf32>
        tpu.vector_store %arg7[%parallel_loop3A_1247, %parallel_loop3A_1248], %parallel_loop3A_1251 {add = true, strides = array<i32>} : memref<8x2048xf32, #tpu.memory_space<vmem>>, vector<1x16xf32>,
        %parallel_loop3A_1252 = arith.index_cast %parallel_loop3A_135 : i32 to index
        %parallel_loop3A_1253 = arith.constant 1984 : index
        %parallel_loop3A_1254 = tpu.vector_load %arg8[%parallel_loop3A_1252, %parallel_loop3A_1253] {strides = array<i32>} : memref<8x2048xf32, #tpu.memory_space<vmem>>, vector<1x16xf32>,
        %parallel_loop3A_1255 = vector.shape_cast %parallel_loop3A_1254 : vector<1x16xf32> to vector<16xf32>
        %parallel_loop3A_1256 = arith.index_cast %parallel_loop3A_135 : i32 to index
        %parallel_loop3A_1257 = arith.constant 1984 : index
        %parallel_loop3A_1258 = tpu.vector_load %arg7[%parallel_loop3A_1256, %parallel_loop3A_1257] {strides = array<i32>} : memref<8x2048xf32, #tpu.memory_space<vmem>>, vector<1x16xf32>,
        %parallel_loop3A_1259 = vector.shape_cast %parallel_loop3A_1258 : vector<1x16xf32> to vector<16xf32>
        %parallel_loop3A_1260 = vector.shape_cast %parallel_loop3A_1255 : vector<16xf32> to vector<1x16xf32>
        tpu.vector_store %arg7[%parallel_loop3A_1256, %parallel_loop3A_1257], %parallel_loop3A_1260 {add = true, strides = array<i32>} : memref<8x2048xf32, #tpu.memory_space<vmem>>, vector<1x16xf32>,
        %parallel_loop3A_1261 = arith.index_cast %parallel_loop3A_135 : i32 to index
        %parallel_loop3A_1262 = arith.constant 2000 : index
        %parallel_loop3A_1263 = tpu.vector_load %arg8[%parallel_loop3A_1261, %parallel_loop3A_1262] {strides = array<i32>} : memref<8x2048xf32, #tpu.memory_space<vmem>>, vector<1x16xf32>,
        %parallel_loop3A_1264 = vector.shape_cast %parallel_loop3A_1263 : vector<1x16xf32> to vector<16xf32>
        %parallel_loop3A_1265 = arith.index_cast %parallel_loop3A_135 : i32 to index
        %parallel_loop3A_1266 = arith.constant 2000 : index
        %parallel_loop3A_1267 = tpu.vector_load %arg7[%parallel_loop3A_1265, %parallel_loop3A_1266] {strides = array<i32>} : memref<8x2048xf32, #tpu.memory_space<vmem>>, vector<1x16xf32>,
        %parallel_loop3A_1268 = vector.shape_cast %parallel_loop3A_1267 : vector<1x16xf32> to vector<16xf32>
        %parallel_loop3A_1269 = vector.shape_cast %parallel_loop3A_1264 : vector<16xf32> to vector<1x16xf32>
        tpu.vector_store %arg7[%parallel_loop3A_1265, %parallel_loop3A_1266], %parallel_loop3A_1269 {add = true, strides = array<i32>} : memref<8x2048xf32, #tpu.memory_space<vmem>>, vector<1x16xf32>,
        %parallel_loop3A_1270 = arith.index_cast %parallel_loop3A_135 : i32 to index
        %parallel_loop3A_1271 = arith.constant 2016 : index
        %parallel_loop3A_1272 = tpu.vector_load %arg8[%parallel_loop3A_1270, %parallel_loop3A_1271] {strides = array<i32>} : memref<8x2048xf32, #tpu.memory_space<vmem>>, vector<1x16xf32>,
        %parallel_loop3A_1273 = vector.shape_cast %parallel_loop3A_1272 : vector<1x16xf32> to vector<16xf32>
        %parallel_loop3A_1274 = arith.index_cast %parallel_loop3A_135 : i32 to index
        %parallel_loop3A_1275 = arith.constant 2016 : index
        %parallel_loop3A_1276 = tpu.vector_load %arg7[%parallel_loop3A_1274, %parallel_loop3A_1275] {strides = array<i32>} : memref<8x2048xf32, #tpu.memory_space<vmem>>, vector<1x16xf32>,
        %parallel_loop3A_1277 = vector.shape_cast %parallel_loop3A_1276 : vector<1x16xf32> to vector<16xf32>
        %parallel_loop3A_1278 = vector.shape_cast %parallel_loop3A_1273 : vector<16xf32> to vector<1x16xf32>
        tpu.vector_store %arg7[%parallel_loop3A_1274, %parallel_loop3A_1275], %parallel_loop3A_1278 {add = true, strides = array<i32>} : memref<8x2048xf32, #tpu.memory_space<vmem>>, vector<1x16xf32>,
        %parallel_loop3A_1279 = arith.index_cast %parallel_loop3A_135 : i32 to index
        %parallel_loop3A_1280 = arith.constant 2032 : index
        %parallel_loop3A_1281 = tpu.vector_load %arg8[%parallel_loop3A_1279, %parallel_loop3A_1280] {strides = array<i32>} : memref<8x2048xf32, #tpu.memory_space<vmem>>, vector<1x16xf32>,
        %parallel_loop3A_1282 = vector.shape_cast %parallel_loop3A_1281 : vector<1x16xf32> to vector<16xf32>
        %parallel_loop3A_1283 = arith.index_cast %parallel_loop3A_135 : i32 to index
        %parallel_loop3A_1284 = arith.constant 2032 : index
        %parallel_loop3A_1285 = tpu.vector_load %arg7[%parallel_loop3A_1283, %parallel_loop3A_1284] {strides = array<i32>} : memref<8x2048xf32, #tpu.memory_space<vmem>>, vector<1x16xf32>,
        %parallel_loop3A_1286 = vector.shape_cast %parallel_loop3A_1285 : vector<1x16xf32> to vector<16xf32>
        %parallel_loop3A_1287 = vector.shape_cast %parallel_loop3A_1282 : vector<16xf32> to vector<1x16xf32>
        tpu.vector_store %arg7[%parallel_loop3A_1283, %parallel_loop3A_1284], %parallel_loop3A_1287 {add = true, strides = array<i32>} : memref<8x2048xf32, #tpu.memory_space<vmem>>, vector<1x16xf32>,
      } {sc.loop_unroll_factor = 2 : i64, sc.parallel_access}
      %add3A_116 = arith.constant 1 : i32
      %add3A_117 = arith.addi %mul3A_76, %add3A_116 : i32
      %mul3A_118 = arith.constant 8 : i32
      %mul3A_119 = arith.muli %add3A_117, %mul3A_118 : i32
      %add3A_120 = arith.addi %mul3A_32, %mul3A_119 : i32
      %dma_start3A_121 = arith.constant 0 : i32
      %dma_start3A_122 = tpu.memref_slice %arg4[%select_n3A, %add3A_120, %dma_start3A_121] : memref<4x4096x2048xf32, #tpu.memory_space<hbm>> -> memref<1x8x2048xf32, #tpu.memory_space<hbm>>
      %dma_start3A_123 = tpu.memref_squeeze %dma_start3A_122 : memref<1x8x2048xf32, #tpu.memory_space<hbm>> -> memref<8x2048xf32, #tpu.memory_space<hbm>>
      %dma_start3A_124 = arith.constant 0 : i32
      %dma_start3A_125 = tpu.memref_slice %arg4[%select_n3A, %add3A_120, %dma_start3A_124] : memref<4x4096x2048xf32, #tpu.memory_space<hbm>> -> memref<1x8x2048xf32, #tpu.memory_space<hbm>>
      %dma_start3A_126 = tpu.memref_squeeze %dma_start3A_125 : memref<1x8x2048xf32, #tpu.memory_space<hbm>> -> memref<8x2048xf32, #tpu.memory_space<hbm>>
      tpu.enqueue_dma source(%arg7 : memref<8x2048xf32, #tpu.memory_space<vmem>>) target(%dma_start3A_126 : memref<8x2048xf32, #tpu.memory_space<hbm>>) target_semaphore(%arg14 : memref<!tpu.dma_semaphore, #tpu.memory_space<semaphore_mem>>)
      %add3A_127 = arith.constant 1 : i32
      %add3A_128 = arith.addi %scan3A_73, %add3A_127 : i32
      %lt3A_129 = arith.constant 32 : i32
      %lt3A_130 = arith.cmpi slt, %add3A_128, %lt3A_129 : i32
      %convert_element_type3A_131 = arith.extui %lt3A_130 : i1 to i32
      %cond3A_132 = arith.constant 0 : i32
      %cond3A_133 = arith.cmpi ne, %convert_element_type3A_131, %cond3A_132 : i32
      scf.if %cond3A_133 {
        %dma_wait3A_135 = arith.constant 0 : i32
        %dma_wait3A_136 = tpu.memref_slice %arg4[%select_n3A, %mul3A_32, %dma_wait3A_135] : memref<4x4096x2048xf32, #tpu.memory_space<hbm>> -> memref<1x8x2048xf32, #tpu.memory_space<hbm>>
        %dma_wait3A_137 = tpu.memref_squeeze %dma_wait3A_136 : memref<1x8x2048xf32, #tpu.memory_space<hbm>> -> memref<8x2048xf32, #tpu.memory_space<hbm>>
        %dma_wait3A_138 = arith.constant 0 : i32
        %dma_wait3A_139 = tpu.memref_slice %arg4[%select_n3A, %mul3A_32, %dma_wait3A_138] : memref<4x4096x2048xf32, #tpu.memory_space<hbm>> -> memref<1x8x2048xf32, #tpu.memory_space<hbm>>
        %dma_wait3A_140 = tpu.memref_squeeze %dma_wait3A_139 : memref<1x8x2048xf32, #tpu.memory_space<hbm>> -> memref<8x2048xf32, #tpu.memory_space<hbm>>
        tpu.wait_dma2 semaphore(%arg14 : memref<!tpu.dma_semaphore, #tpu.memory_space<semaphore_mem>>) src(%arg7 : memref<8x2048xf32, #tpu.memory_space<vmem>>) dst(%dma_wait3A_140 : memref<8x2048xf32, #tpu.memory_space<hbm>>)
        %add3A_141 = arith.constant 3 : i32
        %add3A_142 = arith.addi %mul3A_76, %add3A_141 : i32
        %mul3A_143 = arith.constant 8 : i32
        %mul3A_144 = arith.muli %add3A_142, %mul3A_143 : i32
        %add3A_145 = arith.addi %mul3A_32, %mul3A_144 : i32
        %dma_start3A_146 = arith.constant 0 : i32
        %dma_start3A_147 = tpu.memref_slice %arg2[%select_n3A, %add3A_145, %dma_start3A_146] : memref<4x4096x2048xf32, #tpu.memory_space<hbm>> -> memref<1x8x2048xf32, #tpu.memory_space<hbm>>
        %dma_start3A_148 = tpu.memref_squeeze %dma_start3A_147 : memref<1x8x2048xf32, #tpu.memory_space<hbm>> -> memref<8x2048xf32, #tpu.memory_space<hbm>>
        %dma_start3A_149 = arith.constant 0 : i32
        %dma_start3A_150 = tpu.memref_slice %arg2[%select_n3A, %add3A_145, %dma_start3A_149] : memref<4x4096x2048xf32, #tpu.memory_space<hbm>> -> memref<1x8x2048xf32, #tpu.memory_space<hbm>>
        %dma_start3A_151 = tpu.memref_squeeze %dma_start3A_150 : memref<1x8x2048xf32, #tpu.memory_space<hbm>> -> memref<8x2048xf32, #tpu.memory_space<hbm>>
        tpu.enqueue_dma source(%dma_start3A_151 : memref<8x2048xf32, #tpu.memory_space<hbm>>) target(%arg7 : memref<8x2048xf32, #tpu.memory_space<vmem>>) target_semaphore(%arg11 : memref<!tpu.dma_semaphore, #tpu.memory_space<semaphore_mem>>)
        %dma_start3A_152 = arith.constant 0 : i32
        %dma_start3A_153 = tpu.memref_slice %arg3[%add3A_145, %dma_start3A_152] : memref<8192x2048xf32, #tpu.memory_space<hbm>> -> memref<8x2048xf32, #tpu.memory_space<hbm>>
        %dma_start3A_154 = arith.constant 0 : i32
        %dma_start3A_155 = tpu.memref_slice %arg3[%add3A_145, %dma_start3A_154] : memref<8192x2048xf32, #tpu.memory_space<hbm>> -> memref<8x2048xf32, #tpu.memory_space<hbm>>
        tpu.enqueue_dma source(%dma_start3A_155 : memref<8x2048xf32, #tpu.memory_space<hbm>>) target(%arg8 : memref<8x2048xf32, #tpu.memory_space<vmem>>) target_semaphore(%arg12 : memref<!tpu.dma_semaphore, #tpu.memory_space<semaphore_mem>>)
      } else {
      }
      %scan3A_134 = arith.constant 0 : i32
      scf.yield %scan3A_134 : i32
    }
    %scan3A_61 = arith.constant 32 : i32
    %dma_wait3A = arith.constant 0 : i32
    %dma_wait3A_62 = tpu.memref_slice %arg4[%select_n3A, %mul3A_32, %dma_wait3A] : memref<4x4096x2048xf32, #tpu.memory_space<hbm>> -> memref<1x8x2048xf32, #tpu.memory_space<hbm>>
    %dma_wait3A_63 = tpu.memref_squeeze %dma_wait3A_62 : memref<1x8x2048xf32, #tpu.memory_space<hbm>> -> memref<8x2048xf32, #tpu.memory_space<hbm>>
    %dma_wait3A_64 = arith.constant 0 : i32
    %dma_wait3A_65 = tpu.memref_slice %arg4[%select_n3A, %mul3A_32, %dma_wait3A_64] : memref<4x4096x2048xf32, #tpu.memory_space<hbm>> -> memref<1x8x2048xf32, #tpu.memory_space<hbm>>
    %dma_wait3A_66 = tpu.memref_squeeze %dma_wait3A_65 : memref<1x8x2048xf32, #tpu.memory_space<hbm>> -> memref<8x2048xf32, #tpu.memory_space<hbm>>
    tpu.wait_dma2 semaphore(%arg13 : memref<!tpu.dma_semaphore, #tpu.memory_space<semaphore_mem>>) src(%arg5 : memref<8x2048xf32, #tpu.memory_space<vmem>>) dst(%dma_wait3A_66 : memref<8x2048xf32, #tpu.memory_space<hbm>>)
    %dma_wait3A_67 = arith.constant 0 : i32
    %dma_wait3A_68 = tpu.memref_slice %arg4[%select_n3A, %mul3A_32, %dma_wait3A_67] : memref<4x4096x2048xf32, #tpu.memory_space<hbm>> -> memref<1x8x2048xf32, #tpu.memory_space<hbm>>
    %dma_wait3A_69 = tpu.memref_squeeze %dma_wait3A_68 : memref<1x8x2048xf32, #tpu.memory_space<hbm>> -> memref<8x2048xf32, #tpu.memory_space<hbm>>
    %dma_wait3A_70 = arith.constant 0 : i32
    %dma_wait3A_71 = tpu.memref_slice %arg4[%select_n3A, %mul3A_32, %dma_wait3A_70] : memref<4x4096x2048xf32, #tpu.memory_space<hbm>> -> memref<1x8x2048xf32, #tpu.memory_space<hbm>>
    %dma_wait3A_72 = tpu.memref_squeeze %dma_wait3A_71 : memref<1x8x2048xf32, #tpu.memory_space<hbm>> -> memref<8x2048xf32, #tpu.memory_space<hbm>>
    tpu.wait_dma2 semaphore(%arg14 : memref<!tpu.dma_semaphore, #tpu.memory_space<semaphore_mem>>) src(%arg7 : memref<8x2048xf32, #tpu.memory_space<vmem>>) dst(%dma_wait3A_72 : memref<8x2048xf32, #tpu.memory_space<hbm>>)
    return
  }
}

</mosaic_0001>

<sc_bundles>
// kernel: kernel.3.cloned.1.call-start
scs
__scs_entry_jumppad:
0x0: {  	(pc) =	sbr.rel $0x88, $3  }
0x1: {  	(tag) =	ssettag $0x0;
	lr =	simm.s32 $0x1  }
0x2: {  	[smem:$0x3F9F] =	sst lr;
	_ =	strace $0xD0000000  }
0x3: {  	_ = 	snop  }
0x4: {  	_ = 	snop  }
0x5: {  	_ = 	snop  }
0x6: {  	_ = 	snop  }
0x7: {  	_ = 	snop  }
__scs_overlays_trampoline_lowered:
0x8: {  	[smem:$0x3FAE] =	sst s0  }
0x9: {  	[smem:$0x3FAF] =	sst s1  }
0xa: {  	[smem:$0x3FB0] =	sst s2  }
0xb: {  	[smem:$0x3FB1] =	sst s3  }
0xc: {  	[smem:$0x3FB2] =	sst s4  }
0xd: {  	[smem:$0x3FB3] =	sst s5  }
0xe: {  	[smem:$0x3FB4] =	sst s6  }
0xf: {  	[smem:$0x3FB5] =	sst s7  }
0x10: {  	[smem:$0x3FB6] =	sst s8  }
0x11: {  	[smem:$0x3FB7] =	sst s9;
	s0 =	simm.s32 @!p0 $0x0  }
0x12: {  	s1 =	sld [smem:$0x3F9D];
	s0 =	simm.s32 @p0 $0x1  }
0x13: {  	[smem:$0x3FB8] =	sst s0;
	s0 =	simm.s32 @!p1 $0x0  }
0x14: {  	s2 =	sld [smem:$0x3F9C];
	s0 =	simm.s32 @p1 $0x1  }
0x15: {  	[smem:$0x3FB9] =	sst s0;
	s0 =	simm.s32 @!p2 $0x0  }
0x16: {  	s3 =	sld [smem:$0x3FDB];
	s0 =	simm.s32 @p2 $0x1  }
0x17: {  	s4 =	simm.s32 $0x1BF5;
	[smem:$0x3FBB] =	sst s0  }
0x18: {  	s0 =	sld [smem:$0x3F9E];
	_ =	swait.ge [sflag:s4], $0x0  }
0x19: {  	s7 =	sld [smem:$0x3F9F]  }
0x1a: {  	s8 =	sadd.s32 $0xFFFFE003, lr  }
0x1b: {  	s9 =	sadd.s32 $0xFFFFFEF7, lr;
	s5 =	simm.s32 $0xFFFFFFFF;
	p2 =	slt.u32 s8, $0xFFFFF086  }
0x1c: {  	p1 =	slt.u32 s9, $0xF7A;
	s5 =	simm.s32 @!p2 $0x0  }
0x1d: {  	s5 =	simm.s32 @p1 $0x1;
	p0 =	seq.s32 s7, s2  }
0x1e: {  	s7 =	smul.u32 @!p0 $0xF7A, s2;
	p2 =	seq.s32 @!p0 s5, $0x0  }
0x1f: {  	s9 =	smul.u32 $0xF7A, s1;
	s8 =	simm.s32 @!p0 $0x1BF5;
	p2 =	por !p2, p0  }
0x20: {  	[sflag:s8] =	ssyncset.s32 @!p0 $0xFFFFF086;
	s6 =	sadd.s32 @!p0 s3, s7;
	s7 =	simm.s32 @!p0 $0x108  }
0x21: {  	s3 =	sadd.s32 s3, s9;
	s6 =	sadd.s32 @!p0 $0x88, s6;
	s7 =	simm.s32 @p2 $0x1082  }
0x22: {  	[simem:s7], [sflag:s8] =	dma.local @!p0 [hbm:s6], $0xF7A  }
0x23: {  	s9 =	sor.u32 $0xD0000000, s2;
	s6 =	simm.s32 $0x108;
	_ =	swait.ge @!p0 [sflag:s8], $0x0  }
0x24: {  	s3 =	sadd.s32 $0x88, s3;
	s6 =	simm.s32 @!p1 $0x1082;
	[sflag:s4] =	ssyncset.s32 $0xFFFFF086  }
0x25: {  	[simem:s6], [sflag:s4] =	dma.local [hbm:s3], $0xF7A  }
0x26: {  	[smem:$0x3F9F] =	sst s1;
	(tag) =	ssettag s2;
	_ =	strace s9  }
0x27: {  	s1 =	sld [smem:$0x3FAF]  }
0x28: {  	s2 =	sld [smem:$0x3FB0]  }
0x29: {  	s4 =	sld [smem:$0x3FB2]  }
0x2a: {  	p0 =	seq.s32 s5, $0x0;
	s5 =	sld [smem:$0x3FB3]  }
0x2b: {  	s6 =	sld [smem:$0x3FB4]  }
0x2c: {  	s7 =	sld [smem:$0x3FB5]  }
0x2d: {  	s3 =	simm.s32 $0x108;
	s8 =	sld [smem:$0x3FB6]  }
0x2e: {  	s3 =	simm.s32 @!p0 $0x1082;
	s9 =	sld [smem:$0x3FB7]  }
0x2f: {  	lr =	sadd.s32 s0, s3;
	s0 =	sld [smem:$0x3FAE]  }
0x30: {  	s3 =	sld [smem:$0x3FB1]  }
0x31: {  	[smem:$0x3FBA] =	sst s10  }
0x32: {  	s10 =	sld [smem:$0x3FB8];
	_ =	sdelay $0x3  }
0x33: {  	p0 =	seq.s32 s10, $0x1;
	s10 =	sld [smem:$0x3FBA];
	_ =	sdelay $0x3  }
0x34: {  	[smem:$0x3FBA] =	sst s10  }
0x35: {  	s10 =	sld [smem:$0x3FB9];
	_ =	sdelay $0x3  }
0x36: {  	p1 =	seq.s32 s10, $0x1;
	s10 =	sld [smem:$0x3FBA];
	_ =	sdelay $0x3  }
0x37: {  	[smem:$0x3FBA] =	sst s10  }
0x38: {  	s10 =	sld [smem:$0x3FBB]  }
0x39: {  	_ = 	snop;
	(pc) =	sbr.ind lr, $3  }
0x3a: {  	_ = 	snop  }
0x3b: {  	_ = 	snop  }
0x3c: {  	p2 =	seq.s32 s10, $0x1;
	s10 =	sld [smem:$0x3FBA]  }
0x3d: {  	_ =	shalt  }
0x3e: {  	_ =	shalt  }
0x3f: {  	_ =	shalt  }
0x40: {  	_ =	shalt  }
0x41: {  	_ =	shalt  }
0x42: {  	_ =	shalt  }
0x43: {  	_ =	shalt  }
0x44: {  	_ =	shalt  }
0x45: {  	_ =	shalt  }
0x46: {  	_ =	shalt  }
0x47: {  	_ =	shalt  }
0x48: {  	_ =	shalt  }
0x49: {  	_ =	shalt  }
0x4a: {  	_ =	shalt  }
0x4b: {  	_ =	shalt  }
0x4c: {  	_ =	shalt  }
0x4d: {  	_ =	shalt  }
0x4e: {  	_ =	shalt  }
0x4f: {  	_ =	shalt  }
0x50: {  	_ =	shalt  }
0x51: {  	_ =	shalt  }
0x52: {  	_ =	shalt  }
0x53: {  	_ =	shalt  }
0x54: {  	_ =	shalt  }
0x55: {  	_ =	shalt  }
0x56: {  	_ =	shalt  }
0x57: {  	_ =	shalt  }
0x58: {  	_ =	shalt  }
0x59: {  	_ =	shalt  }
0x5a: {  	_ =	shalt  }
0x5b: {  	_ =	shalt  }
0x5c: {  	_ =	shalt  }
0x5d: {  	_ =	shalt  }
0x5e: {  	_ =	shalt  }
0x5f: {  	_ =	shalt  }
0x60: {  	_ =	shalt  }
0x61: {  	_ =	shalt  }
0x62: {  	_ =	shalt  }
0x63: {  	_ =	shalt  }
0x64: {  	_ =	shalt  }
0x65: {  	_ =	shalt  }
0x66: {  	_ =	shalt  }
0x67: {  	_ =	shalt  }
0x68: {  	_ =	shalt  }
0x69: {  	_ =	shalt  }
0x6a: {  	_ =	shalt  }
0x6b: {  	_ =	shalt  }
0x6c: {  	_ =	shalt  }
0x6d: {  	_ =	shalt  }
0x6e: {  	_ =	shalt  }
0x6f: {  	_ =	shalt  }
0x70: {  	_ =	shalt  }
0x71: {  	_ =	shalt  }
0x72: {  	_ =	shalt  }
0x73: {  	_ =	shalt  }
0x74: {  	_ =	shalt  }
0x75: {  	_ =	shalt  }
0x76: {  	_ =	shalt  }
0x77: {  	_ =	shalt  }
0x78: {  	_ =	shalt  }
0x79: {  	_ =	shalt  }
0x7a: {  	_ =	shalt  }
0x7b: {  	_ =	shalt  }
0x7c: {  	_ =	shalt  }
0x7d: {  	_ =	shalt  }
0x7e: {  	_ =	shalt  }
0x7f: {  	_ =	shalt  }
0x80: {  	_ =	shalt  }
0x81: {  	_ =	shalt  }
0x82: {  	_ =	shalt  }
0x83: {  	_ =	shalt  }
0x84: {  	_ =	shalt  }
0x85: {  	_ =	shalt  }
0x86: {  	_ =	shalt  }
0x87: {  	_ =	shalt  }
.Lfunc_end0:
.L_simem_size_0:
called_computation_lowered:
.L_overlay_start_0:
0x88: {  	s2 =	sld [smem:$0x3FD9]  }
0x89: {  	s3 =	sld [smem:$0x3FFE];
	_ =	sdelay $0x1  }
0x8a: {  	s1 =	srdreg.scid  }
0x8b: {  	s0 =	sand.u32 $0x1, s1  }
0x8c: {  	s18 =	sshll.u32 s0, $0xA;
	s2 =	sadd.s32 s3, s2  }
0x8d: {  	s2 =	sadd.s32 s2, s18  }
0x8e: {  	[smem:$0x3FC6] =	sst s2  }
0x8f: {  	_ = 	snop  }
0x90: {  	s2 =	sld [smem:$0x3FC9]  }
0x91: {  	s19 =	sld [smem:$0x3FC8]  }
0x92: {  	s4 =	sld [smem:$0x3FD0];
	(tm) =	ssettm $0x1  }
0x93: {  	s5 =	sld [smem:$0x3FFB];
	_ =	sdelay $0x3  }
0x94: {  	_ =	strace s5  }
0x95: {  	s5 =	sld [smem:$0x3FFC];
	_ =	sdelay $0x3  }
0x96: {  	_ =	strace s5  }
0x97: {  	s5 =	sld [smem:$0x3FFD];
	_ =	sdelay $0x3  }
0x98: {  	_ =	strace s5  }
0x99: {  	_ =	strace $0x8FFFFFFF  }
0x9a: {  	s20 =	sld [smem:$0x3FDB];
	_ =	sdelay $0x1  }
0x9b: {  	s6 =	simm.s32 $_scs_section_size  }
0x9c: {  	s7 =	simm.s32 $_size__tile_overlayer_lowered;
	s8 =	simm.s32 $_tile_overlayer_lowered  }
0x9d: {  	s23 =	simm.s32 $0x1BFF;
	s22 =	sshll.u32 s8, $0x1;
	s5 =	sadd.s32 s6, s20  }
0x9e: {  	s9 =	simm.s32 $0x0;
	s21 =	sshll.u32 s7, $0x1;
	s7 =	sadd.s32 s22, s5  }
0x9f: {  	[timem:s9], [sflag:s23] =	dma.local [hbm:s7], s21  }
0xa0: {  	_ =	swait.ge [sflag:s23], s21  }
0xa1: {  	s6 =	ssub.s32 $0x0, s21;
	[sflag:s23] =	ssyncset.done $0x0  }
0xa2: {  	[sflag:s23] =	ssyncadd.s32 s6;
	_ =	sdelay $0x1  }
0xa3: {  	s24 =	simm.s32 $0x1B8B  }
0xa4: {  	_ =	swait.ge [sflag:s24], $0x1  }
0xa5: {  	[sflag:s24] =	ssyncset.done $0x0  }
0xa6: {  	s25 =	simm.s32 $0x1B8E;
	[sflag:s24] =	ssyncadd.s32 $0xFFFFFFFF  }
0xa7: {  	s26 =	simm.s32 $execute0_lowered;
	[smem:$0x3FD2] =	sst s25  }
0xa8: {  	s6 =	sshll.u32 s26, $0x1;
	_ =	strace $0x80000046;
	[dreg:$0x1] =	wrdreg $0xFFFFFFFF  }
0xa9: {  	s28 =	simm.s32 $_size_execute0_lowered;
	s5 =	sadd.s32 s5, s6;
	[dreg:$0x0] =	wrdreg $0x0  }
0xaa: {  	s6 =	sshll.u32 s28, $0x1;
	[dreg:$0x2] =	wrdreg s5  }
0xab: {  	[dreg:$0x3] =	wrdreg s6  }
0xac: {  	[dreg:$0x4] =	wrdreg $0xC0  }
0xad: {  	_ =	task [dreg:s9], $0x5FFFF  }
0xae: {  	[dreg:$0x1] =	wrdreg $0xFFFFFFFF  }
0xaf: {  	[dreg:$0x0] =	wrdreg $0x60  }
0xb0: {  	[dreg:$0x2] =	wrdreg s2  }
0xb1: {  	[dreg:$0x3] =	wrdreg s19  }
0xb2: {  	[dreg:$0x4] =	wrdreg s4  }
0xb3: {  	[dreg:$0x5] =	wrdreg $0x9  }
0xb4: {  	_ =	task.clear_ibuf [dreg:s9], $0x6FFFF;
	_ =	strace $0x90000046  }
0xb5: {  	s29 =	simm.s32 $0x9;
	_ =	strace $0x80000048  }
0xb6: {  	_ =	swait.ge [sflag:s29], $0x1  }
0xb7: {  	[sflag:s29] =	ssyncadd.s32 $0xFFFFFFFF  }
0xb8: {  	_ =	strace $0x90000048  }
0xb9: {  	_ =	sfence  }
0xba: {  	s30 =	sld [smem:$0x0];
	_ =	sdelay $0x2  }
0xbb: {  	s31 =	sshll.u32 s1, $0xD;
	s1 =	sshrl.u32 s1, $0x2  }
0xbc: {  	s3 =	sand.u32 $0x4000, s31;
	s1 =	sadd.s32 s1, s30  }
0xbd: {  	s0 =	sor.u32 s3, s0;
	s1 =	sshll.u32 s1, $0x11  }
0xbe: {  	s0 =	sor.u32 s1, s0  }
0xbf: {  	s0 =	sadd.s32 $0x8F2B, s0  }
0xc0: {  	[sflag:s0] =	ssyncadd.remote.s32 $0x1  }
0xc1: {  	_ =	sfence.sel $0xFFFF  }
0xc2: {  	[dreg:$0x0] =	wrdreg $0xFFFFFFFF;
	(pc) =	sbr.abs _section_cstart, $3  }
0xc3: {  	[dreg:$0x1] =	wrdreg $0xFFFFFFFF  }
0xc4: {  	_ =	task.clear_ibuf [dreg:s9], $0x2FFFF;
	_ =	strace $0x9FFFFFFF  }
0xc5: {  	(tm) =	ssettm $0x7FFFFFFF  }
tec
execute0_lowered:
.L_overlay_start_1:
0x0: {  	(tag) =	ssettag $0x1  }
0x1: {  	s2 =	rddreg [dreg:$0x0]  }
0x2: {  	s3 =	rddreg [dreg:$0x1]  }
0x3: {  	s4 =	rddreg [dreg:$0x2];
	s1 =	stileid.u32  }
0x4: {  	s5 =	simm.s32 $0x0;
	s6 =	srdreg.scid;
	s16 =	simm.s32 $0x4000  }
0x5: {  	s17 =	simm.s32 $0x8000;
	s18 =	simm.s32 $0xC000;
	s19 =	simm.s32 $0x1  }
0x6: {  	s20 =	simm.s32 $0x2;
	s21 =	simm.s32 $0x3;
	s22 =	simm.s32 $0x4  }
0x7: {  	s23 =	simm.s32 $0x5;
	s24 =	simm.s32 $0x6;
	s25 =	simm.s32 $0x0  }
0x8: {  	s7 =	sshll.u32 s1, $0x1;
	[smem:$0x7FF] =	sst s5;
	s6 =	sand.u32 $0x1, s6  }
0x9: {  	s29 =	sshll.u32 s1, $0x15;
	s7 =	sand.u32 $0x6, s7;
	s8 =	ssub.s32 $0x2, s6  }
0xa: {  	_ =	strace $0x80000047;
	s10 =	sor.u32 s6, s7;
	s30 =	sshrl.u32 s8, $0x1  }
0xb: {  	s6 =	sand.u32 $0x1800000, s29;
	s9 =	sshll.u32 s10, $0x14;
	s15 =	ssub.s32 s8, s30  }
0xc: {  	s8 =	sshll.u32 s10, $0x9;
	s10 =	sshll.u32 s10, $0x11;
	s7 =	sor.u32 s6, s9  }
0xd: {  	s12 =	sor.u32 $0x4000, s9;
	s10 =	sadd.s32 s3, s10;
	s13 =	sor.u32 $0x10, s8  }
0xe: {  	s14 =	sor.u32 $0x18, s8;
	s11 =	sshrl.u32 s7, $0x3;
	s31 =	sor.u32 s6, s12  }
0xf: {  	s12 =	sshrl.u32 s12, $0x3;
	s9 =	sadd.s32 s2, s11;
	s11 =	sshrl.u32 s31, $0x3  }
0x10: {  	s15 =	smax.u32 s15, $0x1;
	s12 =	sadd.s32 s3, s12;
	s11 =	sadd.s32 s2, s11  }
.LBB2_1:
0x11: {  	[tilespmem:s5], [sflag:$0x1] =	stream.linear.gather [hbm4b:s9+s5], $0x4000, $0x38;
	[tilespmem:$0x10000] =	vst v63  }
0x12: {  	_ = 	snop  }
0x13: {  	[tilespmem:s16], [sflag:$0x2] =	stream.linear.gather [hbm4b:s10+s5], $0x4000, $0x38;
	[tilespmem:$0x10000] =	vst v63  }
0x14: {  	_ = 	snop  }
0x15: {  	[tilespmem:s17], [sflag:$0x3] =	stream.linear.gather [hbm4b:s11+s5], $0x4000, $0x38;
	[tilespmem:$0x10000] =	vst v63  }
0x16: {  	s26 =	simm.s32 $0x0  }
0x17: {  	[tilespmem:s18], [sflag:$0x4] =	stream.linear.gather [hbm4b:s12+s5], $0x4000, $0x38;
	[tilespmem:$0x10000] =	vst v63  }
.LBB2_2:
0x18: {  	_ =	swait.ge [sflag:s19], $0x4000  }
0x19: {  	[sflag:s19] =	ssyncset.done $0x0  }
0x1a: {  	[sflag:s19] =	ssyncadd.s32 $0xFFFFC000  }
0x1b: {  	_ =	swait.ge [sflag:s20], $0x4000  }
0x1c: {  	[sflag:s20] =	ssyncset.done $0x0  }
0x1d: {  	s28 =	simm.s32 $0x0;
	[sflag:s20] =	ssyncadd.s32 $0xFFFFC000  }
0x1e: {  	v0 =	vld [tilespmem:s28+$0x4000]  }
0x1f: {  	v1 =	vld [tilespmem:s28+$0x4010];
	_ =	sdelay $0x3  }
0x20: {  	s29 =	sor.u32 $0x10, s28;
	[tilespmem:s28+$0x0] =	vst.add.f32.msk $0xffff, v0  }
0x21: {  	[tilespmem:s29+$0x0] =	vst.add.f32.msk $0xffff, v1  }
0x22: {  	v0 =	vld [tilespmem:s28+$0x4020];
	_ =	sdelay $0x3  }
0x23: {  	s29 =	sor.u32 $0x20, s28  }
0x24: {  	[tilespmem:s29+$0x0] =	vst.add.f32.msk $0xffff, v0  }
0x25: {  	v0 =	vld [tilespmem:s28+$0x4030];
	_ =	sdelay $0x3  }
0x26: {  	s29 =	sor.u32 $0x30, s28  }
0x27: {  	[tilespmem:s29+$0x0] =	vst.add.f32.msk $0xffff, v0  }
0x28: {  	v0 =	vld [tilespmem:s28+$0x4040];
	_ =	sdelay $0x3  }
0x29: {  	s29 =	sor.u32 $0x40, s28  }
0x2a: {  	[tilespmem:s29+$0x0] =	vst.add.f32.msk $0xffff, v0  }
0x2b: {  	v0 =	vld [tilespmem:s28+$0x4050];
	_ =	sdelay $0x1  }
0x2c: {  	v1 =	vld [tilespmem:s28+$0x4080];
	_ =	sdelay $0x1  }
0x2d: {  	s29 =	sor.u32 $0x50, s28  }
0x2e: {  	[tilespmem:s29+$0x0] =	vst.add.f32.msk $0xffff, v0  }
0x2f: {  	s29 =	sor.u32 $0x80, s28;
	v0 =	vld [tilespmem:s28+$0x4060]  }
0x30: {  	[tilespmem:s29+$0x0] =	vst.add.f32.msk $0xffff, v1  }
0x31: {  	v1 =	vld [tilespmem:s28+$0x4090];
	_ =	sdelay $0x1  }
0x32: {  	s29 =	sor.u32 $0x60, s28  }
0x33: {  	[tilespmem:s29+$0x0] =	vst.add.f32.msk $0xffff, v0  }
0x34: {  	s29 =	sor.u32 $0x90, s28;
	v0 =	vld [tilespmem:s28+$0x4070]  }
0x35: {  	[tilespmem:s29+$0x0] =	vst.add.f32.msk $0xffff, v1  }
0x36: {  	v1 =	vld [tilespmem:s28+$0x40A0];
	_ =	sdelay $0x1  }
0x37: {  	s29 =	sor.u32 $0x70, s28  }
0x38: {  	[tilespmem:s29+$0x0] =	vst.add.f32.msk $0xffff, v0  }
0x39: {  	s29 =	sor.u32 $0xA0, s28;
	v0 =	vld [tilespmem:s28+$0x4400]  }
0x3a: {  	[tilespmem:s29+$0x0] =	vst.add.f32.msk $0xffff, v1  }
0x3b: {  	v1 =	vld [tilespmem:s28+$0x40B0];
	_ =	sdelay $0x1  }
0x3c: {  	s29 =	sor.u32 $0x400, s28  }
0x3d: {  	[tilespmem:s29+$0x0] =	vst.add.f32.msk $0xffff, v0  }
0x3e: {  	s29 =	sor.u32 $0xB0, s28;
	v0 =	vld [tilespmem:s28+$0x4410]  }
0x3f: {  	[tilespmem:s29+$0x0] =	vst.add.f32.msk $0xffff, v1  }
0x40: {  	v1 =	vld [tilespmem:s28+$0x40C0];
	_ =	sdelay $0x1  }
0x41: {  	s29 =	sor.u32 $0x410, s28  }
0x42: {  	[tilespmem:s29+$0x0] =	vst.add.f32.msk $0xffff, v0  }
0x43: {  	s29 =	sor.u32 $0xC0, s28;
	v0 =	vld [tilespmem:s28+$0x4420]  }
0x44: {  	[tilespmem:s29+$0x0] =	vst.add.f32.msk $0xffff, v1  }
0x45: {  	v1 =	vld [tilespmem:s28+$0x40D0];
	_ =	sdelay $0x1  }
0x46: {  	s29 =	sor.u32 $0x420, s28  }
0x47: {  	[tilespmem:s29+$0x0] =	vst.add.f32.msk $0xffff, v0  }
0x48: {  	s29 =	sor.u32 $0xD0, s28;
	v0 =	vld [tilespmem:s28+$0x4430]  }
0x49: {  	[tilespmem:s29+$0x0] =	vst.add.f32.msk $0xffff, v1  }
0x4a: {  	v1 =	vld [tilespmem:s28+$0x40E0];
	_ =	sdelay $0x1  }
0x4b: {  	s29 =	sor.u32 $0x430, s28  }
0x4c: {  	[tilespmem:s29+$0x0] =	vst.add.f32.msk $0xffff, v0  }
0x4d: {  	s29 =	sor.u32 $0xE0, s28;
	v0 =	vld [tilespmem:s28+$0x4440]  }
0x4e: {  	[tilespmem:s29+$0x0] =	vst.add.f32.msk $0xffff, v1  }
0x4f: {  	v1 =	vld [tilespmem:s28+$0x40F0];
	_ =	sdelay $0x1  }
0x50: {  	s29 =	sor.u32 $0x440, s28  }
0x51: {  	[tilespmem:s29+$0x0] =	vst.add.f32.msk $0xffff, v0  }
0x52: {  	s29 =	sor.u32 $0xF0, s28;
	v0 =	vld [tilespmem:s28+$0x4450]  }
0x53: {  	[tilespmem:s29+$0x0] =	vst.add.f32.msk $0xffff, v1  }
0x54: {  	v1 =	vld [tilespmem:s28+$0x4480];
	_ =	sdelay $0x1  }
0x55: {  	s29 =	sor.u32 $0x450, s28  }
0x56: {  	[tilespmem:s29+$0x0] =	vst.add.f32.msk $0xffff, v0  }
0x57: {  	s29 =	sor.u32 $0x480, s28;
	v0 =	vld [tilespmem:s28+$0x4460]  }
0x58: {  	[tilespmem:s29+$0x0] =	vst.add.f32.msk $0xffff, v1  }
0x59: {  	v1 =	vld [tilespmem:s28+$0x4490];
	_ =	sdelay $0x1  }
0x5a: {  	s29 =	sor.u32 $0x460, s28  }
0x5b: {  	[tilespmem:s29+$0x0] =	vst.add.f32.msk $0xffff, v0  }
0x5c: {  	s29 =	sor.u32 $0x490, s28;
	v0 =	vld [tilespmem:s28+$0x4470]  }
0x5d: {  	[tilespmem:s29+$0x0] =	vst.add.f32.msk $0xffff, v1  }
0x5e: {  	v1 =	vld [tilespmem:s28+$0x44A0];
	_ =	sdelay $0x1  }
0x5f: {  	s29 =	sor.u32 $0x470, s28  }
0x60: {  	[tilespmem:s29+$0x0] =	vst.add.f32.msk $0xffff, v0  }
0x61: {  	s29 =	sor.u32 $0x4A0, s28;
	v0 =	vld [tilespmem:s28+$0x4800]  }
0x62: {  	[tilespmem:s29+$0x0] =	vst.add.f32.msk $0xffff, v1  }
0x63: {  	v1 =	vld [tilespmem:s28+$0x44B0];
	_ =	sdelay $0x1  }
0x64: {  	s29 =	sor.u32 $0x800, s28  }
0x65: {  	[tilespmem:s29+$0x0] =	vst.add.f32.msk $0xffff, v0  }
0x66: {  	s29 =	sor.u32 $0x4B0, s28;
	v0 =	vld [tilespmem:s28+$0x4810]  }
0x67: {  	[tilespmem:s29+$0x0] =	vst.add.f32.msk $0xffff, v1  }
0x68: {  	v1 =	vld [tilespmem:s28+$0x44C0];
	_ =	sdelay $0x1  }
0x69: {  	s29 =	sor.u32 $0x810, s28  }
0x6a: {  	[tilespmem:s29+$0x0] =	vst.add.f32.msk $0xffff, v0  }
0x6b: {  	s29 =	sor.u32 $0x4C0, s28;
	v0 =	vld [tilespmem:s28+$0x4820]  }
0x6c: {  	[tilespmem:s29+$0x0] =	vst.add.f32.msk $0xffff, v1  }
0x6d: {  	v1 =	vld [tilespmem:s28+$0x44D0];
	_ =	sdelay $0x1  }
0x6e: {  	s29 =	sor.u32 $0x820, s28  }
0x6f: {  	[tilespmem:s29+$0x0] =	vst.add.f32.msk $0xffff, v0  }
0x70: {  	s29 =	sor.u32 $0x4D0, s28;
	v0 =	vld [tilespmem:s28+$0x4830]  }
0x71: {  	[tilespmem:s29+$0x0] =	vst.add.f32.msk $0xffff, v1  }
0x72: {  	v1 =	vld [tilespmem:s28+$0x44E0];
	_ =	sdelay $0x1  }
0x73: {  	s29 =	sor.u32 $0x830, s28  }
0x74: {  	[tilespmem:s29+$0x0] =	vst.add.f32.msk $0xffff, v0  }
0x75: {  	s29 =	sor.u32 $0x4E0, s28;
	v0 =	vld [tilespmem:s28+$0x4840]  }
0x76: {  	[tilespmem:s29+$0x0] =	vst.add.f32.msk $0xffff, v1  }
0x77: {  	v1 =	vld [tilespmem:s28+$0x44F0];
	_ =	sdelay $0x1  }
0x78: {  	s29 =	sor.u32 $0x840, s28  }
0x79: {  	[tilespmem:s29+$0x0] =	vst.add.f32.msk $0xffff, v0  }
0x7a: {  	s29 =	sor.u32 $0x4F0, s28;
	v0 =	vld [tilespmem:s28+$0x4850]  }
0x7b: {  	[tilespmem:s29+$0x0] =	vst.add.f32.msk $0xffff, v1  }
0x7c: {  	v1 =	vld [tilespmem:s28+$0x4880];
	_ =	sdelay $0x1  }
0x7d: {  	s29 =	sor.u32 $0x850, s28  }
0x7e: {  	[tilespmem:s29+$0x0] =	vst.add.f32.msk $0xffff, v0  }
0x7f: {  	s29 =	sor.u32 $0x880, s28;
	v0 =	vld [tilespmem:s28+$0x4860]  }
0x80: {  	[tilespmem:s29+$0x0] =	vst.add.f32.msk $0xffff, v1  }
0x81: {  	v1 =	vld [tilespmem:s28+$0x4890];
	_ =	sdelay $0x1  }
0x82: {  	s29 =	sor.u32 $0x860, s28  }
0x83: {  	[tilespmem:s29+$0x0] =	vst.add.f32.msk $0xffff, v0  }
0x84: {  	s29 =	sor.u32 $0x890, s28;
	v0 =	vld [tilespmem:s28+$0x4870]  }
0x85: {  	[tilespmem:s29+$0x0] =	vst.add.f32.msk $0xffff, v1  }
0x86: {  	v1 =	vld [tilespmem:s28+$0x48A0];
	_ =	sdelay $0x1  }
0x87: {  	s29 =	sor.u32 $0x870, s28  }
0x88: {  	[tilespmem:s29+$0x0] =	vst.add.f32.msk $0xffff, v0  }
0x89: {  	s29 =	sor.u32 $0x8A0, s28;
	v0 =	vld [tilespmem:s28+$0x4C00]  }
0x8a: {  	[tilespmem:s29+$0x0] =	vst.add.f32.msk $0xffff, v1  }
0x8b: {  	v1 =	vld [tilespmem:s28+$0x48B0];
	_ =	sdelay $0x1  }
0x8c: {  	s29 =	sor.u32 $0xC00, s28  }
0x8d: {  	[tilespmem:s29+$0x0] =	vst.add.f32.msk $0xffff, v0  }
0x8e: {  	s29 =	sor.u32 $0x8B0, s28;
	v0 =	vld [tilespmem:s28+$0x4C10]  }
0x8f: {  	[tilespmem:s29+$0x0] =	vst.add.f32.msk $0xffff, v1  }
0x90: {  	v1 =	vld [tilespmem:s28+$0x48C0];
	_ =	sdelay $0x1  }
0x91: {  	s29 =	sor.u32 $0xC10, s28  }
0x92: {  	[tilespmem:s29+$0x0] =	vst.add.f32.msk $0xffff, v0  }
0x93: {  	s29 =	sor.u32 $0x8C0, s28;
	v0 =	vld [tilespmem:s28+$0x4C20]  }
0x94: {  	[tilespmem:s29+$0x0] =	vst.add.f32.msk $0xffff, v1  }
0x95: {  	v1 =	vld [tilespmem:s28+$0x48D0];
	_ =	sdelay $0x1  }
0x96: {  	s29 =	sor.u32 $0xC20, s28  }
0x97: {  	[tilespmem:s29+$0x0] =	vst.add.f32.msk $0xffff, v0  }
0x98: {  	s29 =	sor.u32 $0x8D0, s28;
	v0 =	vld [tilespmem:s28+$0x4C30]  }
0x99: {  	[tilespmem:s29+$0x0] =	vst.add.f32.msk $0xffff, v1  }
0x9a: {  	v1 =	vld [tilespmem:s28+$0x48E0];
	_ =	sdelay $0x1  }
0x9b: {  	s29 =	sor.u32 $0xC30, s28  }
0x9c: {  	[tilespmem:s29+$0x0] =	vst.add.f32.msk $0xffff, v0  }
0x9d: {  	s29 =	sor.u32 $0x8E0, s28;
	v0 =	vld [tilespmem:s28+$0x4C40]  }
0x9e: {  	[tilespmem:s29+$0x0] =	vst.add.f32.msk $0xffff, v1  }
0x9f: {  	v1 =	vld [tilespmem:s28+$0x48F0];
	_ =	sdelay $0x1  }
0xa0: {  	s29 =	sor.u32 $0xC40, s28  }
0xa1: {  	[tilespmem:s29+$0x0] =	vst.add.f32.msk $0xffff, v0  }
0xa2: {  	s29 =	sor.u32 $0x8F0, s28;
	v0 =	vld [tilespmem:s28+$0x4C50]  }
0xa3: {  	[tilespmem:s29+$0x0] =	vst.add.f32.msk $0xffff, v1  }
0xa4: {  	v1 =	vld [tilespmem:s28+$0x4C80];
	_ =	sdelay $0x1  }
0xa5: {  	s29 =	sor.u32 $0xC50, s28  }
0xa6: {  	[tilespmem:s29+$0x0] =	vst.add.f32.msk $0xffff, v0  }
0xa7: {  	s29 =	sor.u32 $0xC80, s28;
	v0 =	vld [tilespmem:s28+$0x4C60]  }
0xa8: {  	[tilespmem:s29+$0x0] =	vst.add.f32.msk $0xffff, v1  }
0xa9: {  	v1 =	vld [tilespmem:s28+$0x4C90];
	_ =	sdelay $0x1  }
0xaa: {  	s29 =	sor.u32 $0xC60, s28  }
0xab: {  	[tilespmem:s29+$0x0] =	vst.add.f32.msk $0xffff, v0  }
0xac: {  	s29 =	sor.u32 $0xC90, s28;
	v0 =	vld [tilespmem:s28+$0x4C70]  }
0xad: {  	[tilespmem:s29+$0x0] =	vst.add.f32.msk $0xffff, v1  }
0xae: {  	v1 =	vld [tilespmem:s28+$0x4CA0];
	_ =	sdelay $0x1  }
0xaf: {  	s29 =	sor.u32 $0xC70, s28  }
0xb0: {  	[tilespmem:s29+$0x0] =	vst.add.f32.msk $0xffff, v0  }
0xb1: {  	s29 =	sor.u32 $0xCA0, s28;
	v0 =	vld [tilespmem:s28+$0x5000]  }
0xb2: {  	[tilespmem:s29+$0x0] =	vst.add.f32.msk $0xffff, v1  }
0xb3: {  	v1 =	vld [tilespmem:s28+$0x4CB0];
	_ =	sdelay $0x1  }
0xb4: {  	s29 =	sor.u32 $0x1000, s28  }
0xb5: {  	[tilespmem:s29+$0x0] =	vst.add.f32.msk $0xffff, v0  }
0xb6: {  	s29 =	sor.u32 $0xCB0, s28;
	v0 =	vld [tilespmem:s28+$0x5010]  }
0xb7: {  	[tilespmem:s29+$0x0] =	vst.add.f32.msk $0xffff, v1  }
0xb8: {  	v1 =	vld [tilespmem:s28+$0x4CC0];
	_ =	sdelay $0x1  }
0xb9: {  	s29 =	sor.u32 $0x1010, s28  }
0xba: {  	[tilespmem:s29+$0x0] =	vst.add.f32.msk $0xffff, v0  }
0xbb: {  	s29 =	sor.u32 $0xCC0, s28;
	v0 =	vld [tilespmem:s28+$0x5020]  }
0xbc: {  	[tilespmem:s29+$0x0] =	vst.add.f32.msk $0xffff, v1  }
0xbd: {  	v1 =	vld [tilespmem:s28+$0x4CD0];
	_ =	sdelay $0x1  }
0xbe: {  	s29 =	sor.u32 $0x1020, s28  }
0xbf: {  	[tilespmem:s29+$0x0] =	vst.add.f32.msk $0xffff, v0  }
0xc0: {  	s29 =	sor.u32 $0xCD0, s28;
	v0 =	vld [tilespmem:s28+$0x5030]  }
0xc1: {  	[tilespmem:s29+$0x0] =	vst.add.f32.msk $0xffff, v1  }
0xc2: {  	v1 =	vld [tilespmem:s28+$0x4CE0];
	_ =	sdelay $0x1  }
0xc3: {  	s29 =	sor.u32 $0x1030, s28  }
0xc4: {  	[tilespmem:s29+$0x0] =	vst.add.f32.msk $0xffff, v0  }
0xc5: {  	s29 =	sor.u32 $0xCE0, s28;
	v0 =	vld [tilespmem:s28+$0x5040]  }
0xc6: {  	[tilespmem:s29+$0x0] =	vst.add.f32.msk $0xffff, v1  }
0xc7: {  	v1 =	vld [tilespmem:s28+$0x4CF0];
	_ =	sdelay $0x1  }
0xc8: {  	s29 =	sor.u32 $0x1040, s28  }
0xc9: {  	[tilespmem:s29+$0x0] =	vst.add.f32.msk $0xffff, v0  }
0xca: {  	s29 =	sor.u32 $0xCF0, s28;
	v0 =	vld [tilespmem:s28+$0x5050]  }
0xcb: {  	[tilespmem:s29+$0x0] =	vst.add.f32.msk $0xffff, v1  }
0xcc: {  	v1 =	vld [tilespmem:s28+$0x5080];
	_ =	sdelay $0x1  }
0xcd: {  	s29 =	sor.u32 $0x1050, s28  }
0xce: {  	[tilespmem:s29+$0x0] =	vst.add.f32.msk $0xffff, v0  }
0xcf: {  	s29 =	sor.u32 $0x1080, s28;
	v0 =	vld [tilespmem:s28+$0x5060]  }
0xd0: {  	[tilespmem:s29+$0x0] =	vst.add.f32.msk $0xffff, v1  }
0xd1: {  	v1 =	vld [tilespmem:s28+$0x5090];
	_ =	sdelay $0x1  }
0xd2: {  	s29 =	sor.u32 $0x1060, s28  }
0xd3: {  	[tilespmem:s29+$0x0] =	vst.add.f32.msk $0xffff, v0  }
0xd4: {  	s29 =	sor.u32 $0x1090, s28;
	v0 =	vld [tilespmem:s28+$0x5070]  }
0xd5: {  	[tilespmem:s29+$0x0] =	vst.add.f32.msk $0xffff, v1  }
0xd6: {  	v1 =	vld [tilespmem:s28+$0x50A0];
	_ =	sdelay $0x1  }
0xd7: {  	s29 =	sor.u32 $0x1070, s28  }
0xd8: {  	[tilespmem:s29+$0x0] =	vst.add.f32.msk $0xffff, v0  }
0xd9: {  	s29 =	sor.u32 $0x10A0, s28;
	v0 =	vld [tilespmem:s28+$0x5400]  }
0xda: {  	[tilespmem:s29+$0x0] =	vst.add.f32.msk $0xffff, v1  }
0xdb: {  	v1 =	vld [tilespmem:s28+$0x50B0];
	_ =	sdelay $0x1  }
0xdc: {  	s29 =	sor.u32 $0x1400, s28  }
0xdd: {  	[tilespmem:s29+$0x0] =	vst.add.f32.msk $0xffff, v0  }
0xde: {  	s29 =	sor.u32 $0x10B0, s28;
	v0 =	vld [tilespmem:s28+$0x5410]  }
0xdf: {  	[tilespmem:s29+$0x0] =	vst.add.f32.msk $0xffff, v1  }
0xe0: {  	v1 =	vld [tilespmem:s28+$0x50C0];
	_ =	sdelay $0x1  }
0xe1: {  	s29 =	sor.u32 $0x1410, s28  }
0xe2: {  	[tilespmem:s29+$0x0] =	vst.add.f32.msk $0xffff, v0  }
0xe3: {  	s29 =	sor.u32 $0x10C0, s28;
	v0 =	vld [tilespmem:s28+$0x5420]  }
0xe4: {  	[tilespmem:s29+$0x0] =	vst.add.f32.msk $0xffff, v1  }
0xe5: {  	v1 =	vld [tilespmem:s28+$0x50D0];
	_ =	sdelay $0x1  }
0xe6: {  	s29 =	sor.u32 $0x1420, s28  }
0xe7: {  	[tilespmem:s29+$0x0] =	vst.add.f32.msk $0xffff, v0  }
0xe8: {  	s29 =	sor.u32 $0x10D0, s28;
	v0 =	vld [tilespmem:s28+$0x5430]  }
0xe9: {  	[tilespmem:s29+$0x0] =	vst.add.f32.msk $0xffff, v1  }
0xea: {  	v1 =	vld [tilespmem:s28+$0x50E0];
	_ =	sdelay $0x1  }
0xeb: {  	s29 =	sor.u32 $0x1430, s28  }
0xec: {  	[tilespmem:s29+$0x0] =	vst.add.f32.msk $0xffff, v0  }
0xed: {  	s29 =	sor.u32 $0x10E0, s28;
	v0 =	vld [tilespmem:s28+$0x5440]  }
0xee: {  	[tilespmem:s29+$0x0] =	vst.add.f32.msk $0xffff, v1  }
0xef: {  	v1 =	vld [tilespmem:s28+$0x50F0];
	_ =	sdelay $0x1  }
0xf0: {  	s29 =	sor.u32 $0x1440, s28  }
0xf1: {  	[tilespmem:s29+$0x0] =	vst.add.f32.msk $0xffff, v0  }
0xf2: {  	s29 =	sor.u32 $0x10F0, s28;
	v0 =	vld [tilespmem:s28+$0x5450]  }
0xf3: {  	[tilespmem:s29+$0x0] =	vst.add.f32.msk $0xffff, v1  }
0xf4: {  	v1 =	vld [tilespmem:s28+$0x5480];
	_ =	sdelay $0x1  }
0xf5: {  	s29 =	sor.u32 $0x1450, s28  }
0xf6: {  	[tilespmem:s29+$0x0] =	vst.add.f32.msk $0xffff, v0  }
0xf7: {  	s29 =	sor.u32 $0x1480, s28;
	v0 =	vld [tilespmem:s28+$0x5460]  }
0xf8: {  	[tilespmem:s29+$0x0] =	vst.add.f32.msk $0xffff, v1  }
0xf9: {  	v1 =	vld [tilespmem:s28+$0x5490];
	_ =	sdelay $0x1  }
0xfa: {  	s29 =	sor.u32 $0x1460, s28  }
0xfb: {  	[tilespmem:s29+$0x0] =	vst.add.f32.msk $0xffff, v0  }
0xfc: {  	s29 =	sor.u32 $0x1490, s28;
	v0 =	vld [tilespmem:s28+$0x5470]  }
0xfd: {  	[tilespmem:s29+$0x0] =	vst.add.f32.msk $0xffff, v1  }
0xfe: {  	v1 =	vld [tilespmem:s28+$0x54A0];
	_ =	sdelay $0x1  }
0xff: {  	s29 =	sor.u32 $0x1470, s28  }
0x100: {  	[tilespmem:s29+$0x0] =	vst.add.f32.msk $0xffff, v0  }
0x101: {  	s29 =	sor.u32 $0x14A0, s28;
	v0 =	vld [tilespmem:s28+$0x5800]  }
0x102: {  	[tilespmem:s29+$0x0] =	vst.add.f32.msk $0xffff, v1  }
0x103: {  	v1 =	vld [tilespmem:s28+$0x54B0];
	_ =	sdelay $0x1  }
0x104: {  	s29 =	sor.u32 $0x1800, s28  }
0x105: {  	[tilespmem:s29+$0x0] =	vst.add.f32.msk $0xffff, v0  }
0x106: {  	s29 =	sor.u32 $0x14B0, s28;
	v0 =	vld [tilespmem:s28+$0x5810]  }
0x107: {  	[tilespmem:s29+$0x0] =	vst.add.f32.msk $0xffff, v1  }
0x108: {  	v1 =	vld [tilespmem:s28+$0x54C0];
	_ =	sdelay $0x1  }
0x109: {  	s29 =	sor.u32 $0x1810, s28  }
0x10a: {  	[tilespmem:s29+$0x0] =	vst.add.f32.msk $0xffff, v0  }
0x10b: {  	s29 =	sor.u32 $0x14C0, s28;
	v0 =	vld [tilespmem:s28+$0x5820]  }
0x10c: {  	[tilespmem:s29+$0x0] =	vst.add.f32.msk $0xffff, v1  }
0x10d: {  	v1 =	vld [tilespmem:s28+$0x54D0];
	_ =	sdelay $0x1  }
0x10e: {  	s29 =	sor.u32 $0x1820, s28  }
0x10f: {  	[tilespmem:s29+$0x0] =	vst.add.f32.msk $0xffff, v0  }
0x110: {  	s29 =	sor.u32 $0x14D0, s28;
	v0 =	vld [tilespmem:s28+$0x5830]  }
0x111: {  	[tilespmem:s29+$0x0] =	vst.add.f32.msk $0xffff, v1  }
0x112: {  	v1 =	vld [tilespmem:s28+$0x54E0];
	_ =	sdelay $0x1  }
0x113: {  	s29 =	sor.u32 $0x1830, s28  }
0x114: {  	[tilespmem:s29+$0x0] =	vst.add.f32.msk $0xffff, v0  }
0x115: {  	s29 =	sor.u32 $0x14E0, s28;
	v0 =	vld [tilespmem:s28+$0x5840]  }
0x116: {  	[tilespmem:s29+$0x0] =	vst.add.f32.msk $0xffff, v1  }
0x117: {  	v1 =	vld [tilespmem:s28+$0x54F0];
	_ =	sdelay $0x1  }
0x118: {  	s29 =	sor.u32 $0x1840, s28  }
0x119: {  	[tilespmem:s29+$0x0] =	vst.add.f32.msk $0xffff, v0  }
0x11a: {  	s29 =	sor.u32 $0x14F0, s28;
	v0 =	vld [tilespmem:s28+$0x5850]  }
0x11b: {  	[tilespmem:s29+$0x0] =	vst.add.f32.msk $0xffff, v1  }
0x11c: {  	v1 =	vld [tilespmem:s28+$0x5880];
	_ =	sdelay $0x1  }
0x11d: {  	s29 =	sor.u32 $0x1850, s28  }
0x11e: {  	[tilespmem:s29+$0x0] =	vst.add.f32.msk $0xffff, v0  }
0x11f: {  	s29 =	sor.u32 $0x1880, s28;
	v0 =	vld [tilespmem:s28+$0x5860]  }
0x120: {  	[tilespmem:s29+$0x0] =	vst.add.f32.msk $0xffff, v1  }
0x121: {  	v1 =	vld [tilespmem:s28+$0x5890];
	_ =	sdelay $0x1  }
0x122: {  	s29 =	sor.u32 $0x1860, s28  }
0x123: {  	[tilespmem:s29+$0x0] =	vst.add.f32.msk $0xffff, v0  }
0x124: {  	s29 =	sor.u32 $0x1890, s28;
	v0 =	vld [tilespmem:s28+$0x5870]  }
0x125: {  	[tilespmem:s29+$0x0] =	vst.add.f32.msk $0xffff, v1  }
0x126: {  	v1 =	vld [tilespmem:s28+$0x58A0];
	_ =	sdelay $0x1  }
0x127: {  	s29 =	sor.u32 $0x1870, s28  }
0x128: {  	[tilespmem:s29+$0x0] =	vst.add.f32.msk $0xffff, v0  }
0x129: {  	s29 =	sor.u32 $0x18A0, s28;
	v0 =	vld [tilespmem:s28+$0x5C00]  }
0x12a: {  	[tilespmem:s29+$0x0] =	vst.add.f32.msk $0xffff, v1  }
0x12b: {  	v1 =	vld [tilespmem:s28+$0x58B0];
	_ =	sdelay $0x1  }
0x12c: {  	s29 =	sor.u32 $0x1C00, s28  }
0x12d: {  	[tilespmem:s29+$0x0] =	vst.add.f32.msk $0xffff, v0  }
0x12e: {  	s29 =	sor.u32 $0x18B0, s28;
	v0 =	vld [tilespmem:s28+$0x5C10]  }
0x12f: {  	[tilespmem:s29+$0x0] =	vst.add.f32.msk $0xffff, v1  }
0x130: {  	v1 =	vld [tilespmem:s28+$0x58C0];
	_ =	sdelay $0x1  }
0x131: {  	s29 =	sor.u32 $0x1C10, s28  }
0x132: {  	[tilespmem:s29+$0x0] =	vst.add.f32.msk $0xffff, v0  }
0x133: {  	s29 =	sor.u32 $0x18C0, s28;
	v0 =	vld [tilespmem:s28+$0x5C20]  }
0x134: {  	[tilespmem:s29+$0x0] =	vst.add.f32.msk $0xffff, v1  }
0x135: {  	v1 =	vld [tilespmem:s28+$0x58D0];
	_ =	sdelay $0x1  }
0x136: {  	s29 =	sor.u32 $0x1C20, s28  }
0x137: {  	[tilespmem:s29+$0x0] =	vst.add.f32.msk $0xffff, v0  }
0x138: {  	s29 =	sor.u32 $0x18D0, s28;
	v0 =	vld [tilespmem:s28+$0x5C30]  }
0x139: {  	[tilespmem:s29+$0x0] =	vst.add.f32.msk $0xffff, v1  }
0x13a: {  	v1 =	vld [tilespmem:s28+$0x58E0];
	_ =	sdelay $0x1  }
0x13b: {  	s29 =	sor.u32 $0x1C30, s28  }
0x13c: {  	[tilespmem:s29+$0x0] =	vst.add.f32.msk $0xffff, v0  }
0x13d: {  	s29 =	sor.u32 $0x18E0, s28;
	v0 =	vld [tilespmem:s28+$0x5C40]  }
0x13e: {  	[tilespmem:s29+$0x0] =	vst.add.f32.msk $0xffff, v1  }
0x13f: {  	v1 =	vld [tilespmem:s28+$0x58F0];
	_ =	sdelay $0x1  }
0x140: {  	s29 =	sor.u32 $0x1C40, s28  }
0x141: {  	[tilespmem:s29+$0x0] =	vst.add.f32.msk $0xffff, v0  }
0x142: {  	s29 =	sor.u32 $0x18F0, s28;
	v0 =	vld [tilespmem:s28+$0x5C50]  }
0x143: {  	[tilespmem:s29+$0x0] =	vst.add.f32.msk $0xffff, v1  }
0x144: {  	v1 =	vld [tilespmem:s28+$0x5C80];
	_ =	sdelay $0x1  }
0x145: {  	s29 =	sor.u32 $0x1C50, s28  }
0x146: {  	[tilespmem:s29+$0x0] =	vst.add.f32.msk $0xffff, v0  }
0x147: {  	s29 =	sor.u32 $0x1C80, s28;
	v0 =	vld [tilespmem:s28+$0x5C60]  }
0x148: {  	[tilespmem:s29+$0x0] =	vst.add.f32.msk $0xffff, v1  }
0x149: {  	v1 =	vld [tilespmem:s28+$0x5C90];
	_ =	sdelay $0x1  }
0x14a: {  	s29 =	sor.u32 $0x1C60, s28  }
0x14b: {  	[tilespmem:s29+$0x0] =	vst.add.f32.msk $0xffff, v0  }
0x14c: {  	s29 =	sor.u32 $0x1C90, s28;
	v0 =	vld [tilespmem:s28+$0x5C70]  }
0x14d: {  	[tilespmem:s29+$0x0] =	vst.add.f32.msk $0xffff, v1  }
0x14e: {  	v1 =	vld [tilespmem:s28+$0x5CA0];
	_ =	sdelay $0x1  }
0x14f: {  	s29 =	sor.u32 $0x1C70, s28  }
0x150: {  	[tilespmem:s29+$0x0] =	vst.add.f32.msk $0xffff, v0  }
0x151: {  	s29 =	sor.u32 $0x1CA0, s28;
	v0 =	vld [tilespmem:s28+$0x6000]  }
0x152: {  	[tilespmem:s29+$0x0] =	vst.add.f32.msk $0xffff, v1  }
0x153: {  	v1 =	vld [tilespmem:s28+$0x5CB0];
	_ =	sdelay $0x1  }
0x154: {  	s29 =	sor.u32 $0x2000, s28  }
0x155: {  	[tilespmem:s29+$0x0] =	vst.add.f32.msk $0xffff, v0  }
0x156: {  	s29 =	sor.u32 $0x1CB0, s28;
	v0 =	vld [tilespmem:s28+$0x6010]  }
0x157: {  	[tilespmem:s29+$0x0] =	vst.add.f32.msk $0xffff, v1  }
0x158: {  	v1 =	vld [tilespmem:s28+$0x5CC0];
	_ =	sdelay $0x1  }
0x159: {  	s29 =	sor.u32 $0x2010, s28  }
0x15a: {  	[tilespmem:s29+$0x0] =	vst.add.f32.msk $0xffff, v0  }
0x15b: {  	s29 =	sor.u32 $0x1CC0, s28;
	v0 =	vld [tilespmem:s28+$0x6020]  }
0x15c: {  	[tilespmem:s29+$0x0] =	vst.add.f32.msk $0xffff, v1  }
0x15d: {  	v1 =	vld [tilespmem:s28+$0x5CD0];
	_ =	sdelay $0x1  }
0x15e: {  	s29 =	sor.u32 $0x2020, s28  }
0x15f: {  	[tilespmem:s29+$0x0] =	vst.add.f32.msk $0xffff, v0  }
0x160: {  	s29 =	sor.u32 $0x1CD0, s28;
	v0 =	vld [tilespmem:s28+$0x6030]  }
0x161: {  	[tilespmem:s29+$0x0] =	vst.add.f32.msk $0xffff, v1  }
0x162: {  	v1 =	vld [tilespmem:s28+$0x5CE0];
	_ =	sdelay $0x1  }
0x163: {  	s29 =	sor.u32 $0x2030, s28  }
0x164: {  	[tilespmem:s29+$0x0] =	vst.add.f32.msk $0xffff, v0  }
0x165: {  	s29 =	sor.u32 $0x1CE0, s28;
	v0 =	vld [tilespmem:s28+$0x6040]  }
0x166: {  	[tilespmem:s29+$0x0] =	vst.add.f32.msk $0xffff, v1  }
0x167: {  	v1 =	vld [tilespmem:s28+$0x5CF0];
	_ =	sdelay $0x1  }
0x168: {  	s29 =	sor.u32 $0x2040, s28  }
0x169: {  	[tilespmem:s29+$0x0] =	vst.add.f32.msk $0xffff, v0  }
0x16a: {  	s29 =	sor.u32 $0x1CF0, s28;
	v0 =	vld [tilespmem:s28+$0x6050]  }
0x16b: {  	[tilespmem:s29+$0x0] =	vst.add.f32.msk $0xffff, v1  }
0x16c: {  	v1 =	vld [tilespmem:s28+$0x6080];
	_ =	sdelay $0x1  }
0x16d: {  	s29 =	sor.u32 $0x2050, s28  }
0x16e: {  	[tilespmem:s29+$0x0] =	vst.add.f32.msk $0xffff, v0  }
0x16f: {  	s29 =	sor.u32 $0x2080, s28;
	v0 =	vld [tilespmem:s28+$0x6060]  }
0x170: {  	[tilespmem:s29+$0x0] =	vst.add.f32.msk $0xffff, v1  }
0x171: {  	v1 =	vld [tilespmem:s28+$0x6090];
	_ =	sdelay $0x1  }
0x172: {  	s29 =	sor.u32 $0x2060, s28  }
0x173: {  	[tilespmem:s29+$0x0] =	vst.add.f32.msk $0xffff, v0  }
0x174: {  	s29 =	sor.u32 $0x2090, s28;
	v0 =	vld [tilespmem:s28+$0x6070]  }
0x175: {  	[tilespmem:s29+$0x0] =	vst.add.f32.msk $0xffff, v1  }
0x176: {  	v1 =	vld [tilespmem:s28+$0x60A0];
	_ =	sdelay $0x1  }
0x177: {  	s29 =	sor.u32 $0x2070, s28  }
0x178: {  	[tilespmem:s29+$0x0] =	vst.add.f32.msk $0xffff, v0  }
0x179: {  	s29 =	sor.u32 $0x20A0, s28;
	v0 =	vld [tilespmem:s28+$0x6400]  }
0x17a: {  	[tilespmem:s29+$0x0] =	vst.add.f32.msk $0xffff, v1  }
0x17b: {  	v1 =	vld [tilespmem:s28+$0x60B0];
	_ =	sdelay $0x1  }
0x17c: {  	s29 =	sor.u32 $0x2400, s28  }
0x17d: {  	[tilespmem:s29+$0x0] =	vst.add.f32.msk $0xffff, v0  }
0x17e: {  	s29 =	sor.u32 $0x20B0, s28;
	v0 =	vld [tilespmem:s28+$0x6410]  }
0x17f: {  	[tilespmem:s29+$0x0] =	vst.add.f32.msk $0xffff, v1  }
0x180: {  	v1 =	vld [tilespmem:s28+$0x60C0];
	_ =	sdelay $0x1  }
0x181: {  	s29 =	sor.u32 $0x2410, s28  }
0x182: {  	[tilespmem:s29+$0x0] =	vst.add.f32.msk $0xffff, v0  }
0x183: {  	s29 =	sor.u32 $0x20C0, s28;
	v0 =	vld [tilespmem:s28+$0x6420]  }
0x184: {  	[tilespmem:s29+$0x0] =	vst.add.f32.msk $0xffff, v1  }
0x185: {  	v1 =	vld [tilespmem:s28+$0x60D0];
	_ =	sdelay $0x1  }
0x186: {  	s29 =	sor.u32 $0x2420, s28  }
0x187: {  	[tilespmem:s29+$0x0] =	vst.add.f32.msk $0xffff, v0  }
0x188: {  	s29 =	sor.u32 $0x20D0, s28;
	v0 =	vld [tilespmem:s28+$0x6430]  }
0x189: {  	[tilespmem:s29+$0x0] =	vst.add.f32.msk $0xffff, v1  }
0x18a: {  	v1 =	vld [tilespmem:s28+$0x60E0];
	_ =	sdelay $0x1  }
0x18b: {  	s29 =	sor.u32 $0x2430, s28  }
0x18c: {  	[tilespmem:s29+$0x0] =	vst.add.f32.msk $0xffff, v0  }
0x18d: {  	s29 =	sor.u32 $0x20E0, s28;
	v0 =	vld [tilespmem:s28+$0x6440]  }
0x18e: {  	[tilespmem:s29+$0x0] =	vst.add.f32.msk $0xffff, v1  }
0x18f: {  	v1 =	vld [tilespmem:s28+$0x60F0];
	_ =	sdelay $0x1  }
0x190: {  	s29 =	sor.u32 $0x2440, s28  }
0x191: {  	[tilespmem:s29+$0x0] =	vst.add.f32.msk $0xffff, v0  }
0x192: {  	s29 =	sor.u32 $0x20F0, s28;
	v0 =	vld [tilespmem:s28+$0x6450]  }
0x193: {  	[tilespmem:s29+$0x0] =	vst.add.f32.msk $0xffff, v1  }
0x194: {  	v1 =	vld [tilespmem:s28+$0x6480];
	_ =	sdelay $0x1  }
0x195: {  	s29 =	sor.u32 $0x2450, s28  }
0x196: {  	[tilespmem:s29+$0x0] =	vst.add.f32.msk $0xffff, v0  }
0x197: {  	s29 =	sor.u32 $0x2480, s28;
	v0 =	vld [tilespmem:s28+$0x6460]  }
0x198: {  	[tilespmem:s29+$0x0] =	vst.add.f32.msk $0xffff, v1  }
0x199: {  	v1 =	vld [tilespmem:s28+$0x6490];
	_ =	sdelay $0x1  }
0x19a: {  	s29 =	sor.u32 $0x2460, s28  }
0x19b: {  	[tilespmem:s29+$0x0] =	vst.add.f32.msk $0xffff, v0  }
0x19c: {  	s29 =	sor.u32 $0x2490, s28;
	v0 =	vld [tilespmem:s28+$0x6470]  }
0x19d: {  	[tilespmem:s29+$0x0] =	vst.add.f32.msk $0xffff, v1  }
0x19e: {  	v1 =	vld [tilespmem:s28+$0x64A0];
	_ =	sdelay $0x1  }
0x19f: {  	s29 =	sor.u32 $0x2470, s28  }
0x1a0: {  	[tilespmem:s29+$0x0] =	vst.add.f32.msk $0xffff, v0  }
0x1a1: {  	s29 =	sor.u32 $0x24A0, s28;
	v0 =	vld [tilespmem:s28+$0x6800]  }
0x1a2: {  	[tilespmem:s29+$0x0] =	vst.add.f32.msk $0xffff, v1  }
0x1a3: {  	v1 =	vld [tilespmem:s28+$0x64B0];
	_ =	sdelay $0x1  }
0x1a4: {  	s29 =	sor.u32 $0x2800, s28  }
0x1a5: {  	[tilespmem:s29+$0x0] =	vst.add.f32.msk $0xffff, v0  }
0x1a6: {  	s29 =	sor.u32 $0x24B0, s28;
	v0 =	vld [tilespmem:s28+$0x6810]  }
0x1a7: {  	[tilespmem:s29+$0x0] =	vst.add.f32.msk $0xffff, v1  }
0x1a8: {  	v1 =	vld [tilespmem:s28+$0x64C0];
	_ =	sdelay $0x1  }
0x1a9: {  	s29 =	sor.u32 $0x2810, s28  }
0x1aa: {  	[tilespmem:s29+$0x0] =	vst.add.f32.msk $0xffff, v0  }
0x1ab: {  	s29 =	sor.u32 $0x24C0, s28;
	v0 =	vld [tilespmem:s28+$0x6820]  }
0x1ac: {  	[tilespmem:s29+$0x0] =	vst.add.f32.msk $0xffff, v1  }
0x1ad: {  	v1 =	vld [tilespmem:s28+$0x64D0];
	_ =	sdelay $0x1  }
0x1ae: {  	s29 =	sor.u32 $0x2820, s28  }
0x1af: {  	[tilespmem:s29+$0x0] =	vst.add.f32.msk $0xffff, v0  }
0x1b0: {  	s29 =	sor.u32 $0x24D0, s28;
	v0 =	vld [tilespmem:s28+$0x6830]  }
0x1b1: {  	[tilespmem:s29+$0x0] =	vst.add.f32.msk $0xffff, v1  }
0x1b2: {  	v1 =	vld [tilespmem:s28+$0x64E0];
	_ =	sdelay $0x1  }
0x1b3: {  	s29 =	sor.u32 $0x2830, s28  }
0x1b4: {  	[tilespmem:s29+$0x0] =	vst.add.f32.msk $0xffff, v0  }
0x1b5: {  	s29 =	sor.u32 $0x24E0, s28;
	v0 =	vld [tilespmem:s28+$0x6840]  }
0x1b6: {  	[tilespmem:s29+$0x0] =	vst.add.f32.msk $0xffff, v1  }
0x1b7: {  	v1 =	vld [tilespmem:s28+$0x64F0];
	_ =	sdelay $0x2  }
0x1b8: {  	s29 =	sor.u32 $0x2840, s28  }
0x1b9: {  	[tilespmem:s29+$0x0] =	vst.add.f32.msk $0xffff, v0;
	s29 =	sor.u32 $0x24F0, s28  }
0x1ba: {  	[tilespmem:s29+$0x0] =	vst.add.f32.msk $0xffff, v1  }
0x1bb: {  	v1 =	vld [tilespmem:s28+$0x6880]  }
0x1bc: {  	v0 =	vld [tilespmem:s28+$0x6850];
	s29 =	simm.s32 $0x2  }
.LBB2_3:
0x1bd: {  	s30 =	sshll.u32 s29, $0x7;
	p0 =	slt.u32 s29, $0x6;
	s29 =	sadd.s32 $0x2, s29  }
0x1be: {  	v2 =	vld [tilespmem:s30+$0x4000]  }
0x1bf: {  	s31 =	sor.u32 $0x2880, s28;
	v3 =	vld [tilespmem:s30+$0x4010]  }
0x1c0: {  	[tilespmem:s31+$0x0] =	vst.add.f32.msk $0xffff, v1  }
0x1c1: {  	s31 =	sor.u32 $0x2850, s28;
	v1 =	vld [tilespmem:s28+$0x6890]  }
0x1c2: {  	[tilespmem:s31+$0x0] =	vst.add.f32.msk $0xffff, v0  }
0x1c3: {  	s31 =	sor.u32 $0x10, s30;
	[tilespmem:s30+$0x0] =	vst.add.f32.msk $0xffff, v2  }
0x1c4: {  	[tilespmem:s31+$0x0] =	vst.add.f32.msk $0xffff, v3  }
0x1c5: {  	s31 =	sor.u32 $0x2890, s28;
	v0 =	vld [tilespmem:s30+$0x4020]  }
0x1c6: {  	[tilespmem:s31+$0x0] =	vst.add.f32.msk $0xffff, v1  }
0x1c7: {  	v1 =	vld [tilespmem:s28+$0x68A0]  }
0x1c8: {  	v2 =	vld [tilespmem:s28+$0x6860]  }
0x1c9: {  	s31 =	sor.u32 $0x20, s30  }
0x1ca: {  	[tilespmem:s31+$0x0] =	vst.add.f32.msk $0xffff, v0  }
0x1cb: {  	s31 =	sor.u32 $0x28A0, s28;
	v0 =	vld [tilespmem:s30+$0x4030]  }
0x1cc: {  	[tilespmem:s31+$0x0] =	vst.add.f32.msk $0xffff, v1  }
0x1cd: {  	s31 =	sor.u32 $0x2860, s28;
	v1 =	vld [tilespmem:s28+$0x68B0]  }
0x1ce: {  	[tilespmem:s31+$0x0] =	vst.add.f32.msk $0xffff, v2  }
0x1cf: {  	s31 =	sor.u32 $0x30, s30;
	v2 =	vld [tilespmem:s28+$0x6870]  }
0x1d0: {  	[tilespmem:s31+$0x0] =	vst.add.f32.msk $0xffff, v0  }
0x1d1: {  	s31 =	sor.u32 $0x28B0, s28;
	v0 =	vld [tilespmem:s30+$0x4040]  }
0x1d2: {  	[tilespmem:s31+$0x0] =	vst.add.f32.msk $0xffff, v1  }
0x1d3: {  	s31 =	sor.u32 $0x2870, s28;
	v1 =	vld [tilespmem:s28+$0x68C0]  }
0x1d4: {  	[tilespmem:s31+$0x0] =	vst.add.f32.msk $0xffff, v2  }
0x1d5: {  	s31 =	sor.u32 $0x40, s30;
	v2 =	vld [tilespmem:s28+$0x6C00]  }
0x1d6: {  	[tilespmem:s31+$0x0] =	vst.add.f32.msk $0xffff, v0  }
0x1d7: {  	s31 =	sor.u32 $0x28C0, s28;
	v0 =	vld [tilespmem:s30+$0x4050]  }
0x1d8: {  	[tilespmem:s31+$0x0] =	vst.add.f32.msk $0xffff, v1  }
0x1d9: {  	s31 =	sor.u32 $0x2C00, s28;
	v1 =	vld [tilespmem:s28+$0x68D0]  }
0x1da: {  	[tilespmem:s31+$0x0] =	vst.add.f32.msk $0xffff, v2  }
0x1db: {  	s31 =	sor.u32 $0x50, s30;
	v2 =	vld [tilespmem:s28+$0x6C10]  }
0x1dc: {  	[tilespmem:s31+$0x0] =	vst.add.f32.msk $0xffff, v0  }
0x1dd: {  	v0 =	vld [tilespmem:s30+$0x4060]  }
0x1de: {  	s31 =	sor.u32 $0x28D0, s28;
	v3 =	vld [tilespmem:s30+$0x4080]  }
0x1df: {  	[tilespmem:s31+$0x0] =	vst.add.f32.msk $0xffff, v1  }
0x1e0: {  	s31 =	sor.u32 $0x2C10, s28;
	v1 =	vld [tilespmem:s28+$0x68E0]  }
0x1e1: {  	s0 =	sor.u32 $0x60, s30;
	[tilespmem:s31+$0x0] =	vst.add.f32.msk $0xffff, v2  }
0x1e2: {  	[tilespmem:s0+$0x0] =	vst.add.f32.msk $0xffff, v0;
	s0 =	sor.u32 $0x80, s30  }
0x1e3: {  	[tilespmem:s0+$0x0] =	vst.add.f32.msk $0xffff, v3  }
0x1e4: {  	s0 =	sor.u32 $0x28E0, s28;
	v2 =	vld [tilespmem:s30+$0x4090]  }
0x1e5: {  	[tilespmem:s0+$0x0] =	vst.add.f32.msk $0xffff, v1  }
0x1e6: {  	v1 =	vld [tilespmem:s28+$0x68F0]  }
0x1e7: {  	v3 =	vld [tilespmem:s30+$0x4070]  }
0x1e8: {  	s0 =	sor.u32 $0x90, s30;
	v0 =	vld [tilespmem:s28+$0x6C20]  }
0x1e9: {  	[tilespmem:s0+$0x0] =	vst.add.f32.msk $0xffff, v2  }
0x1ea: {  	s0 =	sor.u32 $0x28F0, s28;
	v2 =	vld [tilespmem:s30+$0x40A0]  }
0x1eb: {  	[tilespmem:s0+$0x0] =	vst.add.f32.msk $0xffff, v1  }
0x1ec: {  	s0 =	sor.u32 $0x70, s30;
	v1 =	vld [tilespmem:s28+$0x6C80]  }
0x1ed: {  	[tilespmem:s0+$0x0] =	vst.add.f32.msk $0xffff, v3  }
0x1ee: {  	s0 =	sor.u32 $0xA0, s30;
	v3 =	vld [tilespmem:s30+$0x4400]  }
0x1ef: {  	[tilespmem:s0+$0x0] =	vst.add.f32.msk $0xffff, v2  }
0x1f0: {  	s0 =	sor.u32 $0x2C80, s28;
	v2 =	vld [tilespmem:s30+$0x40B0]  }
0x1f1: {  	[tilespmem:s0+$0x0] =	vst.add.f32.msk $0xffff, v1  }
0x1f2: {  	s0 =	sor.u32 $0x400, s30;
	v1 =	vld [tilespmem:s28+$0x6C90]  }
0x1f3: {  	[tilespmem:s0+$0x0] =	vst.add.f32.msk $0xffff, v3  }
0x1f4: {  	s0 =	sor.u32 $0xB0, s30;
	v3 =	vld [tilespmem:s30+$0x4410]  }
0x1f5: {  	[tilespmem:s0+$0x0] =	vst.add.f32.msk $0xffff, v2  }
0x1f6: {  	s0 =	sor.u32 $0x2C90, s28;
	v2 =	vld [tilespmem:s30+$0x40C0]  }
0x1f7: {  	[tilespmem:s0+$0x0] =	vst.add.f32.msk $0xffff, v1  }
0x1f8: {  	s0 =	sor.u32 $0x410, s30;
	v1 =	vld [tilespmem:s28+$0x6CA0]  }
0x1f9: {  	[tilespmem:s0+$0x0] =	vst.add.f32.msk $0xffff, v3  }
0x1fa: {  	s0 =	sor.u32 $0xC0, s30;
	v3 =	vld [tilespmem:s30+$0x4420]  }
0x1fb: {  	[tilespmem:s0+$0x0] =	vst.add.f32.msk $0xffff, v2  }
0x1fc: {  	s0 =	sor.u32 $0x2CA0, s28;
	v2 =	vld [tilespmem:s30+$0x40D0]  }
0x1fd: {  	[tilespmem:s0+$0x0] =	vst.add.f32.msk $0xffff, v1  }
0x1fe: {  	s0 =	sor.u32 $0x420, s30;
	v1 =	vld [tilespmem:s28+$0x6CB0]  }
0x1ff: {  	[tilespmem:s0+$0x0] =	vst.add.f32.msk $0xffff, v3  }
0x200: {  	s0 =	sor.u32 $0xD0, s30;
	v3 =	vld [tilespmem:s30+$0x4430]  }
0x201: {  	[tilespmem:s0+$0x0] =	vst.add.f32.msk $0xffff, v2  }
0x202: {  	s0 =	sor.u32 $0x2CB0, s28;
	v2 =	vld [tilespmem:s30+$0x40E0]  }
0x203: {  	[tilespmem:s0+$0x0] =	vst.add.f32.msk $0xffff, v1  }
0x204: {  	s0 =	sor.u32 $0x430, s30;
	v1 =	vld [tilespmem:s28+$0x6CC0]  }
0x205: {  	[tilespmem:s0+$0x0] =	vst.add.f32.msk $0xffff, v3  }
0x206: {  	s0 =	sor.u32 $0xE0, s30;
	v3 =	vld [tilespmem:s30+$0x4440]  }
0x207: {  	[tilespmem:s0+$0x0] =	vst.add.f32.msk $0xffff, v2  }
0x208: {  	s0 =	sor.u32 $0x2CC0, s28;
	v2 =	vld [tilespmem:s30+$0x40F0]  }
0x209: {  	[tilespmem:s0+$0x0] =	vst.add.f32.msk $0xffff, v1  }
0x20a: {  	s0 =	sor.u32 $0x440, s30;
	v1 =	vld [tilespmem:s28+$0x6CD0]  }
0x20b: {  	[tilespmem:s0+$0x0] =	vst.add.f32.msk $0xffff, v3  }
0x20c: {  	s0 =	sor.u32 $0xF0, s30;
	v3 =	vld [tilespmem:s30+$0x4450]  }
0x20d: {  	[tilespmem:s0+$0x0] =	vst.add.f32.msk $0xffff, v2  }
0x20e: {  	s0 =	sor.u32 $0x2CD0, s28;
	v2 =	vld [tilespmem:s30+$0x4480]  }
0x20f: {  	[tilespmem:s0+$0x0] =	vst.add.f32.msk $0xffff, v1  }
0x210: {  	s0 =	sor.u32 $0x450, s30;
	v1 =	vld [tilespmem:s28+$0x6CE0]  }
0x211: {  	[tilespmem:s0+$0x0] =	vst.add.f32.msk $0xffff, v3  }
0x212: {  	s0 =	sor.u32 $0x480, s30;
	v3 =	vld [tilespmem:s30+$0x4460]  }
0x213: {  	[tilespmem:s0+$0x0] =	vst.add.f32.msk $0xffff, v2  }
0x214: {  	s0 =	sor.u32 $0x2CE0, s28;
	v2 =	vld [tilespmem:s30+$0x4490]  }
0x215: {  	[tilespmem:s0+$0x0] =	vst.add.f32.msk $0xffff, v1  }
0x216: {  	s0 =	sor.u32 $0x460, s30;
	v1 =	vld [tilespmem:s28+$0x6CF0]  }
0x217: {  	[tilespmem:s0+$0x0] =	vst.add.f32.msk $0xffff, v3  }
0x218: {  	s0 =	sor.u32 $0x490, s30;
	v3 =	vld [tilespmem:s30+$0x4470]  }
0x219: {  	[tilespmem:s0+$0x0] =	vst.add.f32.msk $0xffff, v2  }
0x21a: {  	s0 =	sor.u32 $0x2CF0, s28;
	v2 =	vld [tilespmem:s30+$0x44A0]  }
0x21b: {  	[tilespmem:s0+$0x0] =	vst.add.f32.msk $0xffff, v1  }
0x21c: {  	s0 =	sor.u32 $0x470, s30;
	v1 =	vld [tilespmem:s28+$0x7080]  }
0x21d: {  	[tilespmem:s0+$0x0] =	vst.add.f32.msk $0xffff, v3  }
0x21e: {  	s0 =	sor.u32 $0x4A0, s30;
	v3 =	vld [tilespmem:s30+$0x4800]  }
0x21f: {  	[tilespmem:s0+$0x0] =	vst.add.f32.msk $0xffff, v2  }
0x220: {  	s0 =	sor.u32 $0x3080, s28;
	v2 =	vld [tilespmem:s30+$0x44B0]  }
0x221: {  	[tilespmem:s0+$0x0] =	vst.add.f32.msk $0xffff, v1  }
0x222: {  	s0 =	sor.u32 $0x800, s30;
	v1 =	vld [tilespmem:s28+$0x7090]  }
0x223: {  	[tilespmem:s0+$0x0] =	vst.add.f32.msk $0xffff, v3  }
0x224: {  	s0 =	sor.u32 $0x4B0, s30;
	v3 =	vld [tilespmem:s30+$0x4810]  }
0x225: {  	[tilespmem:s0+$0x0] =	vst.add.f32.msk $0xffff, v2  }
0x226: {  	s0 =	sor.u32 $0x3090, s28;
	v2 =	vld [tilespmem:s30+$0x44C0]  }
0x227: {  	[tilespmem:s0+$0x0] =	vst.add.f32.msk $0xffff, v1  }
0x228: {  	s0 =	sor.u32 $0x810, s30;
	v1 =	vld [tilespmem:s28+$0x70A0]  }
0x229: {  	[tilespmem:s0+$0x0] =	vst.add.f32.msk $0xffff, v3  }
0x22a: {  	s0 =	sor.u32 $0x4C0, s30;
	v3 =	vld [tilespmem:s30+$0x4820]  }
0x22b: {  	[tilespmem:s0+$0x0] =	vst.add.f32.msk $0xffff, v2  }
0x22c: {  	s0 =	sor.u32 $0x30A0, s28;
	v2 =	vld [tilespmem:s30+$0x44D0]  }
0x22d: {  	[tilespmem:s0+$0x0] =	vst.add.f32.msk $0xffff, v1  }
0x22e: {  	s0 =	sor.u32 $0x820, s30;
	v1 =	vld [tilespmem:s28+$0x70B0]  }
0x22f: {  	[tilespmem:s0+$0x0] =	vst.add.f32.msk $0xffff, v3  }
0x230: {  	s0 =	sor.u32 $0x4D0, s30;
	v3 =	vld [tilespmem:s30+$0x4830]  }
0x231: {  	[tilespmem:s0+$0x0] =	vst.add.f32.msk $0xffff, v2  }
0x232: {  	s0 =	sor.u32 $0x30B0, s28;
	v2 =	vld [tilespmem:s30+$0x44E0]  }
0x233: {  	[tilespmem:s0+$0x0] =	vst.add.f32.msk $0xffff, v1  }
0x234: {  	s0 =	sor.u32 $0x830, s30;
	v1 =	vld [tilespmem:s28+$0x70C0]  }
0x235: {  	[tilespmem:s0+$0x0] =	vst.add.f32.msk $0xffff, v3  }
0x236: {  	s0 =	sor.u32 $0x4E0, s30;
	v3 =	vld [tilespmem:s30+$0x4840]  }
0x237: {  	[tilespmem:s0+$0x0] =	vst.add.f32.msk $0xffff, v2  }
0x238: {  	s0 =	sor.u32 $0x30C0, s28;
	v2 =	vld [tilespmem:s30+$0x44F0]  }
0x239: {  	[tilespmem:s0+$0x0] =	vst.add.f32.msk $0xffff, v1  }
0x23a: {  	s0 =	sor.u32 $0x840, s30;
	v1 =	vld [tilespmem:s28+$0x70D0]  }
0x23b: {  	[tilespmem:s0+$0x0] =	vst.add.f32.msk $0xffff, v3  }
0x23c: {  	s0 =	sor.u32 $0x4F0, s30;
	v3 =	vld [tilespmem:s30+$0x4850]  }
0x23d: {  	[tilespmem:s0+$0x0] =	vst.add.f32.msk $0xffff, v2  }
0x23e: {  	s0 =	sor.u32 $0x30D0, s28;
	v2 =	vld [tilespmem:s30+$0x4880]  }
0x23f: {  	[tilespmem:s0+$0x0] =	vst.add.f32.msk $0xffff, v1  }
0x240: {  	s0 =	sor.u32 $0x850, s30;
	v1 =	vld [tilespmem:s28+$0x70E0]  }
0x241: {  	[tilespmem:s0+$0x0] =	vst.add.f32.msk $0xffff, v3  }
0x242: {  	s0 =	sor.u32 $0x880, s30;
	v3 =	vld [tilespmem:s30+$0x4860]  }
0x243: {  	[tilespmem:s0+$0x0] =	vst.add.f32.msk $0xffff, v2  }
0x244: {  	s0 =	sor.u32 $0x30E0, s28;
	v2 =	vld [tilespmem:s30+$0x4890]  }
0x245: {  	[tilespmem:s0+$0x0] =	vst.add.f32.msk $0xffff, v1  }
0x246: {  	s0 =	sor.u32 $0x860, s30;
	v1 =	vld [tilespmem:s28+$0x70F0]  }
0x247: {  	[tilespmem:s0+$0x0] =	vst.add.f32.msk $0xffff, v3  }
0x248: {  	s0 =	sor.u32 $0x890, s30;
	v3 =	vld [tilespmem:s30+$0x4870]  }
0x249: {  	[tilespmem:s0+$0x0] =	vst.add.f32.msk $0xffff, v2  }
0x24a: {  	s0 =	sor.u32 $0x30F0, s28;
	v2 =	vld [tilespmem:s30+$0x48A0]  }
0x24b: {  	[tilespmem:s0+$0x0] =	vst.add.f32.msk $0xffff, v1  }
0x24c: {  	s0 =	sor.u32 $0x870, s30;
	v1 =	vld [tilespmem:s28+$0x7480]  }
0x24d: {  	[tilespmem:s0+$0x0] =	vst.add.f32.msk $0xffff, v3  }
0x24e: {  	s0 =	sor.u32 $0x8A0, s30;
	v3 =	vld [tilespmem:s30+$0x4C00]  }
0x24f: {  	[tilespmem:s0+$0x0] =	vst.add.f32.msk $0xffff, v2  }
0x250: {  	s0 =	sor.u32 $0x3480, s28;
	v2 =	vld [tilespmem:s30+$0x48B0]  }
0x251: {  	[tilespmem:s0+$0x0] =	vst.add.f32.msk $0xffff, v1  }
0x252: {  	s0 =	sor.u32 $0xC00, s30;
	v1 =	vld [tilespmem:s28+$0x7490]  }
0x253: {  	[tilespmem:s0+$0x0] =	vst.add.f32.msk $0xffff, v3  }
0x254: {  	s0 =	sor.u32 $0x8B0, s30;
	v3 =	vld [tilespmem:s30+$0x4C10]  }
0x255: {  	[tilespmem:s0+$0x0] =	vst.add.f32.msk $0xffff, v2  }
0x256: {  	s0 =	sor.u32 $0x3490, s28;
	v2 =	vld [tilespmem:s30+$0x48C0]  }
0x257: {  	[tilespmem:s0+$0x0] =	vst.add.f32.msk $0xffff, v1  }
0x258: {  	s0 =	sor.u32 $0xC10, s30;
	v1 =	vld [tilespmem:s28+$0x74A0]  }
0x259: {  	[tilespmem:s0+$0x0] =	vst.add.f32.msk $0xffff, v3  }
0x25a: {  	s0 =	sor.u32 $0x8C0, s30;
	v3 =	vld [tilespmem:s30+$0x4C20]  }
0x25b: {  	[tilespmem:s0+$0x0] =	vst.add.f32.msk $0xffff, v2  }
0x25c: {  	s0 =	sor.u32 $0x34A0, s28;
	v2 =	vld [tilespmem:s30+$0x48D0]  }
0x25d: {  	[tilespmem:s0+$0x0] =	vst.add.f32.msk $0xffff, v1  }
0x25e: {  	s0 =	sor.u32 $0xC20, s30;
	v1 =	vld [tilespmem:s28+$0x74B0]  }
0x25f: {  	[tilespmem:s0+$0x0] =	vst.add.f32.msk $0xffff, v3  }
0x260: {  	s0 =	sor.u32 $0x8D0, s30;
	v3 =	vld [tilespmem:s30+$0x4C30]  }
0x261: {  	[tilespmem:s0+$0x0] =	vst.add.f32.msk $0xffff, v2  }
0x262: {  	s0 =	sor.u32 $0x34B0, s28;
	v2 =	vld [tilespmem:s30+$0x48E0]  }
0x263: {  	[tilespmem:s0+$0x0] =	vst.add.f32.msk $0xffff, v1  }
0x264: {  	s0 =	sor.u32 $0xC30, s30;
	v1 =	vld [tilespmem:s28+$0x74C0]  }
0x265: {  	[tilespmem:s0+$0x0] =	vst.add.f32.msk $0xffff, v3  }
0x266: {  	s0 =	sor.u32 $0x8E0, s30;
	v3 =	vld [tilespmem:s30+$0x4C40]  }
0x267: {  	[tilespmem:s0+$0x0] =	vst.add.f32.msk $0xffff, v2  }
0x268: {  	s0 =	sor.u32 $0x34C0, s28;
	v2 =	vld [tilespmem:s30+$0x48F0]  }
0x269: {  	[tilespmem:s0+$0x0] =	vst.add.f32.msk $0xffff, v1  }
0x26a: {  	s0 =	sor.u32 $0xC40, s30;
	v1 =	vld [tilespmem:s28+$0x74D0]  }
0x26b: {  	[tilespmem:s0+$0x0] =	vst.add.f32.msk $0xffff, v3  }
0x26c: {  	s0 =	sor.u32 $0x8F0, s30;
	v3 =	vld [tilespmem:s30+$0x4C50]  }
0x26d: {  	[tilespmem:s0+$0x0] =	vst.add.f32.msk $0xffff, v2  }
0x26e: {  	s0 =	sor.u32 $0x34D0, s28;
	v2 =	vld [tilespmem:s30+$0x4C80]  }
0x26f: {  	[tilespmem:s0+$0x0] =	vst.add.f32.msk $0xffff, v1  }
0x270: {  	s0 =	sor.u32 $0xC50, s30;
	v1 =	vld [tilespmem:s28+$0x74E0]  }
0x271: {  	[tilespmem:s0+$0x0] =	vst.add.f32.msk $0xffff, v3  }
0x272: {  	s0 =	sor.u32 $0xC80, s30;
	v3 =	vld [tilespmem:s30+$0x4C60]  }
0x273: {  	[tilespmem:s0+$0x0] =	vst.add.f32.msk $0xffff, v2  }
0x274: {  	s0 =	sor.u32 $0x34E0, s28;
	v2 =	vld [tilespmem:s30+$0x4C90]  }
0x275: {  	[tilespmem:s0+$0x0] =	vst.add.f32.msk $0xffff, v1  }
0x276: {  	s0 =	sor.u32 $0xC60, s30;
	v1 =	vld [tilespmem:s28+$0x74F0]  }
0x277: {  	[tilespmem:s0+$0x0] =	vst.add.f32.msk $0xffff, v3  }
0x278: {  	s0 =	sor.u32 $0xC90, s30;
	v3 =	vld [tilespmem:s30+$0x4C70]  }
0x279: {  	[tilespmem:s0+$0x0] =	vst.add.f32.msk $0xffff, v2  }
0x27a: {  	s0 =	sor.u32 $0x34F0, s28;
	v2 =	vld [tilespmem:s30+$0x4CA0]  }
0x27b: {  	[tilespmem:s0+$0x0] =	vst.add.f32.msk $0xffff, v1  }
0x27c: {  	s0 =	sor.u32 $0xC70, s30;
	v1 =	vld [tilespmem:s28+$0x7880]  }
0x27d: {  	[tilespmem:s0+$0x0] =	vst.add.f32.msk $0xffff, v3  }
0x27e: {  	s0 =	sor.u32 $0xCA0, s30;
	v3 =	vld [tilespmem:s30+$0x5000]  }
0x27f: {  	[tilespmem:s0+$0x0] =	vst.add.f32.msk $0xffff, v2  }
0x280: {  	s0 =	sor.u32 $0x3880, s28;
	v2 =	vld [tilespmem:s30+$0x4CB0]  }
0x281: {  	[tilespmem:s0+$0x0] =	vst.add.f32.msk $0xffff, v1  }
0x282: {  	s0 =	sor.u32 $0x1000, s30;
	v1 =	vld [tilespmem:s28+$0x7890]  }
0x283: {  	[tilespmem:s0+$0x0] =	vst.add.f32.msk $0xffff, v3  }
0x284: {  	s0 =	sor.u32 $0xCB0, s30;
	v3 =	vld [tilespmem:s30+$0x5010]  }
0x285: {  	[tilespmem:s0+$0x0] =	vst.add.f32.msk $0xffff, v2  }
0x286: {  	s0 =	sor.u32 $0x3890, s28;
	v2 =	vld [tilespmem:s30+$0x4CC0]  }
0x287: {  	[tilespmem:s0+$0x0] =	vst.add.f32.msk $0xffff, v1  }
0x288: {  	s0 =	sor.u32 $0x1010, s30;
	v1 =	vld [tilespmem:s28+$0x78A0]  }
0x289: {  	[tilespmem:s0+$0x0] =	vst.add.f32.msk $0xffff, v3  }
0x28a: {  	s0 =	sor.u32 $0xCC0, s30;
	v3 =	vld [tilespmem:s30+$0x5020]  }
0x28b: {  	[tilespmem:s0+$0x0] =	vst.add.f32.msk $0xffff, v2  }
0x28c: {  	s0 =	sor.u32 $0x38A0, s28;
	v2 =	vld [tilespmem:s30+$0x4CD0]  }
0x28d: {  	[tilespmem:s0+$0x0] =	vst.add.f32.msk $0xffff, v1  }
0x28e: {  	s0 =	sor.u32 $0x1020, s30;
	v1 =	vld [tilespmem:s28+$0x78B0]  }
0x28f: {  	[tilespmem:s0+$0x0] =	vst.add.f32.msk $0xffff, v3  }
0x290: {  	s0 =	sor.u32 $0xCD0, s30;
	v3 =	vld [tilespmem:s30+$0x5030]  }
0x291: {  	[tilespmem:s0+$0x0] =	vst.add.f32.msk $0xffff, v2  }
0x292: {  	s0 =	sor.u32 $0x38B0, s28;
	v2 =	vld [tilespmem:s30+$0x4CE0]  }
0x293: {  	[tilespmem:s0+$0x0] =	vst.add.f32.msk $0xffff, v1  }
0x294: {  	s0 =	sor.u32 $0x1030, s30;
	v1 =	vld [tilespmem:s28+$0x78C0]  }
0x295: {  	[tilespmem:s0+$0x0] =	vst.add.f32.msk $0xffff, v3  }
0x296: {  	s0 =	sor.u32 $0xCE0, s30;
	v3 =	vld [tilespmem:s30+$0x5040]  }
0x297: {  	[tilespmem:s0+$0x0] =	vst.add.f32.msk $0xffff, v2  }
0x298: {  	s0 =	sor.u32 $0x38C0, s28;
	v2 =	vld [tilespmem:s30+$0x4CF0]  }
0x299: {  	[tilespmem:s0+$0x0] =	vst.add.f32.msk $0xffff, v1  }
0x29a: {  	s0 =	sor.u32 $0x1040, s30;
	v1 =	vld [tilespmem:s28+$0x78D0]  }
0x29b: {  	[tilespmem:s0+$0x0] =	vst.add.f32.msk $0xffff, v3  }
0x29c: {  	s0 =	sor.u32 $0xCF0, s30;
	v3 =	vld [tilespmem:s30+$0x5050]  }
0x29d: {  	[tilespmem:s0+$0x0] =	vst.add.f32.msk $0xffff, v2  }
0x29e: {  	s0 =	sor.u32 $0x38D0, s28;
	v2 =	vld [tilespmem:s30+$0x5080]  }
0x29f: {  	[tilespmem:s0+$0x0] =	vst.add.f32.msk $0xffff, v1  }
0x2a0: {  	s0 =	sor.u32 $0x1050, s30;
	v1 =	vld [tilespmem:s28+$0x78E0]  }
0x2a1: {  	[tilespmem:s0+$0x0] =	vst.add.f32.msk $0xffff, v3  }
0x2a2: {  	s0 =	sor.u32 $0x1080, s30;
	v3 =	vld [tilespmem:s30+$0x5060]  }
0x2a3: {  	[tilespmem:s0+$0x0] =	vst.add.f32.msk $0xffff, v2  }
0x2a4: {  	s0 =	sor.u32 $0x38E0, s28;
	v2 =	vld [tilespmem:s30+$0x5090]  }
0x2a5: {  	[tilespmem:s0+$0x0] =	vst.add.f32.msk $0xffff, v1  }
0x2a6: {  	s0 =	sor.u32 $0x1060, s30;
	v1 =	vld [tilespmem:s28+$0x78F0]  }
0x2a7: {  	[tilespmem:s0+$0x0] =	vst.add.f32.msk $0xffff, v3  }
0x2a8: {  	s0 =	sor.u32 $0x1090, s30;
	v3 =	vld [tilespmem:s30+$0x5070]  }
0x2a9: {  	[tilespmem:s0+$0x0] =	vst.add.f32.msk $0xffff, v2  }
0x2aa: {  	s0 =	sor.u32 $0x38F0, s28;
	v2 =	vld [tilespmem:s30+$0x50A0]  }
0x2ab: {  	[tilespmem:s0+$0x0] =	vst.add.f32.msk $0xffff, v1  }
0x2ac: {  	s0 =	sor.u32 $0x1070, s30;
	v1 =	vld [tilespmem:s28+$0x7C80]  }
0x2ad: {  	[tilespmem:s0+$0x0] =	vst.add.f32.msk $0xffff, v3  }
0x2ae: {  	s0 =	sor.u32 $0x10A0, s30;
	v3 =	vld [tilespmem:s30+$0x5400]  }
0x2af: {  	[tilespmem:s0+$0x0] =	vst.add.f32.msk $0xffff, v2  }
0x2b0: {  	s0 =	sor.u32 $0x3C80, s28;
	v2 =	vld [tilespmem:s30+$0x50B0]  }
0x2b1: {  	[tilespmem:s0+$0x0] =	vst.add.f32.msk $0xffff, v1  }
0x2b2: {  	s0 =	sor.u32 $0x1400, s30;
	v1 =	vld [tilespmem:s28+$0x7C90]  }
0x2b3: {  	[tilespmem:s0+$0x0] =	vst.add.f32.msk $0xffff, v3  }
0x2b4: {  	s0 =	sor.u32 $0x10B0, s30;
	v3 =	vld [tilespmem:s30+$0x5410]  }
0x2b5: {  	[tilespmem:s0+$0x0] =	vst.add.f32.msk $0xffff, v2  }
0x2b6: {  	s0 =	sor.u32 $0x3C90, s28;
	v2 =	vld [tilespmem:s30+$0x50C0]  }
0x2b7: {  	[tilespmem:s0+$0x0] =	vst.add.f32.msk $0xffff, v1  }
0x2b8: {  	s0 =	sor.u32 $0x1410, s30;
	v1 =	vld [tilespmem:s28+$0x7CA0]  }
0x2b9: {  	[tilespmem:s0+$0x0] =	vst.add.f32.msk $0xffff, v3  }
0x2ba: {  	s0 =	sor.u32 $0x10C0, s30;
	v3 =	vld [tilespmem:s30+$0x5420]  }
0x2bb: {  	[tilespmem:s0+$0x0] =	vst.add.f32.msk $0xffff, v2  }
0x2bc: {  	s0 =	sor.u32 $0x3CA0, s28;
	v2 =	vld [tilespmem:s30+$0x50D0]  }
0x2bd: {  	[tilespmem:s0+$0x0] =	vst.add.f32.msk $0xffff, v1  }
0x2be: {  	s0 =	sor.u32 $0x1420, s30;
	v1 =	vld [tilespmem:s28+$0x7CB0]  }
0x2bf: {  	[tilespmem:s0+$0x0] =	vst.add.f32.msk $0xffff, v3  }
0x2c0: {  	s0 =	sor.u32 $0x10D0, s30;
	v3 =	vld [tilespmem:s30+$0x5430]  }
0x2c1: {  	[tilespmem:s0+$0x0] =	vst.add.f32.msk $0xffff, v2  }
0x2c2: {  	s0 =	sor.u32 $0x3CB0, s28;
	v2 =	vld [tilespmem:s30+$0x50E0]  }
0x2c3: {  	[tilespmem:s0+$0x0] =	vst.add.f32.msk $0xffff, v1  }
0x2c4: {  	s0 =	sor.u32 $0x1430, s30;
	v1 =	vld [tilespmem:s28+$0x7CC0]  }
0x2c5: {  	[tilespmem:s0+$0x0] =	vst.add.f32.msk $0xffff, v3  }
0x2c6: {  	s0 =	sor.u32 $0x10E0, s30;
	v3 =	vld [tilespmem:s30+$0x5440]  }
0x2c7: {  	[tilespmem:s0+$0x0] =	vst.add.f32.msk $0xffff, v2  }
0x2c8: {  	s0 =	sor.u32 $0x3CC0, s28;
	v2 =	vld [tilespmem:s30+$0x50F0]  }
0x2c9: {  	[tilespmem:s0+$0x0] =	vst.add.f32.msk $0xffff, v1  }
0x2ca: {  	s0 =	sor.u32 $0x1440, s30;
	v1 =	vld [tilespmem:s28+$0x7CD0]  }
0x2cb: {  	[tilespmem:s0+$0x0] =	vst.add.f32.msk $0xffff, v3  }
0x2cc: {  	s0 =	sor.u32 $0x10F0, s30;
	v3 =	vld [tilespmem:s30+$0x5450]  }
0x2cd: {  	[tilespmem:s0+$0x0] =	vst.add.f32.msk $0xffff, v2  }
0x2ce: {  	s0 =	sor.u32 $0x3CD0, s28;
	v2 =	vld [tilespmem:s30+$0x5480]  }
0x2cf: {  	[tilespmem:s0+$0x0] =	vst.add.f32.msk $0xffff, v1  }
0x2d0: {  	s0 =	sor.u32 $0x1450, s30;
	v1 =	vld [tilespmem:s28+$0x7CE0]  }
0x2d1: {  	[tilespmem:s0+$0x0] =	vst.add.f32.msk $0xffff, v3  }
0x2d2: {  	s0 =	sor.u32 $0x1480, s30;
	v3 =	vld [tilespmem:s30+$0x5460]  }
0x2d3: {  	[tilespmem:s0+$0x0] =	vst.add.f32.msk $0xffff, v2  }
0x2d4: {  	s0 =	sor.u32 $0x3CE0, s28;
	v2 =	vld [tilespmem:s30+$0x5490]  }
0x2d5: {  	[tilespmem:s0+$0x0] =	vst.add.f32.msk $0xffff, v1  }
0x2d6: {  	s0 =	sor.u32 $0x1460, s30;
	v1 =	vld [tilespmem:s28+$0x7CF0]  }
0x2d7: {  	[tilespmem:s0+$0x0] =	vst.add.f32.msk $0xffff, v3  }
0x2d8: {  	s0 =	sor.u32 $0x1490, s30;
	v3 =	vld [tilespmem:s30+$0x5470]  }
0x2d9: {  	[tilespmem:s0+$0x0] =	vst.add.f32.msk $0xffff, v2  }
0x2da: {  	s0 =	sor.u32 $0x3CF0, s28;
	v2 =	vld [tilespmem:s30+$0x54A0]  }
0x2db: {  	s31 =	sor.u32 $0x2C20, s28;
	[tilespmem:s0+$0x0] =	vst.add.f32.msk $0xffff, v1  }
0x2dc: {  	s0 =	sor.u32 $0x1470, s30;
	[tilespmem:s31+$0x0] =	vst.add.f32.msk $0xffff, v0  }
0x2dd: {  	[tilespmem:s0+$0x0] =	vst.add.f32.msk $0xffff, v3  }
0x2de: {  	s0 =	sor.u32 $0x14A0, s30;
	v0 =	vld [tilespmem:s30+$0x5800]  }
0x2df: {  	[tilespmem:s0+$0x0] =	vst.add.f32.msk $0xffff, v2  }
0x2e0: {  	v1 =	vld [tilespmem:s30+$0x54B0]  }
0x2e1: {  	v2 =	vld [tilespmem:s28+$0x6C30]  }
0x2e2: {  	s0 =	sor.u32 $0x1800, s30  }
0x2e3: {  	[tilespmem:s0+$0x0] =	vst.add.f32.msk $0xffff, v0  }
0x2e4: {  	s0 =	sor.u32 $0x14B0, s30;
	v0 =	vld [tilespmem:s30+$0x5810]  }
0x2e5: {  	[tilespmem:s0+$0x0] =	vst.add.f32.msk $0xffff, v1  }
0x2e6: {  	s0 =	sor.u32 $0x2C30, s28;
	v1 =	vld [tilespmem:s30+$0x54C0]  }
0x2e7: {  	[tilespmem:s0+$0x0] =	vst.add.f32.msk $0xffff, v2  }
0x2e8: {  	s0 =	sor.u32 $0x1810, s30;
	v2 =	vld [tilespmem:s28+$0x6C40]  }
0x2e9: {  	[tilespmem:s0+$0x0] =	vst.add.f32.msk $0xffff, v0  }
0x2ea: {  	s0 =	sor.u32 $0x14C0, s30;
	v0 =	vld [tilespmem:s30+$0x5820]  }
0x2eb: {  	[tilespmem:s0+$0x0] =	vst.add.f32.msk $0xffff, v1  }
0x2ec: {  	s0 =	sor.u32 $0x2C40, s28;
	v1 =	vld [tilespmem:s30+$0x54D0]  }
0x2ed: {  	[tilespmem:s0+$0x0] =	vst.add.f32.msk $0xffff, v2  }
0x2ee: {  	s0 =	sor.u32 $0x1820, s30;
	v2 =	vld [tilespmem:s28+$0x6C50]  }
0x2ef: {  	[tilespmem:s0+$0x0] =	vst.add.f32.msk $0xffff, v0  }
0x2f0: {  	s0 =	sor.u32 $0x14D0, s30;
	v0 =	vld [tilespmem:s30+$0x5830]  }
0x2f1: {  	[tilespmem:s0+$0x0] =	vst.add.f32.msk $0xffff, v1  }
0x2f2: {  	s0 =	sor.u32 $0x2C50, s28;
	v1 =	vld [tilespmem:s30+$0x54E0]  }
0x2f3: {  	[tilespmem:s0+$0x0] =	vst.add.f32.msk $0xffff, v2  }
0x2f4: {  	s0 =	sor.u32 $0x1830, s30;
	v2 =	vld [tilespmem:s28+$0x6C60]  }
0x2f5: {  	[tilespmem:s0+$0x0] =	vst.add.f32.msk $0xffff, v0  }
0x2f6: {  	s0 =	sor.u32 $0x14E0, s30;
	v0 =	vld [tilespmem:s30+$0x5840]  }
0x2f7: {  	[tilespmem:s0+$0x0] =	vst.add.f32.msk $0xffff, v1  }
0x2f8: {  	s0 =	sor.u32 $0x2C60, s28;
	v1 =	vld [tilespmem:s30+$0x54F0]  }
0x2f9: {  	[tilespmem:s0+$0x0] =	vst.add.f32.msk $0xffff, v2  }
0x2fa: {  	s0 =	sor.u32 $0x1840, s30;
	v2 =	vld [tilespmem:s28+$0x6C70]  }
0x2fb: {  	[tilespmem:s0+$0x0] =	vst.add.f32.msk $0xffff, v0  }
0x2fc: {  	s0 =	sor.u32 $0x14F0, s30;
	v0 =	vld [tilespmem:s30+$0x5850]  }
0x2fd: {  	[tilespmem:s0+$0x0] =	vst.add.f32.msk $0xffff, v1  }
0x2fe: {  	s0 =	sor.u32 $0x2C70, s28;
	v1 =	vld [tilespmem:s30+$0x5880]  }
0x2ff: {  	[tilespmem:s0+$0x0] =	vst.add.f32.msk $0xffff, v2  }
0x300: {  	s0 =	sor.u32 $0x1850, s30;
	v2 =	vld [tilespmem:s28+$0x7000]  }
0x301: {  	[tilespmem:s0+$0x0] =	vst.add.f32.msk $0xffff, v0  }
0x302: {  	s0 =	sor.u32 $0x1880, s30;
	v0 =	vld [tilespmem:s30+$0x5860]  }
0x303: {  	[tilespmem:s0+$0x0] =	vst.add.f32.msk $0xffff, v1  }
0x304: {  	s0 =	sor.u32 $0x3000, s28;
	v1 =	vld [tilespmem:s30+$0x5890]  }
0x305: {  	[tilespmem:s0+$0x0] =	vst.add.f32.msk $0xffff, v2  }
0x306: {  	s0 =	sor.u32 $0x1860, s30;
	v2 =	vld [tilespmem:s28+$0x7010]  }
0x307: {  	[tilespmem:s0+$0x0] =	vst.add.f32.msk $0xffff, v0  }
0x308: {  	s0 =	sor.u32 $0x1890, s30;
	v0 =	vld [tilespmem:s30+$0x5870]  }
0x309: {  	[tilespmem:s0+$0x0] =	vst.add.f32.msk $0xffff, v1  }
0x30a: {  	s0 =	sor.u32 $0x3010, s28;
	v1 =	vld [tilespmem:s30+$0x58A0]  }
0x30b: {  	[tilespmem:s0+$0x0] =	vst.add.f32.msk $0xffff, v2  }
0x30c: {  	s0 =	sor.u32 $0x1870, s30;
	v2 =	vld [tilespmem:s28+$0x7020]  }
0x30d: {  	[tilespmem:s0+$0x0] =	vst.add.f32.msk $0xffff, v0  }
0x30e: {  	s0 =	sor.u32 $0x18A0, s30;
	v0 =	vld [tilespmem:s30+$0x5C00]  }
0x30f: {  	[tilespmem:s0+$0x0] =	vst.add.f32.msk $0xffff, v1  }
0x310: {  	s0 =	sor.u32 $0x3020, s28;
	v1 =	vld [tilespmem:s30+$0x58B0]  }
0x311: {  	[tilespmem:s0+$0x0] =	vst.add.f32.msk $0xffff, v2  }
0x312: {  	s0 =	sor.u32 $0x1C00, s30;
	v2 =	vld [tilespmem:s28+$0x7030]  }
0x313: {  	[tilespmem:s0+$0x0] =	vst.add.f32.msk $0xffff, v0  }
0x314: {  	s0 =	sor.u32 $0x18B0, s30;
	v0 =	vld [tilespmem:s30+$0x5C10]  }
0x315: {  	[tilespmem:s0+$0x0] =	vst.add.f32.msk $0xffff, v1  }
0x316: {  	s0 =	sor.u32 $0x3030, s28;
	v1 =	vld [tilespmem:s30+$0x58C0]  }
0x317: {  	[tilespmem:s0+$0x0] =	vst.add.f32.msk $0xffff, v2  }
0x318: {  	s0 =	sor.u32 $0x1C10, s30;
	v2 =	vld [tilespmem:s28+$0x7040]  }
0x319: {  	[tilespmem:s0+$0x0] =	vst.add.f32.msk $0xffff, v0  }
0x31a: {  	s0 =	sor.u32 $0x18C0, s30;
	v0 =	vld [tilespmem:s30+$0x5C20]  }
0x31b: {  	[tilespmem:s0+$0x0] =	vst.add.f32.msk $0xffff, v1  }
0x31c: {  	s0 =	sor.u32 $0x3040, s28;
	v1 =	vld [tilespmem:s30+$0x58D0]  }
0x31d: {  	[tilespmem:s0+$0x0] =	vst.add.f32.msk $0xffff, v2  }
0x31e: {  	s0 =	sor.u32 $0x1C20, s30;
	v2 =	vld [tilespmem:s28+$0x7050]  }
0x31f: {  	[tilespmem:s0+$0x0] =	vst.add.f32.msk $0xffff, v0  }
0x320: {  	s0 =	sor.u32 $0x18D0, s30;
	v0 =	vld [tilespmem:s30+$0x5C30]  }
0x321: {  	[tilespmem:s0+$0x0] =	vst.add.f32.msk $0xffff, v1  }
0x322: {  	s0 =	sor.u32 $0x3050, s28;
	v1 =	vld [tilespmem:s30+$0x58E0]  }
0x323: {  	[tilespmem:s0+$0x0] =	vst.add.f32.msk $0xffff, v2  }
0x324: {  	s0 =	sor.u32 $0x1C30, s30;
	v2 =	vld [tilespmem:s28+$0x7060]  }
0x325: {  	[tilespmem:s0+$0x0] =	vst.add.f32.msk $0xffff, v0  }
0x326: {  	s0 =	sor.u32 $0x18E0, s30;
	v0 =	vld [tilespmem:s30+$0x5C40]  }
0x327: {  	[tilespmem:s0+$0x0] =	vst.add.f32.msk $0xffff, v1  }
0x328: {  	s0 =	sor.u32 $0x3060, s28;
	v1 =	vld [tilespmem:s30+$0x58F0]  }
0x329: {  	[tilespmem:s0+$0x0] =	vst.add.f32.msk $0xffff, v2  }
0x32a: {  	s0 =	sor.u32 $0x1C40, s30;
	v2 =	vld [tilespmem:s28+$0x7070]  }
0x32b: {  	[tilespmem:s0+$0x0] =	vst.add.f32.msk $0xffff, v0  }
0x32c: {  	s0 =	sor.u32 $0x18F0, s30;
	v0 =	vld [tilespmem:s30+$0x5C50]  }
0x32d: {  	[tilespmem:s0+$0x0] =	vst.add.f32.msk $0xffff, v1  }
0x32e: {  	s0 =	sor.u32 $0x3070, s28;
	v1 =	vld [tilespmem:s30+$0x5C80]  }
0x32f: {  	[tilespmem:s0+$0x0] =	vst.add.f32.msk $0xffff, v2  }
0x330: {  	s0 =	sor.u32 $0x1C50, s30;
	v2 =	vld [tilespmem:s28+$0x7400]  }
0x331: {  	[tilespmem:s0+$0x0] =	vst.add.f32.msk $0xffff, v0  }
0x332: {  	s0 =	sor.u32 $0x1C80, s30;
	v0 =	vld [tilespmem:s30+$0x5C60]  }
0x333: {  	[tilespmem:s0+$0x0] =	vst.add.f32.msk $0xffff, v1  }
0x334: {  	s0 =	sor.u32 $0x3400, s28;
	v1 =	vld [tilespmem:s30+$0x5C90]  }
0x335: {  	[tilespmem:s0+$0x0] =	vst.add.f32.msk $0xffff, v2  }
0x336: {  	s0 =	sor.u32 $0x1C60, s30;
	v2 =	vld [tilespmem:s28+$0x7410]  }
0x337: {  	[tilespmem:s0+$0x0] =	vst.add.f32.msk $0xffff, v0  }
0x338: {  	s0 =	sor.u32 $0x1C90, s30;
	v0 =	vld [tilespmem:s30+$0x5C70]  }
0x339: {  	[tilespmem:s0+$0x0] =	vst.add.f32.msk $0xffff, v1  }
0x33a: {  	s0 =	sor.u32 $0x3410, s28;
	v1 =	vld [tilespmem:s30+$0x5CA0]  }
0x33b: {  	[tilespmem:s0+$0x0] =	vst.add.f32.msk $0xffff, v2  }
0x33c: {  	s0 =	sor.u32 $0x1C70, s30;
	v2 =	vld [tilespmem:s28+$0x7420]  }
0x33d: {  	[tilespmem:s0+$0x0] =	vst.add.f32.msk $0xffff, v0  }
0x33e: {  	s0 =	sor.u32 $0x1CA0, s30;
	v0 =	vld [tilespmem:s30+$0x6000]  }
0x33f: {  	[tilespmem:s0+$0x0] =	vst.add.f32.msk $0xffff, v1  }
0x340: {  	s0 =	sor.u32 $0x3420, s28;
	v1 =	vld [tilespmem:s30+$0x5CB0]  }
0x341: {  	[tilespmem:s0+$0x0] =	vst.add.f32.msk $0xffff, v2  }
0x342: {  	s0 =	sor.u32 $0x2000, s30;
	v2 =	vld [tilespmem:s28+$0x7430]  }
0x343: {  	[tilespmem:s0+$0x0] =	vst.add.f32.msk $0xffff, v0  }
0x344: {  	s0 =	sor.u32 $0x1CB0, s30;
	v0 =	vld [tilespmem:s30+$0x6010]  }
0x345: {  	[tilespmem:s0+$0x0] =	vst.add.f32.msk $0xffff, v1  }
0x346: {  	s0 =	sor.u32 $0x3430, s28;
	v1 =	vld [tilespmem:s30+$0x5CC0]  }
0x347: {  	[tilespmem:s0+$0x0] =	vst.add.f32.msk $0xffff, v2  }
0x348: {  	s0 =	sor.u32 $0x2010, s30;
	v2 =	vld [tilespmem:s28+$0x7440]  }
0x349: {  	[tilespmem:s0+$0x0] =	vst.add.f32.msk $0xffff, v0  }
0x34a: {  	s0 =	sor.u32 $0x1CC0, s30;
	v0 =	vld [tilespmem:s30+$0x6020]  }
0x34b: {  	[tilespmem:s0+$0x0] =	vst.add.f32.msk $0xffff, v1  }
0x34c: {  	s0 =	sor.u32 $0x3440, s28;
	v1 =	vld [tilespmem:s30+$0x5CD0]  }
0x34d: {  	[tilespmem:s0+$0x0] =	vst.add.f32.msk $0xffff, v2  }
0x34e: {  	s0 =	sor.u32 $0x2020, s30;
	v2 =	vld [tilespmem:s28+$0x7450]  }
0x34f: {  	[tilespmem:s0+$0x0] =	vst.add.f32.msk $0xffff, v0  }
0x350: {  	s0 =	sor.u32 $0x1CD0, s30;
	v0 =	vld [tilespmem:s30+$0x6030]  }
0x351: {  	[tilespmem:s0+$0x0] =	vst.add.f32.msk $0xffff, v1  }
0x352: {  	s0 =	sor.u32 $0x3450, s28;
	v1 =	vld [tilespmem:s30+$0x5CE0]  }
0x353: {  	[tilespmem:s0+$0x0] =	vst.add.f32.msk $0xffff, v2  }
0x354: {  	s0 =	sor.u32 $0x2030, s30;
	v2 =	vld [tilespmem:s28+$0x7460]  }
0x355: {  	[tilespmem:s0+$0x0] =	vst.add.f32.msk $0xffff, v0  }
0x356: {  	s0 =	sor.u32 $0x1CE0, s30;
	v0 =	vld [tilespmem:s30+$0x6040]  }
0x357: {  	[tilespmem:s0+$0x0] =	vst.add.f32.msk $0xffff, v1  }
0x358: {  	s0 =	sor.u32 $0x3460, s28;
	v1 =	vld [tilespmem:s30+$0x5CF0]  }
0x359: {  	[tilespmem:s0+$0x0] =	vst.add.f32.msk $0xffff, v2  }
0x35a: {  	s0 =	sor.u32 $0x2040, s30;
	v2 =	vld [tilespmem:s28+$0x7470]  }
0x35b: {  	[tilespmem:s0+$0x0] =	vst.add.f32.msk $0xffff, v0  }
0x35c: {  	s0 =	sor.u32 $0x1CF0, s30;
	v0 =	vld [tilespmem:s30+$0x6050]  }
0x35d: {  	[tilespmem:s0+$0x0] =	vst.add.f32.msk $0xffff, v1  }
0x35e: {  	s0 =	sor.u32 $0x3470, s28;
	v1 =	vld [tilespmem:s30+$0x6080]  }
0x35f: {  	[tilespmem:s0+$0x0] =	vst.add.f32.msk $0xffff, v2  }
0x360: {  	s0 =	sor.u32 $0x2050, s30;
	v2 =	vld [tilespmem:s28+$0x7800]  }
0x361: {  	[tilespmem:s0+$0x0] =	vst.add.f32.msk $0xffff, v0  }
0x362: {  	s0 =	sor.u32 $0x2080, s30;
	v0 =	vld [tilespmem:s30+$0x6060]  }
0x363: {  	[tilespmem:s0+$0x0] =	vst.add.f32.msk $0xffff, v1  }
0x364: {  	s0 =	sor.u32 $0x3800, s28;
	v1 =	vld [tilespmem:s30+$0x6090]  }
0x365: {  	[tilespmem:s0+$0x0] =	vst.add.f32.msk $0xffff, v2  }
0x366: {  	s0 =	sor.u32 $0x2060, s30;
	v2 =	vld [tilespmem:s28+$0x7810]  }
0x367: {  	[tilespmem:s0+$0x0] =	vst.add.f32.msk $0xffff, v0  }
0x368: {  	s0 =	sor.u32 $0x2090, s30;
	v0 =	vld [tilespmem:s30+$0x6070]  }
0x369: {  	[tilespmem:s0+$0x0] =	vst.add.f32.msk $0xffff, v1  }
0x36a: {  	s0 =	sor.u32 $0x3810, s28;
	v1 =	vld [tilespmem:s30+$0x60A0]  }
0x36b: {  	[tilespmem:s0+$0x0] =	vst.add.f32.msk $0xffff, v2  }
0x36c: {  	s0 =	sor.u32 $0x2070, s30;
	v2 =	vld [tilespmem:s28+$0x7820]  }
0x36d: {  	[tilespmem:s0+$0x0] =	vst.add.f32.msk $0xffff, v0  }
0x36e: {  	s0 =	sor.u32 $0x20A0, s30;
	v0 =	vld [tilespmem:s30+$0x6400]  }
0x36f: {  	[tilespmem:s0+$0x0] =	vst.add.f32.msk $0xffff, v1  }
0x370: {  	s0 =	sor.u32 $0x3820, s28;
	v1 =	vld [tilespmem:s30+$0x60B0]  }
0x371: {  	[tilespmem:s0+$0x0] =	vst.add.f32.msk $0xffff, v2  }
0x372: {  	s0 =	sor.u32 $0x2400, s30;
	v2 =	vld [tilespmem:s28+$0x7830]  }
0x373: {  	[tilespmem:s0+$0x0] =	vst.add.f32.msk $0xffff, v0  }
0x374: {  	s0 =	sor.u32 $0x20B0, s30;
	v0 =	vld [tilespmem:s30+$0x6410]  }
0x375: {  	[tilespmem:s0+$0x0] =	vst.add.f32.msk $0xffff, v1  }
0x376: {  	s0 =	sor.u32 $0x3830, s28;
	v1 =	vld [tilespmem:s30+$0x60C0]  }
0x377: {  	[tilespmem:s0+$0x0] =	vst.add.f32.msk $0xffff, v2  }
0x378: {  	s0 =	sor.u32 $0x2410, s30;
	v2 =	vld [tilespmem:s28+$0x7840]  }
0x379: {  	[tilespmem:s0+$0x0] =	vst.add.f32.msk $0xffff, v0  }
0x37a: {  	s0 =	sor.u32 $0x20C0, s30;
	v0 =	vld [tilespmem:s30+$0x6420]  }
0x37b: {  	[tilespmem:s0+$0x0] =	vst.add.f32.msk $0xffff, v1  }
0x37c: {  	s0 =	sor.u32 $0x3840, s28;
	v1 =	vld [tilespmem:s30+$0x60D0]  }
0x37d: {  	[tilespmem:s0+$0x0] =	vst.add.f32.msk $0xffff, v2  }
0x37e: {  	s0 =	sor.u32 $0x2420, s30;
	v2 =	vld [tilespmem:s28+$0x7850]  }
0x37f: {  	[tilespmem:s0+$0x0] =	vst.add.f32.msk $0xffff, v0  }
0x380: {  	s0 =	sor.u32 $0x20D0, s30;
	v0 =	vld [tilespmem:s30+$0x6430]  }
0x381: {  	[tilespmem:s0+$0x0] =	vst.add.f32.msk $0xffff, v1  }
0x382: {  	s0 =	sor.u32 $0x3850, s28;
	v1 =	vld [tilespmem:s30+$0x60E0]  }
0x383: {  	[tilespmem:s0+$0x0] =	vst.add.f32.msk $0xffff, v2  }
0x384: {  	s0 =	sor.u32 $0x2430, s30;
	v2 =	vld [tilespmem:s28+$0x7860]  }
0x385: {  	[tilespmem:s0+$0x0] =	vst.add.f32.msk $0xffff, v0  }
0x386: {  	s0 =	sor.u32 $0x20E0, s30;
	v0 =	vld [tilespmem:s30+$0x6440]  }
0x387: {  	[tilespmem:s0+$0x0] =	vst.add.f32.msk $0xffff, v1  }
0x388: {  	s0 =	sor.u32 $0x3860, s28;
	v1 =	vld [tilespmem:s30+$0x60F0]  }
0x389: {  	[tilespmem:s0+$0x0] =	vst.add.f32.msk $0xffff, v2  }
0x38a: {  	s0 =	sor.u32 $0x2440, s30;
	v2 =	vld [tilespmem:s28+$0x7870]  }
0x38b: {  	[tilespmem:s0+$0x0] =	vst.add.f32.msk $0xffff, v0  }
0x38c: {  	s0 =	sor.u32 $0x20F0, s30;
	v0 =	vld [tilespmem:s30+$0x6450]  }
0x38d: {  	[tilespmem:s0+$0x0] =	vst.add.f32.msk $0xffff, v1  }
0x38e: {  	s0 =	sor.u32 $0x3870, s28;
	v1 =	vld [tilespmem:s30+$0x6480]  }
0x38f: {  	[tilespmem:s0+$0x0] =	vst.add.f32.msk $0xffff, v2  }
0x390: {  	s0 =	sor.u32 $0x2450, s30;
	v2 =	vld [tilespmem:s28+$0x7C00]  }
0x391: {  	[tilespmem:s0+$0x0] =	vst.add.f32.msk $0xffff, v0  }
0x392: {  	s0 =	sor.u32 $0x2480, s30;
	v0 =	vld [tilespmem:s30+$0x6460]  }
0x393: {  	[tilespmem:s0+$0x0] =	vst.add.f32.msk $0xffff, v1  }
0x394: {  	s0 =	sor.u32 $0x3C00, s28;
	v1 =	vld [tilespmem:s30+$0x6490]  }
0x395: {  	[tilespmem:s0+$0x0] =	vst.add.f32.msk $0xffff, v2  }
0x396: {  	s0 =	sor.u32 $0x2460, s30;
	v2 =	vld [tilespmem:s28+$0x7C10]  }
0x397: {  	[tilespmem:s0+$0x0] =	vst.add.f32.msk $0xffff, v0  }
0x398: {  	s0 =	sor.u32 $0x2490, s30;
	v0 =	vld [tilespmem:s30+$0x6470]  }
0x399: {  	[tilespmem:s0+$0x0] =	vst.add.f32.msk $0xffff, v1  }
0x39a: {  	s0 =	sor.u32 $0x3C10, s28;
	v1 =	vld [tilespmem:s30+$0x64A0]  }
0x39b: {  	[tilespmem:s0+$0x0] =	vst.add.f32.msk $0xffff, v2  }
0x39c: {  	s0 =	sor.u32 $0x2470, s30;
	v2 =	vld [tilespmem:s28+$0x7C20]  }
0x39d: {  	[tilespmem:s0+$0x0] =	vst.add.f32.msk $0xffff, v0  }
0x39e: {  	s0 =	sor.u32 $0x24A0, s30;
	v0 =	vld [tilespmem:s30+$0x6800]  }
0x39f: {  	[tilespmem:s0+$0x0] =	vst.add.f32.msk $0xffff, v1  }
0x3a0: {  	s0 =	sor.u32 $0x3C20, s28;
	v1 =	vld [tilespmem:s30+$0x64B0]  }
0x3a1: {  	[tilespmem:s0+$0x0] =	vst.add.f32.msk $0xffff, v2  }
0x3a2: {  	s0 =	sor.u32 $0x2800, s30;
	v2 =	vld [tilespmem:s28+$0x7C30]  }
0x3a3: {  	[tilespmem:s0+$0x0] =	vst.add.f32.msk $0xffff, v0  }
0x3a4: {  	s0 =	sor.u32 $0x24B0, s30;
	v0 =	vld [tilespmem:s30+$0x6810]  }
0x3a5: {  	[tilespmem:s0+$0x0] =	vst.add.f32.msk $0xffff, v1  }
0x3a6: {  	s0 =	sor.u32 $0x3C30, s28;
	v1 =	vld [tilespmem:s30+$0x64C0]  }
0x3a7: {  	[tilespmem:s0+$0x0] =	vst.add.f32.msk $0xffff, v2  }
0x3a8: {  	s0 =	sor.u32 $0x2810, s30;
	v2 =	vld [tilespmem:s28+$0x7C40]  }
0x3a9: {  	[tilespmem:s0+$0x0] =	vst.add.f32.msk $0xffff, v0  }
0x3aa: {  	s0 =	sor.u32 $0x24C0, s30;
	v0 =	vld [tilespmem:s30+$0x6820]  }
0x3ab: {  	[tilespmem:s0+$0x0] =	vst.add.f32.msk $0xffff, v1  }
0x3ac: {  	s0 =	sor.u32 $0x3C40, s28;
	v1 =	vld [tilespmem:s30+$0x64D0]  }
0x3ad: {  	[tilespmem:s0+$0x0] =	vst.add.f32.msk $0xffff, v2  }
0x3ae: {  	s0 =	sor.u32 $0x2820, s30;
	v2 =	vld [tilespmem:s28+$0x7C50]  }
0x3af: {  	[tilespmem:s0+$0x0] =	vst.add.f32.msk $0xffff, v0  }
0x3b0: {  	s0 =	sor.u32 $0x24D0, s30;
	v0 =	vld [tilespmem:s30+$0x6830]  }
0x3b1: {  	[tilespmem:s0+$0x0] =	vst.add.f32.msk $0xffff, v1  }
0x3b2: {  	s0 =	sor.u32 $0x3C50, s28;
	v1 =	vld [tilespmem:s30+$0x64E0]  }
0x3b3: {  	[tilespmem:s0+$0x0] =	vst.add.f32.msk $0xffff, v2  }
0x3b4: {  	s0 =	sor.u32 $0x2830, s30;
	v2 =	vld [tilespmem:s28+$0x7C60]  }
0x3b5: {  	[tilespmem:s0+$0x0] =	vst.add.f32.msk $0xffff, v0  }
0x3b6: {  	s0 =	sor.u32 $0x24E0, s30;
	v0 =	vld [tilespmem:s30+$0x6840]  }
0x3b7: {  	[tilespmem:s0+$0x0] =	vst.add.f32.msk $0xffff, v1  }
0x3b8: {  	s0 =	sor.u32 $0x3C60, s28;
	v1 =	vld [tilespmem:s30+$0x64F0]  }
0x3b9: {  	[tilespmem:s0+$0x0] =	vst.add.f32.msk $0xffff, v2  }
0x3ba: {  	s0 =	sor.u32 $0x2840, s30;
	v2 =	vld [tilespmem:s28+$0x7C70]  }
.Ltmp0:
0x3bb: {  	[tilespmem:s0+$0x0] =	vst.add.f32.msk $0xffff, v0;
	(pc) =	sbr.rel @p0 .LBB2_3-.Ltmp0, $4  }
0x3bc: {  	s0 =	sor.u32 $0x24F0, s30;
	v0 =	vld [tilespmem:s30+$0x6850]  }
0x3bd: {  	[tilespmem:s0+$0x0] =	vst.add.f32.msk $0xffff, v1  }
0x3be: {  	s0 =	sor.u32 $0x3C70, s28;
	s28 =	smov.u32 s30;
	v1 =	vld [tilespmem:s30+$0x6880]  }
0x3bf: {  	[tilespmem:s0+$0x0] =	vst.add.f32.msk $0xffff, v2  }
0x3c0: {  	_ =	sdelay $0x1  }
0x3c1: {  	s0 =	sor.u32 $0x2880, s28  }
0x3c2: {  	[tilespmem:s0+$0x0] =	vst.add.f32.msk $0xffff, v1  }
0x3c3: {  	v1 =	vld [tilespmem:s28+$0x6890];
	_ =	sdelay $0x3  }
0x3c4: {  	s31 =	sor.u32 $0x2890, s28  }
0x3c5: {  	[tilespmem:s31+$0x0] =	vst.add.f32.msk $0xffff, v1  }
0x3c6: {  	v1 =	vld [tilespmem:s28+$0x68A0];
	_ =	sdelay $0x3  }
0x3c7: {  	s31 =	sor.u32 $0x28A0, s28  }
0x3c8: {  	[tilespmem:s31+$0x0] =	vst.add.f32.msk $0xffff, v1  }
0x3c9: {  	v1 =	vld [tilespmem:s28+$0x68B0];
	_ =	sdelay $0x3  }
0x3ca: {  	s31 =	sor.u32 $0x28B0, s28  }
0x3cb: {  	[tilespmem:s31+$0x0] =	vst.add.f32.msk $0xffff, v1  }
0x3cc: {  	v1 =	vld [tilespmem:s28+$0x68C0];
	_ =	sdelay $0x3  }
0x3cd: {  	s31 =	sor.u32 $0x28C0, s28  }
0x3ce: {  	[tilespmem:s31+$0x0] =	vst.add.f32.msk $0xffff, v1  }
0x3cf: {  	v1 =	vld [tilespmem:s28+$0x68D0];
	_ =	sdelay $0x3  }
0x3d0: {  	s31 =	sor.u32 $0x28D0, s28  }
0x3d1: {  	[tilespmem:s31+$0x0] =	vst.add.f32.msk $0xffff, v1  }
0x3d2: {  	s31 =	sor.u32 $0x2850, s28;
	v1 =	vld [tilespmem:s28+$0x68E0]  }
0x3d3: {  	[tilespmem:s31+$0x0] =	vst.add.f32.msk $0xffff, v0  }
0x3d4: {  	v0 =	vld [tilespmem:s28+$0x6860];
	_ =	sdelay $0x1  }
0x3d5: {  	s31 =	sor.u32 $0x28E0, s28  }
0x3d6: {  	[tilespmem:s31+$0x0] =	vst.add.f32.msk $0xffff, v1  }
0x3d7: {  	s31 =	sor.u32 $0x2860, s28;
	v1 =	vld [tilespmem:s28+$0x68F0]  }
0x3d8: {  	[tilespmem:s31+$0x0] =	vst.add.f32.msk $0xffff, v0  }
0x3d9: {  	v0 =	vld [tilespmem:s28+$0x6870];
	_ =	sdelay $0x1  }
0x3da: {  	s31 =	sor.u32 $0x28F0, s28  }
0x3db: {  	[tilespmem:s31+$0x0] =	vst.add.f32.msk $0xffff, v1  }
0x3dc: {  	s31 =	sor.u32 $0x2870, s28;
	v1 =	vld [tilespmem:s28+$0x6C80]  }
0x3dd: {  	[tilespmem:s31+$0x0] =	vst.add.f32.msk $0xffff, v0  }
0x3de: {  	v0 =	vld [tilespmem:s28+$0x6C00];
	_ =	sdelay $0x1  }
0x3df: {  	s31 =	sor.u32 $0x2C80, s28  }
0x3e0: {  	[tilespmem:s31+$0x0] =	vst.add.f32.msk $0xffff, v1  }
0x3e1: {  	s31 =	sor.u32 $0x2C00, s28;
	v1 =	vld [tilespmem:s28+$0x6C90]  }
0x3e2: {  	[tilespmem:s31+$0x0] =	vst.add.f32.msk $0xffff, v0  }
0x3e3: {  	v0 =	vld [tilespmem:s28+$0x6C10];
	_ =	sdelay $0x1  }
0x3e4: {  	s31 =	sor.u32 $0x2C90, s28  }
0x3e5: {  	[tilespmem:s31+$0x0] =	vst.add.f32.msk $0xffff, v1  }
0x3e6: {  	s31 =	sor.u32 $0x2C10, s28;
	v1 =	vld [tilespmem:s28+$0x6CA0]  }
0x3e7: {  	[tilespmem:s31+$0x0] =	vst.add.f32.msk $0xffff, v0  }
0x3e8: {  	v0 =	vld [tilespmem:s28+$0x6C20];
	_ =	sdelay $0x1  }
0x3e9: {  	s31 =	sor.u32 $0x2CA0, s28  }
0x3ea: {  	[tilespmem:s31+$0x0] =	vst.add.f32.msk $0xffff, v1  }
0x3eb: {  	s31 =	sor.u32 $0x2C20, s28;
	v1 =	vld [tilespmem:s28+$0x6CB0]  }
0x3ec: {  	[tilespmem:s31+$0x0] =	vst.add.f32.msk $0xffff, v0  }
0x3ed: {  	v0 =	vld [tilespmem:s28+$0x6C30];
	_ =	sdelay $0x1  }
0x3ee: {  	s31 =	sor.u32 $0x2CB0, s28  }
0x3ef: {  	[tilespmem:s31+$0x0] =	vst.add.f32.msk $0xffff, v1  }
0x3f0: {  	s31 =	sor.u32 $0x2C30, s28;
	v1 =	vld [tilespmem:s28+$0x6CC0]  }
0x3f1: {  	[tilespmem:s31+$0x0] =	vst.add.f32.msk $0xffff, v0  }
0x3f2: {  	v0 =	vld [tilespmem:s28+$0x6C40];
	_ =	sdelay $0x1  }
0x3f3: {  	s31 =	sor.u32 $0x2CC0, s28  }
0x3f4: {  	[tilespmem:s31+$0x0] =	vst.add.f32.msk $0xffff, v1  }
0x3f5: {  	s31 =	sor.u32 $0x2C40, s28;
	v1 =	vld [tilespmem:s28+$0x6CD0]  }
0x3f6: {  	[tilespmem:s31+$0x0] =	vst.add.f32.msk $0xffff, v0  }
0x3f7: {  	v0 =	vld [tilespmem:s28+$0x6C50];
	_ =	sdelay $0x1  }
0x3f8: {  	s31 =	sor.u32 $0x2CD0, s28  }
0x3f9: {  	[tilespmem:s31+$0x0] =	vst.add.f32.msk $0xffff, v1  }
0x3fa: {  	s31 =	sor.u32 $0x2C50, s28;
	v1 =	vld [tilespmem:s28+$0x6CE0]  }
0x3fb: {  	[tilespmem:s31+$0x0] =	vst.add.f32.msk $0xffff, v0  }
0x3fc: {  	v0 =	vld [tilespmem:s28+$0x6C60];
	_ =	sdelay $0x1  }
0x3fd: {  	s31 =	sor.u32 $0x2CE0, s28  }
0x3fe: {  	[tilespmem:s31+$0x0] =	vst.add.f32.msk $0xffff, v1  }
0x3ff: {  	s31 =	sor.u32 $0x2C60, s28;
	v1 =	vld [tilespmem:s28+$0x6CF0]  }
0x400: {  	[tilespmem:s31+$0x0] =	vst.add.f32.msk $0xffff, v0  }
0x401: {  	v0 =	vld [tilespmem:s28+$0x6C70];
	_ =	sdelay $0x1  }
0x402: {  	s31 =	sor.u32 $0x2CF0, s28  }
0x403: {  	[tilespmem:s31+$0x0] =	vst.add.f32.msk $0xffff, v1  }
0x404: {  	s31 =	sor.u32 $0x2C70, s28;
	v1 =	vld [tilespmem:s28+$0x7080]  }
0x405: {  	[tilespmem:s31+$0x0] =	vst.add.f32.msk $0xffff, v0  }
0x406: {  	v0 =	vld [tilespmem:s28+$0x7000];
	_ =	sdelay $0x1  }
0x407: {  	s31 =	sor.u32 $0x3080, s28  }
0x408: {  	[tilespmem:s31+$0x0] =	vst.add.f32.msk $0xffff, v1  }
0x409: {  	s31 =	sor.u32 $0x3000, s28;
	v1 =	vld [tilespmem:s28+$0x7090]  }
0x40a: {  	[tilespmem:s31+$0x0] =	vst.add.f32.msk $0xffff, v0  }
0x40b: {  	v0 =	vld [tilespmem:s28+$0x7010];
	_ =	sdelay $0x1  }
0x40c: {  	s31 =	sor.u32 $0x3090, s28  }
0x40d: {  	[tilespmem:s31+$0x0] =	vst.add.f32.msk $0xffff, v1  }
0x40e: {  	s31 =	sor.u32 $0x3010, s28;
	v1 =	vld [tilespmem:s28+$0x70A0]  }
0x40f: {  	[tilespmem:s31+$0x0] =	vst.add.f32.msk $0xffff, v0  }
0x410: {  	v0 =	vld [tilespmem:s28+$0x7020];
	_ =	sdelay $0x1  }
0x411: {  	s31 =	sor.u32 $0x30A0, s28  }
0x412: {  	[tilespmem:s31+$0x0] =	vst.add.f32.msk $0xffff, v1  }
0x413: {  	s31 =	sor.u32 $0x3020, s28;
	v1 =	vld [tilespmem:s28+$0x70B0]  }
0x414: {  	[tilespmem:s31+$0x0] =	vst.add.f32.msk $0xffff, v0  }
0x415: {  	v0 =	vld [tilespmem:s28+$0x7030];
	_ =	sdelay $0x1  }
0x416: {  	s31 =	sor.u32 $0x30B0, s28  }
0x417: {  	[tilespmem:s31+$0x0] =	vst.add.f32.msk $0xffff, v1  }
0x418: {  	s31 =	sor.u32 $0x3030, s28;
	v1 =	vld [tilespmem:s28+$0x70C0]  }
0x419: {  	[tilespmem:s31+$0x0] =	vst.add.f32.msk $0xffff, v0  }
0x41a: {  	v0 =	vld [tilespmem:s28+$0x7040];
	_ =	sdelay $0x1  }
0x41b: {  	s31 =	sor.u32 $0x30C0, s28  }
0x41c: {  	[tilespmem:s31+$0x0] =	vst.add.f32.msk $0xffff, v1  }
0x41d: {  	s31 =	sor.u32 $0x3040, s28;
	v1 =	vld [tilespmem:s28+$0x70D0]  }
0x41e: {  	[tilespmem:s31+$0x0] =	vst.add.f32.msk $0xffff, v0  }
0x41f: {  	v0 =	vld [tilespmem:s28+$0x7050];
	_ =	sdelay $0x1  }
0x420: {  	s31 =	sor.u32 $0x30D0, s28  }
0x421: {  	[tilespmem:s31+$0x0] =	vst.add.f32.msk $0xffff, v1  }
0x422: {  	s31 =	sor.u32 $0x3050, s28;
	v1 =	vld [tilespmem:s28+$0x70E0]  }
0x423: {  	[tilespmem:s31+$0x0] =	vst.add.f32.msk $0xffff, v0  }
0x424: {  	v0 =	vld [tilespmem:s28+$0x7060];
	_ =	sdelay $0x1  }
0x425: {  	s31 =	sor.u32 $0x30E0, s28  }
0x426: {  	[tilespmem:s31+$0x0] =	vst.add.f32.msk $0xffff, v1  }
0x427: {  	s31 =	sor.u32 $0x3060, s28;
	v1 =	vld [tilespmem:s28+$0x70F0]  }
0x428: {  	[tilespmem:s31+$0x0] =	vst.add.f32.msk $0xffff, v0  }
0x429: {  	v0 =	vld [tilespmem:s28+$0x7070];
	_ =	sdelay $0x1  }
0x42a: {  	s31 =	sor.u32 $0x30F0, s28  }
0x42b: {  	[tilespmem:s31+$0x0] =	vst.add.f32.msk $0xffff, v1  }
0x42c: {  	s31 =	sor.u32 $0x3070, s28;
	v1 =	vld [tilespmem:s28+$0x7480]  }
0x42d: {  	[tilespmem:s31+$0x0] =	vst.add.f32.msk $0xffff, v0  }
0x42e: {  	v0 =	vld [tilespmem:s28+$0x7400];
	_ =	sdelay $0x1  }
0x42f: {  	s31 =	sor.u32 $0x3480, s28  }
0x430: {  	[tilespmem:s31+$0x0] =	vst.add.f32.msk $0xffff, v1  }
0x431: {  	s31 =	sor.u32 $0x3400, s28;
	v1 =	vld [tilespmem:s28+$0x7490]  }
0x432: {  	[tilespmem:s31+$0x0] =	vst.add.f32.msk $0xffff, v0  }
0x433: {  	v0 =	vld [tilespmem:s28+$0x7410];
	_ =	sdelay $0x1  }
0x434: {  	s31 =	sor.u32 $0x3490, s28  }
0x435: {  	[tilespmem:s31+$0x0] =	vst.add.f32.msk $0xffff, v1  }
0x436: {  	s31 =	sor.u32 $0x3410, s28;
	v1 =	vld [tilespmem:s28+$0x74A0]  }
0x437: {  	[tilespmem:s31+$0x0] =	vst.add.f32.msk $0xffff, v0  }
0x438: {  	v0 =	vld [tilespmem:s28+$0x7420];
	_ =	sdelay $0x1  }
0x439: {  	s31 =	sor.u32 $0x34A0, s28  }
0x43a: {  	[tilespmem:s31+$0x0] =	vst.add.f32.msk $0xffff, v1  }
0x43b: {  	s31 =	sor.u32 $0x3420, s28;
	v1 =	vld [tilespmem:s28+$0x74B0]  }
0x43c: {  	[tilespmem:s31+$0x0] =	vst.add.f32.msk $0xffff, v0  }
0x43d: {  	v0 =	vld [tilespmem:s28+$0x7430];
	_ =	sdelay $0x1  }
0x43e: {  	s31 =	sor.u32 $0x34B0, s28  }
0x43f: {  	[tilespmem:s31+$0x0] =	vst.add.f32.msk $0xffff, v1  }
0x440: {  	s31 =	sor.u32 $0x3430, s28;
	v1 =	vld [tilespmem:s28+$0x74C0]  }
0x441: {  	[tilespmem:s31+$0x0] =	vst.add.f32.msk $0xffff, v0  }
0x442: {  	v0 =	vld [tilespmem:s28+$0x7440];
	_ =	sdelay $0x1  }
0x443: {  	s31 =	sor.u32 $0x34C0, s28  }
0x444: {  	[tilespmem:s31+$0x0] =	vst.add.f32.msk $0xffff, v1  }
0x445: {  	s31 =	sor.u32 $0x3440, s28;
	v1 =	vld [tilespmem:s28+$0x74D0]  }
0x446: {  	[tilespmem:s31+$0x0] =	vst.add.f32.msk $0xffff, v0  }
0x447: {  	v0 =	vld [tilespmem:s28+$0x7450];
	_ =	sdelay $0x1  }
0x448: {  	s31 =	sor.u32 $0x34D0, s28  }
0x449: {  	[tilespmem:s31+$0x0] =	vst.add.f32.msk $0xffff, v1  }
0x44a: {  	s31 =	sor.u32 $0x3450, s28;
	v1 =	vld [tilespmem:s28+$0x74E0]  }
0x44b: {  	[tilespmem:s31+$0x0] =	vst.add.f32.msk $0xffff, v0  }
0x44c: {  	v0 =	vld [tilespmem:s28+$0x7460];
	_ =	sdelay $0x1  }
0x44d: {  	s31 =	sor.u32 $0x34E0, s28  }
0x44e: {  	[tilespmem:s31+$0x0] =	vst.add.f32.msk $0xffff, v1  }
0x44f: {  	s31 =	sor.u32 $0x3460, s28;
	v1 =	vld [tilespmem:s28+$0x74F0]  }
0x450: {  	[tilespmem:s31+$0x0] =	vst.add.f32.msk $0xffff, v0  }
0x451: {  	v0 =	vld [tilespmem:s28+$0x7470];
	_ =	sdelay $0x1  }
0x452: {  	s31 =	sor.u32 $0x34F0, s28  }
0x453: {  	[tilespmem:s31+$0x0] =	vst.add.f32.msk $0xffff, v1  }
0x454: {  	s31 =	sor.u32 $0x3470, s28;
	v1 =	vld [tilespmem:s28+$0x7880]  }
0x455: {  	[tilespmem:s31+$0x0] =	vst.add.f32.msk $0xffff, v0  }
0x456: {  	v0 =	vld [tilespmem:s28+$0x7800];
	_ =	sdelay $0x1  }
0x457: {  	s31 =	sor.u32 $0x3880, s28  }
0x458: {  	[tilespmem:s31+$0x0] =	vst.add.f32.msk $0xffff, v1  }
0x459: {  	s31 =	sor.u32 $0x3800, s28;
	v1 =	vld [tilespmem:s28+$0x7890]  }
0x45a: {  	[tilespmem:s31+$0x0] =	vst.add.f32.msk $0xffff, v0  }
0x45b: {  	v0 =	vld [tilespmem:s28+$0x7810];
	_ =	sdelay $0x1  }
0x45c: {  	s31 =	sor.u32 $0x3890, s28  }
0x45d: {  	[tilespmem:s31+$0x0] =	vst.add.f32.msk $0xffff, v1  }
0x45e: {  	s31 =	sor.u32 $0x3810, s28;
	v1 =	vld [tilespmem:s28+$0x78A0]  }
0x45f: {  	[tilespmem:s31+$0x0] =	vst.add.f32.msk $0xffff, v0  }
0x460: {  	v0 =	vld [tilespmem:s28+$0x7820];
	_ =	sdelay $0x1  }
0x461: {  	s31 =	sor.u32 $0x38A0, s28  }
0x462: {  	[tilespmem:s31+$0x0] =	vst.add.f32.msk $0xffff, v1  }
0x463: {  	s31 =	sor.u32 $0x3820, s28;
	v1 =	vld [tilespmem:s28+$0x78B0]  }
0x464: {  	[tilespmem:s31+$0x0] =	vst.add.f32.msk $0xffff, v0  }
0x465: {  	v0 =	vld [tilespmem:s28+$0x7830];
	_ =	sdelay $0x1  }
0x466: {  	s31 =	sor.u32 $0x38B0, s28  }
0x467: {  	[tilespmem:s31+$0x0] =	vst.add.f32.msk $0xffff, v1  }
0x468: {  	s31 =	sor.u32 $0x3830, s28;
	v1 =	vld [tilespmem:s28+$0x78C0]  }
0x469: {  	[tilespmem:s31+$0x0] =	vst.add.f32.msk $0xffff, v0  }
0x46a: {  	v0 =	vld [tilespmem:s28+$0x7840];
	_ =	sdelay $0x1  }
0x46b: {  	s31 =	sor.u32 $0x38C0, s28  }
0x46c: {  	[tilespmem:s31+$0x0] =	vst.add.f32.msk $0xffff, v1  }
0x46d: {  	s31 =	sor.u32 $0x3840, s28;
	v1 =	vld [tilespmem:s28+$0x78D0]  }
0x46e: {  	[tilespmem:s31+$0x0] =	vst.add.f32.msk $0xffff, v0  }
0x46f: {  	v0 =	vld [tilespmem:s28+$0x7850];
	_ =	sdelay $0x1  }
0x470: {  	s31 =	sor.u32 $0x38D0, s28  }
0x471: {  	[tilespmem:s31+$0x0] =	vst.add.f32.msk $0xffff, v1  }
0x472: {  	s31 =	sor.u32 $0x3850, s28;
	v1 =	vld [tilespmem:s28+$0x78E0]  }
0x473: {  	[tilespmem:s31+$0x0] =	vst.add.f32.msk $0xffff, v0  }
0x474: {  	v0 =	vld [tilespmem:s28+$0x7860];
	_ =	sdelay $0x1  }
0x475: {  	s31 =	sor.u32 $0x38E0, s28  }
0x476: {  	[tilespmem:s31+$0x0] =	vst.add.f32.msk $0xffff, v1  }
0x477: {  	s31 =	sor.u32 $0x3860, s28;
	v1 =	vld [tilespmem:s28+$0x78F0]  }
0x478: {  	[tilespmem:s31+$0x0] =	vst.add.f32.msk $0xffff, v0  }
0x479: {  	v0 =	vld [tilespmem:s28+$0x7870];
	_ =	sdelay $0x1  }
0x47a: {  	s31 =	sor.u32 $0x38F0, s28  }
0x47b: {  	[tilespmem:s31+$0x0] =	vst.add.f32.msk $0xffff, v1  }
0x47c: {  	s31 =	sor.u32 $0x3870, s28;
	v1 =	vld [tilespmem:s28+$0x7C80]  }
0x47d: {  	[tilespmem:s31+$0x0] =	vst.add.f32.msk $0xffff, v0  }
0x47e: {  	v0 =	vld [tilespmem:s28+$0x7C00];
	_ =	sdelay $0x1  }
0x47f: {  	s31 =	sor.u32 $0x3C80, s28  }
0x480: {  	[tilespmem:s31+$0x0] =	vst.add.f32.msk $0xffff, v1  }
0x481: {  	s31 =	sor.u32 $0x3C00, s28;
	v1 =	vld [tilespmem:s28+$0x7C90]  }
0x482: {  	[tilespmem:s31+$0x0] =	vst.add.f32.msk $0xffff, v0  }
0x483: {  	v0 =	vld [tilespmem:s28+$0x7C10];
	_ =	sdelay $0x1  }
0x484: {  	s31 =	sor.u32 $0x3C90, s28  }
0x485: {  	[tilespmem:s31+$0x0] =	vst.add.f32.msk $0xffff, v1  }
0x486: {  	s31 =	sor.u32 $0x3C10, s28;
	v1 =	vld [tilespmem:s28+$0x7CA0]  }
0x487: {  	[tilespmem:s31+$0x0] =	vst.add.f32.msk $0xffff, v0  }
0x488: {  	v0 =	vld [tilespmem:s28+$0x7C20];
	_ =	sdelay $0x1  }
0x489: {  	s31 =	sor.u32 $0x3CA0, s28  }
0x48a: {  	[tilespmem:s31+$0x0] =	vst.add.f32.msk $0xffff, v1  }
0x48b: {  	s31 =	sor.u32 $0x3C20, s28;
	v1 =	vld [tilespmem:s28+$0x7CB0]  }
0x48c: {  	[tilespmem:s31+$0x0] =	vst.add.f32.msk $0xffff, v0  }
0x48d: {  	v0 =	vld [tilespmem:s28+$0x7C30];
	_ =	sdelay $0x1  }
0x48e: {  	s31 =	sor.u32 $0x3CB0, s28  }
0x48f: {  	[tilespmem:s31+$0x0] =	vst.add.f32.msk $0xffff, v1  }
0x490: {  	s31 =	sor.u32 $0x3C30, s28;
	v1 =	vld [tilespmem:s28+$0x7CC0]  }
0x491: {  	[tilespmem:s31+$0x0] =	vst.add.f32.msk $0xffff, v0  }
0x492: {  	v0 =	vld [tilespmem:s28+$0x7C40];
	_ =	sdelay $0x1  }
0x493: {  	s31 =	sor.u32 $0x3CC0, s28  }
0x494: {  	[tilespmem:s31+$0x0] =	vst.add.f32.msk $0xffff, v1  }
0x495: {  	s31 =	sor.u32 $0x3C40, s28;
	v1 =	vld [tilespmem:s28+$0x7CD0]  }
0x496: {  	[tilespmem:s31+$0x0] =	vst.add.f32.msk $0xffff, v0  }
0x497: {  	v0 =	vld [tilespmem:s28+$0x7C50];
	_ =	sdelay $0x1  }
0x498: {  	s31 =	sor.u32 $0x3CD0, s28  }
0x499: {  	[tilespmem:s31+$0x0] =	vst.add.f32.msk $0xffff, v1  }
0x49a: {  	s31 =	sor.u32 $0x3C50, s28;
	v1 =	vld [tilespmem:s28+$0x7CE0]  }
0x49b: {  	[tilespmem:s31+$0x0] =	vst.add.f32.msk $0xffff, v0  }
0x49c: {  	v0 =	vld [tilespmem:s28+$0x7C60];
	_ =	sdelay $0x1  }
0x49d: {  	s31 =	sor.u32 $0x3CE0, s28  }
0x49e: {  	[tilespmem:s31+$0x0] =	vst.add.f32.msk $0xffff, v1  }
0x49f: {  	s31 =	sor.u32 $0x3C60, s28;
	v1 =	vld [tilespmem:s28+$0x7CF0]  }
0x4a0: {  	[tilespmem:s31+$0x0] =	vst.add.f32.msk $0xffff, v0  }
0x4a1: {  	v0 =	vld [tilespmem:s28+$0x7C70];
	_ =	sdelay $0x1  }
0x4a2: {  	s31 =	sshll.u32 s26, $0xF  }
0x4a3: {  	s29 =	sor.u32 $0x3CF0, s28;
	s0 =	sadd.s32 s7, s31  }
0x4a4: {  	s28 =	sor.u32 $0x3C70, s28;
	s0 =	sshrl.u32 s0, $0x3;
	[tilespmem:s29+$0x0] =	vst.add.f32.msk $0xffff, v1  }
0x4a5: {  	p0 =	seq.s32 s26, $0x1F;
	s0 =	sadd.s32 s4, s0;
	[tilespmem:s28+$0x0] =	vst.add.f32.msk $0xffff, v0;
	s28 =	sshll.u32 s26, $0x4  }
0x4a6: {  	[hbm4b:s0+s5] =	stream.linear.scatter [tilespmem:s5], [sflag:$0x5], $0x4000, $0x38;
	[tilespmem:$0x10000] =	vst v63  }
0x4a7: {  	s0 =	sadd.s32 @!p0 s28, s13  }
0x4a8: {  	s29 =	simm.s32 @!p0 $0x5;
	s30 =	sshll.u32 @!p0 s0, $0xB  }
0x4a9: {  	_ =	swait.ge @!p0 [sflag:s29], $0x4000;
	s30 =	sadd.s32 @!p0 s6, s30  }
0x4aa: {  	s0 =	sshll.u32 @!p0 s0, $0x8;
	[sflag:s29] =	ssyncset.done @!p0 $0x0;
	s30 =	sshrl.u32 @!p0 s30, $0x3  }
0x4ab: {  	[sflag:s29] =	ssyncadd.s32 @!p0 $0xFFFFC000;
	s29 =	sadd.s32 @!p0 s2, s30;
	s30 =	simm.s32 @!p0 $0x0  }
0x4ac: {  	[tilespmem:s30], [sflag:$0x1] =	stream.linear.gather @!p0 [hbm4b:s29+s30], $0x4000, $0x38;
	[tilespmem:$0x10000] =	vst v63  }
0x4ad: {  	s0 =	sadd.s32 @!p0 s3, s0;
	s29 =	simm.s32 @!p0 $0x4000  }
0x4ae: {  	[tilespmem:s29], [sflag:$0x2] =	stream.linear.gather @!p0 [hbm4b:s0+s30], $0x4000, $0x38;
	[tilespmem:$0x10000] =	vst v63  }
0x4af: {  	_ =	swait.ge [sflag:s21], $0x4000  }
0x4b0: {  	[sflag:s21] =	ssyncset.done $0x0  }
0x4b1: {  	[sflag:s21] =	ssyncadd.s32 $0xFFFFC000  }
0x4b2: {  	_ =	swait.ge [sflag:s22], $0x4000  }
0x4b3: {  	[sflag:s22] =	ssyncset.done $0x0  }
0x4b4: {  	s29 =	simm.s32 $0x0;
	[sflag:s22] =	ssyncadd.s32 $0xFFFFC000  }
0x4b5: {  	v43 =	vld [tilespmem:s29+$0xC040]  }
0x4b6: {  	v44 =	vld [tilespmem:s29+$0xC030]  }
0x4b7: {  	v2 =	vld [tilespmem:s29+$0xC020]  }
0x4b8: {  	v3 =	vld [tilespmem:s29+$0xC010]  }
0x4b9: {  	v4 =	vld [tilespmem:s29+$0xC000]  }
0x4ba: {  	v5 =	vld [tilespmem:s29+$0xC050]  }
0x4bb: {  	v45 =	vld [tilespmem:s29+$0xC060]  }
0x4bc: {  	[tilespmem:s29+$0x8040] =	vst.add.f32.msk $0xffff, v43  }
0x4bd: {  	[tilespmem:s29+$0x8020] =	vst.add.f32.msk $0xffff, v2  }
0x4be: {  	[tilespmem:s29+$0x8010] =	vst.add.f32.msk $0xffff, v3  }
0x4bf: {  	[tilespmem:s29+$0x8000] =	vst.add.f32.msk $0xffff, v4  }
0x4c0: {  	[tilespmem:s29+$0x8030] =	vst.add.f32.msk $0xffff, v44  }
0x4c1: {  	[tilespmem:s29+$0x8050] =	vst.add.f32.msk $0xffff, v5  }
0x4c2: {  	[tilespmem:$0x1FCF0] =	vst v45  }
0x4c3: {  	v0 =	vld [tilespmem:s29+$0xC070];
	_ =	sdelay $0x4  }
0x4c4: {  	[tilespmem:$0x1FFE0] =	vst v0  }
0x4c5: {  	v0 =	vld [tilespmem:s29+$0xC400];
	_ =	sdelay $0x4  }
0x4c6: {  	[tilespmem:$0x1FFF0] =	vst v0  }
0x4c7: {  	v0 =	vld [tilespmem:s29+$0xC410];
	_ =	sdelay $0x4  }
0x4c8: {  	[tilespmem:$0x1FF10] =	vst v0  }
0x4c9: {  	v0 =	vld [tilespmem:s29+$0xC420];
	_ =	sdelay $0x4  }
0x4ca: {  	[tilespmem:$0x1FFB0] =	vst v0  }
0x4cb: {  	v0 =	vld [tilespmem:s29+$0xC440];
	_ =	sdelay $0x4  }
0x4cc: {  	v60 =	vld [tilespmem:s29+$0xC430];
	[tilespmem:$0x1FD10] =	vst v0  }
0x4cd: {  	v0 =	vld [tilespmem:s29+$0xC450];
	_ =	sdelay $0x4  }
0x4ce: {  	[tilespmem:$0x1FD70] =	vst v0  }
0x4cf: {  	v0 =	vld [tilespmem:s29+$0xC460];
	_ =	sdelay $0x4  }
0x4d0: {  	[tilespmem:$0x1FE10] =	vst v0  }
0x4d1: {  	v0 =	vld [tilespmem:s29+$0xC470];
	_ =	sdelay $0x4  }
0x4d2: {  	[tilespmem:$0x1FEE0] =	vst v0  }
0x4d3: {  	v0 =	vld [tilespmem:s29+$0xC800];
	_ =	sdelay $0x4  }
0x4d4: {  	[tilespmem:$0x1FF50] =	vst v0  }
0x4d5: {  	v0 =	vld [tilespmem:s29+$0xC810];
	_ =	sdelay $0x4  }
0x4d6: {  	[tilespmem:$0x1FFA0] =	vst v0  }
0x4d7: {  	v46 =	vld [tilespmem:s29+$0xC850];
	_ =	sdelay $0x2  }
0x4d8: {  	v0 =	vld [tilespmem:s29+$0xC820]  }
0x4d9: {  	v44 =	vld [tilespmem:s29+$0xC830]  }
0x4da: {  	v50 =	vld [tilespmem:s29+$0xC840];
	[tilespmem:$0x1FD00] =	vst v46  }
0x4db: {  	v1 =	vld [tilespmem:s29+$0xC860];
	_ =	sdelay $0x4  }
0x4dc: {  	[tilespmem:$0x1FD20] =	vst v1  }
0x4dd: {  	v1 =	vld [tilespmem:s29+$0xC870];
	_ =	sdelay $0x4  }
0x4de: {  	[tilespmem:$0x1FD50] =	vst v1  }
0x4df: {  	v1 =	vld [tilespmem:s29+$0xCC00];
	_ =	sdelay $0x4  }
0x4e0: {  	[tilespmem:$0x1FD90] =	vst v1  }
0x4e1: {  	v1 =	vld [tilespmem:s29+$0xCC10];
	_ =	sdelay $0x4  }
0x4e2: {  	[tilespmem:$0x1FDE0] =	vst v1  }
0x4e3: {  	v1 =	vld [tilespmem:s29+$0xCC20];
	_ =	sdelay $0x4  }
0x4e4: {  	[tilespmem:$0x1FE50] =	vst v1  }
0x4e5: {  	v1 =	vld [tilespmem:s29+$0xCC30];
	_ =	sdelay $0x4  }
0x4e6: {  	[tilespmem:$0x1FEC0] =	vst v1  }
0x4e7: {  	v1 =	vld [tilespmem:s29+$0xCC40];
	_ =	sdelay $0x4  }
0x4e8: {  	[tilespmem:$0x1FF00] =	vst v1  }
0x4e9: {  	v1 =	vld [tilespmem:s29+$0xCC50];
	_ =	sdelay $0x4  }
0x4ea: {  	[tilespmem:$0x1FF40] =	vst v1  }
0x4eb: {  	v1 =	vld [tilespmem:s29+$0xCC60];
	_ =	sdelay $0x4  }
0x4ec: {  	[tilespmem:$0x1FF80] =	vst v1  }
0x4ed: {  	v1 =	vld [tilespmem:s29+$0xCC70];
	_ =	sdelay $0x4  }
0x4ee: {  	[tilespmem:$0x1FF60] =	vst v1  }
0x4ef: {  	v1 =	vld [tilespmem:s29+$0xD010];
	_ =	sdelay $0x3  }
0x4f0: {  	[tilespmem:s29+$0x8820] =	vst.add.f32.msk $0xffff, v0  }
0x4f1: {  	v47 =	vld [tilespmem:s29+$0xD000];
	[tilespmem:$0x1FDF0] =	vst v1  }
0x4f2: {  	v1 =	vld [tilespmem:s29+$0xD020];
	_ =	sdelay $0x4  }
0x4f3: {  	[tilespmem:$0x1FF30] =	vst v1  }
0x4f4: {  	v32 =	vld [tilespmem:s29+$0xD030]  }
0x4f5: {  	v43 =	vld [tilespmem:s29+$0xD040]  }
0x4f6: {  	v48 =	vld [tilespmem:s29+$0xD050]  }
0x4f7: {  	v52 =	vld [tilespmem:s29+$0xD420]  }
0x4f8: {  	v61 =	vld [tilespmem:s29+$0xD060]  }
0x4f9: {  	[tilespmem:s29+$0x9000] =	vst.add.f32.msk $0xffff, v47  }
0x4fa: {  	v51 =	vld [tilespmem:s29+$0xD070]  }
0x4fb: {  	v56 =	vld [tilespmem:s29+$0xD400]  }
0x4fc: {  	v54 =	vld [tilespmem:s29+$0xD410];
	[tilespmem:$0x1FD30] =	vst v52  }
0x4fd: {  	v0 =	vld [tilespmem:s29+$0xD430];
	_ =	sdelay $0x4  }
0x4fe: {  	[tilespmem:$0x1FD40] =	vst v0  }
0x4ff: {  	v0 =	vld [tilespmem:s29+$0xD440];
	_ =	sdelay $0x4  }
0x500: {  	[tilespmem:$0x1FD60] =	vst v0  }
0x501: {  	v0 =	vld [tilespmem:s29+$0xD450];
	_ =	sdelay $0x4  }
0x502: {  	[tilespmem:$0x1FD80] =	vst v0  }
0x503: {  	v0 =	vld [tilespmem:s29+$0xD460];
	_ =	sdelay $0x4  }
0x504: {  	[tilespmem:$0x1FDB0] =	vst v0  }
0x505: {  	v0 =	vld [tilespmem:s29+$0xD470];
	_ =	sdelay $0x4  }
0x506: {  	[tilespmem:$0x1FDD0] =	vst v0  }
0x507: {  	v0 =	vld [tilespmem:s29+$0xD800];
	_ =	sdelay $0x4  }
0x508: {  	[tilespmem:$0x1FE00] =	vst v0  }
0x509: {  	v0 =	vld [tilespmem:s29+$0xD810];
	_ =	sdelay $0x4  }
0x50a: {  	[tilespmem:$0x1FE40] =	vst v0  }
0x50b: {  	v0 =	vld [tilespmem:s29+$0xD820];
	_ =	sdelay $0x4  }
0x50c: {  	[tilespmem:$0x1FE90] =	vst v0  }
0x50d: {  	v0 =	vld [tilespmem:s29+$0xD830];
	_ =	sdelay $0x4  }
0x50e: {  	[tilespmem:$0x1FEB0] =	vst v0  }
0x50f: {  	v0 =	vld [tilespmem:s29+$0xD840];
	_ =	sdelay $0x4  }
0x510: {  	[tilespmem:$0x1FE80] =	vst v0  }
0x511: {  	v0 =	vld [tilespmem:s29+$0xD850];
	_ =	sdelay $0x4  }
0x512: {  	[tilespmem:$0x1FE70] =	vst v0  }
0x513: {  	v0 =	vld [tilespmem:s29+$0xD870];
	_ =	sdelay $0x4  }
0x514: {  	v53 =	vld [tilespmem:s29+$0xD860];
	[tilespmem:$0x1FE30] =	vst v0  }
0x515: {  	v0 =	vld [tilespmem:s29+$0xDC10];
	_ =	sdelay $0x4  }
0x516: {  	v39 =	vld [tilespmem:s29+$0xDC00];
	[tilespmem:$0x1FDC0] =	vst v0  }
0x517: {  	v1 =	vld [tilespmem:s29+$0xDC30];
	_ =	sdelay $0x4  }
0x518: {  	v0 =	vld [tilespmem:s29+$0xDC20];
	[tilespmem:$0x1FF70] =	vst v1  }
0x519: {  	v23 =	vld [tilespmem:s29+$0xDC40]  }
0x51a: {  	v1 =	vld [tilespmem:s29+$0xDC50];
	_ =	sdelay $0x4  }
0x51b: {  	[tilespmem:$0x1FDA0] =	vst v1  }
0x51c: {  	v1 =	vld [tilespmem:s29+$0xE010];
	_ =	sdelay $0x2  }
0x51d: {  	v37 =	vld [tilespmem:s29+$0xDC60]  }
0x51e: {  	v55 =	vld [tilespmem:s29+$0xDC70]  }
0x51f: {  	v62 =	vld [tilespmem:s29+$0xE000];
	[tilespmem:$0x1FED0] =	vst v1  }
0x520: {  	[tilespmem:s29+$0x9C20] =	vst.add.f32.msk $0xffff, v0  }
0x521: {  	v40 =	vld [tilespmem:s29+$0xE020]  }
0x522: {  	v63 =	vld [tilespmem:s29+$0xE030]  }
0x523: {  	v16 =	vld [tilespmem:s29+$0xE040]  }
0x524: {  	v22 =	vld [tilespmem:s29+$0xE050]  }
0x525: {  	v57 =	vld [tilespmem:s29+$0xE430]  }
0x526: {  	v26 =	vld [tilespmem:s29+$0xE060]  }
0x527: {  	v28 =	vld [tilespmem:s29+$0xE070]  }
0x528: {  	v33 =	vld [tilespmem:s29+$0xE400]  }
0x529: {  	v35 =	vld [tilespmem:s29+$0xE410]  }
0x52a: {  	v42 =	vld [tilespmem:s29+$0xE420];
	[tilespmem:$0x1FFD0] =	vst v57  }
0x52b: {  	v45 =	vld [tilespmem:s29+$0xE440]  }
0x52c: {  	v41 =	vld [tilespmem:s29+$0xE450]  }
0x52d: {  	v38 =	vld [tilespmem:s29+$0xE460]  }
0x52e: {  	v49 =	vld [tilespmem:s29+$0xE470]  }
0x52f: {  	v36 =	vld [tilespmem:s29+$0xE800]  }
0x530: {  	v34 =	vld [tilespmem:s29+$0xE810]  }
0x531: {  	v30 =	vld [tilespmem:s29+$0xE820]  }
0x532: {  	v59 =	vld [tilespmem:s29+$0xE830]  }
0x533: {  	v24 =	vld [tilespmem:s29+$0xE840]  }
0x534: {  	[tilespmem:s29+$0x9C70] =	vst.add.f32.msk $0xffff, v55  }
0x535: {  	v21 =	vld [tilespmem:s29+$0xE850]  }
0x536: {  	v0 =	vld [tilespmem:s29+$0xEC30]  }
0x537: {  	v18 =	vld [tilespmem:s29+$0xE860]  }
0x538: {  	v57 =	vld [tilespmem:s29+$0xE870]  }
0x539: {  	v15 =	vld [tilespmem:s29+$0xEC00]  }
0x53a: {  	v13 =	vld [tilespmem:s29+$0xEC10]  }
0x53b: {  	v12 =	vld [tilespmem:s29+$0xEC20];
	[tilespmem:$0x1FEF0] =	vst v0  }
0x53c: {  	v0 =	vld [tilespmem:s29+$0xEC70];
	_ =	sdelay $0x2  }
0x53d: {  	v9 =	vld [tilespmem:s29+$0xEC40]  }
0x53e: {  	v7 =	vld [tilespmem:s29+$0xEC50]  }
0x53f: {  	v6 =	vld [tilespmem:s29+$0xEC60];
	[tilespmem:$0x1FE20] =	vst v0  }
0x540: {  	v0 =	vld [tilespmem:s29+$0xF030];
	_ =	sdelay $0x1  }
0x541: {  	[tilespmem:s29+$0x9860] =	vst.add.f32.msk $0xffff, v53  }
0x542: {  	v1 =	vld [tilespmem:s29+$0xF000]  }
0x543: {  	v2 =	vld [tilespmem:s29+$0xF010]  }
0x544: {  	v29 =	vld [tilespmem:s29+$0xF020];
	[tilespmem:$0x1FEA0] =	vst v0  }
0x545: {  	v0 =	vld [tilespmem:s29+$0xF070];
	_ =	sdelay $0x2  }
0x546: {  	v25 =	vld [tilespmem:s29+$0xF040]  }
0x547: {  	v53 =	vld [tilespmem:s29+$0xF050]  }
0x548: {  	v31 =	vld [tilespmem:s29+$0xF060];
	[tilespmem:$0x1FE60] =	vst v0  }
0x549: {  	v55 =	vld [tilespmem:s29+$0xF400]  }
0x54a: {  	v47 =	vld [tilespmem:s29+$0xF410]  }
0x54b: {  	v52 =	vld [tilespmem:s29+$0xF420]  }
0x54c: {  	v5 =	vld [tilespmem:s29+$0xF430]  }
0x54d: {  	v8 =	vld [tilespmem:s29+$0xF440]  }
0x54e: {  	[tilespmem:s29+$0xB060] =	vst.add.f32.msk $0xffff, v31  }
0x54f: {  	v46 =	vld [tilespmem:s29+$0xF450]  }
0x550: {  	v58 =	vld [tilespmem:s29+$0xF820]  }
0x551: {  	v19 =	vld [tilespmem:s29+$0xF460]  }
0x552: {  	v27 =	vld [tilespmem:s29+$0xF470]  }
0x553: {  	[tilespmem:s29+$0xB050] =	vst.add.f32.msk $0xffff, v53  }
0x554: {  	v11 =	vld [tilespmem:s29+$0xF800]  }
0x555: {  	v0 =	vld [tilespmem:s29+$0xF810];
	[tilespmem:$0x1FFC0] =	vst v58  }
0x556: {  	v3 =	vld [tilespmem:s29+$0xF830];
	_ =	sdelay $0x3  }
0x557: {  	[tilespmem:s29+$0xB040] =	vst.add.f32.msk $0xffff, v25  }
0x558: {  	[tilespmem:$0x1FF90] =	vst v3  }
0x559: {  	v3 =	vld [tilespmem:s29+$0xF840];
	_ =	sdelay $0x4  }
0x55a: {  	[tilespmem:$0x1FF20] =	vst v3  }
0x55b: {  	v4 =	vld [tilespmem:s29+$0xF860]  }
0x55c: {  	v31 =	vld [tilespmem:s29+$0xF870]  }
0x55d: {  	v20 =	vld [tilespmem:s29+$0xFC00]  }
0x55e: {  	[tilespmem:s29+$0xB020] =	vst.add.f32.msk $0xffff, v29  }
0x55f: {  	v17 =	vld [tilespmem:s29+$0xFC10]  }
0x560: {  	v14 =	vld [tilespmem:s29+$0xFC30]  }
0x561: {  	[tilespmem:s29+$0xB010] =	vst.add.f32.msk $0xffff, v2  }
0x562: {  	v10 =	vld [tilespmem:s29+$0xFC40]  }
0x563: {  	[tilespmem:s29+$0xB000] =	vst.add.f32.msk $0xffff, v1  }
0x564: {  	v3 =	vld [tilespmem:s29+$0xFC70]  }
0x565: {  	[tilespmem:s29+$0xA020] =	vst.add.f32.msk $0xffff, v40  }
0x566: {  	[tilespmem:s29+$0xA030] =	vst.add.f32.msk $0xffff, v63  }
0x567: {  	[tilespmem:s29+$0x9C00] =	vst.add.f32.msk $0xffff, v39  }
0x568: {  	[tilespmem:s29+$0xB810] =	vst.add.f32.msk $0xffff, v0  }
0x569: {  	v0 =	vld [tilespmem:s29+$0xC0B0]  }
0x56a: {  	v1 =	vld [tilespmem:s29+$0xC0C0]  }
0x56b: {  	v2 =	vld [tilespmem:s29+$0xC0D0]  }
0x56c: {  	[tilespmem:s29+$0xAC60] =	vst.add.f32.msk $0xffff, v6  }
0x56d: {  	[tilespmem:s29+$0x9030] =	vst.add.f32.msk $0xffff, v32  }
0x56e: {  	[tilespmem:s29+$0xB430] =	vst.add.f32.msk $0xffff, v5  }
0x56f: {  	[tilespmem:s29+$0xAC50] =	vst.add.f32.msk $0xffff, v7  }
0x570: {  	[tilespmem:s29+$0xAC40] =	vst.add.f32.msk $0xffff, v9  }
0x571: {  	v5 =	vld [tilespmem:s29+$0xC0E0]  }
0x572: {  	[tilespmem:s29+$0xA040] =	vst.add.f32.msk $0xffff, v16  }
0x573: {  	[tilespmem:s29+$0x8830] =	vst.add.f32.msk $0xffff, v44  }
0x574: {  	[tilespmem:s29+$0x9C40] =	vst.add.f32.msk $0xffff, v23  }
0x575: {  	v6 =	vld [tilespmem:s29+$0xC0F0]  }
0x576: {  	v7 =	vld [tilespmem:s29+$0xC480]  }
0x577: {  	[tilespmem:s29+$0xAC10] =	vst.add.f32.msk $0xffff, v13  }
0x578: {  	[tilespmem:s29+$0xAC20] =	vst.add.f32.msk $0xffff, v12  }
0x579: {  	[tilespmem:s29+$0xA050] =	vst.add.f32.msk $0xffff, v22  }
0x57a: {  	v9 =	vld [tilespmem:s29+$0xC490]  }
0x57b: {  	[tilespmem:s29+$0xB440] =	vst.add.f32.msk $0xffff, v8  }
0x57c: {  	[tilespmem:s29+$0xAC00] =	vst.add.f32.msk $0xffff, v15  }
0x57d: {  	[tilespmem:s29+$0x9040] =	vst.add.f32.msk $0xffff, v43  }
0x57e: {  	v12 =	vld [tilespmem:s29+$0xC4A0]  }
0x57f: {  	[tilespmem:s29+$0xA060] =	vst.add.f32.msk $0xffff, v26  }
0x580: {  	[tilespmem:s29+$0xA860] =	vst.add.f32.msk $0xffff, v18  }
0x581: {  	v13 =	vld [tilespmem:s29+$0xC4B0]  }
0x582: {  	[tilespmem:s29+$0x8430] =	vst.add.f32.msk $0xffff, v60  }
0x583: {  	[tilespmem:s29+$0xA070] =	vst.add.f32.msk $0xffff, v28  }
0x584: {  	v15 =	vld [tilespmem:s29+$0xC4C0]  }
0x585: {  	[tilespmem:s29+$0xB800] =	vst.add.f32.msk $0xffff, v11  }
0x586: {  	[tilespmem:s29+$0xA850] =	vst.add.f32.msk $0xffff, v21  }
0x587: {  	v16 =	vld [tilespmem:s29+$0xC4D0]  }
0x588: {  	[tilespmem:s29+$0xA840] =	vst.add.f32.msk $0xffff, v24  }
0x589: {  	[tilespmem:s29+$0x9050] =	vst.add.f32.msk $0xffff, v48  }
0x58a: {  	[tilespmem:s29+$0x9C60] =	vst.add.f32.msk $0xffff, v37  }
0x58b: {  	v18 =	vld [tilespmem:s29+$0xC4E0]  }
0x58c: {  	[tilespmem:s29+$0xA400] =	vst.add.f32.msk $0xffff, v33  }
0x58d: {  	[tilespmem:s29+$0x8840] =	vst.add.f32.msk $0xffff, v50  }
0x58e: {  	v21 =	vld [tilespmem:s29+$0xC4F0]  }
0x58f: {  	[tilespmem:s29+$0xA820] =	vst.add.f32.msk $0xffff, v30  }
0x590: {  	[tilespmem:s29+$0xA410] =	vst.add.f32.msk $0xffff, v35  }
0x591: {  	v22 =	vld [tilespmem:s29+$0xC880]  }
0x592: {  	[tilespmem:s29+$0xA810] =	vst.add.f32.msk $0xffff, v34  }
0x593: {  	[tilespmem:s29+$0x9060] =	vst.add.f32.msk $0xffff, v61  }
0x594: {  	v23 =	vld [tilespmem:s29+$0xC890]  }
0x595: {  	[tilespmem:s29+$0xB460] =	vst.add.f32.msk $0xffff, v19  }
0x596: {  	[tilespmem:s29+$0xA800] =	vst.add.f32.msk $0xffff, v36  }
0x597: {  	v24 =	vld [tilespmem:s29+$0xC8A0]  }
0x598: {  	[tilespmem:s29+$0xA460] =	vst.add.f32.msk $0xffff, v38  }
0x599: {  	[tilespmem:s29+$0xA420] =	vst.add.f32.msk $0xffff, v42  }
0x59a: {  	[tilespmem:s29+$0xA450] =	vst.add.f32.msk $0xffff, v41  }
0x59b: {  	v26 =	vld [tilespmem:s29+$0xC8B0]  }
0x59c: {  	[tilespmem:s29+$0x9070] =	vst.add.f32.msk $0xffff, v51  }
0x59d: {  	[tilespmem:s29+$0xB470] =	vst.add.f32.msk $0xffff, v27  }
0x59e: {  	[tilespmem:s29+$0xA440] =	vst.add.f32.msk $0xffff, v45  }
0x59f: {  	v27 =	vld [tilespmem:s29+$0xC8F0]  }
0x5a0: {  	v28 =	vld [tilespmem:s29+$0xCC80]  }
0x5a1: {  	v30 =	vld [tilespmem:s29+$0xCC90]  }
0x5a2: {  	v32 =	vld [tilespmem:s29+$0xCCA0]  }
0x5a3: {  	v33 =	vld [tilespmem:s29+$0xCCB0]  }
0x5a4: {  	v34 =	vld [tilespmem:s29+$0xCCC0]  }
0x5a5: {  	v35 =	vld [tilespmem:s29+$0xCCD0]  }
0x5a6: {  	v36 =	vld [tilespmem:s29+$0xCCE0]  }
0x5a7: {  	[tilespmem:s29+$0x80B0] =	vst.add.f32.msk $0xffff, v0  }
0x5a8: {  	[tilespmem:s29+$0x80C0] =	vst.add.f32.msk $0xffff, v1  }
0x5a9: {  	[tilespmem:s29+$0x80D0] =	vst.add.f32.msk $0xffff, v2  }
0x5aa: {  	[tilespmem:s29+$0x80E0] =	vst.add.f32.msk $0xffff, v5  }
0x5ab: {  	[tilespmem:s29+$0xBC70] =	vst.add.f32.msk $0xffff, v3  }
0x5ac: {  	[tilespmem:s29+$0xB860] =	vst.add.f32.msk $0xffff, v4  }
0x5ad: {  	[tilespmem:s29+$0x80F0] =	vst.add.f32.msk $0xffff, v6  }
0x5ae: {  	[tilespmem:s29+$0x8480] =	vst.add.f32.msk $0xffff, v7  }
0x5af: {  	[tilespmem:s29+$0x8490] =	vst.add.f32.msk $0xffff, v9  }
0x5b0: {  	[tilespmem:s29+$0x84A0] =	vst.add.f32.msk $0xffff, v12  }
0x5b1: {  	[tilespmem:s29+$0x84B0] =	vst.add.f32.msk $0xffff, v13  }
0x5b2: {  	[tilespmem:s29+$0x84C0] =	vst.add.f32.msk $0xffff, v15  }
0x5b3: {  	[tilespmem:s29+$0x84D0] =	vst.add.f32.msk $0xffff, v16  }
0x5b4: {  	[tilespmem:s29+$0x84E0] =	vst.add.f32.msk $0xffff, v18  }
0x5b5: {  	[tilespmem:s29+$0xBC40] =	vst.add.f32.msk $0xffff, v10  }
0x5b6: {  	[tilespmem:s29+$0x84F0] =	vst.add.f32.msk $0xffff, v21  }
0x5b7: {  	[tilespmem:s29+$0x8880] =	vst.add.f32.msk $0xffff, v22  }
0x5b8: {  	[tilespmem:s29+$0xBC30] =	vst.add.f32.msk $0xffff, v14  }
0x5b9: {  	[tilespmem:s29+$0x8890] =	vst.add.f32.msk $0xffff, v23  }
0x5ba: {  	[tilespmem:s29+$0x88A0] =	vst.add.f32.msk $0xffff, v24  }
0x5bb: {  	[tilespmem:s29+$0xBC10] =	vst.add.f32.msk $0xffff, v17  }
0x5bc: {  	[tilespmem:s29+$0x88B0] =	vst.add.f32.msk $0xffff, v26  }
0x5bd: {  	[tilespmem:s29+$0xBC00] =	vst.add.f32.msk $0xffff, v20  }
0x5be: {  	v0 =	vld [tilespmem:$0x1FD00]  }
0x5bf: {  	[tilespmem:s29+$0xA000] =	vst.add.f32.msk $0xffff, v62  }
0x5c0: {  	[tilespmem:s29+$0x88F0] =	vst.add.f32.msk $0xffff, v27  }
0x5c1: {  	[tilespmem:s29+$0x9400] =	vst.add.f32.msk $0xffff, v56  }
0x5c2: {  	[tilespmem:s29+$0x8C80] =	vst.add.f32.msk $0xffff, v28  }
0x5c3: {  	[tilespmem:s29+$0x8C90] =	vst.add.f32.msk $0xffff, v30  }
0x5c4: {  	[tilespmem:s29+$0x8850] =	vst.add.f32.msk $0xffff, v0  }
0x5c5: {  	v1 =	vld [tilespmem:$0x1FD10]  }
0x5c6: {  	[tilespmem:s29+$0x8CA0] =	vst.add.f32.msk $0xffff, v32  }
0x5c7: {  	[tilespmem:s29+$0xA470] =	vst.add.f32.msk $0xffff, v49  }
0x5c8: {  	[tilespmem:s29+$0x8CB0] =	vst.add.f32.msk $0xffff, v33  }
0x5c9: {  	[tilespmem:s29+$0x9410] =	vst.add.f32.msk $0xffff, v54  }
0x5ca: {  	[tilespmem:s29+$0x8CC0] =	vst.add.f32.msk $0xffff, v34  }
0x5cb: {  	[tilespmem:s29+$0x8CD0] =	vst.add.f32.msk $0xffff, v35  }
0x5cc: {  	[tilespmem:s29+$0x8440] =	vst.add.f32.msk $0xffff, v1  }
0x5cd: {  	v1 =	vld [tilespmem:$0x1FD20]  }
0x5ce: {  	v37 =	vld [tilespmem:s29+$0xCCF0]  }
0x5cf: {  	v38 =	vld [tilespmem:s29+$0xD080]  }
0x5d0: {  	v41 =	vld [tilespmem:s29+$0xD090]  }
0x5d1: {  	[tilespmem:s29+$0x8CE0] =	vst.add.f32.msk $0xffff, v36  }
0x5d2: {  	[tilespmem:s29+$0x8860] =	vst.add.f32.msk $0xffff, v1  }
0x5d3: {  	v3 =	vld [tilespmem:$0x1FD30]  }
0x5d4: {  	[tilespmem:s29+$0x8CF0] =	vst.add.f32.msk $0xffff, v37  }
0x5d5: {  	[tilespmem:s29+$0x9080] =	vst.add.f32.msk $0xffff, v38  }
0x5d6: {  	[tilespmem:s29+$0x9090] =	vst.add.f32.msk $0xffff, v41  }
0x5d7: {  	[tilespmem:s29+$0xA830] =	vst.add.f32.msk $0xffff, v59  }
0x5d8: {  	[tilespmem:s29+$0xB410] =	vst.add.f32.msk $0xffff, v47  }
0x5d9: {  	[tilespmem:s29+$0xB870] =	vst.add.f32.msk $0xffff, v31  }
0x5da: {  	[tilespmem:s29+$0xB450] =	vst.add.f32.msk $0xffff, v46  }
0x5db: {  	[tilespmem:s29+$0x9420] =	vst.add.f32.msk $0xffff, v3  }
0x5dc: {  	v0 =	vld [tilespmem:$0x1FD40];
	_ =	sdelay $0x3  }
0x5dd: {  	v25 =	vld [tilespmem:s29+$0xFC50]  }
0x5de: {  	[tilespmem:s29+$0x9430] =	vst.add.f32.msk $0xffff, v0  }
0x5df: {  	v0 =	vld [tilespmem:$0x1FD50];
	_ =	sdelay $0x2  }
0x5e0: {  	v29 =	vld [tilespmem:s29+$0xFC20]  }
0x5e1: {  	[tilespmem:s29+$0xBC50] =	vst.add.f32.msk $0xffff, v25  }
0x5e2: {  	[tilespmem:s29+$0x8870] =	vst.add.f32.msk $0xffff, v0  }
0x5e3: {  	v0 =	vld [tilespmem:$0x1FD60];
	_ =	sdelay $0x3  }
0x5e4: {  	[tilespmem:s29+$0xBC20] =	vst.add.f32.msk $0xffff, v29  }
0x5e5: {  	[tilespmem:s29+$0x9440] =	vst.add.f32.msk $0xffff, v0  }
0x5e6: {  	v0 =	vld [tilespmem:$0x1FD70];
	_ =	sdelay $0x3  }
0x5e7: {  	[tilespmem:s29+$0xA870] =	vst.add.f32.msk $0xffff, v57  }
0x5e8: {  	[tilespmem:s29+$0x8450] =	vst.add.f32.msk $0xffff, v0  }
0x5e9: {  	v0 =	vld [tilespmem:$0x1FD80];
	_ =	sdelay $0x4  }
0x5ea: {  	[tilespmem:s29+$0x9450] =	vst.add.f32.msk $0xffff, v0  }
0x5eb: {  	v0 =	vld [tilespmem:$0x1FD90];
	_ =	sdelay $0x4  }
0x5ec: {  	[tilespmem:s29+$0x8C00] =	vst.add.f32.msk $0xffff, v0  }
0x5ed: {  	v0 =	vld [tilespmem:$0x1FDA0];
	_ =	sdelay $0x4  }
0x5ee: {  	[tilespmem:s29+$0x9C50] =	vst.add.f32.msk $0xffff, v0  }
0x5ef: {  	v0 =	vld [tilespmem:$0x1FDB0];
	_ =	sdelay $0x3  }
0x5f0: {  	v53 =	vld [tilespmem:s29+$0xF850]  }
0x5f1: {  	[tilespmem:s29+$0x9460] =	vst.add.f32.msk $0xffff, v0  }
0x5f2: {  	v0 =	vld [tilespmem:$0x1FDC0]  }
0x5f3: {  	v58 =	vld [tilespmem:s29+$0xFC60]  }
0x5f4: {  	v63 =	vld [tilespmem:s29+$0xC080]  }
0x5f5: {  	v39 =	vld [tilespmem:s29+$0xC090]  }
0x5f6: {  	v40 =	vld [tilespmem:s29+$0xC0A0]  }
0x5f7: {  	[tilespmem:s29+$0x9C10] =	vst.add.f32.msk $0xffff, v0  }
0x5f8: {  	v0 =	vld [tilespmem:$0x1FDD0]  }
0x5f9: {  	v8 =	vld [tilespmem:s29+$0xD0A0]  }
0x5fa: {  	v48 =	vld [tilespmem:s29+$0xD0C0]  }
0x5fb: {  	v11 =	vld [tilespmem:s29+$0xD0F0]  }
0x5fc: {  	v45 =	vld [tilespmem:s29+$0xD4A0]  }
0x5fd: {  	[tilespmem:s29+$0x9470] =	vst.add.f32.msk $0xffff, v0  }
0x5fe: {  	v1 =	vld [tilespmem:$0x1FDE0]  }
0x5ff: {  	v43 =	vld [tilespmem:s29+$0xD4E0]  }
0x600: {  	v42 =	vld [tilespmem:s29+$0xD8D0]  }
0x601: {  	v19 =	vld [tilespmem:s29+$0xDCA0]  }
0x602: {  	v44 =	vld [tilespmem:s29+$0xDCB0]  }
0x603: {  	[tilespmem:s29+$0x8C10] =	vst.add.f32.msk $0xffff, v1  }
0x604: {  	v1 =	vld [tilespmem:$0x1FDF0]  }
0x605: {  	v50 =	vld [tilespmem:s29+$0xE0B0]  }
0x606: {  	v51 =	vld [tilespmem:s29+$0xE0C0]  }
0x607: {  	v60 =	vld [tilespmem:s29+$0xE4A0]  }
0x608: {  	v61 =	vld [tilespmem:s29+$0xE4B0]  }
0x609: {  	[tilespmem:s29+$0x9010] =	vst.add.f32.msk $0xffff, v1  }
0x60a: {  	v1 =	vld [tilespmem:$0x1FE00]  }
0x60b: {  	v9 =	vld [tilespmem:s29+$0xC8C0]  }
0x60c: {  	v6 =	vld [tilespmem:s29+$0xC8D0]  }
0x60d: {  	v7 =	vld [tilespmem:s29+$0xC8E0]  }
0x60e: {  	v10 =	vld [tilespmem:s29+$0xD0B0]  }
0x60f: {  	[tilespmem:s29+$0x9800] =	vst.add.f32.msk $0xffff, v1  }
0x610: {  	v1 =	vld [tilespmem:$0x1FE10]  }
0x611: {  	v12 =	vld [tilespmem:s29+$0xD480]  }
0x612: {  	v13 =	vld [tilespmem:s29+$0xD4B0]  }
0x613: {  	[tilespmem:s29+$0x8080] =	vst.add.f32.msk $0xffff, v63  }
0x614: {  	[tilespmem:s29+$0xB400] =	vst.add.f32.msk $0xffff, v55  }
0x615: {  	[tilespmem:s29+$0x8460] =	vst.add.f32.msk $0xffff, v1  }
0x616: {  	v1 =	vld [tilespmem:$0x1FE20]  }
0x617: {  	v14 =	vld [tilespmem:s29+$0xD4F0]  }
0x618: {  	v15 =	vld [tilespmem:s29+$0xD880]  }
0x619: {  	v16 =	vld [tilespmem:s29+$0xD890]  }
0x61a: {  	v26 =	vld [tilespmem:s29+$0xD8A0]  }
0x61b: {  	[tilespmem:s29+$0xAC70] =	vst.add.f32.msk $0xffff, v1  }
0x61c: {  	v1 =	vld [tilespmem:$0x1FE30]  }
0x61d: {  	v23 =	vld [tilespmem:s29+$0xD8E0]  }
0x61e: {  	v2 =	vld [tilespmem:s29+$0xD8F0]  }
0x61f: {  	v18 =	vld [tilespmem:s29+$0xDC80]  }
0x620: {  	v4 =	vld [tilespmem:s29+$0xDCC0]  }
0x621: {  	[tilespmem:s29+$0x9870] =	vst.add.f32.msk $0xffff, v1  }
0x622: {  	v1 =	vld [tilespmem:$0x1FE40]  }
0x623: {  	v5 =	vld [tilespmem:s29+$0xDCD0]  }
0x624: {  	v22 =	vld [tilespmem:s29+$0xDCF0]  }
0x625: {  	v56 =	vld [tilespmem:s29+$0xD0E0]  }
0x626: {  	v62 =	vld [tilespmem:s29+$0xE4C0]  }
0x627: {  	[tilespmem:s29+$0x9810] =	vst.add.f32.msk $0xffff, v1  }
0x628: {  	v1 =	vld [tilespmem:$0x1FE50]  }
0x629: {  	v24 =	vld [tilespmem:s29+$0xE8E0]  }
0x62a: {  	v54 =	vld [tilespmem:s29+$0xD0D0]  }
0x62b: {  	[tilespmem:s29+$0xBC60] =	vst.add.f32.msk $0xffff, v58  }
0x62c: {  	[tilespmem:s29+$0xB420] =	vst.add.f32.msk $0xffff, v52  }
0x62d: {  	[tilespmem:s29+$0x8C20] =	vst.add.f32.msk $0xffff, v1  }
0x62e: {  	v1 =	vld [tilespmem:$0x1FE60]  }
0x62f: {  	v35 =	vld [tilespmem:s29+$0xD490]  }
0x630: {  	v49 =	vld [tilespmem:s29+$0xD4C0]  }
0x631: {  	v33 =	vld [tilespmem:s29+$0xE4E0]  }
0x632: {  	v36 =	vld [tilespmem:s29+$0xE4F0]  }
0x633: {  	[tilespmem:s29+$0xB070] =	vst.add.f32.msk $0xffff, v1  }
0x634: {  	v1 =	vld [tilespmem:$0x1FE70]  }
0x635: {  	v46 =	vld [tilespmem:s29+$0xDCE0]  }
0x636: {  	v47 =	vld [tilespmem:s29+$0xE090]  }
0x637: {  	v59 =	vld [tilespmem:s29+$0xE490]  }
0x638: {  	v37 =	vld [tilespmem:s29+$0xE880]  }
0x639: {  	[tilespmem:s29+$0x9850] =	vst.add.f32.msk $0xffff, v1  }
0x63a: {  	v1 =	vld [tilespmem:$0x1FE80]  }
0x63b: {  	v38 =	vld [tilespmem:s29+$0xE890]  }
0x63c: {  	v41 =	vld [tilespmem:s29+$0xE8A0]  }
0x63d: {  	v3 =	vld [tilespmem:s29+$0xDC90]  }
0x63e: {  	v29 =	vld [tilespmem:s29+$0xD8B0]  }
0x63f: {  	[tilespmem:s29+$0x9840] =	vst.add.f32.msk $0xffff, v1  }
0x640: {  	v25 =	vld [tilespmem:$0x1FE90]  }
0x641: {  	v57 =	vld [tilespmem:s29+$0xD4D0]  }
0x642: {  	v0 =	vld [tilespmem:s29+$0xD8C0]  }
0x643: {  	v55 =	vld [tilespmem:s29+$0xE0F0]  }
0x644: {  	v63 =	vld [tilespmem:s29+$0xE4D0]  }
0x645: {  	[tilespmem:s29+$0x9820] =	vst.add.f32.msk $0xffff, v25  }
0x646: {  	v30 =	vld [tilespmem:$0x1FEA0]  }
0x647: {  	v52 =	vld [tilespmem:s29+$0xE0D0]  }
0x648: {  	v58 =	vld [tilespmem:s29+$0xE480]  }
0x649: {  	[tilespmem:s29+$0xB850] =	vst.add.f32.msk $0xffff, v53  }
0x64a: {  	[tilespmem:s29+$0x9CB0] =	vst.add.f32.msk $0xffff, v44  }
0x64b: {  	[tilespmem:s29+$0xB030] =	vst.add.f32.msk $0xffff, v30  }
0x64c: {  	v20 =	vld [tilespmem:$0x1FEB0]  }
0x64d: {  	v1 =	vld [tilespmem:s29+$0xE080]  }
0x64e: {  	v25 =	vld [tilespmem:s29+$0xE0A0]  }
0x64f: {  	v44 =	vld [tilespmem:s29+$0xE8C0]  }
0x650: {  	v53 =	vld [tilespmem:s29+$0xF080]  }
0x651: {  	[tilespmem:s29+$0x9830] =	vst.add.f32.msk $0xffff, v20  }
0x652: {  	v32 =	vld [tilespmem:$0x1FEC0]  }
0x653: {  	v20 =	vld [tilespmem:s29+$0xE0E0]  }
0x654: {  	[tilespmem:s29+$0xA0F0] =	vst.add.f32.msk $0xffff, v55  }
0x655: {  	[tilespmem:s29+$0x98D0] =	vst.add.f32.msk $0xffff, v42  }
0x656: {  	[tilespmem:s29+$0xA480] =	vst.add.f32.msk $0xffff, v58  }
0x657: {  	[tilespmem:s29+$0x8C30] =	vst.add.f32.msk $0xffff, v32  }
0x658: {  	v17 =	vld [tilespmem:$0x1FED0]  }
0x659: {  	v42 =	vld [tilespmem:s29+$0xE8B0]  }
0x65a: {  	v55 =	vld [tilespmem:s29+$0xF090]  }
0x65b: {  	v58 =	vld [tilespmem:s29+$0xF0A0]  }
0x65c: {  	[tilespmem:s29+$0xA4B0] =	vst.add.f32.msk $0xffff, v61  }
0x65d: {  	[tilespmem:s29+$0xA010] =	vst.add.f32.msk $0xffff, v17  }
0x65e: {  	v17 =	vld [tilespmem:$0x1FEE0]  }
0x65f: {  	[tilespmem:s29+$0xA490] =	vst.add.f32.msk $0xffff, v59  }
0x660: {  	[tilespmem:s29+$0x94B0] =	vst.add.f32.msk $0xffff, v13  }
0x661: {  	[tilespmem:s29+$0xA0B0] =	vst.add.f32.msk $0xffff, v50  }
0x662: {  	[tilespmem:s29+$0xA0D0] =	vst.add.f32.msk $0xffff, v52  }
0x663: {  	[tilespmem:s29+$0xA0C0] =	vst.add.f32.msk $0xffff, v51  }
0x664: {  	[tilespmem:s29+$0x8470] =	vst.add.f32.msk $0xffff, v17  }
0x665: {  	v27 =	vld [tilespmem:$0x1FEF0]  }
0x666: {  	[tilespmem:s29+$0xA4C0] =	vst.add.f32.msk $0xffff, v62  }
0x667: {  	[tilespmem:s29+$0xA090] =	vst.add.f32.msk $0xffff, v47  }
0x668: {  	[tilespmem:s29+$0xA4D0] =	vst.add.f32.msk $0xffff, v63  }
0x669: {  	[tilespmem:s29+$0xA4E0] =	vst.add.f32.msk $0xffff, v33  }
0x66a: {  	[tilespmem:s29+$0xA4F0] =	vst.add.f32.msk $0xffff, v36  }
0x66b: {  	[tilespmem:s29+$0xAC30] =	vst.add.f32.msk $0xffff, v27  }
0x66c: {  	v13 =	vld [tilespmem:$0x1FF00]  }
0x66d: {  	v61 =	vld [tilespmem:s29+$0xF0D0]  }
0x66e: {  	v50 =	vld [tilespmem:s29+$0xECD0]  }
0x66f: {  	v51 =	vld [tilespmem:s29+$0xECE0]  }
0x670: {  	v52 =	vld [tilespmem:s29+$0xECF0]  }
0x671: {  	[tilespmem:s29+$0x8C40] =	vst.add.f32.msk $0xffff, v13  }
0x672: {  	v27 =	vld [tilespmem:$0x1FF10]  }
0x673: {  	v59 =	vld [tilespmem:s29+$0xF0B0]  }
0x674: {  	[tilespmem:s29+$0x9CE0] =	vst.add.f32.msk $0xffff, v46  }
0x675: {  	[tilespmem:s29+$0xA890] =	vst.add.f32.msk $0xffff, v38  }
0x676: {  	[tilespmem:s29+$0xA8A0] =	vst.add.f32.msk $0xffff, v41  }
0x677: {  	[tilespmem:s29+$0x8410] =	vst.add.f32.msk $0xffff, v27  }
0x678: {  	v17 =	vld [tilespmem:$0x1FF20]  }
0x679: {  	v47 =	vld [tilespmem:s29+$0xECC0]  }
0x67a: {  	v62 =	vld [tilespmem:s29+$0xF0E0]  }
0x67b: {  	v63 =	vld [tilespmem:s29+$0xF0F0]  }
0x67c: {  	v46 =	vld [tilespmem:s29+$0xE8D0]  }
0x67d: {  	[tilespmem:s29+$0xB840] =	vst.add.f32.msk $0xffff, v17  }
0x67e: {  	v21 =	vld [tilespmem:$0x1FF30]  }
0x67f: {  	[tilespmem:s29+$0xA8B0] =	vst.add.f32.msk $0xffff, v42  }
0x680: {  	[tilespmem:s29+$0x90F0] =	vst.add.f32.msk $0xffff, v11  }
0x681: {  	[tilespmem:s29+$0x9480] =	vst.add.f32.msk $0xffff, v12  }
0x682: {  	[tilespmem:s29+$0xA8D0] =	vst.add.f32.msk $0xffff, v46  }
0x683: {  	[tilespmem:s29+$0x94F0] =	vst.add.f32.msk $0xffff, v14  }
0x684: {  	[tilespmem:s29+$0x9880] =	vst.add.f32.msk $0xffff, v15  }
0x685: {  	[tilespmem:s29+$0x9890] =	vst.add.f32.msk $0xffff, v16  }
0x686: {  	[tilespmem:s29+$0xA880] =	vst.add.f32.msk $0xffff, v37  }
0x687: {  	[tilespmem:s29+$0x9C80] =	vst.add.f32.msk $0xffff, v18  }
0x688: {  	[tilespmem:s29+$0xA8C0] =	vst.add.f32.msk $0xffff, v44  }
0x689: {  	[tilespmem:s29+$0x9CA0] =	vst.add.f32.msk $0xffff, v19  }
0x68a: {  	[tilespmem:s29+$0x80A0] =	vst.add.f32.msk $0xffff, v40  }
0x68b: {  	[tilespmem:s29+$0x8090] =	vst.add.f32.msk $0xffff, v39  }
0x68c: {  	[tilespmem:s29+$0x9CF0] =	vst.add.f32.msk $0xffff, v22  }
0x68d: {  	[tilespmem:s29+$0x9020] =	vst.add.f32.msk $0xffff, v21  }
0x68e: {  	v12 =	vld [tilespmem:$0x1FF40]  }
0x68f: {  	v36 =	vld [tilespmem:s29+$0xF480]  }
0x690: {  	v13 =	vld [tilespmem:s29+$0xEC90]  }
0x691: {  	v38 =	vld [tilespmem:s29+$0xF4A0]  }
0x692: {  	[tilespmem:s29+$0xA4A0] =	vst.add.f32.msk $0xffff, v60  }
0x693: {  	[tilespmem:s29+$0x8C50] =	vst.add.f32.msk $0xffff, v12  }
0x694: {  	v16 =	vld [tilespmem:$0x1FF50]  }
0x695: {  	v41 =	vld [tilespmem:s29+$0xF4D0]  }
0x696: {  	v11 =	vld [tilespmem:s29+$0xE8F0]  }
0x697: {  	v14 =	vld [tilespmem:s29+$0xECA0]  }
0x698: {  	v15 =	vld [tilespmem:s29+$0xECB0]  }
0x699: {  	[tilespmem:s29+$0x8800] =	vst.add.f32.msk $0xffff, v16  }
0x69a: {  	v18 =	vld [tilespmem:$0x1FF60]  }
0x69b: {  	v37 =	vld [tilespmem:s29+$0xF490]  }
0x69c: {  	v39 =	vld [tilespmem:s29+$0xF4B0]  }
0x69d: {  	v40 =	vld [tilespmem:s29+$0xF4C0]  }
0x69e: {  	v42 =	vld [tilespmem:s29+$0xF4E0]  }
0x69f: {  	[tilespmem:s29+$0x8C70] =	vst.add.f32.msk $0xffff, v18  }
0x6a0: {  	v18 =	vld [tilespmem:$0x1FF70]  }
0x6a1: {  	v44 =	vld [tilespmem:s29+$0xF4F0]  }
0x6a2: {  	v46 =	vld [tilespmem:s29+$0xF880]  }
0x6a3: {  	v60 =	vld [tilespmem:s29+$0xF0C0]  }
0x6a4: {  	[tilespmem:s29+$0xA0A0] =	vst.add.f32.msk $0xffff, v25  }
0x6a5: {  	[tilespmem:s29+$0x9C30] =	vst.add.f32.msk $0xffff, v18  }
0x6a6: {  	v21 =	vld [tilespmem:$0x1FF80]  }
0x6a7: {  	v12 =	vld [tilespmem:s29+$0xEC80]  }
0x6a8: {  	[tilespmem:s29+$0xACE0] =	vst.add.f32.msk $0xffff, v51  }
0x6a9: {  	[tilespmem:s29+$0xACF0] =	vst.add.f32.msk $0xffff, v52  }
0x6aa: {  	v51 =	vld [tilespmem:s29+$0xF8B0]  }
0x6ab: {  	[tilespmem:s29+$0x8C60] =	vst.add.f32.msk $0xffff, v21  }
0x6ac: {  	v27 =	vld [tilespmem:$0x1FF90]  }
0x6ad: {  	v52 =	vld [tilespmem:s29+$0xF8C0]  }
0x6ae: {  	[tilespmem:s29+$0xA0E0] =	vst.add.f32.msk $0xffff, v20  }
0x6af: {  	[tilespmem:s29+$0xB090] =	vst.add.f32.msk $0xffff, v55  }
0x6b0: {  	v55 =	vld [tilespmem:s29+$0xF8F0]  }
0x6b1: {  	[tilespmem:s29+$0xB830] =	vst.add.f32.msk $0xffff, v27  }
0x6b2: {  	v22 =	vld [tilespmem:$0x1FFA0]  }
0x6b3: {  	[tilespmem:s29+$0xB080] =	vst.add.f32.msk $0xffff, v53  }
0x6b4: {  	[tilespmem:s29+$0xB4A0] =	vst.add.f32.msk $0xffff, v38  }
0x6b5: {  	[tilespmem:s29+$0xB0D0] =	vst.add.f32.msk $0xffff, v61  }
0x6b6: {  	[tilespmem:s29+$0xB0C0] =	vst.add.f32.msk $0xffff, v60  }
0x6b7: {  	[tilespmem:s29+$0xB4B0] =	vst.add.f32.msk $0xffff, v39  }
0x6b8: {  	[tilespmem:s29+$0xB0E0] =	vst.add.f32.msk $0xffff, v62  }
0x6b9: {  	[tilespmem:s29+$0xB4C0] =	vst.add.f32.msk $0xffff, v40  }
0x6ba: {  	[tilespmem:s29+$0xB0B0] =	vst.add.f32.msk $0xffff, v59  }
0x6bb: {  	[tilespmem:s29+$0xB490] =	vst.add.f32.msk $0xffff, v37  }
0x6bc: {  	[tilespmem:s29+$0xB0F0] =	vst.add.f32.msk $0xffff, v63  }
0x6bd: {  	[tilespmem:s29+$0xB480] =	vst.add.f32.msk $0xffff, v36  }
0x6be: {  	[tilespmem:s29+$0xB0A0] =	vst.add.f32.msk $0xffff, v58  }
0x6bf: {  	[tilespmem:s29+$0xACC0] =	vst.add.f32.msk $0xffff, v47  }
0x6c0: {  	[tilespmem:s29+$0xACB0] =	vst.add.f32.msk $0xffff, v15  }
0x6c1: {  	[tilespmem:s29+$0xACD0] =	vst.add.f32.msk $0xffff, v50  }
0x6c2: {  	[tilespmem:s29+$0xB4D0] =	vst.add.f32.msk $0xffff, v41  }
0x6c3: {  	[tilespmem:s29+$0xAC80] =	vst.add.f32.msk $0xffff, v12  }
0x6c4: {  	[tilespmem:s29+$0xAC90] =	vst.add.f32.msk $0xffff, v13  }
0x6c5: {  	[tilespmem:s29+$0xA8E0] =	vst.add.f32.msk $0xffff, v24  }
0x6c6: {  	[tilespmem:s29+$0x9CD0] =	vst.add.f32.msk $0xffff, v5  }
0x6c7: {  	[tilespmem:s29+$0x9CC0] =	vst.add.f32.msk $0xffff, v4  }
0x6c8: {  	[tilespmem:s29+$0x9C90] =	vst.add.f32.msk $0xffff, v3  }
0x6c9: {  	[tilespmem:s29+$0x98F0] =	vst.add.f32.msk $0xffff, v2  }
0x6ca: {  	[tilespmem:s29+$0x98C0] =	vst.add.f32.msk $0xffff, v0  }
0x6cb: {  	[tilespmem:s29+$0x94E0] =	vst.add.f32.msk $0xffff, v43  }
0x6cc: {  	[tilespmem:s29+$0x94D0] =	vst.add.f32.msk $0xffff, v57  }
0x6cd: {  	[tilespmem:s29+$0x90E0] =	vst.add.f32.msk $0xffff, v56  }
0x6ce: {  	[tilespmem:s29+$0x90D0] =	vst.add.f32.msk $0xffff, v54  }
0x6cf: {  	[tilespmem:s29+$0x88C0] =	vst.add.f32.msk $0xffff, v9  }
0x6d0: {  	v47 =	vld [tilespmem:s29+$0xF890]  }
0x6d1: {  	v50 =	vld [tilespmem:s29+$0xF8A0]  }
0x6d2: {  	v53 =	vld [tilespmem:s29+$0xF8D0]  }
0x6d3: {  	v54 =	vld [tilespmem:s29+$0xF8E0]  }
0x6d4: {  	v56 =	vld [tilespmem:s29+$0xFC80]  }
0x6d5: {  	v57 =	vld [tilespmem:s29+$0xFC90]  }
0x6d6: {  	v58 =	vld [tilespmem:s29+$0xFCA0]  }
0x6d7: {  	v59 =	vld [tilespmem:s29+$0xFCB0]  }
0x6d8: {  	v60 =	vld [tilespmem:s29+$0xFCC0]  }
0x6d9: {  	[tilespmem:s29+$0x8810] =	vst.add.f32.msk $0xffff, v22  }
0x6da: {  	v4 =	vld [tilespmem:$0x1FFB0]  }
0x6db: {  	v61 =	vld [tilespmem:s29+$0xFCD0]  }
0x6dc: {  	v62 =	vld [tilespmem:s29+$0xFCE0]  }
0x6dd: {  	v63 =	vld [tilespmem:s29+$0xFCF0]  }
0x6de: {  	[tilespmem:s29+$0xB4E0] =	vst.add.f32.msk $0xffff, v42  }
0x6df: {  	[tilespmem:s29+$0x8420] =	vst.add.f32.msk $0xffff, v4  }
0x6e0: {  	v4 =	vld [tilespmem:$0x1FFC0]  }
0x6e1: {  	[tilespmem:s29+$0xB8A0] =	vst.add.f32.msk $0xffff, v50  }
0x6e2: {  	[tilespmem:s29+$0xB8B0] =	vst.add.f32.msk $0xffff, v51  }
0x6e3: {  	[tilespmem:s29+$0xB4F0] =	vst.add.f32.msk $0xffff, v44  }
0x6e4: {  	[tilespmem:s29+$0xB8F0] =	vst.add.f32.msk $0xffff, v55  }
0x6e5: {  	[tilespmem:s29+$0xA080] =	vst.add.f32.msk $0xffff, v1  }
0x6e6: {  	[tilespmem:s29+$0xBC80] =	vst.add.f32.msk $0xffff, v56  }
0x6e7: {  	[tilespmem:s29+$0xACA0] =	vst.add.f32.msk $0xffff, v14  }
0x6e8: {  	[tilespmem:s29+$0xBCA0] =	vst.add.f32.msk $0xffff, v58  }
0x6e9: {  	[tilespmem:s29+$0xA8F0] =	vst.add.f32.msk $0xffff, v11  }
0x6ea: {  	[tilespmem:s29+$0x98B0] =	vst.add.f32.msk $0xffff, v29  }
0x6eb: {  	[tilespmem:s29+$0x94C0] =	vst.add.f32.msk $0xffff, v49  }
0x6ec: {  	[tilespmem:s29+$0x98E0] =	vst.add.f32.msk $0xffff, v23  }
0x6ed: {  	[tilespmem:s29+$0x94A0] =	vst.add.f32.msk $0xffff, v45  }
0x6ee: {  	[tilespmem:s29+$0x90C0] =	vst.add.f32.msk $0xffff, v48  }
0x6ef: {  	[tilespmem:s29+$0xB820] =	vst.add.f32.msk $0xffff, v4  }
0x6f0: {  	v1 =	vld [tilespmem:$0x1FFD0]  }
0x6f1: {  	[tilespmem:s29+$0xB8D0] =	vst.add.f32.msk $0xffff, v53  }
0x6f2: {  	[tilespmem:s29+$0xB8C0] =	vst.add.f32.msk $0xffff, v52  }
0x6f3: {  	[tilespmem:s29+$0xB890] =	vst.add.f32.msk $0xffff, v47  }
0x6f4: {  	[tilespmem:s29+$0xBCB0] =	vst.add.f32.msk $0xffff, v59  }
0x6f5: {  	[tilespmem:s29+$0xB8E0] =	vst.add.f32.msk $0xffff, v54  }
0x6f6: {  	[tilespmem:s29+$0xB880] =	vst.add.f32.msk $0xffff, v46  }
0x6f7: {  	[tilespmem:s29+$0xBCC0] =	vst.add.f32.msk $0xffff, v60  }
0x6f8: {  	[tilespmem:s29+$0x98A0] =	vst.add.f32.msk $0xffff, v26  }
0x6f9: {  	[tilespmem:s29+$0x88E0] =	vst.add.f32.msk $0xffff, v7  }
0x6fa: {  	[tilespmem:s29+$0x90B0] =	vst.add.f32.msk $0xffff, v10  }
0x6fb: {  	[tilespmem:s29+$0x9490] =	vst.add.f32.msk $0xffff, v35  }
0x6fc: {  	[tilespmem:s29+$0xBC90] =	vst.add.f32.msk $0xffff, v57  }
0x6fd: {  	[tilespmem:s29+$0x88D0] =	vst.add.f32.msk $0xffff, v6  }
0x6fe: {  	[tilespmem:s29+$0xBCD0] =	vst.add.f32.msk $0xffff, v61  }
0x6ff: {  	[tilespmem:s29+$0xBCE0] =	vst.add.f32.msk $0xffff, v62  }
0x700: {  	[tilespmem:s29+$0xBCF0] =	vst.add.f32.msk $0xffff, v63  }
0x701: {  	[tilespmem:s29+$0xA430] =	vst.add.f32.msk $0xffff, v1  }
0x702: {  	v0 =	vld [tilespmem:$0x1FFE0];
	_ =	sdelay $0x3  }
0x703: {  	[tilespmem:s29+$0x90A0] =	vst.add.f32.msk $0xffff, v8  }
0x704: {  	[tilespmem:s29+$0x8070] =	vst.add.f32.msk $0xffff, v0  }
0x705: {  	v0 =	vld [tilespmem:$0x1FFF0];
	_ =	sdelay $0x4  }
0x706: {  	s26 =	sadd.s32 $0x1, s26;
	s30 =	simm.s32 $0x2;
	[tilespmem:s29+$0x8400] =	vst.add.f32.msk $0xffff, v0  }
.LBB2_5:
0x707: {  	v0 =	vld [tilespmem:$0x1FCF0];
	_ =	sdelay $0x4  }
0x708: {  	[tilespmem:s29+$0x8060] =	vst.add.f32.msk $0xffff, v0;
	s29 =	sshll.u32 s30, $0x7  }
0x709: {  	v0 =	vld [tilespmem:s29+$0xC040]  }
0x70a: {  	v1 =	vld [tilespmem:s29+$0xC030]  }
0x70b: {  	v2 =	vld [tilespmem:s29+$0xC020]  }
0x70c: {  	v3 =	vld [tilespmem:s29+$0xC010]  }
0x70d: {  	v4 =	vld [tilespmem:s29+$0xC000]  }
0x70e: {  	v5 =	vld [tilespmem:s29+$0xC050]  }
0x70f: {  	v6 =	vld [tilespmem:s29+$0xC060]  }
0x710: {  	v7 =	vld [tilespmem:s29+$0xC070]  }
0x711: {  	v8 =	vld [tilespmem:s29+$0xC400]  }
0x712: {  	v9 =	vld [tilespmem:s29+$0xC410]  }
0x713: {  	v10 =	vld [tilespmem:s29+$0xC420]  }
0x714: {  	v51 =	vld [tilespmem:s29+$0xC430]  }
0x715: {  	v11 =	vld [tilespmem:s29+$0xC440]  }
0x716: {  	v12 =	vld [tilespmem:s29+$0xC450]  }
0x717: {  	v13 =	vld [tilespmem:s29+$0xC460]  }
0x718: {  	v14 =	vld [tilespmem:s29+$0xC470]  }
0x719: {  	v15 =	vld [tilespmem:s29+$0xC800]  }
0x71a: {  	v16 =	vld [tilespmem:s29+$0xC810]  }
0x71b: {  	v17 =	vld [tilespmem:s29+$0xC820]  }
0x71c: {  	v43 =	vld [tilespmem:s29+$0xC830]  }
0x71d: {  	v52 =	vld [tilespmem:s29+$0xC840]  }
0x71e: {  	v18 =	vld [tilespmem:s29+$0xC850]  }
0x71f: {  	v19 =	vld [tilespmem:s29+$0xC860]  }
0x720: {  	v20 =	vld [tilespmem:s29+$0xC870]  }
0x721: {  	[tilespmem:s29+$0x8040] =	vst.add.f32.msk $0xffff, v0  }
0x722: {  	[tilespmem:s29+$0x8020] =	vst.add.f32.msk $0xffff, v2  }
0x723: {  	[tilespmem:s29+$0x8010] =	vst.add.f32.msk $0xffff, v3  }
0x724: {  	[tilespmem:s29+$0x8000] =	vst.add.f32.msk $0xffff, v4  }
0x725: {  	[tilespmem:s29+$0x8030] =	vst.add.f32.msk $0xffff, v1  }
0x726: {  	[tilespmem:s29+$0x8050] =	vst.add.f32.msk $0xffff, v5  }
0x727: {  	v21 =	vld [tilespmem:s29+$0xCC00];
	[tilespmem:$0x1FCF0] =	vst v6  }
0x728: {  	v22 =	vld [tilespmem:s29+$0xCC10];
	[tilespmem:$0x1FCD0] =	vst v7  }
0x729: {  	v23 =	vld [tilespmem:s29+$0xCC20];
	[tilespmem:$0x1FCE0] =	vst v8  }
0x72a: {  	v24 =	vld [tilespmem:s29+$0xCC30];
	[tilespmem:$0x1FBE0] =	vst v9  }
0x72b: {  	v25 =	vld [tilespmem:s29+$0xCC40];
	[tilespmem:$0x1FCA0] =	vst v10  }
0x72c: {  	v26 =	vld [tilespmem:s29+$0xCC50];
	[tilespmem:$0x1F9E0] =	vst v11  }
0x72d: {  	v27 =	vld [tilespmem:s29+$0xCC60];
	[tilespmem:$0x1FA40] =	vst v12  }
0x72e: {  	v28 =	vld [tilespmem:s29+$0xCC70];
	[tilespmem:$0x1FAE0] =	vst v13  }
0x72f: {  	v29 =	vld [tilespmem:s29+$0xD000];
	[tilespmem:$0x1FBB0] =	vst v14  }
0x730: {  	v35 =	vld [tilespmem:s29+$0xD010];
	[tilespmem:$0x1FC40] =	vst v15  }
0x731: {  	v36 =	vld [tilespmem:s29+$0xD020];
	[tilespmem:$0x1FC90] =	vst v16  }
0x732: {  	v32 =	vld [tilespmem:s29+$0xD030];
	[tilespmem:$0x1F9D0] =	vst v18  }
0x733: {  	v42 =	vld [tilespmem:s29+$0xD040];
	[tilespmem:$0x1F9F0] =	vst v19  }
0x734: {  	v48 =	vld [tilespmem:s29+$0xD050];
	[tilespmem:$0x1FA20] =	vst v20  }
0x735: {  	v62 =	vld [tilespmem:s29+$0xD060];
	[tilespmem:$0x1FA60] =	vst v21  }
0x736: {  	v53 =	vld [tilespmem:s29+$0xD070];
	[tilespmem:$0x1FAB0] =	vst v22  }
0x737: {  	v58 =	vld [tilespmem:s29+$0xD400];
	[tilespmem:$0x1FB20] =	vst v23  }
0x738: {  	v56 =	vld [tilespmem:s29+$0xD410];
	[tilespmem:$0x1FB90] =	vst v24  }
0x739: {  	v37 =	vld [tilespmem:s29+$0xD420];
	[tilespmem:$0x1FBD0] =	vst v25  }
0x73a: {  	v38 =	vld [tilespmem:s29+$0xD430];
	[tilespmem:$0x1FC30] =	vst v26  }
0x73b: {  	v39 =	vld [tilespmem:s29+$0xD440];
	[tilespmem:$0x1FC70] =	vst v27  }
0x73c: {  	v40 =	vld [tilespmem:s29+$0xD450];
	[tilespmem:$0x1FC50] =	vst v28  }
0x73d: {  	[tilespmem:s29+$0x8820] =	vst.add.f32.msk $0xffff, v17  }
0x73e: {  	v41 =	vld [tilespmem:s29+$0xD460];
	[tilespmem:$0x1FAC0] =	vst v35  }
0x73f: {  	v44 =	vld [tilespmem:s29+$0xD470];
	[tilespmem:$0x1FC00] =	vst v36  }
0x740: {  	[tilespmem:s29+$0x9000] =	vst.add.f32.msk $0xffff, v29  }
0x741: {  	v45 =	vld [tilespmem:s29+$0xD800];
	[tilespmem:$0x1FA00] =	vst v37  }
0x742: {  	v46 =	vld [tilespmem:s29+$0xD810];
	[tilespmem:$0x1FA10] =	vst v38  }
0x743: {  	v47 =	vld [tilespmem:s29+$0xD820];
	[tilespmem:$0x1FA30] =	vst v39  }
0x744: {  	v49 =	vld [tilespmem:s29+$0xD830];
	[tilespmem:$0x1FA50] =	vst v40  }
0x745: {  	v50 =	vld [tilespmem:s29+$0xD840];
	[tilespmem:$0x1FA80] =	vst v41  }
0x746: {  	v54 =	vld [tilespmem:s29+$0xD850];
	[tilespmem:$0x1FAA0] =	vst v44  }
0x747: {  	v55 =	vld [tilespmem:s29+$0xD860];
	[tilespmem:$0x1FAD0] =	vst v45  }
0x748: {  	[tilespmem:$0x1FB10] =	vst v46;
	v9 =	vld [tilespmem:s29+$0xD870]  }
0x749: {  	[tilespmem:$0x1FB60] =	vst v47;
	v10 =	vld [tilespmem:s29+$0xDC10]  }
0x74a: {  	[tilespmem:$0x1FB80] =	vst v49;
	v12 =	vld [tilespmem:s29+$0xDC30]  }
0x74b: {  	[tilespmem:$0x1FB50] =	vst v50;
	v13 =	vld [tilespmem:s29+$0xDC50]  }
0x74c: {  	[tilespmem:$0x1FB40] =	vst v54;
	v19 =	vld [tilespmem:s29+$0xDC00]  }
0x74d: {  	v11 =	vld [tilespmem:s29+$0xDC20];
	[tilespmem:$0x1FB00] =	vst v9  }
0x74e: {  	v25 =	vld [tilespmem:s29+$0xDC40];
	[tilespmem:$0x1FA90] =	vst v10  }
0x74f: {  	v37 =	vld [tilespmem:s29+$0xDC60];
	[tilespmem:$0x1FC60] =	vst v12  }
0x750: {  	v14 =	vld [tilespmem:s29+$0xDC70];
	[tilespmem:$0x1FA70] =	vst v13  }
0x751: {  	v50 =	vld [tilespmem:s29+$0xE000]  }
0x752: {  	v18 =	vld [tilespmem:s29+$0xE010]  }
0x753: {  	[tilespmem:s29+$0x9C20] =	vst.add.f32.msk $0xffff, v11  }
0x754: {  	v10 =	vld [tilespmem:s29+$0xE020]  }
0x755: {  	v16 =	vld [tilespmem:s29+$0xE030]  }
0x756: {  	v24 =	vld [tilespmem:s29+$0xE050]  }
0x757: {  	v27 =	vld [tilespmem:s29+$0xE060]  }
0x758: {  	v29 =	vld [tilespmem:s29+$0xE070]  }
0x759: {  	v33 =	vld [tilespmem:s29+$0xE400]  }
0x75a: {  	v35 =	vld [tilespmem:s29+$0xE410]  }
0x75b: {  	v41 =	vld [tilespmem:s29+$0xE420]  }
0x75c: {  	v20 =	vld [tilespmem:s29+$0xE430]  }
0x75d: {  	v45 =	vld [tilespmem:s29+$0xE440]  }
0x75e: {  	v40 =	vld [tilespmem:s29+$0xE450]  }
0x75f: {  	v38 =	vld [tilespmem:s29+$0xE460]  }
0x760: {  	v49 =	vld [tilespmem:s29+$0xE470]  }
0x761: {  	v36 =	vld [tilespmem:s29+$0xE800]  }
0x762: {  	v34 =	vld [tilespmem:s29+$0xE810]  }
0x763: {  	v30 =	vld [tilespmem:s29+$0xE820]  }
0x764: {  	v61 =	vld [tilespmem:s29+$0xE830]  }
0x765: {  	v26 =	vld [tilespmem:s29+$0xE840]  }
0x766: {  	[tilespmem:s29+$0x9C70] =	vst.add.f32.msk $0xffff, v14  }
0x767: {  	v23 =	vld [tilespmem:s29+$0xE850]  }
0x768: {  	v59 =	vld [tilespmem:s29+$0xE870]  }
0x769: {  	v17 =	vld [tilespmem:s29+$0xEC00]  }
0x76a: {  	v12 =	vld [tilespmem:s29+$0xEC10]  }
0x76b: {  	v15 =	vld [tilespmem:s29+$0xEC20]  }
0x76c: {  	v21 =	vld [tilespmem:s29+$0xEC30]  }
0x76d: {  	v9 =	vld [tilespmem:s29+$0xEC40]  }
0x76e: {  	v6 =	vld [tilespmem:s29+$0xEC50]  }
0x76f: {  	v5 =	vld [tilespmem:s29+$0xEC60]  }
0x770: {  	v22 =	vld [tilespmem:s29+$0xEC70]  }
0x771: {  	[tilespmem:s29+$0x9860] =	vst.add.f32.msk $0xffff, v55  }
0x772: {  	v63 =	vld [tilespmem:s29+$0xF000]  }
0x773: {  	v31 =	vld [tilespmem:s29+$0xF010]  }
0x774: {  	v7 =	vld [tilespmem:s29+$0xF020]  }
0x775: {  	v28 =	vld [tilespmem:s29+$0xF030]  }
0x776: {  	v13 =	vld [tilespmem:s29+$0xF040]  }
0x777: {  	v39 =	vld [tilespmem:s29+$0xF050]  }
0x778: {  	v14 =	vld [tilespmem:s29+$0xF060]  }
0x779: {  	v57 =	vld [tilespmem:s29+$0xF070]  }
0x77a: {  	v47 =	vld [tilespmem:s29+$0xF410]  }
0x77b: {  	v54 =	vld [tilespmem:s29+$0xF420]  }
0x77c: {  	v4 =	vld [tilespmem:s29+$0xF430]  }
0x77d: {  	v8 =	vld [tilespmem:s29+$0xF440]  }
0x77e: {  	v46 =	vld [tilespmem:s29+$0xF450]  }
0x77f: {  	v11 =	vld [tilespmem:s29+$0xF800]  }
0x780: {  	v2 =	vld [tilespmem:s29+$0xF810]  }
0x781: {  	v60 =	vld [tilespmem:s29+$0xF820]  }
0x782: {  	v55 =	vld [tilespmem:s29+$0xF850]  }
0x783: {  	v3 =	vld [tilespmem:s29+$0xF860]  }
0x784: {  	v44 =	vld [tilespmem:s29+$0xFC20]  }
0x785: {  	v1 =	vld [tilespmem:s29+$0xFC70]  }
0x786: {  	v0 =	vld [tilespmem:s29+$0xC090]  }
0x787: {  	[tilespmem:s29+$0x9C00] =	vst.add.f32.msk $0xffff, v19  }
0x788: {  	[tilespmem:s29+$0x9030] =	vst.add.f32.msk $0xffff, v32  }
0x789: {  	v19 =	vld [tilespmem:s29+$0xC0F0]  }
0x78a: {  	[tilespmem:s29+$0x8830] =	vst.add.f32.msk $0xffff, v43  }
0x78b: {  	[tilespmem:s29+$0x9C40] =	vst.add.f32.msk $0xffff, v25  }
0x78c: {  	v25 =	vld [tilespmem:s29+$0xC480]  }
0x78d: {  	v32 =	vld [tilespmem:s29+$0xC490]  }
0x78e: {  	[tilespmem:s29+$0x9040] =	vst.add.f32.msk $0xffff, v42  }
0x78f: {  	v42 =	vld [tilespmem:s29+$0xC4A0]  }
0x790: {  	v43 =	vld [tilespmem:s29+$0xC4B0]  }
0x791: {  	[tilespmem:s29+$0x8430] =	vst.add.f32.msk $0xffff, v51  }
0x792: {  	v51 =	vld [tilespmem:s29+$0xC4C0]  }
0x793: {  	[tilespmem:s29+$0x9050] =	vst.add.f32.msk $0xffff, v48  }
0x794: {  	[tilespmem:s29+$0x9C60] =	vst.add.f32.msk $0xffff, v37  }
0x795: {  	[tilespmem:s29+$0x8840] =	vst.add.f32.msk $0xffff, v52  }
0x796: {  	[tilespmem:s29+$0x9060] =	vst.add.f32.msk $0xffff, v62  }
0x797: {  	[tilespmem:s29+$0x9070] =	vst.add.f32.msk $0xffff, v53  }
0x798: {  	[tilespmem:s29+$0x9400] =	vst.add.f32.msk $0xffff, v58  }
0x799: {  	[tilespmem:s29+$0x9410] =	vst.add.f32.msk $0xffff, v56  }
0x79a: {  	v53 =	vld [tilespmem:s29+$0xD0D0]  }
0x79b: {  	v56 =	vld [tilespmem:s29+$0xD0E0]  }
0x79c: {  	v58 =	vld [tilespmem:s29+$0xD4D0]  }
0x79d: {  	v37 =	vld [tilespmem:$0x1FAA0]  }
0x79e: {  	v48 =	vld [tilespmem:$0x1FB20]  }
0x79f: {  	v52 =	vld [tilespmem:$0x1FB50]  }
0x7a0: {  	v62 =	vld [tilespmem:$0x1FB80]  }
0x7a1: {  	[tilespmem:$0x1FBA0] =	vst v18;
	v18 =	vld [tilespmem:s29+$0xE040]  }
0x7a2: {  	[tilespmem:$0x1FCC0] =	vst v20;
	v20 =	vld [tilespmem:s29+$0xE860]  }
0x7a3: {  	[tilespmem:$0x1FB30] =	vst v57;
	v57 =	vld [tilespmem:s29+$0xF400]  }
0x7a4: {  	[tilespmem:s29+$0xB060] =	vst.add.f32.msk $0xffff, v14  }
0x7a5: {  	[tilespmem:$0x1FBC0] =	vst v21;
	v21 =	vld [tilespmem:s29+$0xF460]  }
0x7a6: {  	[tilespmem:$0x1FB70] =	vst v28;
	v28 =	vld [tilespmem:s29+$0xF470]  }
0x7a7: {  	[tilespmem:s29+$0xB050] =	vst.add.f32.msk $0xffff, v39  }
0x7a8: {  	[tilespmem:s29+$0xB040] =	vst.add.f32.msk $0xffff, v13  }
0x7a9: {  	v13 =	vld [tilespmem:s29+$0xF830]  }
0x7aa: {  	v14 =	vld [tilespmem:s29+$0xF840]  }
0x7ab: {  	v39 =	vld [tilespmem:s29+$0xF870]  }
0x7ac: {  	[tilespmem:$0x1FAF0] =	vst v22;
	v22 =	vld [tilespmem:s29+$0xFC00]  }
0x7ad: {  	[tilespmem:s29+$0xB020] =	vst.add.f32.msk $0xffff, v7  }
0x7ae: {  	[tilespmem:s29+$0xB010] =	vst.add.f32.msk $0xffff, v31  }
0x7af: {  	v7 =	vld [tilespmem:s29+$0xFC40]  }
0x7b0: {  	v31 =	vld [tilespmem:s29+$0xFC50]  }
0x7b1: {  	[tilespmem:$0x1FCB0] =	vst v60;
	v60 =	vld [tilespmem:s29+$0xFC60]  }
0x7b2: {  	[tilespmem:s29+$0xB000] =	vst.add.f32.msk $0xffff, v63  }
0x7b3: {  	v63 =	vld [tilespmem:s29+$0xC080]  }
0x7b4: {  	[tilespmem:$0x1FC20] =	vst v0;
	v0 =	vld [tilespmem:s29+$0xC0A0]  }
0x7b5: {  	[tilespmem:s29+$0xA020] =	vst.add.f32.msk $0xffff, v10  }
0x7b6: {  	v10 =	vld [tilespmem:s29+$0xC0B0]  }
0x7b7: {  	[tilespmem:s29+$0xA030] =	vst.add.f32.msk $0xffff, v16  }
0x7b8: {  	v16 =	vld [tilespmem:s29+$0xC0D0]  }
0x7b9: {  	[tilespmem:s29+$0xB810] =	vst.add.f32.msk $0xffff, v2  }
0x7ba: {  	[tilespmem:s29+$0xAC60] =	vst.add.f32.msk $0xffff, v5  }
0x7bb: {  	[tilespmem:s29+$0xB430] =	vst.add.f32.msk $0xffff, v4  }
0x7bc: {  	[tilespmem:s29+$0xAC50] =	vst.add.f32.msk $0xffff, v6  }
0x7bd: {  	[tilespmem:s29+$0xAC40] =	vst.add.f32.msk $0xffff, v9  }
0x7be: {  	[tilespmem:s29+$0xBC70] =	vst.add.f32.msk $0xffff, v1  }
0x7bf: {  	[tilespmem:s29+$0xB860] =	vst.add.f32.msk $0xffff, v3  }
0x7c0: {  	[tilespmem:s29+$0x80F0] =	vst.add.f32.msk $0xffff, v19  }
0x7c1: {  	[tilespmem:s29+$0xAC10] =	vst.add.f32.msk $0xffff, v12  }
0x7c2: {  	[tilespmem:s29+$0xAC20] =	vst.add.f32.msk $0xffff, v15  }
0x7c3: {  	[tilespmem:s29+$0xA050] =	vst.add.f32.msk $0xffff, v24  }
0x7c4: {  	[tilespmem:s29+$0x8480] =	vst.add.f32.msk $0xffff, v25  }
0x7c5: {  	[tilespmem:s29+$0xB440] =	vst.add.f32.msk $0xffff, v8  }
0x7c6: {  	[tilespmem:s29+$0xAC00] =	vst.add.f32.msk $0xffff, v17  }
0x7c7: {  	[tilespmem:s29+$0xA060] =	vst.add.f32.msk $0xffff, v27  }
0x7c8: {  	[tilespmem:s29+$0x8490] =	vst.add.f32.msk $0xffff, v32  }
0x7c9: {  	[tilespmem:s29+$0x84A0] =	vst.add.f32.msk $0xffff, v42  }
0x7ca: {  	[tilespmem:s29+$0xA070] =	vst.add.f32.msk $0xffff, v29  }
0x7cb: {  	[tilespmem:s29+$0xB800] =	vst.add.f32.msk $0xffff, v11  }
0x7cc: {  	[tilespmem:s29+$0x84B0] =	vst.add.f32.msk $0xffff, v43  }
0x7cd: {  	[tilespmem:s29+$0xA850] =	vst.add.f32.msk $0xffff, v23  }
0x7ce: {  	v4 =	vld [tilespmem:s29+$0xC4D0]  }
0x7cf: {  	[tilespmem:s29+$0x84C0] =	vst.add.f32.msk $0xffff, v51  }
0x7d0: {  	[tilespmem:s29+$0xA840] =	vst.add.f32.msk $0xffff, v26  }
0x7d1: {  	v5 =	vld [tilespmem:s29+$0xC4E0]  }
0x7d2: {  	[tilespmem:s29+$0xA400] =	vst.add.f32.msk $0xffff, v33  }
0x7d3: {  	v6 =	vld [tilespmem:s29+$0xC4F0]  }
0x7d4: {  	[tilespmem:s29+$0xA820] =	vst.add.f32.msk $0xffff, v30  }
0x7d5: {  	[tilespmem:s29+$0xA410] =	vst.add.f32.msk $0xffff, v35  }
0x7d6: {  	[tilespmem:s29+$0xA810] =	vst.add.f32.msk $0xffff, v34  }
0x7d7: {  	v8 =	vld [tilespmem:s29+$0xC890]  }
0x7d8: {  	[tilespmem:s29+$0xA800] =	vst.add.f32.msk $0xffff, v36  }
0x7d9: {  	v9 =	vld [tilespmem:s29+$0xC8A0]  }
0x7da: {  	[tilespmem:s29+$0xA460] =	vst.add.f32.msk $0xffff, v38  }
0x7db: {  	[tilespmem:s29+$0xA420] =	vst.add.f32.msk $0xffff, v41  }
0x7dc: {  	[tilespmem:s29+$0xA450] =	vst.add.f32.msk $0xffff, v40  }
0x7dd: {  	v19 =	vld [tilespmem:s29+$0xC8C0]  }
0x7de: {  	v23 =	vld [tilespmem:s29+$0xC8D0]  }
0x7df: {  	[tilespmem:s29+$0xA440] =	vst.add.f32.msk $0xffff, v45  }
0x7e0: {  	v11 =	vld [tilespmem:s29+$0xC8F0]  }
0x7e1: {  	v12 =	vld [tilespmem:$0x1F9D0]  }
0x7e2: {  	[tilespmem:s29+$0xA000] =	vst.add.f32.msk $0xffff, v50  }
0x7e3: {  	v15 =	vld [tilespmem:s29+$0xCCA0]  }
0x7e4: {  	v17 =	vld [tilespmem:$0x1F9E0]  }
0x7e5: {  	[tilespmem:s29+$0xA470] =	vst.add.f32.msk $0xffff, v49  }
0x7e6: {  	v24 =	vld [tilespmem:$0x1F9F0]  }
0x7e7: {  	v25 =	vld [tilespmem:s29+$0xD080]  }
0x7e8: {  	v26 =	vld [tilespmem:s29+$0xD090]  }
0x7e9: {  	v27 =	vld [tilespmem:$0x1FA00]  }
0x7ea: {  	[tilespmem:s29+$0xA830] =	vst.add.f32.msk $0xffff, v61  }
0x7eb: {  	[tilespmem:s29+$0xB410] =	vst.add.f32.msk $0xffff, v47  }
0x7ec: {  	[tilespmem:s29+$0xB450] =	vst.add.f32.msk $0xffff, v46  }
0x7ed: {  	v29 =	vld [tilespmem:$0x1FA20]  }
0x7ee: {  	v30 =	vld [tilespmem:$0x1FA30]  }
0x7ef: {  	v46 =	vld [tilespmem:s29+$0xD4A0]  }
0x7f0: {  	[tilespmem:s29+$0xBC20] =	vst.add.f32.msk $0xffff, v44  }
0x7f1: {  	v50 =	vld [tilespmem:s29+$0xD4C0]  }
0x7f2: {  	[tilespmem:s29+$0xA870] =	vst.add.f32.msk $0xffff, v59  }
0x7f3: {  	v32 =	vld [tilespmem:$0x1FA50]  }
0x7f4: {  	v44 =	vld [tilespmem:s29+$0xD4E0]  }
0x7f5: {  	v33 =	vld [tilespmem:$0x1FA60]  }
0x7f6: {  	v34 =	vld [tilespmem:$0x1FA70]  }
0x7f7: {  	v35 =	vld [tilespmem:$0x1FA80]  }
0x7f8: {  	v36 =	vld [tilespmem:$0x1FA90]  }
0x7f9: {  	[tilespmem:s29+$0x9470] =	vst.add.f32.msk $0xffff, v37  }
0x7fa: {  	v37 =	vld [tilespmem:s29+$0xD8E0]  }
0x7fb: {  	v1 =	vld [tilespmem:s29+$0xD8F0]  }
0x7fc: {  	v38 =	vld [tilespmem:$0x1FAB0]  }
0x7fd: {  	v3 =	vld [tilespmem:s29+$0xDC90]  }
0x7fe: {  	v40 =	vld [tilespmem:$0x1FAD0]  }
0x7ff: {  	v41 =	vld [tilespmem:s29+$0xDCB0]  }
0x800: {  	v42 =	vld [tilespmem:$0x1FAE0]  }
0x801: {  	v45 =	vld [tilespmem:$0x1FB00]  }
0x802: {  	v47 =	vld [tilespmem:$0x1FB10]  }
0x803: {  	[tilespmem:s29+$0x8C20] =	vst.add.f32.msk $0xffff, v48  }
0x804: {  	[tilespmem:s29+$0xB420] =	vst.add.f32.msk $0xffff, v54  }
0x805: {  	v51 =	vld [tilespmem:$0x1FB40]  }
0x806: {  	[tilespmem:s29+$0x9840] =	vst.add.f32.msk $0xffff, v52  }
0x807: {  	v2 =	vld [tilespmem:s29+$0xE080]  }
0x808: {  	v54 =	vld [tilespmem:$0x1FB60]  }
0x809: {  	v59 =	vld [tilespmem:s29+$0xE0C0]  }
0x80a: {  	v61 =	vld [tilespmem:s29+$0xE0D0]  }
0x80b: {  	[tilespmem:s29+$0xB850] =	vst.add.f32.msk $0xffff, v55  }
0x80c: {  	[tilespmem:s29+$0x9830] =	vst.add.f32.msk $0xffff, v62  }
0x80d: {  	v48 =	vld [tilespmem:$0x1FBB0]  }
0x80e: {  	v52 =	vld [tilespmem:s29+$0xE4E0]  }
0x80f: {  	v55 =	vld [tilespmem:s29+$0xE4F0]  }
0x810: {  	v62 =	vld [tilespmem:s29+$0xE8B0]  }
0x811: {  	v43 =	vld [tilespmem:$0x1FAF0]  }
0x812: {  	v49 =	vld [tilespmem:$0x1FB30]  }
0x813: {  	[tilespmem:$0x1FBF0] =	vst v14;
	v14 =	vld [tilespmem:s29+$0xFC10]  }
0x814: {  	[tilespmem:$0x1FC80] =	vst v13;
	v13 =	vld [tilespmem:s29+$0xFC30]  }
0x815: {  	[tilespmem:$0x1FC10] =	vst v0;
	v0 =	vld [tilespmem:s29+$0xC0C0]  }
0x816: {  	[tilespmem:s29+$0x80B0] =	vst.add.f32.msk $0xffff, v10  }
0x817: {  	[tilespmem:s29+$0x80D0] =	vst.add.f32.msk $0xffff, v16  }
0x818: {  	v16 =	vld [tilespmem:s29+$0xC0E0]  }
0x819: {  	[tilespmem:s29+$0xA040] =	vst.add.f32.msk $0xffff, v18  }
0x81a: {  	[tilespmem:s29+$0xA860] =	vst.add.f32.msk $0xffff, v20  }
0x81b: {  	[tilespmem:s29+$0x84D0] =	vst.add.f32.msk $0xffff, v4  }
0x81c: {  	[tilespmem:s29+$0x84E0] =	vst.add.f32.msk $0xffff, v5  }
0x81d: {  	[tilespmem:s29+$0xBC40] =	vst.add.f32.msk $0xffff, v7  }
0x81e: {  	v7 =	vld [tilespmem:s29+$0xC880]  }
0x81f: {  	[tilespmem:s29+$0x84F0] =	vst.add.f32.msk $0xffff, v6  }
0x820: {  	[tilespmem:s29+$0xB460] =	vst.add.f32.msk $0xffff, v21  }
0x821: {  	[tilespmem:s29+$0x8890] =	vst.add.f32.msk $0xffff, v8  }
0x822: {  	[tilespmem:s29+$0x88A0] =	vst.add.f32.msk $0xffff, v9  }
0x823: {  	v10 =	vld [tilespmem:s29+$0xC8B0]  }
0x824: {  	[tilespmem:s29+$0xBC00] =	vst.add.f32.msk $0xffff, v22  }
0x825: {  	[tilespmem:s29+$0xB470] =	vst.add.f32.msk $0xffff, v28  }
0x826: {  	v9 =	vld [tilespmem:s29+$0xC8E0]  }
0x827: {  	[tilespmem:s29+$0x8850] =	vst.add.f32.msk $0xffff, v12  }
0x828: {  	[tilespmem:s29+$0x88F0] =	vst.add.f32.msk $0xffff, v11  }
0x829: {  	[tilespmem:s29+$0x8440] =	vst.add.f32.msk $0xffff, v17  }
0x82a: {  	[tilespmem:s29+$0x8CA0] =	vst.add.f32.msk $0xffff, v15  }
0x82b: {  	v18 =	vld [tilespmem:s29+$0xCCC0]  }
0x82c: {  	v20 =	vld [tilespmem:s29+$0xCCD0]  }
0x82d: {  	v21 =	vld [tilespmem:s29+$0xCCE0]  }
0x82e: {  	v22 =	vld [tilespmem:s29+$0xCCF0]  }
0x82f: {  	[tilespmem:s29+$0x8860] =	vst.add.f32.msk $0xffff, v24  }
0x830: {  	[tilespmem:s29+$0x9420] =	vst.add.f32.msk $0xffff, v27  }
0x831: {  	[tilespmem:s29+$0x9080] =	vst.add.f32.msk $0xffff, v25  }
0x832: {  	[tilespmem:s29+$0x9090] =	vst.add.f32.msk $0xffff, v26  }
0x833: {  	[tilespmem:s29+$0xB870] =	vst.add.f32.msk $0xffff, v39  }
0x834: {  	v28 =	vld [tilespmem:$0x1FA10]  }
0x835: {  	[tilespmem:s29+$0x8870] =	vst.add.f32.msk $0xffff, v29  }
0x836: {  	[tilespmem:s29+$0xBC50] =	vst.add.f32.msk $0xffff, v31  }
0x837: {  	v8 =	vld [tilespmem:s29+$0xD480]  }
0x838: {  	[tilespmem:s29+$0x9440] =	vst.add.f32.msk $0xffff, v30  }
0x839: {  	v17 =	vld [tilespmem:s29+$0xD4B0]  }
0x83a: {  	v31 =	vld [tilespmem:$0x1FA40]  }
0x83b: {  	[tilespmem:s29+$0x9450] =	vst.add.f32.msk $0xffff, v32  }
0x83c: {  	v6 =	vld [tilespmem:s29+$0xD4F0]  }
0x83d: {  	[tilespmem:s29+$0x8C00] =	vst.add.f32.msk $0xffff, v33  }
0x83e: {  	[tilespmem:s29+$0x9C50] =	vst.add.f32.msk $0xffff, v34  }
0x83f: {  	v11 =	vld [tilespmem:s29+$0xD880]  }
0x840: {  	v12 =	vld [tilespmem:s29+$0xD890]  }
0x841: {  	[tilespmem:s29+$0x9460] =	vst.add.f32.msk $0xffff, v35  }
0x842: {  	v27 =	vld [tilespmem:s29+$0xD8A0]  }
0x843: {  	v30 =	vld [tilespmem:s29+$0xD8B0]  }
0x844: {  	v24 =	vld [tilespmem:s29+$0xD8D0]  }
0x845: {  	[tilespmem:s29+$0x9C10] =	vst.add.f32.msk $0xffff, v36  }
0x846: {  	[tilespmem:s29+$0x8C10] =	vst.add.f32.msk $0xffff, v38  }
0x847: {  	v39 =	vld [tilespmem:$0x1FAC0]  }
0x848: {  	[tilespmem:s29+$0x9800] =	vst.add.f32.msk $0xffff, v40  }
0x849: {  	v15 =	vld [tilespmem:s29+$0xDCA0]  }
0x84a: {  	[tilespmem:s29+$0x8460] =	vst.add.f32.msk $0xffff, v42  }
0x84b: {  	v4 =	vld [tilespmem:s29+$0xDCC0]  }
0x84c: {  	[tilespmem:s29+$0x8080] =	vst.add.f32.msk $0xffff, v63  }
0x84d: {  	[tilespmem:s29+$0xB400] =	vst.add.f32.msk $0xffff, v57  }
0x84e: {  	[tilespmem:s29+$0x9870] =	vst.add.f32.msk $0xffff, v45  }
0x84f: {  	v5 =	vld [tilespmem:s29+$0xDCD0]  }
0x850: {  	[tilespmem:s29+$0x9810] =	vst.add.f32.msk $0xffff, v47  }
0x851: {  	v25 =	vld [tilespmem:s29+$0xDCE0]  }
0x852: {  	[tilespmem:s29+$0xBC60] =	vst.add.f32.msk $0xffff, v60  }
0x853: {  	[tilespmem:s29+$0x9850] =	vst.add.f32.msk $0xffff, v51  }
0x854: {  	v26 =	vld [tilespmem:s29+$0xE090]  }
0x855: {  	[tilespmem:s29+$0x9820] =	vst.add.f32.msk $0xffff, v54  }
0x856: {  	v57 =	vld [tilespmem:s29+$0xE0B0]  }
0x857: {  	v60 =	vld [tilespmem:$0x1FB70]  }
0x858: {  	[tilespmem:s29+$0x9CB0] =	vst.add.f32.msk $0xffff, v41  }
0x859: {  	v63 =	vld [tilespmem:s29+$0xE0F0]  }
0x85a: {  	v40 =	vld [tilespmem:$0x1FB90]  }
0x85b: {  	v41 =	vld [tilespmem:s29+$0xE480]  }
0x85c: {  	v42 =	vld [tilespmem:s29+$0xE490]  }
0x85d: {  	v45 =	vld [tilespmem:s29+$0xE4B0]  }
0x85e: {  	v47 =	vld [tilespmem:$0x1FBA0]  }
0x85f: {  	[tilespmem:s29+$0x8470] =	vst.add.f32.msk $0xffff, v48  }
0x860: {  	v51 =	vld [tilespmem:s29+$0xE4D0]  }
0x861: {  	[tilespmem:s29+$0xA0D0] =	vst.add.f32.msk $0xffff, v61  }
0x862: {  	[tilespmem:s29+$0xA0C0] =	vst.add.f32.msk $0xffff, v59  }
0x863: {  	v54 =	vld [tilespmem:$0x1FBC0]  }
0x864: {  	[tilespmem:s29+$0xA4E0] =	vst.add.f32.msk $0xffff, v52  }
0x865: {  	[tilespmem:s29+$0xA4F0] =	vst.add.f32.msk $0xffff, v55  }
0x866: {  	v59 =	vld [tilespmem:s29+$0xE880]  }
0x867: {  	v61 =	vld [tilespmem:s29+$0xE8A0]  }
0x868: {  	v29 =	vld [tilespmem:s29+$0xE8C0]  }
0x869: {  	v32 =	vld [tilespmem:$0x1FC00]  }
0x86a: {  	v33 =	vld [tilespmem:s29+$0xE8D0]  }
0x86b: {  	v36 =	vld [tilespmem:$0x1FC20]  }
0x86c: {  	v38 =	vld [tilespmem:$0x1FC30]  }
0x86d: {  	v35 =	vld [tilespmem:$0x1FC90]  }
0x86e: {  	[tilespmem:s29+$0xAC70] =	vst.add.f32.msk $0xffff, v43  }
0x86f: {  	[tilespmem:s29+$0xB070] =	vst.add.f32.msk $0xffff, v49  }
0x870: {  	v43 =	vld [tilespmem:s29+$0xE4A0]  }
0x871: {  	v49 =	vld [tilespmem:s29+$0xE4C0]  }
0x872: {  	[tilespmem:s29+$0xA8B0] =	vst.add.f32.msk $0xffff, v62  }
0x873: {  	v34 =	vld [tilespmem:$0x1FC10]  }
0x874: {  	[tilespmem:s29+$0x80C0] =	vst.add.f32.msk $0xffff, v0  }
0x875: {  	[tilespmem:s29+$0x80E0] =	vst.add.f32.msk $0xffff, v16  }
0x876: {  	[tilespmem:s29+$0x8880] =	vst.add.f32.msk $0xffff, v7  }
0x877: {  	[tilespmem:s29+$0xBC30] =	vst.add.f32.msk $0xffff, v13  }
0x878: {  	[tilespmem:s29+$0xBC10] =	vst.add.f32.msk $0xffff, v14  }
0x879: {  	[tilespmem:s29+$0x88B0] =	vst.add.f32.msk $0xffff, v10  }
0x87a: {  	v13 =	vld [tilespmem:s29+$0xCC80]  }
0x87b: {  	v14 =	vld [tilespmem:s29+$0xCC90]  }
0x87c: {  	v16 =	vld [tilespmem:s29+$0xCCB0]  }
0x87d: {  	[tilespmem:s29+$0x8CC0] =	vst.add.f32.msk $0xffff, v18  }
0x87e: {  	[tilespmem:s29+$0x8CD0] =	vst.add.f32.msk $0xffff, v20  }
0x87f: {  	[tilespmem:s29+$0x8CE0] =	vst.add.f32.msk $0xffff, v21  }
0x880: {  	[tilespmem:s29+$0x8CF0] =	vst.add.f32.msk $0xffff, v22  }
0x881: {  	v22 =	vld [tilespmem:s29+$0xD0B0]  }
0x882: {  	v21 =	vld [tilespmem:s29+$0xD0C0]  }
0x883: {  	[tilespmem:s29+$0x9430] =	vst.add.f32.msk $0xffff, v28  }
0x884: {  	v7 =	vld [tilespmem:s29+$0xD0F0]  }
0x885: {  	v20 =	vld [tilespmem:s29+$0xD490]  }
0x886: {  	[tilespmem:s29+$0x8450] =	vst.add.f32.msk $0xffff, v31  }
0x887: {  	v0 =	vld [tilespmem:s29+$0xD8C0]  }
0x888: {  	[tilespmem:s29+$0x9010] =	vst.add.f32.msk $0xffff, v39  }
0x889: {  	v18 =	vld [tilespmem:s29+$0xDCF0]  }
0x88a: {  	[tilespmem:s29+$0xB030] =	vst.add.f32.msk $0xffff, v60  }
0x88b: {  	v10 =	vld [tilespmem:s29+$0xE0E0]  }
0x88c: {  	[tilespmem:s29+$0x8C30] =	vst.add.f32.msk $0xffff, v40  }
0x88d: {  	[tilespmem:s29+$0xA0F0] =	vst.add.f32.msk $0xffff, v63  }
0x88e: {  	[tilespmem:s29+$0x98D0] =	vst.add.f32.msk $0xffff, v24  }
0x88f: {  	[tilespmem:s29+$0xA480] =	vst.add.f32.msk $0xffff, v41  }
0x890: {  	[tilespmem:s29+$0xA010] =	vst.add.f32.msk $0xffff, v47  }
0x891: {  	[tilespmem:s29+$0xA4B0] =	vst.add.f32.msk $0xffff, v45  }
0x892: {  	[tilespmem:s29+$0xA490] =	vst.add.f32.msk $0xffff, v42  }
0x893: {  	[tilespmem:s29+$0x94B0] =	vst.add.f32.msk $0xffff, v17  }
0x894: {  	[tilespmem:s29+$0xA0B0] =	vst.add.f32.msk $0xffff, v57  }
0x895: {  	[tilespmem:s29+$0xAC30] =	vst.add.f32.msk $0xffff, v54  }
0x896: {  	[tilespmem:s29+$0xA090] =	vst.add.f32.msk $0xffff, v26  }
0x897: {  	[tilespmem:s29+$0xA4D0] =	vst.add.f32.msk $0xffff, v51  }
0x898: {  	v57 =	vld [tilespmem:$0x1FBD0]  }
0x899: {  	v60 =	vld [tilespmem:s29+$0xE890]  }
0x89a: {  	v63 =	vld [tilespmem:$0x1FBE0]  }
0x89b: {  	[tilespmem:s29+$0x9CE0] =	vst.add.f32.msk $0xffff, v25  }
0x89c: {  	[tilespmem:s29+$0xA8A0] =	vst.add.f32.msk $0xffff, v61  }
0x89d: {  	v31 =	vld [tilespmem:$0x1FBF0]  }
0x89e: {  	[tilespmem:s29+$0x9020] =	vst.add.f32.msk $0xffff, v32  }
0x89f: {  	[tilespmem:s29+$0x8C50] =	vst.add.f32.msk $0xffff, v38  }
0x8a0: {  	v39 =	vld [tilespmem:$0x1FC40]  }
0x8a1: {  	v40 =	vld [tilespmem:$0x1FC50]  }
0x8a2: {  	v41 =	vld [tilespmem:$0x1FC60]  }
0x8a3: {  	v45 =	vld [tilespmem:$0x1FC70]  }
0x8a4: {  	v54 =	vld [tilespmem:$0x1FC80]  }
0x8a5: {  	[tilespmem:s29+$0x8810] =	vst.add.f32.msk $0xffff, v35  }
0x8a6: {  	[tilespmem:s29+$0xA4C0] =	vst.add.f32.msk $0xffff, v49  }
0x8a7: {  	v17 =	vld [tilespmem:s29+$0xE8E0]  }
0x8a8: {  	[tilespmem:s29+$0x9480] =	vst.add.f32.msk $0xffff, v8  }
0x8a9: {  	[tilespmem:s29+$0xA8D0] =	vst.add.f32.msk $0xffff, v33  }
0x8aa: {  	[tilespmem:s29+$0x94F0] =	vst.add.f32.msk $0xffff, v6  }
0x8ab: {  	[tilespmem:s29+$0x9880] =	vst.add.f32.msk $0xffff, v11  }
0x8ac: {  	[tilespmem:s29+$0x9890] =	vst.add.f32.msk $0xffff, v12  }
0x8ad: {  	[tilespmem:s29+$0xA880] =	vst.add.f32.msk $0xffff, v59  }
0x8ae: {  	[tilespmem:s29+$0xA8C0] =	vst.add.f32.msk $0xffff, v29  }
0x8af: {  	[tilespmem:s29+$0x9CA0] =	vst.add.f32.msk $0xffff, v15  }
0x8b0: {  	[tilespmem:s29+$0x80A0] =	vst.add.f32.msk $0xffff, v34  }
0x8b1: {  	[tilespmem:s29+$0x8090] =	vst.add.f32.msk $0xffff, v36  }
0x8b2: {  	v6 =	vld [tilespmem:s29+$0xE8F0]  }
0x8b3: {  	v8 =	vld [tilespmem:s29+$0xEC80]  }
0x8b4: {  	v11 =	vld [tilespmem:s29+$0xEC90]  }
0x8b5: {  	[tilespmem:s29+$0xA4A0] =	vst.add.f32.msk $0xffff, v43  }
0x8b6: {  	v12 =	vld [tilespmem:s29+$0xECB0]  }
0x8b7: {  	v15 =	vld [tilespmem:s29+$0xECD0]  }
0x8b8: {  	v42 =	vld [tilespmem:s29+$0xECE0]  }
0x8b9: {  	v43 =	vld [tilespmem:s29+$0xECF0]  }
0x8ba: {  	v47 =	vld [tilespmem:s29+$0xF080]  }
0x8bb: {  	v48 =	vld [tilespmem:s29+$0xF090]  }
0x8bc: {  	v49 =	vld [tilespmem:s29+$0xF0A0]  }
0x8bd: {  	v51 =	vld [tilespmem:s29+$0xF0B0]  }
0x8be: {  	v52 =	vld [tilespmem:s29+$0xF0C0]  }
0x8bf: {  	v55 =	vld [tilespmem:s29+$0xF0D0]  }
0x8c0: {  	v59 =	vld [tilespmem:s29+$0xF0F0]  }
0x8c1: {  	v61 =	vld [tilespmem:s29+$0xF490]  }
0x8c2: {  	v62 =	vld [tilespmem:s29+$0xF4A0]  }
0x8c3: {  	v36 =	vld [tilespmem:s29+$0xF4C0]  }
0x8c4: {  	v38 =	vld [tilespmem:s29+$0xF4D0]  }
0x8c5: {  	[tilespmem:s29+$0x9CD0] =	vst.add.f32.msk $0xffff, v5  }
0x8c6: {  	[tilespmem:s29+$0x9CC0] =	vst.add.f32.msk $0xffff, v4  }
0x8c7: {  	[tilespmem:s29+$0x9C90] =	vst.add.f32.msk $0xffff, v3  }
0x8c8: {  	[tilespmem:s29+$0x98F0] =	vst.add.f32.msk $0xffff, v1  }
0x8c9: {  	[tilespmem:s29+$0x8C80] =	vst.add.f32.msk $0xffff, v13  }
0x8ca: {  	[tilespmem:s29+$0x8C90] =	vst.add.f32.msk $0xffff, v14  }
0x8cb: {  	[tilespmem:s29+$0x8CB0] =	vst.add.f32.msk $0xffff, v16  }
0x8cc: {  	v13 =	vld [tilespmem:s29+$0xD0A0]  }
0x8cd: {  	v14 =	vld [tilespmem:s29+$0xDC80]  }
0x8ce: {  	v16 =	vld [tilespmem:s29+$0xE0A0]  }
0x8cf: {  	[tilespmem:s29+$0x8C40] =	vst.add.f32.msk $0xffff, v57  }
0x8d0: {  	[tilespmem:s29+$0x8410] =	vst.add.f32.msk $0xffff, v63  }
0x8d1: {  	[tilespmem:s29+$0xA890] =	vst.add.f32.msk $0xffff, v60  }
0x8d2: {  	[tilespmem:s29+$0xB840] =	vst.add.f32.msk $0xffff, v31  }
0x8d3: {  	[tilespmem:s29+$0x90F0] =	vst.add.f32.msk $0xffff, v7  }
0x8d4: {  	[tilespmem:s29+$0x9CF0] =	vst.add.f32.msk $0xffff, v18  }
0x8d5: {  	v7 =	vld [tilespmem:s29+$0xECA0]  }
0x8d6: {  	[tilespmem:s29+$0x8800] =	vst.add.f32.msk $0xffff, v39  }
0x8d7: {  	[tilespmem:s29+$0x8C70] =	vst.add.f32.msk $0xffff, v40  }
0x8d8: {  	[tilespmem:s29+$0x9C30] =	vst.add.f32.msk $0xffff, v41  }
0x8d9: {  	[tilespmem:s29+$0x8C60] =	vst.add.f32.msk $0xffff, v45  }
0x8da: {  	[tilespmem:s29+$0xB830] =	vst.add.f32.msk $0xffff, v54  }
0x8db: {  	v57 =	vld [tilespmem:s29+$0xF0E0]  }
0x8dc: {  	v60 =	vld [tilespmem:s29+$0xF480]  }
0x8dd: {  	[tilespmem:s29+$0xA0E0] =	vst.add.f32.msk $0xffff, v10  }
0x8de: {  	v63 =	vld [tilespmem:s29+$0xF4B0]  }
0x8df: {  	v39 =	vld [tilespmem:s29+$0xF4E0]  }
0x8e0: {  	v40 =	vld [tilespmem:s29+$0xF4F0]  }
0x8e1: {  	v41 =	vld [tilespmem:s29+$0xF880]  }
0x8e2: {  	v45 =	vld [tilespmem:$0x1FCA0]  }
0x8e3: {  	[tilespmem:s29+$0xACE0] =	vst.add.f32.msk $0xffff, v42  }
0x8e4: {  	[tilespmem:s29+$0xACF0] =	vst.add.f32.msk $0xffff, v43  }
0x8e5: {  	[tilespmem:s29+$0xB090] =	vst.add.f32.msk $0xffff, v48  }
0x8e6: {  	[tilespmem:s29+$0xB080] =	vst.add.f32.msk $0xffff, v47  }
0x8e7: {  	[tilespmem:s29+$0xB4A0] =	vst.add.f32.msk $0xffff, v62  }
0x8e8: {  	[tilespmem:s29+$0xB0D0] =	vst.add.f32.msk $0xffff, v55  }
0x8e9: {  	[tilespmem:s29+$0xB0C0] =	vst.add.f32.msk $0xffff, v52  }
0x8ea: {  	[tilespmem:s29+$0xB4C0] =	vst.add.f32.msk $0xffff, v36  }
0x8eb: {  	[tilespmem:s29+$0xB0B0] =	vst.add.f32.msk $0xffff, v51  }
0x8ec: {  	[tilespmem:s29+$0xB490] =	vst.add.f32.msk $0xffff, v61  }
0x8ed: {  	[tilespmem:s29+$0xB0F0] =	vst.add.f32.msk $0xffff, v59  }
0x8ee: {  	[tilespmem:s29+$0xB0A0] =	vst.add.f32.msk $0xffff, v49  }
0x8ef: {  	[tilespmem:s29+$0xACB0] =	vst.add.f32.msk $0xffff, v12  }
0x8f0: {  	[tilespmem:s29+$0xACD0] =	vst.add.f32.msk $0xffff, v15  }
0x8f1: {  	[tilespmem:s29+$0xB4D0] =	vst.add.f32.msk $0xffff, v38  }
0x8f2: {  	[tilespmem:s29+$0xAC80] =	vst.add.f32.msk $0xffff, v8  }
0x8f3: {  	[tilespmem:s29+$0xAC90] =	vst.add.f32.msk $0xffff, v11  }
0x8f4: {  	[tilespmem:s29+$0xA8E0] =	vst.add.f32.msk $0xffff, v17  }
0x8f5: {  	[tilespmem:s29+$0x98C0] =	vst.add.f32.msk $0xffff, v0  }
0x8f6: {  	[tilespmem:s29+$0x94E0] =	vst.add.f32.msk $0xffff, v44  }
0x8f7: {  	[tilespmem:s29+$0x94D0] =	vst.add.f32.msk $0xffff, v58  }
0x8f8: {  	[tilespmem:s29+$0x90E0] =	vst.add.f32.msk $0xffff, v56  }
0x8f9: {  	[tilespmem:s29+$0x90D0] =	vst.add.f32.msk $0xffff, v53  }
0x8fa: {  	[tilespmem:s29+$0x88C0] =	vst.add.f32.msk $0xffff, v19  }
0x8fb: {  	v42 =	vld [tilespmem:s29+$0xF890]  }
0x8fc: {  	v43 =	vld [tilespmem:s29+$0xF8A0]  }
0x8fd: {  	v44 =	vld [tilespmem:s29+$0xF8B0]  }
0x8fe: {  	v47 =	vld [tilespmem:$0x1FCB0]  }
0x8ff: {  	v48 =	vld [tilespmem:s29+$0xF8C0]  }
0x900: {  	v49 =	vld [tilespmem:s29+$0xF8D0]  }
0x901: {  	v51 =	vld [tilespmem:s29+$0xF8E0]  }
0x902: {  	v52 =	vld [tilespmem:s29+$0xF8F0]  }
0x903: {  	v53 =	vld [tilespmem:s29+$0xFC80]  }
0x904: {  	v54 =	vld [tilespmem:s29+$0xFC90]  }
0x905: {  	v55 =	vld [tilespmem:s29+$0xFCA0]  }
0x906: {  	[tilespmem:s29+$0xA080] =	vst.add.f32.msk $0xffff, v2  }
0x907: {  	[tilespmem:s29+$0xA8F0] =	vst.add.f32.msk $0xffff, v6  }
0x908: {  	[tilespmem:s29+$0x98B0] =	vst.add.f32.msk $0xffff, v30  }
0x909: {  	[tilespmem:s29+$0x94C0] =	vst.add.f32.msk $0xffff, v50  }
0x90a: {  	[tilespmem:s29+$0x98E0] =	vst.add.f32.msk $0xffff, v37  }
0x90b: {  	[tilespmem:s29+$0x94A0] =	vst.add.f32.msk $0xffff, v46  }
0x90c: {  	[tilespmem:s29+$0x90C0] =	vst.add.f32.msk $0xffff, v21  }
0x90d: {  	v56 =	vld [tilespmem:$0x1FCC0]  }
0x90e: {  	v58 =	vld [tilespmem:s29+$0xFCC0]  }
0x90f: {  	[tilespmem:s29+$0x98A0] =	vst.add.f32.msk $0xffff, v27  }
0x910: {  	[tilespmem:s29+$0x88E0] =	vst.add.f32.msk $0xffff, v9  }
0x911: {  	[tilespmem:s29+$0x90B0] =	vst.add.f32.msk $0xffff, v22  }
0x912: {  	[tilespmem:s29+$0x9490] =	vst.add.f32.msk $0xffff, v20  }
0x913: {  	v59 =	vld [tilespmem:s29+$0xFCD0]  }
0x914: {  	v61 =	vld [tilespmem:s29+$0xFCF0]  }
0x915: {  	[tilespmem:s29+$0x88D0] =	vst.add.f32.msk $0xffff, v23  }
0x916: {  	v62 =	vld [tilespmem:$0x1FCD0]  }
0x917: {  	[tilespmem:s29+$0x9C80] =	vst.add.f32.msk $0xffff, v14  }
0x918: {  	v14 =	vld [tilespmem:s29+$0xECC0]  }
0x919: {  	[tilespmem:s29+$0xA0A0] =	vst.add.f32.msk $0xffff, v16  }
0x91a: {  	[tilespmem:s29+$0xB4B0] =	vst.add.f32.msk $0xffff, v63  }
0x91b: {  	[tilespmem:s29+$0xB0E0] =	vst.add.f32.msk $0xffff, v57  }
0x91c: {  	[tilespmem:s29+$0xB480] =	vst.add.f32.msk $0xffff, v60  }
0x91d: {  	[tilespmem:s29+$0x8420] =	vst.add.f32.msk $0xffff, v45  }
0x91e: {  	[tilespmem:s29+$0xB4E0] =	vst.add.f32.msk $0xffff, v39  }
0x91f: {  	[tilespmem:s29+$0xB4F0] =	vst.add.f32.msk $0xffff, v40  }
0x920: {  	[tilespmem:s29+$0xACA0] =	vst.add.f32.msk $0xffff, v7  }
0x921: {  	v57 =	vld [tilespmem:s29+$0xFCB0]  }
0x922: {  	[tilespmem:s29+$0xB880] =	vst.add.f32.msk $0xffff, v41  }
0x923: {  	v60 =	vld [tilespmem:s29+$0xFCE0]  }
0x924: {  	[tilespmem:s29+$0x90A0] =	vst.add.f32.msk $0xffff, v13  }
0x925: {  	v63 =	vld [tilespmem:$0x1FCE0]  }
0x926: {  	[tilespmem:s29+$0xB820] =	vst.add.f32.msk $0xffff, v47  }
0x927: {  	[tilespmem:s29+$0xB8A0] =	vst.add.f32.msk $0xffff, v43  }
0x928: {  	[tilespmem:s29+$0xB8B0] =	vst.add.f32.msk $0xffff, v44  }
0x929: {  	[tilespmem:s29+$0xB8F0] =	vst.add.f32.msk $0xffff, v52  }
0x92a: {  	[tilespmem:s29+$0xBC80] =	vst.add.f32.msk $0xffff, v53  }
0x92b: {  	[tilespmem:s29+$0xBCA0] =	vst.add.f32.msk $0xffff, v55  }
0x92c: {  	[tilespmem:s29+$0xA430] =	vst.add.f32.msk $0xffff, v56  }
0x92d: {  	[tilespmem:s29+$0xB8D0] =	vst.add.f32.msk $0xffff, v49  }
0x92e: {  	[tilespmem:s29+$0xB8C0] =	vst.add.f32.msk $0xffff, v48  }
0x92f: {  	[tilespmem:s29+$0xB890] =	vst.add.f32.msk $0xffff, v42  }
0x930: {  	[tilespmem:s29+$0xB8E0] =	vst.add.f32.msk $0xffff, v51  }
0x931: {  	[tilespmem:s29+$0xBCC0] =	vst.add.f32.msk $0xffff, v58  }
0x932: {  	[tilespmem:s29+$0xBC90] =	vst.add.f32.msk $0xffff, v54  }
0x933: {  	[tilespmem:s29+$0xBCD0] =	vst.add.f32.msk $0xffff, v59  }
0x934: {  	p1 =	slt.u32 s30, $0x6;
	[tilespmem:s29+$0xBCF0] =	vst.add.f32.msk $0xffff, v61  }
.Ltmp1:
0x935: {  	[tilespmem:s29+$0x8070] =	vst.add.f32.msk $0xffff, v62;
	(pc) =	sbr.rel @p1 .LBB2_5-.Ltmp1, $4  }
0x936: {  	[tilespmem:s29+$0xACC0] =	vst.add.f32.msk $0xffff, v14  }
0x937: {  	[tilespmem:s29+$0xBCB0] =	vst.add.f32.msk $0xffff, v57  }
0x938: {  	[tilespmem:s29+$0xBCE0] =	vst.add.f32.msk $0xffff, v60  }
0x939: {  	s30 =	sadd.s32 $0x2, s30;
	[tilespmem:s29+$0x8400] =	vst.add.f32.msk $0xffff, v63  }
0x93a: {  	s0 =	sadd.s32 s28, s8;
	v0 =	vld [tilespmem:$0x1FCF0]  }
0x93b: {  	s0 =	sshll.u32 s0, $0xB  }
0x93c: {  	s0 =	sadd.s32 s6, s0  }
0x93d: {  	s0 =	sadd.s32 $0x4000, s0  }
0x93e: {  	s0 =	sshrl.u32 s0, $0x3  }
0x93f: {  	[tilespmem:s29+$0x8060] =	vst.add.f32.msk $0xffff, v0;
	s0 =	sadd.s32 s4, s0  }
0x940: {  	[hbm4b:s0+s5] =	stream.linear.scatter [tilespmem:s17], [sflag:$0x6], $0x4000, $0x38;
	[tilespmem:$0x10000] =	vst v63  }
0x941: {  	s28 =	sadd.s32 @!p0 s28, s14;
	s0 =	simm.s32 @!p0 $0x6  }
0x942: {  	s29 =	sshll.u32 @!p0 s28, $0xB;
	_ =	swait.ge @!p0 [sflag:s0], $0x4000  }
0x943: {  	s29 =	sadd.s32 @!p0 s6, s29;
	[sflag:s0] =	ssyncset.done @!p0 $0x0  }
0x944: {  	[sflag:s0] =	ssyncadd.s32 @!p0 $0xFFFFC000;
	s0 =	sshrl.u32 @!p0 s29, $0x3  }
0x945: {  	s30 =	simm.s32 @!p0 $0x8000;
	s29 =	simm.s32 @!p0 $0x0;
	s0 =	sadd.s32 @!p0 s2, s0  }
0x946: {  	[tilespmem:s30], [sflag:$0x3] =	stream.linear.gather @!p0 [hbm4b:s0+s29], $0x4000, $0x38;
	[tilespmem:$0x10000] =	vst v63  }
0x947: {  	s0 =	sshll.u32 @!p0 s28, $0x8  }
0x948: {  	p1 =	sne.s32 @!p0 s26, $0x20;
	s28 =	simm.s32 @!p0 $0xC000;
	s0 =	sadd.s32 @!p0 s3, s0  }
0x949: {  	[tilespmem:s28], [sflag:$0x4] =	stream.linear.gather @!p0 [hbm4b:s0+s29], $0x4000, $0x38;
	[tilespmem:$0x10000] =	vst v63  }
0x94a: {  	p0 =	por p0, !p1  }
.Ltmp2:
0x94b: {  	_ = 	snop;
	(pc) =	sbr.rel @!p0 .LBB2_2-.Ltmp2, $1  }
0x94c: {  	_ =	sdelay $0x3  }
0x94d: {  	s25 =	sadd.s32 $0x1, s25  }
0x94e: {  	_ =	swait.ge [sflag:s23], $0x4000;
	p0 =	sne.s32 s25, s15  }
.Ltmp3:
0x94f: {  	[sflag:s23] =	ssyncset.done $0x0;
	(pc) =	sbr.rel @p0 .LBB2_1-.Ltmp3, $4  }
0x950: {  	[sflag:s23] =	ssyncadd.s32 $0xFFFFC000  }
0x951: {  	_ =	swait.ge [sflag:s24], $0x4000  }
0x952: {  	[sflag:s24] =	ssyncset.done $0x0  }
0x953: {  	[sflag:s24] =	ssyncadd.s32 $0xFFFFC000  }
0x954: {  	_ =	sfence.sel $0x180000  }
0x955: {  	[bflag:$0x0] =	sbarrier.arrive $0xFFFF  }
0x956: {  	_ =	strace $0x90000047  }
0x957: {  	[bflag:$0x2] =	sbarrier.arrive $0xFFFF  }
0x958: {  	p0 =	sne.s32 s1, $0x0;
	s0 =	rddreg [dreg:$0x3]  }
0x959: {  	s0 =	sadd.s32 @!p0 $0x100000, s0  }
0x95a: {  	[sflag:s0] =	ssyncadd.tile.s32 @!p0 $0x1;
	_ =	shalt  }
.Lfunc_end2:
_tile_overlayer_lowered:
.L_overlay_start_2:
0x95b: {  	(tag) =	ssettag $0x2  }
0x95c: {  	s0 =	rddreg [dreg:$0x0];
	s2 =	stileid.u32  }
0x95d: {  	s1 =	rddreg [dreg:$0x1];
	p0 =	sne.s32 s2, $0x0  }
0x95e: {  	s3 =	rddreg [dreg:$0x2];
	[bflag:$0x3] =	sbarrier.arrive $0xFFFF;
	s2 =	simm.s32 @!p0 $0x1C07  }
0x95f: {  	[timem:s3], [sflag:s2] =	dma.local @!p0 [hbm:s0], s1  }
0x960: {  	s0 =	simm.s32 @!p0 $0x7  }
0x961: {  	_ =	swait.ge @!p0 [sflag:s0], s1  }
0x962: {  	s1 =	ssub.s32 @!p0 $0x0, s1;
	[sflag:s0] =	ssyncset.done @!p0 $0x0  }
0x963: {  	[sflag:s0] =	ssyncadd.s32 @!p0 s1  }
0x964: {  	[bflag:$0x3] =	sbarrier.arrive $0xFFFF  }
0x965: {  	_ =	shalt  }

</sc_bundles>
